<compile_context>
chip_gen: v7x
topology: tpu7x:2x2x1
jax: 0.10.2.dev20260603
libtpu: 0.0.44.dev20260713+nightly
codegen_flags: <defaults>
</compile_context>

<pallas_src>
import functools

import jax
import jax.numpy as jnp
from jax import lax
from jax.experimental import pallas as pl
from jax.experimental.pallas import tpu as pltpu
from jax.experimental.pallas import tpu_sc as plsc

N = 10000
D = 256
BN = 1000

E = 160000
NTILE = 16
EPT = E // NTILE
NSLICE = 640
NLAST = N - 15 * NSLICE
CHUNK = 64
NCHUNK = EPT // CHUNK
TAIL = EPT - NCHUNK * CHUNK


DIN = 2613
NKB = 256
NKS = (DIN + NKB - 1) // NKB


def _stem1_body(xt_ref, w_ref, b_ref, y_ref, st_ref):
    k = pl.program_id(0)
    dn = (((0,), (0,)), ((), ()))

    @pl.when(k == 0)
    def _():
        y_ref[...] = jnp.broadcast_to(b_ref[...], (N, D))

    @pl.when(k < NKS - 1)
    def _():
        y_ref[...] += lax.dot_general(
            xt_ref[...], w_ref[...], dn,
            preferred_element_type=jnp.float32)

    @pl.when(k == NKS - 1)
    def _():
        rows = jax.lax.broadcasted_iota(jnp.int32, (NKB, 1), 0)
        valid = rows < (DIN - (NKS - 1) * NKB)
        xb = jnp.where(valid, xt_ref[...], 0.0)
        wb = jnp.where(valid, w_ref[...], 0.0)
        y_ref[...] += lax.dot_general(
            xb, wb, dn, preferred_element_type=jnp.float32)
        y = y_ref[...]
        st_ref[0:1, :] = jnp.sum(y, axis=0, keepdims=True)
        st_ref[1:2, :] = jnp.sum(y * y, axis=0, keepdims=True)


def _stem_mid_body(y_ref, st_in_ref, g_ref, be_ref, w_ref, b_ref, y2_ref, st_ref):
    i = pl.program_id(0)
    m = st_in_ref[0:1, :] / N
    var = st_in_ref[1:2, :] / N - m * m
    scale = g_ref[...] * lax.rsqrt(var + 1e-5)
    y = y_ref[...]
    h = (y - m) * scale + be_ref[...]
    h = jnp.where(h > 0, h, jnp.exp(h) - 1.0)
    y2 = jnp.dot(h, w_ref[...], preferred_element_type=jnp.float32) + b_ref[...]
    y2_ref[...] = y2

    @pl.when(i == 0)
    def _():
        st_ref[...] = jnp.zeros_like(st_ref)

    st_ref[0:1, :] += jnp.sum(y2, axis=0, keepdims=True)
    st_ref[1:2, :] += jnp.sum(y2 * y2, axis=0, keepdims=True)


def _proj_bn_body(y_ref, st_in_ref, g_ref, be_ref, w_ref, as_ref, ad_ref,
                  hg_ref, ss_ref, sd_ref):
    m = st_in_ref[0:1, :] / N
    var = st_in_ref[1:2, :] / N - m * m
    scale = g_ref[...] * lax.rsqrt(var + 1e-5)
    h = (y_ref[...] - m) * scale + be_ref[...]
    h = jnp.where(h > 0, h, jnp.exp(h) - 1.0)
    hg = jnp.dot(h, w_ref[...], preferred_element_type=jnp.float32)
    hg_ref[0] = hg[:, :128]
    hg_ref[1] = hg[:, 128:]
    ss_ref[...] = jnp.sum(hg * as_ref[...], axis=1, keepdims=True)
    sd_ref[...] = jnp.sum(hg * ad_ref[...], axis=1, keepdims=True)


def _proj_bias_body(s0_ref, s1_ref, bg_ref, w_ref, as_ref, ad_ref,
                    hg_ref, ss_ref, sd_ref):
    h = jnp.concatenate([s0_ref[...], s1_ref[...]], axis=1) + bg_ref[...]
    h = jnp.where(h > 0, h, jnp.exp(h) - 1.0)
    hg = jnp.dot(h, w_ref[...], preferred_element_type=jnp.float32)
    hg_ref[0] = hg[:, :128]
    hg_ref[1] = hg[:, 128:]
    ss_ref[...] = jnp.sum(hg * as_ref[...], axis=1, keepdims=True)
    sd_ref[...] = jnp.sum(hg * ad_ref[...], axis=1, keepdims=True)


def _final_body(s0_ref, s1_ref, bg_ref, o_ref):
    h = jnp.concatenate([s0_ref[...], s1_ref[...]], axis=1) + bg_ref[...]
    o_ref[...] = jnp.where(h > 0, h, jnp.exp(h) - 1.0)


def _row_spec(cols):
    return pl.BlockSpec((BN, cols), lambda i: (i, 0))


def _full_spec(shape):
    return pl.BlockSpec(shape, lambda i: tuple(0 for _ in shape))


def _stem1(x, W1, b1):
    xt = x.T
    return pl.pallas_call(
        _stem1_body,
        grid=(NKS,),
        in_specs=[
            pl.BlockSpec((NKB, N), lambda k: (k, 0)),
            pl.BlockSpec((NKB, D), lambda k: (k, 0)),
            _full_spec((1, D)),
        ],
        out_specs=[_full_spec((N, D)), _full_spec((2, D))],
        out_shape=[
            jax.ShapeDtypeStruct((N, D), jnp.float32),
            jax.ShapeDtypeStruct((2, D), jnp.float32),
        ],
        compiler_params=pltpu.CompilerParams(
            vmem_limit_bytes=100 * 1024 * 1024),
    )(xt, W1, b1.reshape(1, D))


def _stem_mid(y, st, g, be, W, b):
    return pl.pallas_call(
        _stem_mid_body,
        grid=(N // BN,),
        in_specs=[
            _row_spec(D),
            _full_spec((2, D)),
            _full_spec((1, D)),
            _full_spec((1, D)),
            _full_spec((D, D)),
            _full_spec((1, D)),
        ],
        out_specs=[_row_spec(D), _full_spec((2, D))],
        out_shape=[
            jax.ShapeDtypeStruct((N, D), jnp.float32),
            jax.ShapeDtypeStruct((2, D), jnp.float32),
        ],
    )(y, st, g.reshape(1, D), be.reshape(1, D), W, b.reshape(1, D))


def _proj_bn(y, st, g, be, W, a_s, a_d):
    return pl.pallas_call(
        _proj_bn_body,
        grid=(N // BN,),
        in_specs=[
            _row_spec(D),
            _full_spec((2, D)),
            _full_spec((1, D)),
            _full_spec((1, D)),
            _full_spec((D, D)),
            _full_spec((1, D)),
            _full_spec((1, D)),
        ],
        out_specs=[pl.BlockSpec((2, BN, 128), lambda i: (0, i, 0)),
                   _row_spec(1), _row_spec(1)],
        out_shape=[
            jax.ShapeDtypeStruct((2, N, 128), jnp.float32),
            jax.ShapeDtypeStruct((N, 1), jnp.float32),
            jax.ShapeDtypeStruct((N, 1), jnp.float32),
        ],
    )(y, st, g.reshape(1, D), be.reshape(1, D), W, a_s.reshape(1, D),
      a_d.reshape(1, D))


def _proj_bias(s0, s1, bg, W, a_s, a_d):
    return pl.pallas_call(
        _proj_bias_body,
        grid=(N // BN,),
        in_specs=[
            _row_spec(128),
            _row_spec(128),
            _full_spec((1, D)),
            _full_spec((D, D)),
            _full_spec((1, D)),
            _full_spec((1, D)),
        ],
        out_specs=[pl.BlockSpec((2, BN, 128), lambda i: (0, i, 0)),
                   _row_spec(1), _row_spec(1)],
        out_shape=[
            jax.ShapeDtypeStruct((2, N, 128), jnp.float32),
            jax.ShapeDtypeStruct((N, 1), jnp.float32),
            jax.ShapeDtypeStruct((N, 1), jnp.float32),
        ],
    )(s0, s1, bg.reshape(1, D), W, a_s.reshape(1, D), a_d.reshape(1, D))


def _final(s0, s1, bg):
    return pl.pallas_call(
        _final_body,
        grid=(N // BN,),
        in_specs=[_row_spec(128), _row_spec(128), _full_spec((1, D))],
        out_specs=_row_spec(D),
        out_shape=jax.ShapeDtypeStruct((N, D), jnp.float32),
    )(s0, s1, bg.reshape(1, D))


def _edge_a_body(ss_h, sd_h, pk_h, ex_out, den_out,
                 bufA, bufB, pk_v, ex_v, didxA, didx16, zed_v, denom_sh):
    c = lax.axis_index("c")
    s = lax.axis_index("s")
    ebase = pl.multiple_of(s * EPT, 8)
    nbase = pl.multiple_of(s * NSLICE, 8)
    zero16 = jnp.zeros((16,), jnp.float32)

    pltpu.sync_copy(ss_h, bufA)
    pltpu.sync_copy(sd_h, bufB)
    pltpu.sync_copy(pk_h.at[pl.ds(ebase, EPT)], pk_v)

    def zl(i, _):
        zed_v[pl.ds(i * 16, 16)] = zero16
        return 0
    lax.fori_loop(0, NSLICE // 16, zl, 0)

    @pl.when(s < NTILE - 1)
    def _():
        pltpu.sync_copy(zed_v, denom_sh.at[pl.ds(nbase, NSLICE)])

    @pl.when(s == NTILE - 1)
    def _():
        pltpu.sync_copy(zed_v.at[pl.ds(0, NLAST)],
                        denom_sh.at[pl.ds(nbase, NLAST)])

    plsc.subcore_barrier()

    def grp(gidx, didx_ref, slot):
        off = gidx * 16
        pk = pk_v[pl.ds(off, 16)]
        sidx = pk >> 16
        didx = pk & 0xFFFF
        a = (plsc.load_gather(bufA, [sidx])
             + plsc.load_gather(bufB, [didx]))
        a = jnp.where(a >= 0, a, 0.2 * a)
        ex_v[pl.ds(off, 16)] = jnp.exp(a)
        didx_ref[pl.ds(slot * 16, 16)] = didx

    def chunk(k, _):
        def g(j, _):
            grp(k * 8 + j, didxA, j)
            return 0
        lax.fori_loop(0, 8, g, 0)
        pltpu.sync_copy(ex_v.at[pl.ds(pl.multiple_of(k * 128, 8), 128)],
                        denom_sh.at[didxA], add=True)
        return 0
    lax.fori_loop(0, (EPT // 16) // 8, chunk, 0)

    grp((EPT // 16) - 1, didx16, 0)
    pltpu.sync_copy(ex_v.at[pl.ds(EPT - 16, 16)],
                    denom_sh.at[didx16], add=True)

    @pl.when(c == 0)
    def _():
        pltpu.sync_copy(ex_v, ex_out.at[pl.ds(ebase, EPT)])

    plsc.subcore_barrier()

    @pl.when((c == 0) & (s < NTILE - 1))
    def _():
        pltpu.sync_copy(denom_sh.at[pl.ds(nbase, NSLICE)], zed_v)
        pltpu.sync_copy(zed_v, den_out.at[pl.ds(nbase, NSLICE)])

    @pl.when((c == 0) & (s == NTILE - 1))
    def _():
        pltpu.sync_copy(denom_sh.at[pl.ds(nbase, NLAST)],
                        zed_v.at[pl.ds(0, NLAST)])
        pltpu.sync_copy(zed_v.at[pl.ds(0, NLAST)],
                        den_out.at[pl.ds(nbase, NLAST)])


def _edge_b_body(hgr, pk_h, ex_h, den_h, out_h,
                 bufA, pk_v, ex_v, sidxA, sidxB, didxA, didxB,
                 sidx16, didx16, rowsA, rowsB, rows16, sem, acc_sh):
    c = lax.axis_index("c")
    s = lax.axis_index("s")
    ebase = pl.multiple_of(s * EPT, 8)
    nbase = pl.multiple_of(s * NSLICE, 8)

    pltpu.sync_copy(pk_h.at[pl.ds(ebase, EPT)], pk_v)
    pltpu.sync_copy(ex_h.at[pl.ds(ebase, EPT)], ex_v)
    pltpu.sync_copy(den_h, bufA)

    zero16 = jnp.zeros((16,), jnp.float32)

    def zr(r, _):
        for j in range(8):
            rowsA[r, pl.ds(j * 16, 16)] = zero16
        return 0
    lax.fori_loop(0, CHUNK, zr, 0)

    @pl.when(s < NTILE - 1)
    def _():
        for k in range(NSLICE // CHUNK):
            pltpu.sync_copy(rowsA,
                            acc_sh.at[pl.ds(nbase + k * CHUNK, CHUNK)])

    @pl.when(s == NTILE - 1)
    def _():
        for k in range(NLAST // CHUNK):
            pltpu.sync_copy(rowsA,
                            acc_sh.at[pl.ds(nbase + k * CHUNK, CHUNK)])
        pltpu.sync_copy(rowsA.at[pl.ds(0, NLAST % CHUNK)],
                        acc_sh.at[pl.ds(nbase + (NLAST // CHUNK) * CHUNK,
                                        NLAST % CHUNK)])

    plsc.subcore_barrier()

    cN = jnp.full((16,), c * N, jnp.int32)

    def build(g1, sidx_ref, didx_ref):
        def bj(j, _):
            off = g1 * CHUNK + j * 16
            pk = pk_v[pl.ds(off, 16)]
            didx = pk & 0xFFFF
            sidx_ref[pl.ds(j * 16, 16)] = (pk >> 16) + cN
            didx_ref[pl.ds(j * 16, 16)] = didx
            dn = plsc.load_gather(bufA, [didx])
            ex_v[pl.ds(off, 16)] = ex_v[pl.ds(off, 16)] / (dn + 1e-16)
            return 0
        lax.fori_loop(0, CHUNK // 16, bj, 0)

    def weight_scatter(g0, rows_ref, didx_ref, count):
        def wr(i, _):
            for u in range(2):
                r = i * 2 + u
                splat = plsc.load_gather(
                    ex_v, [jnp.full((16,), g0 * CHUNK + r, jnp.int32)])
                for j in range(8):
                    rows_ref[r, pl.ds(j * 16, 16)] = (
                        rows_ref[r, pl.ds(j * 16, 16)] * splat)
            return 0
        lax.fori_loop(0, count // 2, wr, 0)
        pltpu.sync_copy(rows_ref, acc_sh.at[didx_ref], add=True)

    build(0, sidxA, didxA)

    def pair(p, _):
        h = pltpu.async_copy(hgr.at[sidxA], rowsA, sem)

        @pl.when(p > 0)
        def _():
            weight_scatter(2 * p - 1, rowsB, didxB, CHUNK)
        build(2 * p + 1, sidxB, didxB)
        h.wait()

        h2 = pltpu.async_copy(hgr.at[sidxB], rowsB, sem)
        weight_scatter(2 * p, rowsA, didxA, CHUNK)

        @pl.when(p < NCHUNK // 2 - 1)
        def _():
            build(2 * p + 2, sidxA, didxA)
        h2.wait()
        return 0
    lax.fori_loop(0, NCHUNK // 2, pair, 0)
    weight_scatter(NCHUNK - 1, rowsB, didxB, CHUNK)

    toff = NCHUNK * CHUNK
    pk = pk_v[pl.ds(toff, 16)]
    didx = pk & 0xFFFF
    sidx16[...] = (pk >> 16) + cN
    didx16[...] = didx
    dn = plsc.load_gather(bufA, [didx])
    ex_v[pl.ds(toff, 16)] = ex_v[pl.ds(toff, 16)] / (dn + 1e-16)
    pltpu.async_copy(hgr.at[sidx16], rows16, sem).wait()

    def wrt(r, _):
        splat = plsc.load_gather(ex_v, [jnp.full((16,), toff + r, jnp.int32)])
        for j in range(8):
            rows16[r, pl.ds(j * 16, 16)] = rows16[r, pl.ds(j * 16, 16)] * splat
        return 0
    lax.fori_loop(0, TAIL, wrt, 0)
    pltpu.sync_copy(rows16, acc_sh.at[didx16], add=True)

    plsc.subcore_barrier()

    @pl.when(s < NTILE - 1)
    def _():
        pltpu.sync_copy(acc_sh.at[pl.ds(nbase, NSLICE)],
                        out_h.at[c, pl.ds(nbase, NSLICE)])

    @pl.when(s == NTILE - 1)
    def _():
        pltpu.sync_copy(acc_sh.at[pl.ds(nbase, NLAST)],
                        out_h.at[c, pl.ds(nbase, NLAST)])


def _edge_a(ss, sd, packed):
    return pl.kernel(
        _edge_a_body,
        out_type=[
            jax.ShapeDtypeStruct((E,), jnp.float32),
            jax.ShapeDtypeStruct((N,), jnp.float32),
        ],
        mesh=plsc.VectorSubcoreMesh(core_axis_name="c", subcore_axis_name="s"),
        compiler_params=pltpu.CompilerParams(needs_layout_passes=False),
        scratch_types=[
            pltpu.VMEM((N,), jnp.float32),
            pltpu.VMEM((N,), jnp.float32),
            pltpu.VMEM((EPT,), jnp.int32),
            pltpu.VMEM((EPT,), jnp.float32),
            pltpu.VMEM((128,), jnp.int32),
            pltpu.VMEM((16,), jnp.int32),
            pltpu.VMEM((NSLICE,), jnp.float32),
            pltpu.VMEM_SHARED((N,), jnp.float32),
        ],
    )(ss, sd, packed)


def _edge_b(hgr, packed, ex, den):
    return pl.kernel(
        _edge_b_body,
        out_type=jax.ShapeDtypeStruct((2, N, 128), jnp.float32),
        mesh=plsc.VectorSubcoreMesh(core_axis_name="c", subcore_axis_name="s"),
        compiler_params=pltpu.CompilerParams(needs_layout_passes=False),
        scratch_types=[
            pltpu.VMEM((N,), jnp.float32),
            pltpu.VMEM((EPT,), jnp.int32),
            pltpu.VMEM((EPT,), jnp.float32),
            pltpu.VMEM((CHUNK,), jnp.int32),
            pltpu.VMEM((CHUNK,), jnp.int32),
            pltpu.VMEM((CHUNK,), jnp.int32),
            pltpu.VMEM((CHUNK,), jnp.int32),
            pltpu.VMEM((16,), jnp.int32),
            pltpu.VMEM((16,), jnp.int32),
            pltpu.VMEM((CHUNK, 128), jnp.float32),
            pltpu.VMEM((CHUNK, 128), jnp.float32),
            pltpu.VMEM((16, 128), jnp.float32),
            pltpu.SemaphoreType.DMA,
            pltpu.VMEM_SHARED((N, 128), jnp.float32),
        ],
    )(hgr, packed, ex, den)


def _edge_phase(hgsplit, ss, sd, packed):
    ex, den = _edge_a(ss, sd, packed)
    return _edge_b(hgsplit.reshape(2 * N, 128), packed, ex, den)


def kernel(x, edges, W1, b1, g1, be1, W2, b2, g2, be2, W3, b3, g3, be3,
           Wg1, as1, ad1, bg1, Wg2, as2, ad2, bg2):
    packed = (edges[0] << 16) | edges[1]
    y1, st1 = _stem1(x, W1, b1)
    y2, st2 = _stem_mid(y1, st1, g1, be1, W2, b2)
    y3, st3 = _stem_mid(y2, st2, g2, be2, W3, b3)
    hg1, ss1, sd1 = _proj_bn(y3, st3, g3, be3, Wg1, as1, ad1)
    s1 = _edge_phase(hg1, ss1[:, 0], sd1[:, 0], packed)
    hg2, ss2, sd2 = _proj_bias(s1[0], s1[1], bg1, Wg2, as2, ad2)
    s2 = _edge_phase(hg2, ss2[:, 0], sd2[:, 0], packed)
    return _final(s2[0], s2[1], bg2)

# --- scband reference (transcript-rebuilt; emitter-appended) ---
"""Pipeline reference for scband-gat2-84361747628050 (READ-ONLY COPY).

The authoritative reference and input builder live on the scoring server;
editing this copy changes nothing except your own understanding.
"""

import jax, jax.numpy as jnp
import numpy as np

N = 10000
E = 160000
D_IN = 2613
D = 256

def _bn(x, g, b, eps=1e-5):
    m = jnp.mean(x, axis=0)
    v = jnp.var(x, axis=0)
    return g * (x - m) / jnp.sqrt(v + eps) + b

def _gat(x, src, dst, W, a_s, a_d, bias, n):
    h = x @ W
    alpha = jnp.take((h * a_s).sum(-1), src) + jnp.take((h * a_d).sum(-1), dst)
    alpha = jax.nn.leaky_relu(alpha, negative_slope=0.2)
    amax = jax.lax.stop_gradient(jax.ops.segment_max(alpha, dst, num_segments=n))
    amax = jnp.where(jnp.isfinite(amax), amax, 0.0)
    ex = jnp.exp(alpha - jnp.take(amax, dst))
    denom = jax.ops.segment_sum(ex, dst, num_segments=n)
    coef = ex / (jnp.take(denom, dst) + 1e-16)
    out = jax.ops.segment_sum(jnp.take(h, src, axis=0) * coef[:, None], dst, num_segments=n)
    return out + bias

def setup_inputs(seed: int = 0):
    key = jax.random.key(seed)
    ks = jax.random.split(key, 16)
    s = 0.02
    inp = {}
    inp['x'] = jax.random.normal(ks[0], (N, D_IN), dtype=jnp.float32)
    inp['edges'] = jax.random.randint(ks[1], (2, E), 0, N, dtype=jnp.int32)
    inp['W1'] = jax.random.normal(ks[2], (D_IN, D), dtype=jnp.float32) * s
    inp['b1'] = jnp.zeros((D,), jnp.float32)
    inp['g1'] = jnp.ones((D,), jnp.float32)
    inp['be1'] = jnp.zeros((D,), jnp.float32)
    inp['W2'] = jax.random.normal(ks[3], (D, D), dtype=jnp.float32) * s
    inp['b2'] = jnp.zeros((D,), jnp.float32)
    inp['g2'] = jnp.ones((D,), jnp.float32)
    inp['be2'] = jnp.zeros((D,), jnp.float32)
    inp['W3'] = jax.random.normal(ks[4], (D, D), dtype=jnp.float32) * s
    inp['b3'] = jnp.zeros((D,), jnp.float32)
    inp['g3'] = jnp.ones((D,), jnp.float32)
    inp['be3'] = jnp.zeros((D,), jnp.float32)
    inp['Wg1'] = jax.random.normal(ks[5], (D, D), dtype=jnp.float32) * s
    inp['as1'] = jax.random.normal(ks[6], (D,), dtype=jnp.float32) * s
    inp['ad1'] = jax.random.normal(ks[7], (D,), dtype=jnp.float32) * s
    inp['bg1'] = jnp.zeros((D,), jnp.float32)
    inp['Wg2'] = jax.random.normal(ks[8], (D, D), dtype=jnp.float32) * s
    inp['as2'] = jax.random.normal(ks[9], (D,), dtype=jnp.float32) * s
    inp['ad2'] = jax.random.normal(ks[10], (D,), dtype=jnp.float32) * s
    inp['bg2'] = jnp.zeros((D,), jnp.float32)
    return inp

def reference(x, edges, W1, b1, g1, be1, W2, b2, g2, be2, W3, b3, g3, be3, Wg1, as1, ad1, bg1, Wg2, as2, ad2, bg2):
    src = edges[0]
    dst = edges[1]
    n = x.shape[0]
    h = jax.nn.elu(_bn(x @ W1 + b1, g1, be1))
    h = jax.nn.elu(_bn(h @ W2 + b2, g2, be2))
    h = jax.nn.elu(_bn(h @ W3 + b3, g3, be3))
    h = jax.nn.elu(_gat(h, src, dst, Wg1, as1, ad1, bg1, n))
    h = jax.nn.elu(_gat(h, src, dst, Wg2, as2, ad2, bg2, n))
    return h

if __name__ == "__main__":
    import jax
    _d = setup_inputs()
    print(jax.jit(kernel)(*tuple(_d.values())))

</pallas_src>

<mosaic_0001>
#map = affine_map<(d0, d1) -> (0)>
module attributes {stable_mosaic.version = 14 : i64} {
  func.func @_edge_a_body(%arg0: i32, %arg1: i32, %arg2: memref<10000xf32, #tpu.memory_space<hbm>>, %arg3: memref<10000xf32, #tpu.memory_space<hbm>>, %arg4: memref<160000xi32, #tpu.memory_space<hbm>>, %arg5: memref<160000xf32, #tpu.memory_space<hbm>>, %arg6: memref<10000xf32, #tpu.memory_space<hbm>>, %arg7: memref<10000xf32, #tpu.memory_space<vmem>>, %arg8: memref<10000xf32, #tpu.memory_space<vmem>>, %arg9: memref<10000xi32, #tpu.memory_space<vmem>>, %arg10: memref<10000xf32, #tpu.memory_space<vmem>>, %arg11: memref<128xi32, #tpu.memory_space<vmem>>, %arg12: memref<16xi32, #tpu.memory_space<vmem>>, %arg13: memref<640xf32, #tpu.memory_space<vmem>>, %arg14: memref<10000xf32, #tpu.memory_space<vmem_shared>>) attributes {dimension_semantics = [#tpu.dimension_semantics<core_parallel>, #tpu.dimension_semantics<subcore_parallel>], iteration_bounds = array<i64: 2, 16>, scalar_prefetch = 0 : i64, scratch_operands = 8 : i64, tpu.core_type = #tpu.core_type<sc_vector_subcore>, window_params = [{transform_indices = #map}, {transform_indices = #map}, {transform_indices = #map}, {transform_indices = #map}, {transform_indices = #map}]} {
    %mul3A = arith.constant 10000 : i32
    %mul3A_0 = arith.muli %arg1, %mul3A : i32
    %multiple_of3A = tpu.assume_multiple %mul3A_0, 8 : i32
    %mul3A_1 = arith.constant 640 : i32
    %mul3A_2 = arith.muli %arg1, %mul3A_1 : i32
    %multiple_of3A_3 = tpu.assume_multiple %mul3A_2, 8 : i32
    %broadcast_in_dim3A = arith.constant 0.000000e+00 : f32
    %broadcast_in_dim3A_4 = vector.broadcast %broadcast_in_dim3A : f32 to vector<16xf32>
    "tpu.region"() ({
      %run_scoped3A = tpu.sem_alloc : memref<!tpu.dma_semaphore, #tpu.memory_space<semaphore_mem>>
      tpu.enqueue_dma source(%arg2 : memref<10000xf32, #tpu.memory_space<hbm>>) target(%arg7 : memref<10000xf32, #tpu.memory_space<vmem>>) target_semaphore(%run_scoped3A : memref<!tpu.dma_semaphore, #tpu.memory_space<semaphore_mem>>)
      tpu.wait_dma2 semaphore(%run_scoped3A : memref<!tpu.dma_semaphore, #tpu.memory_space<semaphore_mem>>) src(%arg2 : memref<10000xf32, #tpu.memory_space<hbm>>) dst(%arg7 : memref<10000xf32, #tpu.memory_space<vmem>>)
      tpu.yield
    }) : () -> ()
    "tpu.region"() ({
      %run_scoped3A = tpu.sem_alloc : memref<!tpu.dma_semaphore, #tpu.memory_space<semaphore_mem>>
      tpu.enqueue_dma source(%arg3 : memref<10000xf32, #tpu.memory_space<hbm>>) target(%arg8 : memref<10000xf32, #tpu.memory_space<vmem>>) target_semaphore(%run_scoped3A : memref<!tpu.dma_semaphore, #tpu.memory_space<semaphore_mem>>)
      tpu.wait_dma2 semaphore(%run_scoped3A : memref<!tpu.dma_semaphore, #tpu.memory_space<semaphore_mem>>) src(%arg3 : memref<10000xf32, #tpu.memory_space<hbm>>) dst(%arg8 : memref<10000xf32, #tpu.memory_space<vmem>>)
      tpu.yield
    }) : () -> ()
    "tpu.region"() ({
      %run_scoped3A = tpu.sem_alloc : memref<!tpu.dma_semaphore, #tpu.memory_space<semaphore_mem>>
      %dma_start3A = tpu.memref_slice %arg4[%multiple_of3A] : memref<160000xi32, #tpu.memory_space<hbm>> -> memref<10000xi32, #tpu.memory_space<hbm>>
      %dma_start3A_60 = tpu.memref_slice %arg4[%multiple_of3A] : memref<160000xi32, #tpu.memory_space<hbm>> -> memref<10000xi32, #tpu.memory_space<hbm>>
      tpu.enqueue_dma source(%dma_start3A_60 : memref<10000xi32, #tpu.memory_space<hbm>>) target(%arg9 : memref<10000xi32, #tpu.memory_space<vmem>>) target_semaphore(%run_scoped3A : memref<!tpu.dma_semaphore, #tpu.memory_space<semaphore_mem>>)
      %dma_wait3A = tpu.memref_slice %arg4[%multiple_of3A] : memref<160000xi32, #tpu.memory_space<hbm>> -> memref<10000xi32, #tpu.memory_space<hbm>>
      %dma_wait3A_61 = tpu.memref_slice %arg4[%multiple_of3A] : memref<160000xi32, #tpu.memory_space<hbm>> -> memref<10000xi32, #tpu.memory_space<hbm>>
      tpu.wait_dma2 semaphore(%run_scoped3A : memref<!tpu.dma_semaphore, #tpu.memory_space<semaphore_mem>>) src(%dma_wait3A_61 : memref<10000xi32, #tpu.memory_space<hbm>>) dst(%arg9 : memref<10000xi32, #tpu.memory_space<vmem>>)
      tpu.yield
    }) : () -> ()
    %scan3A = arith.constant 0 : i32
    %scan3A_5 = arith.constant 0 : i32
    %scan3A_6 = arith.constant 40 : i32
    %scan3A_7 = arith.addi %scan3A_5, %scan3A_6 : i32
    %scan3A_8 = arith.constant 1 : i32
    %scan3A_9 = scf.for %scan3A_60 = %scan3A_5 to %scan3A_7 step %scan3A_8 iter_args(%scan3A_61 = %scan3A) -> (i32)  : i32 {
      %mul3A_62 = arith.constant 16 : i32
      %mul3A_63 = arith.muli %scan3A_60, %mul3A_62 : i32
      %swap3A_64 = arith.index_cast %mul3A_63 : i32 to index
      %swap3A_65 = tpu.vector_load %arg13[%swap3A_64] {strides = array<i32>} : memref<640xf32, #tpu.memory_space<vmem>>, vector<16xf32>,
      tpu.vector_store %arg13[%swap3A_64], %broadcast_in_dim3A_4 {strides = array<i32>} : memref<640xf32, #tpu.memory_space<vmem>>, vector<16xf32>,
      %scan3A_66 = arith.constant 0 : i32
      scf.yield %scan3A_66 : i32
    }
    %scan3A_10 = arith.constant 40 : i32
    %lt3A = arith.constant 15 : i32
    %lt3A_11 = arith.cmpi slt, %arg1, %lt3A : i32
    %convert_element_type3A = arith.extui %lt3A_11 : i1 to i32
    %cond3A = arith.constant 0 : i32
    %cond3A_12 = arith.cmpi ne, %convert_element_type3A, %cond3A : i32
    scf.if %cond3A_12 {
      "tpu.region"() ({
        %run_scoped3A = tpu.sem_alloc : memref<!tpu.dma_semaphore, #tpu.memory_space<semaphore_mem>>
        %dma_start3A = tpu.memref_slice %arg14[%multiple_of3A_3] : memref<10000xf32, #tpu.memory_space<vmem_shared>> -> memref<640xf32, #tpu.memory_space<vmem_shared>>
        %dma_start3A_60 = tpu.memref_slice %arg14[%multiple_of3A_3] : memref<10000xf32, #tpu.memory_space<vmem_shared>> -> memref<640xf32, #tpu.memory_space<vmem_shared>>
        tpu.enqueue_dma source(%arg13 : memref<640xf32, #tpu.memory_space<vmem>>) target(%dma_start3A_60 : memref<640xf32, #tpu.memory_space<vmem_shared>>) target_semaphore(%run_scoped3A : memref<!tpu.dma_semaphore, #tpu.memory_space<semaphore_mem>>)
        %dma_wait3A = tpu.memref_slice %arg14[%multiple_of3A_3] : memref<10000xf32, #tpu.memory_space<vmem_shared>> -> memref<640xf32, #tpu.memory_space<vmem_shared>>
        %dma_wait3A_61 = tpu.memref_slice %arg14[%multiple_of3A_3] : memref<10000xf32, #tpu.memory_space<vmem_shared>> -> memref<640xf32, #tpu.memory_space<vmem_shared>>
        tpu.wait_dma2 semaphore(%run_scoped3A : memref<!tpu.dma_semaphore, #tpu.memory_space<semaphore_mem>>) src(%arg13 : memref<640xf32, #tpu.memory_space<vmem>>) dst(%dma_wait3A_61 : memref<640xf32, #tpu.memory_space<vmem_shared>>)
        tpu.yield
      }) : () -> ()
    } else {
    }
    %eq3A = arith.constant 15 : i32
    %eq3A_13 = arith.cmpi eq, %arg1, %eq3A : i32
    %convert_element_type3A_14 = arith.extui %eq3A_13 : i1 to i32
    %cond3A_15 = arith.constant 0 : i32
    %cond3A_16 = arith.cmpi ne, %convert_element_type3A_14, %cond3A_15 : i32
    scf.if %cond3A_16 {
      "tpu.region"() ({
        %run_scoped3A = tpu.sem_alloc : memref<!tpu.dma_semaphore, #tpu.memory_space<semaphore_mem>>
        %dma_start3A = arith.constant 0 : i32
        %dma_start3A_60 = tpu.memref_slice %arg13[%dma_start3A] : memref<640xf32, #tpu.memory_space<vmem>> -> memref<400xf32, #tpu.memory_space<vmem>>
        %dma_start3A_61 = tpu.memref_slice %arg14[%multiple_of3A_3] : memref<10000xf32, #tpu.memory_space<vmem_shared>> -> memref<400xf32, #tpu.memory_space<vmem_shared>>
        %dma_start3A_62 = tpu.memref_slice %arg14[%multiple_of3A_3] : memref<10000xf32, #tpu.memory_space<vmem_shared>> -> memref<400xf32, #tpu.memory_space<vmem_shared>>
        %dma_start3A_63 = arith.constant 0 : i32
        %dma_start3A_64 = tpu.memref_slice %arg13[%dma_start3A_63] : memref<640xf32, #tpu.memory_space<vmem>> -> memref<400xf32, #tpu.memory_space<vmem>>
        tpu.enqueue_dma source(%dma_start3A_64 : memref<400xf32, #tpu.memory_space<vmem>>) target(%dma_start3A_62 : memref<400xf32, #tpu.memory_space<vmem_shared>>) target_semaphore(%run_scoped3A : memref<!tpu.dma_semaphore, #tpu.memory_space<semaphore_mem>>)
        %dma_wait3A = arith.constant 0 : i32
        %dma_wait3A_65 = tpu.memref_slice %arg13[%dma_wait3A] : memref<640xf32, #tpu.memory_space<vmem>> -> memref<400xf32, #tpu.memory_space<vmem>>
        %dma_wait3A_66 = tpu.memref_slice %arg14[%multiple_of3A_3] : memref<10000xf32, #tpu.memory_space<vmem_shared>> -> memref<400xf32, #tpu.memory_space<vmem_shared>>
        %dma_wait3A_67 = tpu.memref_slice %arg14[%multiple_of3A_3] : memref<10000xf32, #tpu.memory_space<vmem_shared>> -> memref<400xf32, #tpu.memory_space<vmem_shared>>
        %dma_wait3A_68 = arith.constant 0 : i32
        %dma_wait3A_69 = tpu.memref_slice %arg13[%dma_wait3A_68] : memref<640xf32, #tpu.memory_space<vmem>> -> memref<400xf32, #tpu.memory_space<vmem>>
        tpu.wait_dma2 semaphore(%run_scoped3A : memref<!tpu.dma_semaphore, #tpu.memory_space<semaphore_mem>>) src(%dma_wait3A_69 : memref<400xf32, #tpu.memory_space<vmem>>) dst(%dma_wait3A_67 : memref<400xf32, #tpu.memory_space<vmem_shared>>)
        tpu.yield
      }) : () -> ()
    } else {
    }
    %barrier3A = arith.constant 0 : index
    tpu.barrier barrier_id(%barrier3A)
    %scan3A_17 = arith.constant 0 : i32
    %scan3A_18 = arith.constant 0 : i32
    %scan3A_19 = arith.constant 78 : i32
    %scan3A_20 = arith.addi %scan3A_18, %scan3A_19 : i32
    %scan3A_21 = arith.constant 1 : i32
    %scan3A_22 = scf.for %scan3A_60 = %scan3A_18 to %scan3A_20 step %scan3A_21 iter_args(%scan3A_61 = %scan3A_17) -> (i32)  : i32 {
      %scan3A_62 = arith.constant 0 : i32
      %scan3A_63 = arith.constant 0 : i32
      %scan3A_64 = arith.constant 8 : i32
      %scan3A_65 = arith.addi %scan3A_63, %scan3A_64 : i32
      %scan3A_66 = arith.constant 1 : i32
      %scan3A_67 = scf.for %scan3A_73 = %scan3A_63 to %scan3A_65 step %scan3A_66 iter_args(%scan3A_74 = %scan3A_62) -> (i32)  : i32 {
        %mul3A_75 = arith.constant 8 : i32
        %mul3A_76 = arith.muli %scan3A_60, %mul3A_75 : i32
        %add3A_77 = arith.addi %mul3A_76, %scan3A_73 : i32
        %mul3A_78 = arith.constant 16 : i32
        %mul3A_79 = arith.muli %add3A_77, %mul3A_78 : i32
        %get3A_80 = arith.index_cast %mul3A_79 : i32 to index
        %get3A_81 = tpu.vector_load %arg9[%get3A_80] {strides = array<i32>} : memref<10000xi32, #tpu.memory_space<vmem>>, vector<16xi32>,
        %shift_right_arithmetic3A_82 = arith.constant 16 : i32
        %shift_right_arithmetic3A_83 = vector.broadcast %shift_right_arithmetic3A_82 : i32 to vector<16xi32>
        %shift_right_arithmetic3A_84 = arith.shrsi %get3A_81, %shift_right_arithmetic3A_83 : vector<16xi32>
        %and3A_85 = arith.constant 65535 : i32
        %and3A_86 = vector.broadcast %and3A_85 : i32 to vector<16xi32>
        %and3A_87 = arith.andi %get3A_81, %and3A_86 : vector<16xi32>
        %gather3A_88 = tpu.vector_load_idx %arg7[%shift_right_arithmetic3A_84] : memref<10000xf32, #tpu.memory_space<vmem>>[vector<16xi32>], vector<16xf32>,
        %gather3A_89 = tpu.vector_load_idx %arg8[%and3A_87] : memref<10000xf32, #tpu.memory_space<vmem>>[vector<16xi32>], vector<16xf32>,
        %add3A_90 = arith.addf %gather3A_88, %gather3A_89 : vector<16xf32>
        %ge3A_91 = arith.constant 0.000000e+00 : f32
        %ge3A_92 = vector.broadcast %ge3A_91 : f32 to vector<16xf32>
        %ge3A_93 = arith.cmpf oge, %add3A_90, %ge3A_92 : vector<16xf32>
        %mul3A_94 = arith.constant 2.000000e-01 : f32
        %mul3A_95 = vector.broadcast %mul3A_94 : f32 to vector<16xf32>
        %mul3A_96 = arith.mulf %mul3A_95, %add3A_90 : vector<16xf32>
        %select_n3A_97 = arith.select %ge3A_93, %add3A_90, %mul3A_96 : vector<16xi1>, vector<16xf32>
        %exp3A_98 = math.exp %select_n3A_97 : vector<16xf32>
        %swap3A_99 = arith.index_cast %mul3A_79 : i32 to index
        %swap3A_100 = tpu.vector_load %arg10[%swap3A_99] {strides = array<i32>} : memref<10000xf32, #tpu.memory_space<vmem>>, vector<16xf32>,
        tpu.vector_store %arg10[%swap3A_99], %exp3A_98 {strides = array<i32>} : memref<10000xf32, #tpu.memory_space<vmem>>, vector<16xf32>,
        %mul3A_101 = arith.constant 16 : i32
        %mul3A_102 = arith.muli %scan3A_73, %mul3A_101 : i32
        %swap3A_103 = arith.index_cast %mul3A_102 : i32 to index
        %swap3A_104 = tpu.vector_load %arg11[%swap3A_103] {strides = array<i32>} : memref<128xi32, #tpu.memory_space<vmem>>, vector<16xi32>,
        tpu.vector_store %arg11[%swap3A_103], %and3A_87 {strides = array<i32>} : memref<128xi32, #tpu.memory_space<vmem>>, vector<16xi32>,
        %scan3A_105 = arith.constant 0 : i32
        scf.yield %scan3A_105 : i32
      }
      %scan3A_68 = arith.constant 8 : i32
      %mul3A_69 = arith.constant 128 : i32
      %mul3A_70 = arith.muli %scan3A_60, %mul3A_69 : i32
      %multiple_of3A_71 = tpu.assume_multiple %mul3A_70, 8 : i32
      "tpu.region"() ({
        %run_scoped3A = tpu.sem_alloc : memref<!tpu.dma_semaphore, #tpu.memory_space<semaphore_mem>>
        %dma_start3A = tpu.memref_slice %arg10[%multiple_of3A_71] : memref<10000xf32, #tpu.memory_space<vmem>> -> memref<128xf32, #tpu.memory_space<vmem>>
        %dma_start3A_73 = arith.constant 0 : i32
        %dma_start3A_74 = tpu.memref_slice %arg14[%dma_start3A_73] : memref<10000xf32, #tpu.memory_space<vmem_shared>> -> memref<10000xf32, #tpu.memory_space<vmem_shared>>
        tpu.enqueue_indirect_dma source(%dma_start3A : memref<128xf32, #tpu.memory_space<vmem>>) target(%dma_start3A_74 : memref<10000xf32, #tpu.memory_space<vmem_shared>>) offsets(%arg11 : memref<128xi32, #tpu.memory_space<vmem>>) semaphore(%run_scoped3A : memref<!tpu.dma_semaphore, #tpu.memory_space<semaphore_mem>>) {add = true}
        %dma_wait3A = tpu.memref_slice %arg10[%multiple_of3A_71] : memref<10000xf32, #tpu.memory_space<vmem>> -> memref<128xf32, #tpu.memory_space<vmem>>
        %dma_wait3A_75 = arith.constant 0 : i32
        %dma_wait3A_76 = tpu.memref_slice %arg14[%dma_wait3A_75] : memref<10000xf32, #tpu.memory_space<vmem_shared>> -> memref<10000xf32, #tpu.memory_space<vmem_shared>>
        tpu.wait_indirect_dma semaphore(%run_scoped3A : memref<!tpu.dma_semaphore, #tpu.memory_space<semaphore_mem>>) src(%dma_wait3A : memref<128xf32, #tpu.memory_space<vmem>>) dst(%dma_wait3A_76 : memref<10000xf32, #tpu.memory_space<vmem_shared>>)
        tpu.yield
      }) : () -> ()
      %scan3A_72 = arith.constant 0 : i32
      scf.yield %scan3A_72 : i32
    }
    %scan3A_23 = arith.constant 78 : i32
    %get3A = arith.constant 9984 : index
    %get3A_24 = tpu.vector_load %arg9[%get3A] {strides = array<i32>} : memref<10000xi32, #tpu.memory_space<vmem>>, vector<16xi32>,
    %shift_right_arithmetic3A = arith.constant 16 : i32
    %shift_right_arithmetic3A_25 = vector.broadcast %shift_right_arithmetic3A : i32 to vector<16xi32>
    %shift_right_arithmetic3A_26 = arith.shrsi %get3A_24, %shift_right_arithmetic3A_25 : vector<16xi32>
    %and3A = arith.constant 65535 : i32
    %and3A_27 = vector.broadcast %and3A : i32 to vector<16xi32>
    %and3A_28 = arith.andi %get3A_24, %and3A_27 : vector<16xi32>
    %gather3A = tpu.vector_load_idx %arg7[%shift_right_arithmetic3A_26] : memref<10000xf32, #tpu.memory_space<vmem>>[vector<16xi32>], vector<16xf32>,
    %gather3A_29 = tpu.vector_load_idx %arg8[%and3A_28] : memref<10000xf32, #tpu.memory_space<vmem>>[vector<16xi32>], vector<16xf32>,
    %add3A = arith.addf %gather3A, %gather3A_29 : vector<16xf32>
    %ge3A = arith.constant 0.000000e+00 : f32
    %ge3A_30 = vector.broadcast %ge3A : f32 to vector<16xf32>
    %ge3A_31 = arith.cmpf oge, %add3A, %ge3A_30 : vector<16xf32>
    %mul3A_32 = arith.constant 2.000000e-01 : f32
    %mul3A_33 = vector.broadcast %mul3A_32 : f32 to vector<16xf32>
    %mul3A_34 = arith.mulf %mul3A_33, %add3A : vector<16xf32>
    %select_n3A = arith.select %ge3A_31, %add3A, %mul3A_34 : vector<16xi1>, vector<16xf32>
    %exp3A = math.exp %select_n3A : vector<16xf32>
    %swap3A = arith.constant 9984 : index
    %swap3A_35 = tpu.vector_load %arg10[%swap3A] {strides = array<i32>} : memref<10000xf32, #tpu.memory_space<vmem>>, vector<16xf32>,
    tpu.vector_store %arg10[%swap3A], %exp3A {strides = array<i32>} : memref<10000xf32, #tpu.memory_space<vmem>>, vector<16xf32>,
    %swap3A_36 = arith.constant 0 : index
    %swap3A_37 = tpu.vector_load %arg12[%swap3A_36] {strides = array<i32>} : memref<16xi32, #tpu.memory_space<vmem>>, vector<16xi32>,
    tpu.vector_store %arg12[%swap3A_36], %and3A_28 {strides = array<i32>} : memref<16xi32, #tpu.memory_space<vmem>>, vector<16xi32>,
    "tpu.region"() ({
      %run_scoped3A = tpu.sem_alloc : memref<!tpu.dma_semaphore, #tpu.memory_space<semaphore_mem>>
      %dma_start3A = arith.constant 9984 : i32
      %dma_start3A_60 = tpu.memref_slice %arg10[%dma_start3A] : memref<10000xf32, #tpu.memory_space<vmem>> -> memref<16xf32, #tpu.memory_space<vmem>>
      %dma_start3A_61 = arith.constant 0 : i32
      %dma_start3A_62 = tpu.memref_slice %arg14[%dma_start3A_61] : memref<10000xf32, #tpu.memory_space<vmem_shared>> -> memref<10000xf32, #tpu.memory_space<vmem_shared>>
      tpu.enqueue_indirect_dma source(%dma_start3A_60 : memref<16xf32, #tpu.memory_space<vmem>>) target(%dma_start3A_62 : memref<10000xf32, #tpu.memory_space<vmem_shared>>) offsets(%arg12 : memref<16xi32, #tpu.memory_space<vmem>>) semaphore(%run_scoped3A : memref<!tpu.dma_semaphore, #tpu.memory_space<semaphore_mem>>) {add = true}
      %dma_wait3A = arith.constant 9984 : i32
      %dma_wait3A_63 = tpu.memref_slice %arg10[%dma_wait3A] : memref<10000xf32, #tpu.memory_space<vmem>> -> memref<16xf32, #tpu.memory_space<vmem>>
      %dma_wait3A_64 = arith.constant 0 : i32
      %dma_wait3A_65 = tpu.memref_slice %arg14[%dma_wait3A_64] : memref<10000xf32, #tpu.memory_space<vmem_shared>> -> memref<10000xf32, #tpu.memory_space<vmem_shared>>
      tpu.wait_indirect_dma semaphore(%run_scoped3A : memref<!tpu.dma_semaphore, #tpu.memory_space<semaphore_mem>>) src(%dma_wait3A_63 : memref<16xf32, #tpu.memory_space<vmem>>) dst(%dma_wait3A_65 : memref<10000xf32, #tpu.memory_space<vmem_shared>>)
      tpu.yield
    }) : () -> ()
    %eq3A_38 = arith.constant 0 : i32
    %eq3A_39 = arith.cmpi eq, %arg0, %eq3A_38 : i32
    %convert_element_type3A_40 = arith.extui %eq3A_39 : i1 to i32
    %cond3A_41 = arith.constant 0 : i32
    %cond3A_42 = arith.cmpi ne, %convert_element_type3A_40, %cond3A_41 : i32
    scf.if %cond3A_42 {
      "tpu.region"() ({
        %run_scoped3A = tpu.sem_alloc : memref<!tpu.dma_semaphore, #tpu.memory_space<semaphore_mem>>
        %dma_start3A = tpu.memref_slice %arg5[%multiple_of3A] : memref<160000xf32, #tpu.memory_space<hbm>> -> memref<10000xf32, #tpu.memory_space<hbm>>
        %dma_start3A_60 = tpu.memref_slice %arg5[%multiple_of3A] : memref<160000xf32, #tpu.memory_space<hbm>> -> memref<10000xf32, #tpu.memory_space<hbm>>
        tpu.enqueue_dma source(%arg10 : memref<10000xf32, #tpu.memory_space<vmem>>) target(%dma_start3A_60 : memref<10000xf32, #tpu.memory_space<hbm>>) target_semaphore(%run_scoped3A : memref<!tpu.dma_semaphore, #tpu.memory_space<semaphore_mem>>)
        %dma_wait3A = tpu.memref_slice %arg5[%multiple_of3A] : memref<160000xf32, #tpu.memory_space<hbm>> -> memref<10000xf32, #tpu.memory_space<hbm>>
        %dma_wait3A_61 = tpu.memref_slice %arg5[%multiple_of3A] : memref<160000xf32, #tpu.memory_space<hbm>> -> memref<10000xf32, #tpu.memory_space<hbm>>
        tpu.wait_dma2 semaphore(%run_scoped3A : memref<!tpu.dma_semaphore, #tpu.memory_space<semaphore_mem>>) src(%arg10 : memref<10000xf32, #tpu.memory_space<vmem>>) dst(%dma_wait3A_61 : memref<10000xf32, #tpu.memory_space<hbm>>)
        tpu.yield
      }) : () -> ()
    } else {
    }
    %barrier3A_43 = arith.constant 0 : index
    tpu.barrier barrier_id(%barrier3A_43)
    %eq3A_44 = arith.constant 0 : i32
    %eq3A_45 = arith.cmpi eq, %arg0, %eq3A_44 : i32
    %lt3A_46 = arith.constant 15 : i32
    %lt3A_47 = arith.cmpi slt, %arg1, %lt3A_46 : i32
    %and3A_48 = arith.andi %eq3A_45, %lt3A_47 : i1
    %convert_element_type3A_49 = arith.extui %and3A_48 : i1 to i32
    %cond3A_50 = arith.constant 0 : i32
    %cond3A_51 = arith.cmpi ne, %convert_element_type3A_49, %cond3A_50 : i32
    scf.if %cond3A_51 {
      "tpu.region"() ({
        %run_scoped3A = tpu.sem_alloc : memref<!tpu.dma_semaphore, #tpu.memory_space<semaphore_mem>>
        %dma_start3A = tpu.memref_slice %arg14[%multiple_of3A_3] : memref<10000xf32, #tpu.memory_space<vmem_shared>> -> memref<640xf32, #tpu.memory_space<vmem_shared>>
        %dma_start3A_60 = tpu.memref_slice %arg14[%multiple_of3A_3] : memref<10000xf32, #tpu.memory_space<vmem_shared>> -> memref<640xf32, #tpu.memory_space<vmem_shared>>
        tpu.enqueue_dma source(%dma_start3A_60 : memref<640xf32, #tpu.memory_space<vmem_shared>>) target(%arg13 : memref<640xf32, #tpu.memory_space<vmem>>) target_semaphore(%run_scoped3A : memref<!tpu.dma_semaphore, #tpu.memory_space<semaphore_mem>>)
        %dma_wait3A = tpu.memref_slice %arg14[%multiple_of3A_3] : memref<10000xf32, #tpu.memory_space<vmem_shared>> -> memref<640xf32, #tpu.memory_space<vmem_shared>>
        %dma_wait3A_61 = tpu.memref_slice %arg14[%multiple_of3A_3] : memref<10000xf32, #tpu.memory_space<vmem_shared>> -> memref<640xf32, #tpu.memory_space<vmem_shared>>
        tpu.wait_dma2 semaphore(%run_scoped3A : memref<!tpu.dma_semaphore, #tpu.memory_space<semaphore_mem>>) src(%dma_wait3A_61 : memref<640xf32, #tpu.memory_space<vmem_shared>>) dst(%arg13 : memref<640xf32, #tpu.memory_space<vmem>>)
        tpu.yield
      }) : () -> ()
      "tpu.region"() ({
        %run_scoped3A = tpu.sem_alloc : memref<!tpu.dma_semaphore, #tpu.memory_space<semaphore_mem>>
        %dma_start3A = tpu.memref_slice %arg6[%multiple_of3A_3] : memref<10000xf32, #tpu.memory_space<hbm>> -> memref<640xf32, #tpu.memory_space<hbm>>
        %dma_start3A_60 = tpu.memref_slice %arg6[%multiple_of3A_3] : memref<10000xf32, #tpu.memory_space<hbm>> -> memref<640xf32, #tpu.memory_space<hbm>>
        tpu.enqueue_dma source(%arg13 : memref<640xf32, #tpu.memory_space<vmem>>) target(%dma_start3A_60 : memref<640xf32, #tpu.memory_space<hbm>>) target_semaphore(%run_scoped3A : memref<!tpu.dma_semaphore, #tpu.memory_space<semaphore_mem>>)
        %dma_wait3A = tpu.memref_slice %arg6[%multiple_of3A_3] : memref<10000xf32, #tpu.memory_space<hbm>> -> memref<640xf32, #tpu.memory_space<hbm>>
        %dma_wait3A_61 = tpu.memref_slice %arg6[%multiple_of3A_3] : memref<10000xf32, #tpu.memory_space<hbm>> -> memref<640xf32, #tpu.memory_space<hbm>>
        tpu.wait_dma2 semaphore(%run_scoped3A : memref<!tpu.dma_semaphore, #tpu.memory_space<semaphore_mem>>) src(%arg13 : memref<640xf32, #tpu.memory_space<vmem>>) dst(%dma_wait3A_61 : memref<640xf32, #tpu.memory_space<hbm>>)
        tpu.yield
      }) : () -> ()
    } else {
    }
    %eq3A_52 = arith.constant 0 : i32
    %eq3A_53 = arith.cmpi eq, %arg0, %eq3A_52 : i32
    %eq3A_54 = arith.constant 15 : i32
    %eq3A_55 = arith.cmpi eq, %arg1, %eq3A_54 : i32
    %and3A_56 = arith.andi %eq3A_53, %eq3A_55 : i1
    %convert_element_type3A_57 = arith.extui %and3A_56 : i1 to i32
    %cond3A_58 = arith.constant 0 : i32
    %cond3A_59 = arith.cmpi ne, %convert_element_type3A_57, %cond3A_58 : i32
    scf.if %cond3A_59 {
      "tpu.region"() ({
        %run_scoped3A = tpu.sem_alloc : memref<!tpu.dma_semaphore, #tpu.memory_space<semaphore_mem>>
        %dma_start3A = arith.constant 0 : i32
        %dma_start3A_60 = tpu.memref_slice %arg13[%dma_start3A] : memref<640xf32, #tpu.memory_space<vmem>> -> memref<400xf32, #tpu.memory_space<vmem>>
        %dma_start3A_61 = tpu.memref_slice %arg14[%multiple_of3A_3] : memref<10000xf32, #tpu.memory_space<vmem_shared>> -> memref<400xf32, #tpu.memory_space<vmem_shared>>
        %dma_start3A_62 = arith.constant 0 : i32
        %dma_start3A_63 = tpu.memref_slice %arg13[%dma_start3A_62] : memref<640xf32, #tpu.memory_space<vmem>> -> memref<400xf32, #tpu.memory_space<vmem>>
        %dma_start3A_64 = tpu.memref_slice %arg14[%multiple_of3A_3] : memref<10000xf32, #tpu.memory_space<vmem_shared>> -> memref<400xf32, #tpu.memory_space<vmem_shared>>
        tpu.enqueue_dma source(%dma_start3A_64 : memref<400xf32, #tpu.memory_space<vmem_shared>>) target(%dma_start3A_63 : memref<400xf32, #tpu.memory_space<vmem>>) target_semaphore(%run_scoped3A : memref<!tpu.dma_semaphore, #tpu.memory_space<semaphore_mem>>)
        %dma_wait3A = arith.constant 0 : i32
        %dma_wait3A_65 = tpu.memref_slice %arg13[%dma_wait3A] : memref<640xf32, #tpu.memory_space<vmem>> -> memref<400xf32, #tpu.memory_space<vmem>>
        %dma_wait3A_66 = tpu.memref_slice %arg14[%multiple_of3A_3] : memref<10000xf32, #tpu.memory_space<vmem_shared>> -> memref<400xf32, #tpu.memory_space<vmem_shared>>
        %dma_wait3A_67 = arith.constant 0 : i32
        %dma_wait3A_68 = tpu.memref_slice %arg13[%dma_wait3A_67] : memref<640xf32, #tpu.memory_space<vmem>> -> memref<400xf32, #tpu.memory_space<vmem>>
        %dma_wait3A_69 = tpu.memref_slice %arg14[%multiple_of3A_3] : memref<10000xf32, #tpu.memory_space<vmem_shared>> -> memref<400xf32, #tpu.memory_space<vmem_shared>>
        tpu.wait_dma2 semaphore(%run_scoped3A : memref<!tpu.dma_semaphore, #tpu.memory_space<semaphore_mem>>) src(%dma_wait3A_69 : memref<400xf32, #tpu.memory_space<vmem_shared>>) dst(%dma_wait3A_68 : memref<400xf32, #tpu.memory_space<vmem>>)
        tpu.yield
      }) : () -> ()
      "tpu.region"() ({
        %run_scoped3A = tpu.sem_alloc : memref<!tpu.dma_semaphore, #tpu.memory_space<semaphore_mem>>
        %dma_start3A = arith.constant 0 : i32
        %dma_start3A_60 = tpu.memref_slice %arg13[%dma_start3A] : memref<640xf32, #tpu.memory_space<vmem>> -> memref<400xf32, #tpu.memory_space<vmem>>
        %dma_start3A_61 = tpu.memref_slice %arg6[%multiple_of3A_3] : memref<10000xf32, #tpu.memory_space<hbm>> -> memref<400xf32, #tpu.memory_space<hbm>>
        %dma_start3A_62 = tpu.memref_slice %arg6[%multiple_of3A_3] : memref<10000xf32, #tpu.memory_space<hbm>> -> memref<400xf32, #tpu.memory_space<hbm>>
        %dma_start3A_63 = arith.constant 0 : i32
        %dma_start3A_64 = tpu.memref_slice %arg13[%dma_start3A_63] : memref<640xf32, #tpu.memory_space<vmem>> -> memref<400xf32, #tpu.memory_space<vmem>>
        tpu.enqueue_dma source(%dma_start3A_64 : memref<400xf32, #tpu.memory_space<vmem>>) target(%dma_start3A_62 : memref<400xf32, #tpu.memory_space<hbm>>) target_semaphore(%run_scoped3A : memref<!tpu.dma_semaphore, #tpu.memory_space<semaphore_mem>>)
        %dma_wait3A = arith.constant 0 : i32
        %dma_wait3A_65 = tpu.memref_slice %arg13[%dma_wait3A] : memref<640xf32, #tpu.memory_space<vmem>> -> memref<400xf32, #tpu.memory_space<vmem>>
        %dma_wait3A_66 = tpu.memref_slice %arg6[%multiple_of3A_3] : memref<10000xf32, #tpu.memory_space<hbm>> -> memref<400xf32, #tpu.memory_space<hbm>>
        %dma_wait3A_67 = tpu.memref_slice %arg6[%multiple_of3A_3] : memref<10000xf32, #tpu.memory_space<hbm>> -> memref<400xf32, #tpu.memory_space<hbm>>
        %dma_wait3A_68 = arith.constant 0 : i32
        %dma_wait3A_69 = tpu.memref_slice %arg13[%dma_wait3A_68] : memref<640xf32, #tpu.memory_space<vmem>> -> memref<400xf32, #tpu.memory_space<vmem>>
        tpu.wait_dma2 semaphore(%run_scoped3A : memref<!tpu.dma_semaphore, #tpu.memory_space<semaphore_mem>>) src(%dma_wait3A_69 : memref<400xf32, #tpu.memory_space<vmem>>) dst(%dma_wait3A_67 : memref<400xf32, #tpu.memory_space<hbm>>)
        tpu.yield
      }) : () -> ()
    } else {
    }
    return
  }
}

#map = affine_map<(d0, d1) -> (0, 0)>
#map1 = affine_map<(d0, d1) -> (0)>
#map2 = affine_map<(d0, d1) -> (0, 0, 0)>
module attributes {stable_mosaic.version = 14 : i64} {
  func.func @_edge_b_body(%arg0: i32, %arg1: i32, %arg2: memref<20000x128xf32, #tpu.memory_space<hbm>>, %arg3: memref<160000xi32, #tpu.memory_space<hbm>>, %arg4: memref<160000xf32, #tpu.memory_space<hbm>>, %arg5: memref<10000xf32, #tpu.memory_space<hbm>>, %arg6: memref<2x10000x128xf32, #tpu.memory_space<hbm>>, %arg7: memref<10000xf32, #tpu.memory_space<vmem>>, %arg8: memref<10000xi32, #tpu.memory_space<vmem>>, %arg9: memref<10000xf32, #tpu.memory_space<vmem>>, %arg10: memref<64xi32, #tpu.memory_space<vmem>>, %arg11: memref<64xi32, #tpu.memory_space<vmem>>, %arg12: memref<64xi32, #tpu.memory_space<vmem>>, %arg13: memref<64xi32, #tpu.memory_space<vmem>>, %arg14: memref<16xi32, #tpu.memory_space<vmem>>, %arg15: memref<16xi32, #tpu.memory_space<vmem>>, %arg16: memref<64x128xf32, #tpu.memory_space<vmem>>, %arg17: memref<64x128xf32, #tpu.memory_space<vmem>>, %arg18: memref<16x128xf32, #tpu.memory_space<vmem>>, %arg19: memref<!tpu.dma_semaphore, #tpu.memory_space<semaphore_mem>>, %arg20: memref<10000x128xf32, #tpu.memory_space<vmem_shared>>) attributes {dimension_semantics = [#tpu.dimension_semantics<core_parallel>, #tpu.dimension_semantics<subcore_parallel>], iteration_bounds = array<i64: 2, 16>, scalar_prefetch = 0 : i64, scratch_operands = 14 : i64, tpu.core_type = #tpu.core_type<sc_vector_subcore>, window_params = [{transform_indices = #map}, {transform_indices = #map1}, {transform_indices = #map1}, {transform_indices = #map1}, {transform_indices = #map2}]} {
    %mul3A = arith.constant 10000 : i32
    %mul3A_0 = arith.muli %arg1, %mul3A : i32
    %multiple_of3A = tpu.assume_multiple %mul3A_0, 8 : i32
    %mul3A_1 = arith.constant 640 : i32
    %mul3A_2 = arith.muli %arg1, %mul3A_1 : i32
    %multiple_of3A_3 = tpu.assume_multiple %mul3A_2, 8 : i32
    "tpu.region"() ({
      %run_scoped3A = tpu.sem_alloc : memref<!tpu.dma_semaphore, #tpu.memory_space<semaphore_mem>>
      %dma_start3A_78 = tpu.memref_slice %arg3[%multiple_of3A] : memref<160000xi32, #tpu.memory_space<hbm>> -> memref<10000xi32, #tpu.memory_space<hbm>>
      %dma_start3A_79 = tpu.memref_slice %arg3[%multiple_of3A] : memref<160000xi32, #tpu.memory_space<hbm>> -> memref<10000xi32, #tpu.memory_space<hbm>>
      tpu.enqueue_dma source(%dma_start3A_79 : memref<10000xi32, #tpu.memory_space<hbm>>) target(%arg8 : memref<10000xi32, #tpu.memory_space<vmem>>) target_semaphore(%run_scoped3A : memref<!tpu.dma_semaphore, #tpu.memory_space<semaphore_mem>>)
      %dma_wait3A_80 = tpu.memref_slice %arg3[%multiple_of3A] : memref<160000xi32, #tpu.memory_space<hbm>> -> memref<10000xi32, #tpu.memory_space<hbm>>
      %dma_wait3A_81 = tpu.memref_slice %arg3[%multiple_of3A] : memref<160000xi32, #tpu.memory_space<hbm>> -> memref<10000xi32, #tpu.memory_space<hbm>>
      tpu.wait_dma2 semaphore(%run_scoped3A : memref<!tpu.dma_semaphore, #tpu.memory_space<semaphore_mem>>) src(%dma_wait3A_81 : memref<10000xi32, #tpu.memory_space<hbm>>) dst(%arg8 : memref<10000xi32, #tpu.memory_space<vmem>>)
      tpu.yield
    }) : () -> ()
    "tpu.region"() ({
      %run_scoped3A = tpu.sem_alloc : memref<!tpu.dma_semaphore, #tpu.memory_space<semaphore_mem>>
      %dma_start3A_78 = tpu.memref_slice %arg4[%multiple_of3A] : memref<160000xf32, #tpu.memory_space<hbm>> -> memref<10000xf32, #tpu.memory_space<hbm>>
      %dma_start3A_79 = tpu.memref_slice %arg4[%multiple_of3A] : memref<160000xf32, #tpu.memory_space<hbm>> -> memref<10000xf32, #tpu.memory_space<hbm>>
      tpu.enqueue_dma source(%dma_start3A_79 : memref<10000xf32, #tpu.memory_space<hbm>>) target(%arg9 : memref<10000xf32, #tpu.memory_space<vmem>>) target_semaphore(%run_scoped3A : memref<!tpu.dma_semaphore, #tpu.memory_space<semaphore_mem>>)
      %dma_wait3A_80 = tpu.memref_slice %arg4[%multiple_of3A] : memref<160000xf32, #tpu.memory_space<hbm>> -> memref<10000xf32, #tpu.memory_space<hbm>>
      %dma_wait3A_81 = tpu.memref_slice %arg4[%multiple_of3A] : memref<160000xf32, #tpu.memory_space<hbm>> -> memref<10000xf32, #tpu.memory_space<hbm>>
      tpu.wait_dma2 semaphore(%run_scoped3A : memref<!tpu.dma_semaphore, #tpu.memory_space<semaphore_mem>>) src(%dma_wait3A_81 : memref<10000xf32, #tpu.memory_space<hbm>>) dst(%arg9 : memref<10000xf32, #tpu.memory_space<vmem>>)
      tpu.yield
    }) : () -> ()
    "tpu.region"() ({
      %run_scoped3A = tpu.sem_alloc : memref<!tpu.dma_semaphore, #tpu.memory_space<semaphore_mem>>
      tpu.enqueue_dma source(%arg5 : memref<10000xf32, #tpu.memory_space<hbm>>) target(%arg7 : memref<10000xf32, #tpu.memory_space<vmem>>) target_semaphore(%run_scoped3A : memref<!tpu.dma_semaphore, #tpu.memory_space<semaphore_mem>>)
      tpu.wait_dma2 semaphore(%run_scoped3A : memref<!tpu.dma_semaphore, #tpu.memory_space<semaphore_mem>>) src(%arg5 : memref<10000xf32, #tpu.memory_space<hbm>>) dst(%arg7 : memref<10000xf32, #tpu.memory_space<vmem>>)
      tpu.yield
    }) : () -> ()
    %broadcast_in_dim3A = arith.constant 0.000000e+00 : f32
    %broadcast_in_dim3A_4 = vector.broadcast %broadcast_in_dim3A : f32 to vector<16xf32>
    %scan3A = arith.constant 0 : i32
    %scan3A_5 = arith.constant 0 : i32
    %scan3A_6 = arith.constant 64 : i32
    %scan3A_7 = arith.addi %scan3A_5, %scan3A_6 : i32
    %scan3A_8 = arith.constant 1 : i32
    %scan3A_9 = scf.for %scan3A_78 = %scan3A_5 to %scan3A_7 step %scan3A_8 iter_args(%scan3A_79 = %scan3A) -> (i32)  : i32 {
      %swap3A_80 = arith.index_cast %scan3A_78 : i32 to index
      %swap3A_81 = arith.constant 0 : index
      %swap3A_82 = tpu.vector_load %arg16[%swap3A_80, %swap3A_81] {strides = array<i32>} : memref<64x128xf32, #tpu.memory_space<vmem>>, vector<16xf32>,
      tpu.vector_store %arg16[%swap3A_80, %swap3A_81], %broadcast_in_dim3A_4 {strides = array<i32>} : memref<64x128xf32, #tpu.memory_space<vmem>>, vector<16xf32>,
      %swap3A_83 = arith.index_cast %scan3A_78 : i32 to index
      %swap3A_84 = arith.constant 16 : index
      %swap3A_85 = tpu.vector_load %arg16[%swap3A_83, %swap3A_84] {strides = array<i32>} : memref<64x128xf32, #tpu.memory_space<vmem>>, vector<16xf32>,
      tpu.vector_store %arg16[%swap3A_83, %swap3A_84], %broadcast_in_dim3A_4 {strides = array<i32>} : memref<64x128xf32, #tpu.memory_space<vmem>>, vector<16xf32>,
      %swap3A_86 = arith.index_cast %scan3A_78 : i32 to index
      %swap3A_87 = arith.constant 32 : index
      %swap3A_88 = tpu.vector_load %arg16[%swap3A_86, %swap3A_87] {strides = array<i32>} : memref<64x128xf32, #tpu.memory_space<vmem>>, vector<16xf32>,
      tpu.vector_store %arg16[%swap3A_86, %swap3A_87], %broadcast_in_dim3A_4 {strides = array<i32>} : memref<64x128xf32, #tpu.memory_space<vmem>>, vector<16xf32>,
      %swap3A_89 = arith.index_cast %scan3A_78 : i32 to index
      %swap3A_90 = arith.constant 48 : index
      %swap3A_91 = tpu.vector_load %arg16[%swap3A_89, %swap3A_90] {strides = array<i32>} : memref<64x128xf32, #tpu.memory_space<vmem>>, vector<16xf32>,
      tpu.vector_store %arg16[%swap3A_89, %swap3A_90], %broadcast_in_dim3A_4 {strides = array<i32>} : memref<64x128xf32, #tpu.memory_space<vmem>>, vector<16xf32>,
      %swap3A_92 = arith.index_cast %scan3A_78 : i32 to index
      %swap3A_93 = arith.constant 64 : index
      %swap3A_94 = tpu.vector_load %arg16[%swap3A_92, %swap3A_93] {strides = array<i32>} : memref<64x128xf32, #tpu.memory_space<vmem>>, vector<16xf32>,
      tpu.vector_store %arg16[%swap3A_92, %swap3A_93], %broadcast_in_dim3A_4 {strides = array<i32>} : memref<64x128xf32, #tpu.memory_space<vmem>>, vector<16xf32>,
      %swap3A_95 = arith.index_cast %scan3A_78 : i32 to index
      %swap3A_96 = arith.constant 80 : index
      %swap3A_97 = tpu.vector_load %arg16[%swap3A_95, %swap3A_96] {strides = array<i32>} : memref<64x128xf32, #tpu.memory_space<vmem>>, vector<16xf32>,
      tpu.vector_store %arg16[%swap3A_95, %swap3A_96], %broadcast_in_dim3A_4 {strides = array<i32>} : memref<64x128xf32, #tpu.memory_space<vmem>>, vector<16xf32>,
      %swap3A_98 = arith.index_cast %scan3A_78 : i32 to index
      %swap3A_99 = arith.constant 96 : index
      %swap3A_100 = tpu.vector_load %arg16[%swap3A_98, %swap3A_99] {strides = array<i32>} : memref<64x128xf32, #tpu.memory_space<vmem>>, vector<16xf32>,
      tpu.vector_store %arg16[%swap3A_98, %swap3A_99], %broadcast_in_dim3A_4 {strides = array<i32>} : memref<64x128xf32, #tpu.memory_space<vmem>>, vector<16xf32>,
      %swap3A_101 = arith.index_cast %scan3A_78 : i32 to index
      %swap3A_102 = arith.constant 112 : index
      %swap3A_103 = tpu.vector_load %arg16[%swap3A_101, %swap3A_102] {strides = array<i32>} : memref<64x128xf32, #tpu.memory_space<vmem>>, vector<16xf32>,
      tpu.vector_store %arg16[%swap3A_101, %swap3A_102], %broadcast_in_dim3A_4 {strides = array<i32>} : memref<64x128xf32, #tpu.memory_space<vmem>>, vector<16xf32>,
      %scan3A_104 = arith.constant 0 : i32
      scf.yield %scan3A_104 : i32
    }
    %scan3A_10 = arith.constant 64 : i32
    %lt3A = arith.constant 15 : i32
    %lt3A_11 = arith.cmpi slt, %arg1, %lt3A : i32
    %convert_element_type3A = arith.extui %lt3A_11 : i1 to i32
    %cond3A = arith.constant 0 : i32
    %cond3A_12 = arith.cmpi ne, %convert_element_type3A, %cond3A : i32
    scf.if %cond3A_12 {
      %add3A_78 = arith.constant 0 : i32
      %add3A_79 = arith.addi %multiple_of3A_3, %add3A_78 : i32
      "tpu.region"() ({
        %run_scoped3A = tpu.sem_alloc : memref<!tpu.dma_semaphore, #tpu.memory_space<semaphore_mem>>
        %dma_start3A_98 = arith.constant 0 : i32
        %dma_start3A_99 = tpu.memref_slice %arg20[%add3A_79, %dma_start3A_98] : memref<10000x128xf32, #tpu.memory_space<vmem_shared>> -> memref<64x128xf32, #tpu.memory_space<vmem_shared>>
        %dma_start3A_100 = arith.constant 0 : i32
        %dma_start3A_101 = tpu.memref_slice %arg20[%add3A_79, %dma_start3A_100] : memref<10000x128xf32, #tpu.memory_space<vmem_shared>> -> memref<64x128xf32, #tpu.memory_space<vmem_shared>>
        tpu.enqueue_dma source(%arg16 : memref<64x128xf32, #tpu.memory_space<vmem>>) target(%dma_start3A_101 : memref<64x128xf32, #tpu.memory_space<vmem_shared>>) target_semaphore(%run_scoped3A : memref<!tpu.dma_semaphore, #tpu.memory_space<semaphore_mem>>)
        %dma_wait3A_102 = arith.constant 0 : i32
        %dma_wait3A_103 = tpu.memref_slice %arg20[%add3A_79, %dma_wait3A_102] : memref<10000x128xf32, #tpu.memory_space<vmem_shared>> -> memref<64x128xf32, #tpu.memory_space<vmem_shared>>
        %dma_wait3A_104 = arith.constant 0 : i32
        %dma_wait3A_105 = tpu.memref_slice %arg20[%add3A_79, %dma_wait3A_104] : memref<10000x128xf32, #tpu.memory_space<vmem_shared>> -> memref<64x128xf32, #tpu.memory_space<vmem_shared>>
        tpu.wait_dma2 semaphore(%run_scoped3A : memref<!tpu.dma_semaphore, #tpu.memory_space<semaphore_mem>>) src(%arg16 : memref<64x128xf32, #tpu.memory_space<vmem>>) dst(%dma_wait3A_105 : memref<64x128xf32, #tpu.memory_space<vmem_shared>>)
        tpu.yield
      }) : () -> ()
      %add3A_80 = arith.constant 64 : i32
      %add3A_81 = arith.addi %multiple_of3A_3, %add3A_80 : i32
      "tpu.region"() ({
        %run_scoped3A = tpu.sem_alloc : memref<!tpu.dma_semaphore, #tpu.memory_space<semaphore_mem>>
        %dma_start3A_98 = arith.constant 0 : i32
        %dma_start3A_99 = tpu.memref_slice %arg20[%add3A_81, %dma_start3A_98] : memref<10000x128xf32, #tpu.memory_space<vmem_shared>> -> memref<64x128xf32, #tpu.memory_space<vmem_shared>>
        %dma_start3A_100 = arith.constant 0 : i32
        %dma_start3A_101 = tpu.memref_slice %arg20[%add3A_81, %dma_start3A_100] : memref<10000x128xf32, #tpu.memory_space<vmem_shared>> -> memref<64x128xf32, #tpu.memory_space<vmem_shared>>
        tpu.enqueue_dma source(%arg16 : memref<64x128xf32, #tpu.memory_space<vmem>>) target(%dma_start3A_101 : memref<64x128xf32, #tpu.memory_space<vmem_shared>>) target_semaphore(%run_scoped3A : memref<!tpu.dma_semaphore, #tpu.memory_space<semaphore_mem>>)
        %dma_wait3A_102 = arith.constant 0 : i32
        %dma_wait3A_103 = tpu.memref_slice %arg20[%add3A_81, %dma_wait3A_102] : memref<10000x128xf32, #tpu.memory_space<vmem_shared>> -> memref<64x128xf32, #tpu.memory_space<vmem_shared>>
        %dma_wait3A_104 = arith.constant 0 : i32
        %dma_wait3A_105 = tpu.memref_slice %arg20[%add3A_81, %dma_wait3A_104] : memref<10000x128xf32, #tpu.memory_space<vmem_shared>> -> memref<64x128xf32, #tpu.memory_space<vmem_shared>>
        tpu.wait_dma2 semaphore(%run_scoped3A : memref<!tpu.dma_semaphore, #tpu.memory_space<semaphore_mem>>) src(%arg16 : memref<64x128xf32, #tpu.memory_space<vmem>>) dst(%dma_wait3A_105 : memref<64x128xf32, #tpu.memory_space<vmem_shared>>)
        tpu.yield
      }) : () -> ()
      %add3A_82 = arith.constant 128 : i32
      %add3A_83 = arith.addi %multiple_of3A_3, %add3A_82 : i32
      "tpu.region"() ({
        %run_scoped3A = tpu.sem_alloc : memref<!tpu.dma_semaphore, #tpu.memory_space<semaphore_mem>>
        %dma_start3A_98 = arith.constant 0 : i32
        %dma_start3A_99 = tpu.memref_slice %arg20[%add3A_83, %dma_start3A_98] : memref<10000x128xf32, #tpu.memory_space<vmem_shared>> -> memref<64x128xf32, #tpu.memory_space<vmem_shared>>
        %dma_start3A_100 = arith.constant 0 : i32
        %dma_start3A_101 = tpu.memref_slice %arg20[%add3A_83, %dma_start3A_100] : memref<10000x128xf32, #tpu.memory_space<vmem_shared>> -> memref<64x128xf32, #tpu.memory_space<vmem_shared>>
        tpu.enqueue_dma source(%arg16 : memref<64x128xf32, #tpu.memory_space<vmem>>) target(%dma_start3A_101 : memref<64x128xf32, #tpu.memory_space<vmem_shared>>) target_semaphore(%run_scoped3A : memref<!tpu.dma_semaphore, #tpu.memory_space<semaphore_mem>>)
        %dma_wait3A_102 = arith.constant 0 : i32
        %dma_wait3A_103 = tpu.memref_slice %arg20[%add3A_83, %dma_wait3A_102] : memref<10000x128xf32, #tpu.memory_space<vmem_shared>> -> memref<64x128xf32, #tpu.memory_space<vmem_shared>>
        %dma_wait3A_104 = arith.constant 0 : i32
        %dma_wait3A_105 = tpu.memref_slice %arg20[%add3A_83, %dma_wait3A_104] : memref<10000x128xf32, #tpu.memory_space<vmem_shared>> -> memref<64x128xf32, #tpu.memory_space<vmem_shared>>
        tpu.wait_dma2 semaphore(%run_scoped3A : memref<!tpu.dma_semaphore, #tpu.memory_space<semaphore_mem>>) src(%arg16 : memref<64x128xf32, #tpu.memory_space<vmem>>) dst(%dma_wait3A_105 : memref<64x128xf32, #tpu.memory_space<vmem_shared>>)
        tpu.yield
      }) : () -> ()
      %add3A_84 = arith.constant 192 : i32
      %add3A_85 = arith.addi %multiple_of3A_3, %add3A_84 : i32
      "tpu.region"() ({
        %run_scoped3A = tpu.sem_alloc : memref<!tpu.dma_semaphore, #tpu.memory_space<semaphore_mem>>
        %dma_start3A_98 = arith.constant 0 : i32
        %dma_start3A_99 = tpu.memref_slice %arg20[%add3A_85, %dma_start3A_98] : memref<10000x128xf32, #tpu.memory_space<vmem_shared>> -> memref<64x128xf32, #tpu.memory_space<vmem_shared>>
        %dma_start3A_100 = arith.constant 0 : i32
        %dma_start3A_101 = tpu.memref_slice %arg20[%add3A_85, %dma_start3A_100] : memref<10000x128xf32, #tpu.memory_space<vmem_shared>> -> memref<64x128xf32, #tpu.memory_space<vmem_shared>>
        tpu.enqueue_dma source(%arg16 : memref<64x128xf32, #tpu.memory_space<vmem>>) target(%dma_start3A_101 : memref<64x128xf32, #tpu.memory_space<vmem_shared>>) target_semaphore(%run_scoped3A : memref<!tpu.dma_semaphore, #tpu.memory_space<semaphore_mem>>)
        %dma_wait3A_102 = arith.constant 0 : i32
        %dma_wait3A_103 = tpu.memref_slice %arg20[%add3A_85, %dma_wait3A_102] : memref<10000x128xf32, #tpu.memory_space<vmem_shared>> -> memref<64x128xf32, #tpu.memory_space<vmem_shared>>
        %dma_wait3A_104 = arith.constant 0 : i32
        %dma_wait3A_105 = tpu.memref_slice %arg20[%add3A_85, %dma_wait3A_104] : memref<10000x128xf32, #tpu.memory_space<vmem_shared>> -> memref<64x128xf32, #tpu.memory_space<vmem_shared>>
        tpu.wait_dma2 semaphore(%run_scoped3A : memref<!tpu.dma_semaphore, #tpu.memory_space<semaphore_mem>>) src(%arg16 : memref<64x128xf32, #tpu.memory_space<vmem>>) dst(%dma_wait3A_105 : memref<64x128xf32, #tpu.memory_space<vmem_shared>>)
        tpu.yield
      }) : () -> ()
      %add3A_86 = arith.constant 256 : i32
      %add3A_87 = arith.addi %multiple_of3A_3, %add3A_86 : i32
      "tpu.region"() ({
        %run_scoped3A = tpu.sem_alloc : memref<!tpu.dma_semaphore, #tpu.memory_space<semaphore_mem>>
        %dma_start3A_98 = arith.constant 0 : i32
        %dma_start3A_99 = tpu.memref_slice %arg20[%add3A_87, %dma_start3A_98] : memref<10000x128xf32, #tpu.memory_space<vmem_shared>> -> memref<64x128xf32, #tpu.memory_space<vmem_shared>>
        %dma_start3A_100 = arith.constant 0 : i32
        %dma_start3A_101 = tpu.memref_slice %arg20[%add3A_87, %dma_start3A_100] : memref<10000x128xf32, #tpu.memory_space<vmem_shared>> -> memref<64x128xf32, #tpu.memory_space<vmem_shared>>
        tpu.enqueue_dma source(%arg16 : memref<64x128xf32, #tpu.memory_space<vmem>>) target(%dma_start3A_101 : memref<64x128xf32, #tpu.memory_space<vmem_shared>>) target_semaphore(%run_scoped3A : memref<!tpu.dma_semaphore, #tpu.memory_space<semaphore_mem>>)
        %dma_wait3A_102 = arith.constant 0 : i32
        %dma_wait3A_103 = tpu.memref_slice %arg20[%add3A_87, %dma_wait3A_102] : memref<10000x128xf32, #tpu.memory_space<vmem_shared>> -> memref<64x128xf32, #tpu.memory_space<vmem_shared>>
        %dma_wait3A_104 = arith.constant 0 : i32
        %dma_wait3A_105 = tpu.memref_slice %arg20[%add3A_87, %dma_wait3A_104] : memref<10000x128xf32, #tpu.memory_space<vmem_shared>> -> memref<64x128xf32, #tpu.memory_space<vmem_shared>>
        tpu.wait_dma2 semaphore(%run_scoped3A : memref<!tpu.dma_semaphore, #tpu.memory_space<semaphore_mem>>) src(%arg16 : memref<64x128xf32, #tpu.memory_space<vmem>>) dst(%dma_wait3A_105 : memref<64x128xf32, #tpu.memory_space<vmem_shared>>)
        tpu.yield
      }) : () -> ()
      %add3A_88 = arith.constant 320 : i32
      %add3A_89 = arith.addi %multiple_of3A_3, %add3A_88 : i32
      "tpu.region"() ({
        %run_scoped3A = tpu.sem_alloc : memref<!tpu.dma_semaphore, #tpu.memory_space<semaphore_mem>>
        %dma_start3A_98 = arith.constant 0 : i32
        %dma_start3A_99 = tpu.memref_slice %arg20[%add3A_89, %dma_start3A_98] : memref<10000x128xf32, #tpu.memory_space<vmem_shared>> -> memref<64x128xf32, #tpu.memory_space<vmem_shared>>
        %dma_start3A_100 = arith.constant 0 : i32
        %dma_start3A_101 = tpu.memref_slice %arg20[%add3A_89, %dma_start3A_100] : memref<10000x128xf32, #tpu.memory_space<vmem_shared>> -> memref<64x128xf32, #tpu.memory_space<vmem_shared>>
        tpu.enqueue_dma source(%arg16 : memref<64x128xf32, #tpu.memory_space<vmem>>) target(%dma_start3A_101 : memref<64x128xf32, #tpu.memory_space<vmem_shared>>) target_semaphore(%run_scoped3A : memref<!tpu.dma_semaphore, #tpu.memory_space<semaphore_mem>>)
        %dma_wait3A_102 = arith.constant 0 : i32
        %dma_wait3A_103 = tpu.memref_slice %arg20[%add3A_89, %dma_wait3A_102] : memref<10000x128xf32, #tpu.memory_space<vmem_shared>> -> memref<64x128xf32, #tpu.memory_space<vmem_shared>>
        %dma_wait3A_104 = arith.constant 0 : i32
        %dma_wait3A_105 = tpu.memref_slice %arg20[%add3A_89, %dma_wait3A_104] : memref<10000x128xf32, #tpu.memory_space<vmem_shared>> -> memref<64x128xf32, #tpu.memory_space<vmem_shared>>
        tpu.wait_dma2 semaphore(%run_scoped3A : memref<!tpu.dma_semaphore, #tpu.memory_space<semaphore_mem>>) src(%arg16 : memref<64x128xf32, #tpu.memory_space<vmem>>) dst(%dma_wait3A_105 : memref<64x128xf32, #tpu.memory_space<vmem_shared>>)
        tpu.yield
      }) : () -> ()
      %add3A_90 = arith.constant 384 : i32
      %add3A_91 = arith.addi %multiple_of3A_3, %add3A_90 : i32
      "tpu.region"() ({
        %run_scoped3A = tpu.sem_alloc : memref<!tpu.dma_semaphore, #tpu.memory_space<semaphore_mem>>
        %dma_start3A_98 = arith.constant 0 : i32
        %dma_start3A_99 = tpu.memref_slice %arg20[%add3A_91, %dma_start3A_98] : memref<10000x128xf32, #tpu.memory_space<vmem_shared>> -> memref<64x128xf32, #tpu.memory_space<vmem_shared>>
        %dma_start3A_100 = arith.constant 0 : i32
        %dma_start3A_101 = tpu.memref_slice %arg20[%add3A_91, %dma_start3A_100] : memref<10000x128xf32, #tpu.memory_space<vmem_shared>> -> memref<64x128xf32, #tpu.memory_space<vmem_shared>>
        tpu.enqueue_dma source(%arg16 : memref<64x128xf32, #tpu.memory_space<vmem>>) target(%dma_start3A_101 : memref<64x128xf32, #tpu.memory_space<vmem_shared>>) target_semaphore(%run_scoped3A : memref<!tpu.dma_semaphore, #tpu.memory_space<semaphore_mem>>)
        %dma_wait3A_102 = arith.constant 0 : i32
        %dma_wait3A_103 = tpu.memref_slice %arg20[%add3A_91, %dma_wait3A_102] : memref<10000x128xf32, #tpu.memory_space<vmem_shared>> -> memref<64x128xf32, #tpu.memory_space<vmem_shared>>
        %dma_wait3A_104 = arith.constant 0 : i32
        %dma_wait3A_105 = tpu.memref_slice %arg20[%add3A_91, %dma_wait3A_104] : memref<10000x128xf32, #tpu.memory_space<vmem_shared>> -> memref<64x128xf32, #tpu.memory_space<vmem_shared>>
        tpu.wait_dma2 semaphore(%run_scoped3A : memref<!tpu.dma_semaphore, #tpu.memory_space<semaphore_mem>>) src(%arg16 : memref<64x128xf32, #tpu.memory_space<vmem>>) dst(%dma_wait3A_105 : memref<64x128xf32, #tpu.memory_space<vmem_shared>>)
        tpu.yield
      }) : () -> ()
      %add3A_92 = arith.constant 448 : i32
      %add3A_93 = arith.addi %multiple_of3A_3, %add3A_92 : i32
      "tpu.region"() ({
        %run_scoped3A = tpu.sem_alloc : memref<!tpu.dma_semaphore, #tpu.memory_space<semaphore_mem>>
        %dma_start3A_98 = arith.constant 0 : i32
        %dma_start3A_99 = tpu.memref_slice %arg20[%add3A_93, %dma_start3A_98] : memref<10000x128xf32, #tpu.memory_space<vmem_shared>> -> memref<64x128xf32, #tpu.memory_space<vmem_shared>>
        %dma_start3A_100 = arith.constant 0 : i32
        %dma_start3A_101 = tpu.memref_slice %arg20[%add3A_93, %dma_start3A_100] : memref<10000x128xf32, #tpu.memory_space<vmem_shared>> -> memref<64x128xf32, #tpu.memory_space<vmem_shared>>
        tpu.enqueue_dma source(%arg16 : memref<64x128xf32, #tpu.memory_space<vmem>>) target(%dma_start3A_101 : memref<64x128xf32, #tpu.memory_space<vmem_shared>>) target_semaphore(%run_scoped3A : memref<!tpu.dma_semaphore, #tpu.memory_space<semaphore_mem>>)
        %dma_wait3A_102 = arith.constant 0 : i32
        %dma_wait3A_103 = tpu.memref_slice %arg20[%add3A_93, %dma_wait3A_102] : memref<10000x128xf32, #tpu.memory_space<vmem_shared>> -> memref<64x128xf32, #tpu.memory_space<vmem_shared>>
        %dma_wait3A_104 = arith.constant 0 : i32
        %dma_wait3A_105 = tpu.memref_slice %arg20[%add3A_93, %dma_wait3A_104] : memref<10000x128xf32, #tpu.memory_space<vmem_shared>> -> memref<64x128xf32, #tpu.memory_space<vmem_shared>>
        tpu.wait_dma2 semaphore(%run_scoped3A : memref<!tpu.dma_semaphore, #tpu.memory_space<semaphore_mem>>) src(%arg16 : memref<64x128xf32, #tpu.memory_space<vmem>>) dst(%dma_wait3A_105 : memref<64x128xf32, #tpu.memory_space<vmem_shared>>)
        tpu.yield
      }) : () -> ()
      %add3A_94 = arith.constant 512 : i32
      %add3A_95 = arith.addi %multiple_of3A_3, %add3A_94 : i32
      "tpu.region"() ({
        %run_scoped3A = tpu.sem_alloc : memref<!tpu.dma_semaphore, #tpu.memory_space<semaphore_mem>>
        %dma_start3A_98 = arith.constant 0 : i32
        %dma_start3A_99 = tpu.memref_slice %arg20[%add3A_95, %dma_start3A_98] : memref<10000x128xf32, #tpu.memory_space<vmem_shared>> -> memref<64x128xf32, #tpu.memory_space<vmem_shared>>
        %dma_start3A_100 = arith.constant 0 : i32
        %dma_start3A_101 = tpu.memref_slice %arg20[%add3A_95, %dma_start3A_100] : memref<10000x128xf32, #tpu.memory_space<vmem_shared>> -> memref<64x128xf32, #tpu.memory_space<vmem_shared>>
        tpu.enqueue_dma source(%arg16 : memref<64x128xf32, #tpu.memory_space<vmem>>) target(%dma_start3A_101 : memref<64x128xf32, #tpu.memory_space<vmem_shared>>) target_semaphore(%run_scoped3A : memref<!tpu.dma_semaphore, #tpu.memory_space<semaphore_mem>>)
        %dma_wait3A_102 = arith.constant 0 : i32
        %dma_wait3A_103 = tpu.memref_slice %arg20[%add3A_95, %dma_wait3A_102] : memref<10000x128xf32, #tpu.memory_space<vmem_shared>> -> memref<64x128xf32, #tpu.memory_space<vmem_shared>>
        %dma_wait3A_104 = arith.constant 0 : i32
        %dma_wait3A_105 = tpu.memref_slice %arg20[%add3A_95, %dma_wait3A_104] : memref<10000x128xf32, #tpu.memory_space<vmem_shared>> -> memref<64x128xf32, #tpu.memory_space<vmem_shared>>
        tpu.wait_dma2 semaphore(%run_scoped3A : memref<!tpu.dma_semaphore, #tpu.memory_space<semaphore_mem>>) src(%arg16 : memref<64x128xf32, #tpu.memory_space<vmem>>) dst(%dma_wait3A_105 : memref<64x128xf32, #tpu.memory_space<vmem_shared>>)
        tpu.yield
      }) : () -> ()
      %add3A_96 = arith.constant 576 : i32
      %add3A_97 = arith.addi %multiple_of3A_3, %add3A_96 : i32
      "tpu.region"() ({
        %run_scoped3A = tpu.sem_alloc : memref<!tpu.dma_semaphore, #tpu.memory_space<semaphore_mem>>
        %dma_start3A_98 = arith.constant 0 : i32
        %dma_start3A_99 = tpu.memref_slice %arg20[%add3A_97, %dma_start3A_98] : memref<10000x128xf32, #tpu.memory_space<vmem_shared>> -> memref<64x128xf32, #tpu.memory_space<vmem_shared>>
        %dma_start3A_100 = arith.constant 0 : i32
        %dma_start3A_101 = tpu.memref_slice %arg20[%add3A_97, %dma_start3A_100] : memref<10000x128xf32, #tpu.memory_space<vmem_shared>> -> memref<64x128xf32, #tpu.memory_space<vmem_shared>>
        tpu.enqueue_dma source(%arg16 : memref<64x128xf32, #tpu.memory_space<vmem>>) target(%dma_start3A_101 : memref<64x128xf32, #tpu.memory_space<vmem_shared>>) target_semaphore(%run_scoped3A : memref<!tpu.dma_semaphore, #tpu.memory_space<semaphore_mem>>)
        %dma_wait3A_102 = arith.constant 0 : i32
        %dma_wait3A_103 = tpu.memref_slice %arg20[%add3A_97, %dma_wait3A_102] : memref<10000x128xf32, #tpu.memory_space<vmem_shared>> -> memref<64x128xf32, #tpu.memory_space<vmem_shared>>
        %dma_wait3A_104 = arith.constant 0 : i32
        %dma_wait3A_105 = tpu.memref_slice %arg20[%add3A_97, %dma_wait3A_104] : memref<10000x128xf32, #tpu.memory_space<vmem_shared>> -> memref<64x128xf32, #tpu.memory_space<vmem_shared>>
        tpu.wait_dma2 semaphore(%run_scoped3A : memref<!tpu.dma_semaphore, #tpu.memory_space<semaphore_mem>>) src(%arg16 : memref<64x128xf32, #tpu.memory_space<vmem>>) dst(%dma_wait3A_105 : memref<64x128xf32, #tpu.memory_space<vmem_shared>>)
        tpu.yield
      }) : () -> ()
    } else {
    }
    %eq3A = arith.constant 15 : i32
    %eq3A_13 = arith.cmpi eq, %arg1, %eq3A : i32
    %convert_element_type3A_14 = arith.extui %eq3A_13 : i1 to i32
    %cond3A_15 = arith.constant 0 : i32
    %cond3A_16 = arith.cmpi ne, %convert_element_type3A_14, %cond3A_15 : i32
    scf.if %cond3A_16 {
      %add3A_78 = arith.constant 0 : i32
      %add3A_79 = arith.addi %multiple_of3A_3, %add3A_78 : i32
      "tpu.region"() ({
        %run_scoped3A = tpu.sem_alloc : memref<!tpu.dma_semaphore, #tpu.memory_space<semaphore_mem>>
        %dma_start3A_92 = arith.constant 0 : i32
        %dma_start3A_93 = tpu.memref_slice %arg20[%add3A_79, %dma_start3A_92] : memref<10000x128xf32, #tpu.memory_space<vmem_shared>> -> memref<64x128xf32, #tpu.memory_space<vmem_shared>>
        %dma_start3A_94 = arith.constant 0 : i32
        %dma_start3A_95 = tpu.memref_slice %arg20[%add3A_79, %dma_start3A_94] : memref<10000x128xf32, #tpu.memory_space<vmem_shared>> -> memref<64x128xf32, #tpu.memory_space<vmem_shared>>
        tpu.enqueue_dma source(%arg16 : memref<64x128xf32, #tpu.memory_space<vmem>>) target(%dma_start3A_95 : memref<64x128xf32, #tpu.memory_space<vmem_shared>>) target_semaphore(%run_scoped3A : memref<!tpu.dma_semaphore, #tpu.memory_space<semaphore_mem>>)
        %dma_wait3A_96 = arith.constant 0 : i32
        %dma_wait3A_97 = tpu.memref_slice %arg20[%add3A_79, %dma_wait3A_96] : memref<10000x128xf32, #tpu.memory_space<vmem_shared>> -> memref<64x128xf32, #tpu.memory_space<vmem_shared>>
        %dma_wait3A_98 = arith.constant 0 : i32
        %dma_wait3A_99 = tpu.memref_slice %arg20[%add3A_79, %dma_wait3A_98] : memref<10000x128xf32, #tpu.memory_space<vmem_shared>> -> memref<64x128xf32, #tpu.memory_space<vmem_shared>>
        tpu.wait_dma2 semaphore(%run_scoped3A : memref<!tpu.dma_semaphore, #tpu.memory_space<semaphore_mem>>) src(%arg16 : memref<64x128xf32, #tpu.memory_space<vmem>>) dst(%dma_wait3A_99 : memref<64x128xf32, #tpu.memory_space<vmem_shared>>)
        tpu.yield
      }) : () -> ()
      %add3A_80 = arith.constant 64 : i32
      %add3A_81 = arith.addi %multiple_of3A_3, %add3A_80 : i32
      "tpu.region"() ({
        %run_scoped3A = tpu.sem_alloc : memref<!tpu.dma_semaphore, #tpu.memory_space<semaphore_mem>>
        %dma_start3A_92 = arith.constant 0 : i32
        %dma_start3A_93 = tpu.memref_slice %arg20[%add3A_81, %dma_start3A_92] : memref<10000x128xf32, #tpu.memory_space<vmem_shared>> -> memref<64x128xf32, #tpu.memory_space<vmem_shared>>
        %dma_start3A_94 = arith.constant 0 : i32
        %dma_start3A_95 = tpu.memref_slice %arg20[%add3A_81, %dma_start3A_94] : memref<10000x128xf32, #tpu.memory_space<vmem_shared>> -> memref<64x128xf32, #tpu.memory_space<vmem_shared>>
        tpu.enqueue_dma source(%arg16 : memref<64x128xf32, #tpu.memory_space<vmem>>) target(%dma_start3A_95 : memref<64x128xf32, #tpu.memory_space<vmem_shared>>) target_semaphore(%run_scoped3A : memref<!tpu.dma_semaphore, #tpu.memory_space<semaphore_mem>>)
        %dma_wait3A_96 = arith.constant 0 : i32
        %dma_wait3A_97 = tpu.memref_slice %arg20[%add3A_81, %dma_wait3A_96] : memref<10000x128xf32, #tpu.memory_space<vmem_shared>> -> memref<64x128xf32, #tpu.memory_space<vmem_shared>>
        %dma_wait3A_98 = arith.constant 0 : i32
        %dma_wait3A_99 = tpu.memref_slice %arg20[%add3A_81, %dma_wait3A_98] : memref<10000x128xf32, #tpu.memory_space<vmem_shared>> -> memref<64x128xf32, #tpu.memory_space<vmem_shared>>
        tpu.wait_dma2 semaphore(%run_scoped3A : memref<!tpu.dma_semaphore, #tpu.memory_space<semaphore_mem>>) src(%arg16 : memref<64x128xf32, #tpu.memory_space<vmem>>) dst(%dma_wait3A_99 : memref<64x128xf32, #tpu.memory_space<vmem_shared>>)
        tpu.yield
      }) : () -> ()
      %add3A_82 = arith.constant 128 : i32
      %add3A_83 = arith.addi %multiple_of3A_3, %add3A_82 : i32
      "tpu.region"() ({
        %run_scoped3A = tpu.sem_alloc : memref<!tpu.dma_semaphore, #tpu.memory_space<semaphore_mem>>
        %dma_start3A_92 = arith.constant 0 : i32
        %dma_start3A_93 = tpu.memref_slice %arg20[%add3A_83, %dma_start3A_92] : memref<10000x128xf32, #tpu.memory_space<vmem_shared>> -> memref<64x128xf32, #tpu.memory_space<vmem_shared>>
        %dma_start3A_94 = arith.constant 0 : i32
        %dma_start3A_95 = tpu.memref_slice %arg20[%add3A_83, %dma_start3A_94] : memref<10000x128xf32, #tpu.memory_space<vmem_shared>> -> memref<64x128xf32, #tpu.memory_space<vmem_shared>>
        tpu.enqueue_dma source(%arg16 : memref<64x128xf32, #tpu.memory_space<vmem>>) target(%dma_start3A_95 : memref<64x128xf32, #tpu.memory_space<vmem_shared>>) target_semaphore(%run_scoped3A : memref<!tpu.dma_semaphore, #tpu.memory_space<semaphore_mem>>)
        %dma_wait3A_96 = arith.constant 0 : i32
        %dma_wait3A_97 = tpu.memref_slice %arg20[%add3A_83, %dma_wait3A_96] : memref<10000x128xf32, #tpu.memory_space<vmem_shared>> -> memref<64x128xf32, #tpu.memory_space<vmem_shared>>
        %dma_wait3A_98 = arith.constant 0 : i32
        %dma_wait3A_99 = tpu.memref_slice %arg20[%add3A_83, %dma_wait3A_98] : memref<10000x128xf32, #tpu.memory_space<vmem_shared>> -> memref<64x128xf32, #tpu.memory_space<vmem_shared>>
        tpu.wait_dma2 semaphore(%run_scoped3A : memref<!tpu.dma_semaphore, #tpu.memory_space<semaphore_mem>>) src(%arg16 : memref<64x128xf32, #tpu.memory_space<vmem>>) dst(%dma_wait3A_99 : memref<64x128xf32, #tpu.memory_space<vmem_shared>>)
        tpu.yield
      }) : () -> ()
      %add3A_84 = arith.constant 192 : i32
      %add3A_85 = arith.addi %multiple_of3A_3, %add3A_84 : i32
      "tpu.region"() ({
        %run_scoped3A = tpu.sem_alloc : memref<!tpu.dma_semaphore, #tpu.memory_space<semaphore_mem>>
        %dma_start3A_92 = arith.constant 0 : i32
        %dma_start3A_93 = tpu.memref_slice %arg20[%add3A_85, %dma_start3A_92] : memref<10000x128xf32, #tpu.memory_space<vmem_shared>> -> memref<64x128xf32, #tpu.memory_space<vmem_shared>>
        %dma_start3A_94 = arith.constant 0 : i32
        %dma_start3A_95 = tpu.memref_slice %arg20[%add3A_85, %dma_start3A_94] : memref<10000x128xf32, #tpu.memory_space<vmem_shared>> -> memref<64x128xf32, #tpu.memory_space<vmem_shared>>
        tpu.enqueue_dma source(%arg16 : memref<64x128xf32, #tpu.memory_space<vmem>>) target(%dma_start3A_95 : memref<64x128xf32, #tpu.memory_space<vmem_shared>>) target_semaphore(%run_scoped3A : memref<!tpu.dma_semaphore, #tpu.memory_space<semaphore_mem>>)
        %dma_wait3A_96 = arith.constant 0 : i32
        %dma_wait3A_97 = tpu.memref_slice %arg20[%add3A_85, %dma_wait3A_96] : memref<10000x128xf32, #tpu.memory_space<vmem_shared>> -> memref<64x128xf32, #tpu.memory_space<vmem_shared>>
        %dma_wait3A_98 = arith.constant 0 : i32
        %dma_wait3A_99 = tpu.memref_slice %arg20[%add3A_85, %dma_wait3A_98] : memref<10000x128xf32, #tpu.memory_space<vmem_shared>> -> memref<64x128xf32, #tpu.memory_space<vmem_shared>>
        tpu.wait_dma2 semaphore(%run_scoped3A : memref<!tpu.dma_semaphore, #tpu.memory_space<semaphore_mem>>) src(%arg16 : memref<64x128xf32, #tpu.memory_space<vmem>>) dst(%dma_wait3A_99 : memref<64x128xf32, #tpu.memory_space<vmem_shared>>)
        tpu.yield
      }) : () -> ()
      %add3A_86 = arith.constant 256 : i32
      %add3A_87 = arith.addi %multiple_of3A_3, %add3A_86 : i32
      "tpu.region"() ({
        %run_scoped3A = tpu.sem_alloc : memref<!tpu.dma_semaphore, #tpu.memory_space<semaphore_mem>>
        %dma_start3A_92 = arith.constant 0 : i32
        %dma_start3A_93 = tpu.memref_slice %arg20[%add3A_87, %dma_start3A_92] : memref<10000x128xf32, #tpu.memory_space<vmem_shared>> -> memref<64x128xf32, #tpu.memory_space<vmem_shared>>
        %dma_start3A_94 = arith.constant 0 : i32
        %dma_start3A_95 = tpu.memref_slice %arg20[%add3A_87, %dma_start3A_94] : memref<10000x128xf32, #tpu.memory_space<vmem_shared>> -> memref<64x128xf32, #tpu.memory_space<vmem_shared>>
        tpu.enqueue_dma source(%arg16 : memref<64x128xf32, #tpu.memory_space<vmem>>) target(%dma_start3A_95 : memref<64x128xf32, #tpu.memory_space<vmem_shared>>) target_semaphore(%run_scoped3A : memref<!tpu.dma_semaphore, #tpu.memory_space<semaphore_mem>>)
        %dma_wait3A_96 = arith.constant 0 : i32
        %dma_wait3A_97 = tpu.memref_slice %arg20[%add3A_87, %dma_wait3A_96] : memref<10000x128xf32, #tpu.memory_space<vmem_shared>> -> memref<64x128xf32, #tpu.memory_space<vmem_shared>>
        %dma_wait3A_98 = arith.constant 0 : i32
        %dma_wait3A_99 = tpu.memref_slice %arg20[%add3A_87, %dma_wait3A_98] : memref<10000x128xf32, #tpu.memory_space<vmem_shared>> -> memref<64x128xf32, #tpu.memory_space<vmem_shared>>
        tpu.wait_dma2 semaphore(%run_scoped3A : memref<!tpu.dma_semaphore, #tpu.memory_space<semaphore_mem>>) src(%arg16 : memref<64x128xf32, #tpu.memory_space<vmem>>) dst(%dma_wait3A_99 : memref<64x128xf32, #tpu.memory_space<vmem_shared>>)
        tpu.yield
      }) : () -> ()
      %add3A_88 = arith.constant 320 : i32
      %add3A_89 = arith.addi %multiple_of3A_3, %add3A_88 : i32
      "tpu.region"() ({
        %run_scoped3A = tpu.sem_alloc : memref<!tpu.dma_semaphore, #tpu.memory_space<semaphore_mem>>
        %dma_start3A_92 = arith.constant 0 : i32
        %dma_start3A_93 = tpu.memref_slice %arg20[%add3A_89, %dma_start3A_92] : memref<10000x128xf32, #tpu.memory_space<vmem_shared>> -> memref<64x128xf32, #tpu.memory_space<vmem_shared>>
        %dma_start3A_94 = arith.constant 0 : i32
        %dma_start3A_95 = tpu.memref_slice %arg20[%add3A_89, %dma_start3A_94] : memref<10000x128xf32, #tpu.memory_space<vmem_shared>> -> memref<64x128xf32, #tpu.memory_space<vmem_shared>>
        tpu.enqueue_dma source(%arg16 : memref<64x128xf32, #tpu.memory_space<vmem>>) target(%dma_start3A_95 : memref<64x128xf32, #tpu.memory_space<vmem_shared>>) target_semaphore(%run_scoped3A : memref<!tpu.dma_semaphore, #tpu.memory_space<semaphore_mem>>)
        %dma_wait3A_96 = arith.constant 0 : i32
        %dma_wait3A_97 = tpu.memref_slice %arg20[%add3A_89, %dma_wait3A_96] : memref<10000x128xf32, #tpu.memory_space<vmem_shared>> -> memref<64x128xf32, #tpu.memory_space<vmem_shared>>
        %dma_wait3A_98 = arith.constant 0 : i32
        %dma_wait3A_99 = tpu.memref_slice %arg20[%add3A_89, %dma_wait3A_98] : memref<10000x128xf32, #tpu.memory_space<vmem_shared>> -> memref<64x128xf32, #tpu.memory_space<vmem_shared>>
        tpu.wait_dma2 semaphore(%run_scoped3A : memref<!tpu.dma_semaphore, #tpu.memory_space<semaphore_mem>>) src(%arg16 : memref<64x128xf32, #tpu.memory_space<vmem>>) dst(%dma_wait3A_99 : memref<64x128xf32, #tpu.memory_space<vmem_shared>>)
        tpu.yield
      }) : () -> ()
      %add3A_90 = arith.constant 384 : i32
      %add3A_91 = arith.addi %multiple_of3A_3, %add3A_90 : i32
      "tpu.region"() ({
        %run_scoped3A = tpu.sem_alloc : memref<!tpu.dma_semaphore, #tpu.memory_space<semaphore_mem>>
        %dma_start3A_92 = arith.constant 0 : i32
        %dma_start3A_93 = arith.constant 0 : i32
        %dma_start3A_94 = tpu.memref_slice %arg16[%dma_start3A_92, %dma_start3A_93] : memref<64x128xf32, #tpu.memory_space<vmem>> -> memref<16x128xf32, #tpu.memory_space<vmem>>
        %dma_start3A_95 = arith.constant 0 : i32
        %dma_start3A_96 = tpu.memref_slice %arg20[%add3A_91, %dma_start3A_95] : memref<10000x128xf32, #tpu.memory_space<vmem_shared>> -> memref<16x128xf32, #tpu.memory_space<vmem_shared>>
        %dma_start3A_97 = arith.constant 0 : i32
        %dma_start3A_98 = tpu.memref_slice %arg20[%add3A_91, %dma_start3A_97] : memref<10000x128xf32, #tpu.memory_space<vmem_shared>> -> memref<16x128xf32, #tpu.memory_space<vmem_shared>>
        %dma_start3A_99 = arith.constant 0 : i32
        %dma_start3A_100 = arith.constant 0 : i32
        %dma_start3A_101 = tpu.memref_slice %arg16[%dma_start3A_99, %dma_start3A_100] : memref<64x128xf32, #tpu.memory_space<vmem>> -> memref<16x128xf32, #tpu.memory_space<vmem>>
        tpu.enqueue_dma source(%dma_start3A_101 : memref<16x128xf32, #tpu.memory_space<vmem>>) target(%dma_start3A_98 : memref<16x128xf32, #tpu.memory_space<vmem_shared>>) target_semaphore(%run_scoped3A : memref<!tpu.dma_semaphore, #tpu.memory_space<semaphore_mem>>)
        %dma_wait3A_102 = arith.constant 0 : i32
        %dma_wait3A_103 = arith.constant 0 : i32
        %dma_wait3A_104 = tpu.memref_slice %arg16[%dma_wait3A_102, %dma_wait3A_103] : memref<64x128xf32, #tpu.memory_space<vmem>> -> memref<16x128xf32, #tpu.memory_space<vmem>>
        %dma_wait3A_105 = arith.constant 0 : i32
        %dma_wait3A_106 = tpu.memref_slice %arg20[%add3A_91, %dma_wait3A_105] : memref<10000x128xf32, #tpu.memory_space<vmem_shared>> -> memref<16x128xf32, #tpu.memory_space<vmem_shared>>
        %dma_wait3A_107 = arith.constant 0 : i32
        %dma_wait3A_108 = tpu.memref_slice %arg20[%add3A_91, %dma_wait3A_107] : memref<10000x128xf32, #tpu.memory_space<vmem_shared>> -> memref<16x128xf32, #tpu.memory_space<vmem_shared>>
        %dma_wait3A_109 = arith.constant 0 : i32
        %dma_wait3A_110 = arith.constant 0 : i32
        %dma_wait3A_111 = tpu.memref_slice %arg16[%dma_wait3A_109, %dma_wait3A_110] : memref<64x128xf32, #tpu.memory_space<vmem>> -> memref<16x128xf32, #tpu.memory_space<vmem>>
        tpu.wait_dma2 semaphore(%run_scoped3A : memref<!tpu.dma_semaphore, #tpu.memory_space<semaphore_mem>>) src(%dma_wait3A_111 : memref<16x128xf32, #tpu.memory_space<vmem>>) dst(%dma_wait3A_108 : memref<16x128xf32, #tpu.memory_space<vmem_shared>>)
        tpu.yield
      }) : () -> ()
    } else {
    }
    %barrier3A = arith.constant 0 : index
    tpu.barrier barrier_id(%barrier3A)
    %mul3A_17 = arith.constant 10000 : i32
    %mul3A_18 = arith.muli %arg0, %mul3A_17 : i32
    %broadcast_in_dim3A_19 = vector.broadcast %mul3A_18 : i32 to vector<16xi32>
    %scan3A_20 = arith.constant 0 : i32
    %scan3A_21 = arith.constant 0 : i32
    %scan3A_22 = arith.constant 4 : i32
    %scan3A_23 = arith.addi %scan3A_21, %scan3A_22 : i32
    %scan3A_24 = arith.constant 1 : i32
    %scan3A_25 = scf.for %scan3A_78 = %scan3A_21 to %scan3A_23 step %scan3A_24 iter_args(%scan3A_79 = %scan3A_20) -> (i32)  : i32 {
      %mul3A_80 = arith.constant 16 : i32
      %mul3A_81 = arith.muli %scan3A_78, %mul3A_80 : i32
      %add3A_82 = arith.constant 0 : i32
      %add3A_83 = arith.addi %add3A_82, %mul3A_81 : i32
      %get3A_84 = arith.index_cast %add3A_83 : i32 to index
      %get3A_85 = tpu.vector_load %arg8[%get3A_84] {strides = array<i32>} : memref<10000xi32, #tpu.memory_space<vmem>>, vector<16xi32>,
      %and3A_86 = arith.constant 65535 : i32
      %and3A_87 = vector.broadcast %and3A_86 : i32 to vector<16xi32>
      %and3A_88 = arith.andi %get3A_85, %and3A_87 : vector<16xi32>
      %shift_right_arithmetic3A_89 = arith.constant 16 : i32
      %shift_right_arithmetic3A_90 = vector.broadcast %shift_right_arithmetic3A_89 : i32 to vector<16xi32>
      %shift_right_arithmetic3A_91 = arith.shrsi %get3A_85, %shift_right_arithmetic3A_90 : vector<16xi32>
      %add3A_92 = arith.addi %shift_right_arithmetic3A_91, %broadcast_in_dim3A_19 : vector<16xi32>
      %mul3A_93 = arith.constant 16 : i32
      %mul3A_94 = arith.muli %scan3A_78, %mul3A_93 : i32
      %swap3A_95 = arith.index_cast %mul3A_94 : i32 to index
      %swap3A_96 = tpu.vector_load %arg10[%swap3A_95] {strides = array<i32>} : memref<64xi32, #tpu.memory_space<vmem>>, vector<16xi32>,
      tpu.vector_store %arg10[%swap3A_95], %add3A_92 {strides = array<i32>} : memref<64xi32, #tpu.memory_space<vmem>>, vector<16xi32>,
      %mul3A_97 = arith.constant 16 : i32
      %mul3A_98 = arith.muli %scan3A_78, %mul3A_97 : i32
      %swap3A_99 = arith.index_cast %mul3A_98 : i32 to index
      %swap3A_100 = tpu.vector_load %arg12[%swap3A_99] {strides = array<i32>} : memref<64xi32, #tpu.memory_space<vmem>>, vector<16xi32>,
      tpu.vector_store %arg12[%swap3A_99], %and3A_88 {strides = array<i32>} : memref<64xi32, #tpu.memory_space<vmem>>, vector<16xi32>,
      %gather3A_101 = tpu.vector_load_idx %arg7[%and3A_88] : memref<10000xf32, #tpu.memory_space<vmem>>[vector<16xi32>], vector<16xf32>,
      %get3A_102 = arith.index_cast %add3A_83 : i32 to index
      %get3A_103 = tpu.vector_load %arg9[%get3A_102] {strides = array<i32>} : memref<10000xf32, #tpu.memory_space<vmem>>, vector<16xf32>,
      %add3A_104 = arith.constant 1.000000e-16 : f32
      %add3A_105 = vector.broadcast %add3A_104 : f32 to vector<16xf32>
      %add3A_106 = arith.addf %gather3A_101, %add3A_105 : vector<16xf32>
      %div3A_107 = arith.divf %get3A_103, %add3A_106 : vector<16xf32>
      %swap3A_108 = arith.index_cast %add3A_83 : i32 to index
      %swap3A_109 = tpu.vector_load %arg9[%swap3A_108] {strides = array<i32>} : memref<10000xf32, #tpu.memory_space<vmem>>, vector<16xf32>,
      tpu.vector_store %arg9[%swap3A_108], %div3A_107 {strides = array<i32>} : memref<10000xf32, #tpu.memory_space<vmem>>, vector<16xf32>,
      %scan3A_110 = arith.constant 0 : i32
      scf.yield %scan3A_110 : i32
    }
    %scan3A_26 = arith.constant 4 : i32
    %scan3A_27 = arith.constant 0 : i32
    %scan3A_28 = arith.constant 0 : i32
    %scan3A_29 = arith.constant 78 : i32
    %scan3A_30 = arith.addi %scan3A_28, %scan3A_29 : i32
    %scan3A_31 = arith.constant 1 : i32
    %scan3A_32 = scf.for %scan3A_78 = %scan3A_28 to %scan3A_30 step %scan3A_31 iter_args(%scan3A_79 = %scan3A_27) -> (i32)  : i32 {
      %dma_start3A_80 = arith.constant 0 : i32
      %dma_start3A_81 = arith.constant 0 : i32
      %dma_start3A_82 = tpu.memref_slice %arg2[%dma_start3A_80, %dma_start3A_81] : memref<20000x128xf32, #tpu.memory_space<hbm>> -> memref<20000x128xf32, #tpu.memory_space<hbm>>
      tpu.enqueue_indirect_dma source(%dma_start3A_82 : memref<20000x128xf32, #tpu.memory_space<hbm>>) target(%arg16 : memref<64x128xf32, #tpu.memory_space<vmem>>) offsets(%arg10 : memref<64xi32, #tpu.memory_space<vmem>>) semaphore(%arg19 : memref<!tpu.dma_semaphore, #tpu.memory_space<semaphore_mem>>)
      %gt3A = arith.constant 0 : i32
      %gt3A_83 = arith.cmpi sgt, %scan3A_78, %gt3A : i32
      %convert_element_type3A_84 = arith.extui %gt3A_83 : i1 to i32
      %cond3A_85 = arith.constant 0 : i32
      %cond3A_86 = arith.cmpi ne, %convert_element_type3A_84, %cond3A_85 : i32
      scf.if %cond3A_86 {
        %mul3A_122 = arith.constant 2 : i32
        %mul3A_123 = arith.muli %mul3A_122, %scan3A_78 : i32
        %sub3A = arith.constant 1 : i32
        %sub3A_124 = arith.subi %mul3A_123, %sub3A : i32
        %scan3A_125 = arith.constant 0 : i32
        %scan3A_126 = arith.constant 0 : i32
        %scan3A_127 = arith.constant 32 : i32
        %scan3A_128 = arith.addi %scan3A_126, %scan3A_127 : i32
        %scan3A_129 = arith.constant 1 : i32
        %scan3A_130 = scf.for %scan3A_132 = %scan3A_126 to %scan3A_128 step %scan3A_129 iter_args(%scan3A_133 = %scan3A_125) -> (i32)  : i32 {
          %mul3A_134 = arith.constant 2 : i32
          %mul3A_135 = arith.muli %scan3A_132, %mul3A_134 : i32
          %add3A_136 = arith.constant 0 : i32
          %add3A_137 = arith.addi %mul3A_135, %add3A_136 : i32
          %mul3A_138 = arith.constant 64 : i32
          %mul3A_139 = arith.muli %sub3A_124, %mul3A_138 : i32
          %add3A_140 = arith.addi %mul3A_139, %add3A_137 : i32
          %broadcast_in_dim3A_141 = vector.broadcast %add3A_140 : i32 to vector<16xi32>
          %gather3A_142 = tpu.vector_load_idx %arg9[%broadcast_in_dim3A_141] : memref<10000xf32, #tpu.memory_space<vmem>>[vector<16xi32>], vector<16xf32>,
          %get3A_143 = arith.index_cast %add3A_137 : i32 to index
          %get3A_144 = arith.constant 0 : index
          %get3A_145 = tpu.vector_load %arg17[%get3A_143, %get3A_144] {strides = array<i32>} : memref<64x128xf32, #tpu.memory_space<vmem>>, vector<16xf32>,
          %mul3A_146 = arith.mulf %get3A_145, %gather3A_142 : vector<16xf32>
          %swap3A_147 = arith.index_cast %add3A_137 : i32 to index
          %swap3A_148 = arith.constant 0 : index
          %swap3A_149 = tpu.vector_load %arg17[%swap3A_147, %swap3A_148] {strides = array<i32>} : memref<64x128xf32, #tpu.memory_space<vmem>>, vector<16xf32>,
          tpu.vector_store %arg17[%swap3A_147, %swap3A_148], %mul3A_146 {strides = array<i32>} : memref<64x128xf32, #tpu.memory_space<vmem>>, vector<16xf32>,
          %get3A_150 = arith.index_cast %add3A_137 : i32 to index
          %get3A_151 = arith.constant 16 : index
          %get3A_152 = tpu.vector_load %arg17[%get3A_150, %get3A_151] {strides = array<i32>} : memref<64x128xf32, #tpu.memory_space<vmem>>, vector<16xf32>,
          %mul3A_153 = arith.mulf %get3A_152, %gather3A_142 : vector<16xf32>
          %swap3A_154 = arith.index_cast %add3A_137 : i32 to index
          %swap3A_155 = arith.constant 16 : index
          %swap3A_156 = tpu.vector_load %arg17[%swap3A_154, %swap3A_155] {strides = array<i32>} : memref<64x128xf32, #tpu.memory_space<vmem>>, vector<16xf32>,
          tpu.vector_store %arg17[%swap3A_154, %swap3A_155], %mul3A_153 {strides = array<i32>} : memref<64x128xf32, #tpu.memory_space<vmem>>, vector<16xf32>,
          %get3A_157 = arith.index_cast %add3A_137 : i32 to index
          %get3A_158 = arith.constant 32 : index
          %get3A_159 = tpu.vector_load %arg17[%get3A_157, %get3A_158] {strides = array<i32>} : memref<64x128xf32, #tpu.memory_space<vmem>>, vector<16xf32>,
          %mul3A_160 = arith.mulf %get3A_159, %gather3A_142 : vector<16xf32>
          %swap3A_161 = arith.index_cast %add3A_137 : i32 to index
          %swap3A_162 = arith.constant 32 : index
          %swap3A_163 = tpu.vector_load %arg17[%swap3A_161, %swap3A_162] {strides = array<i32>} : memref<64x128xf32, #tpu.memory_space<vmem>>, vector<16xf32>,
          tpu.vector_store %arg17[%swap3A_161, %swap3A_162], %mul3A_160 {strides = array<i32>} : memref<64x128xf32, #tpu.memory_space<vmem>>, vector<16xf32>,
          %get3A_164 = arith.index_cast %add3A_137 : i32 to index
          %get3A_165 = arith.constant 48 : index
          %get3A_166 = tpu.vector_load %arg17[%get3A_164, %get3A_165] {strides = array<i32>} : memref<64x128xf32, #tpu.memory_space<vmem>>, vector<16xf32>,
          %mul3A_167 = arith.mulf %get3A_166, %gather3A_142 : vector<16xf32>
          %swap3A_168 = arith.index_cast %add3A_137 : i32 to index
          %swap3A_169 = arith.constant 48 : index
          %swap3A_170 = tpu.vector_load %arg17[%swap3A_168, %swap3A_169] {strides = array<i32>} : memref<64x128xf32, #tpu.memory_space<vmem>>, vector<16xf32>,
          tpu.vector_store %arg17[%swap3A_168, %swap3A_169], %mul3A_167 {strides = array<i32>} : memref<64x128xf32, #tpu.memory_space<vmem>>, vector<16xf32>,
          %get3A_171 = arith.index_cast %add3A_137 : i32 to index
          %get3A_172 = arith.constant 64 : index
          %get3A_173 = tpu.vector_load %arg17[%get3A_171, %get3A_172] {strides = array<i32>} : memref<64x128xf32, #tpu.memory_space<vmem>>, vector<16xf32>,
          %mul3A_174 = arith.mulf %get3A_173, %gather3A_142 : vector<16xf32>
          %swap3A_175 = arith.index_cast %add3A_137 : i32 to index
          %swap3A_176 = arith.constant 64 : index
          %swap3A_177 = tpu.vector_load %arg17[%swap3A_175, %swap3A_176] {strides = array<i32>} : memref<64x128xf32, #tpu.memory_space<vmem>>, vector<16xf32>,
          tpu.vector_store %arg17[%swap3A_175, %swap3A_176], %mul3A_174 {strides = array<i32>} : memref<64x128xf32, #tpu.memory_space<vmem>>, vector<16xf32>,
          %get3A_178 = arith.index_cast %add3A_137 : i32 to index
          %get3A_179 = arith.constant 80 : index
          %get3A_180 = tpu.vector_load %arg17[%get3A_178, %get3A_179] {strides = array<i32>} : memref<64x128xf32, #tpu.memory_space<vmem>>, vector<16xf32>,
          %mul3A_181 = arith.mulf %get3A_180, %gather3A_142 : vector<16xf32>
          %swap3A_182 = arith.index_cast %add3A_137 : i32 to index
          %swap3A_183 = arith.constant 80 : index
          %swap3A_184 = tpu.vector_load %arg17[%swap3A_182, %swap3A_183] {strides = array<i32>} : memref<64x128xf32, #tpu.memory_space<vmem>>, vector<16xf32>,
          tpu.vector_store %arg17[%swap3A_182, %swap3A_183], %mul3A_181 {strides = array<i32>} : memref<64x128xf32, #tpu.memory_space<vmem>>, vector<16xf32>,
          %get3A_185 = arith.index_cast %add3A_137 : i32 to index
          %get3A_186 = arith.constant 96 : index
          %get3A_187 = tpu.vector_load %arg17[%get3A_185, %get3A_186] {strides = array<i32>} : memref<64x128xf32, #tpu.memory_space<vmem>>, vector<16xf32>,
          %mul3A_188 = arith.mulf %get3A_187, %gather3A_142 : vector<16xf32>
          %swap3A_189 = arith.index_cast %add3A_137 : i32 to index
          %swap3A_190 = arith.constant 96 : index
          %swap3A_191 = tpu.vector_load %arg17[%swap3A_189, %swap3A_190] {strides = array<i32>} : memref<64x128xf32, #tpu.memory_space<vmem>>, vector<16xf32>,
          tpu.vector_store %arg17[%swap3A_189, %swap3A_190], %mul3A_188 {strides = array<i32>} : memref<64x128xf32, #tpu.memory_space<vmem>>, vector<16xf32>,
          %get3A_192 = arith.index_cast %add3A_137 : i32 to index
          %get3A_193 = arith.constant 112 : index
          %get3A_194 = tpu.vector_load %arg17[%get3A_192, %get3A_193] {strides = array<i32>} : memref<64x128xf32, #tpu.memory_space<vmem>>, vector<16xf32>,
          %mul3A_195 = arith.mulf %get3A_194, %gather3A_142 : vector<16xf32>
          %swap3A_196 = arith.index_cast %add3A_137 : i32 to index
          %swap3A_197 = arith.constant 112 : index
          %swap3A_198 = tpu.vector_load %arg17[%swap3A_196, %swap3A_197] {strides = array<i32>} : memref<64x128xf32, #tpu.memory_space<vmem>>, vector<16xf32>,
          tpu.vector_store %arg17[%swap3A_196, %swap3A_197], %mul3A_195 {strides = array<i32>} : memref<64x128xf32, #tpu.memory_space<vmem>>, vector<16xf32>,
          %mul3A_199 = arith.constant 2 : i32
          %mul3A_200 = arith.muli %scan3A_132, %mul3A_199 : i32
          %add3A_201 = arith.constant 1 : i32
          %add3A_202 = arith.addi %mul3A_200, %add3A_201 : i32
          %mul3A_203 = arith.constant 64 : i32
          %mul3A_204 = arith.muli %sub3A_124, %mul3A_203 : i32
          %add3A_205 = arith.addi %mul3A_204, %add3A_202 : i32
          %broadcast_in_dim3A_206 = vector.broadcast %add3A_205 : i32 to vector<16xi32>
          %gather3A_207 = tpu.vector_load_idx %arg9[%broadcast_in_dim3A_206] : memref<10000xf32, #tpu.memory_space<vmem>>[vector<16xi32>], vector<16xf32>,
          %get3A_208 = arith.index_cast %add3A_202 : i32 to index
          %get3A_209 = arith.constant 0 : index
          %get3A_210 = tpu.vector_load %arg17[%get3A_208, %get3A_209] {strides = array<i32>} : memref<64x128xf32, #tpu.memory_space<vmem>>, vector<16xf32>,
          %mul3A_211 = arith.mulf %get3A_210, %gather3A_207 : vector<16xf32>
          %swap3A_212 = arith.index_cast %add3A_202 : i32 to index
          %swap3A_213 = arith.constant 0 : index
          %swap3A_214 = tpu.vector_load %arg17[%swap3A_212, %swap3A_213] {strides = array<i32>} : memref<64x128xf32, #tpu.memory_space<vmem>>, vector<16xf32>,
          tpu.vector_store %arg17[%swap3A_212, %swap3A_213], %mul3A_211 {strides = array<i32>} : memref<64x128xf32, #tpu.memory_space<vmem>>, vector<16xf32>,
          %get3A_215 = arith.index_cast %add3A_202 : i32 to index
          %get3A_216 = arith.constant 16 : index
          %get3A_217 = tpu.vector_load %arg17[%get3A_215, %get3A_216] {strides = array<i32>} : memref<64x128xf32, #tpu.memory_space<vmem>>, vector<16xf32>,
          %mul3A_218 = arith.mulf %get3A_217, %gather3A_207 : vector<16xf32>
          %swap3A_219 = arith.index_cast %add3A_202 : i32 to index
          %swap3A_220 = arith.constant 16 : index
          %swap3A_221 = tpu.vector_load %arg17[%swap3A_219, %swap3A_220] {strides = array<i32>} : memref<64x128xf32, #tpu.memory_space<vmem>>, vector<16xf32>,
          tpu.vector_store %arg17[%swap3A_219, %swap3A_220], %mul3A_218 {strides = array<i32>} : memref<64x128xf32, #tpu.memory_space<vmem>>, vector<16xf32>,
          %get3A_222 = arith.index_cast %add3A_202 : i32 to index
          %get3A_223 = arith.constant 32 : index
          %get3A_224 = tpu.vector_load %arg17[%get3A_222, %get3A_223] {strides = array<i32>} : memref<64x128xf32, #tpu.memory_space<vmem>>, vector<16xf32>,
          %mul3A_225 = arith.mulf %get3A_224, %gather3A_207 : vector<16xf32>
          %swap3A_226 = arith.index_cast %add3A_202 : i32 to index
          %swap3A_227 = arith.constant 32 : index
          %swap3A_228 = tpu.vector_load %arg17[%swap3A_226, %swap3A_227] {strides = array<i32>} : memref<64x128xf32, #tpu.memory_space<vmem>>, vector<16xf32>,
          tpu.vector_store %arg17[%swap3A_226, %swap3A_227], %mul3A_225 {strides = array<i32>} : memref<64x128xf32, #tpu.memory_space<vmem>>, vector<16xf32>,
          %get3A_229 = arith.index_cast %add3A_202 : i32 to index
          %get3A_230 = arith.constant 48 : index
          %get3A_231 = tpu.vector_load %arg17[%get3A_229, %get3A_230] {strides = array<i32>} : memref<64x128xf32, #tpu.memory_space<vmem>>, vector<16xf32>,
          %mul3A_232 = arith.mulf %get3A_231, %gather3A_207 : vector<16xf32>
          %swap3A_233 = arith.index_cast %add3A_202 : i32 to index
          %swap3A_234 = arith.constant 48 : index
          %swap3A_235 = tpu.vector_load %arg17[%swap3A_233, %swap3A_234] {strides = array<i32>} : memref<64x128xf32, #tpu.memory_space<vmem>>, vector<16xf32>,
          tpu.vector_store %arg17[%swap3A_233, %swap3A_234], %mul3A_232 {strides = array<i32>} : memref<64x128xf32, #tpu.memory_space<vmem>>, vector<16xf32>,
          %get3A_236 = arith.index_cast %add3A_202 : i32 to index
          %get3A_237 = arith.constant 64 : index
          %get3A_238 = tpu.vector_load %arg17[%get3A_236, %get3A_237] {strides = array<i32>} : memref<64x128xf32, #tpu.memory_space<vmem>>, vector<16xf32>,
          %mul3A_239 = arith.mulf %get3A_238, %gather3A_207 : vector<16xf32>
          %swap3A_240 = arith.index_cast %add3A_202 : i32 to index
          %swap3A_241 = arith.constant 64 : index
          %swap3A_242 = tpu.vector_load %arg17[%swap3A_240, %swap3A_241] {strides = array<i32>} : memref<64x128xf32, #tpu.memory_space<vmem>>, vector<16xf32>,
          tpu.vector_store %arg17[%swap3A_240, %swap3A_241], %mul3A_239 {strides = array<i32>} : memref<64x128xf32, #tpu.memory_space<vmem>>, vector<16xf32>,
          %get3A_243 = arith.index_cast %add3A_202 : i32 to index
          %get3A_244 = arith.constant 80 : index
          %get3A_245 = tpu.vector_load %arg17[%get3A_243, %get3A_244] {strides = array<i32>} : memref<64x128xf32, #tpu.memory_space<vmem>>, vector<16xf32>,
          %mul3A_246 = arith.mulf %get3A_245, %gather3A_207 : vector<16xf32>
          %swap3A_247 = arith.index_cast %add3A_202 : i32 to index
          %swap3A_248 = arith.constant 80 : index
          %swap3A_249 = tpu.vector_load %arg17[%swap3A_247, %swap3A_248] {strides = array<i32>} : memref<64x128xf32, #tpu.memory_space<vmem>>, vector<16xf32>,
          tpu.vector_store %arg17[%swap3A_247, %swap3A_248], %mul3A_246 {strides = array<i32>} : memref<64x128xf32, #tpu.memory_space<vmem>>, vector<16xf32>,
          %get3A_250 = arith.index_cast %add3A_202 : i32 to index
          %get3A_251 = arith.constant 96 : index
          %get3A_252 = tpu.vector_load %arg17[%get3A_250, %get3A_251] {strides = array<i32>} : memref<64x128xf32, #tpu.memory_space<vmem>>, vector<16xf32>,
          %mul3A_253 = arith.mulf %get3A_252, %gather3A_207 : vector<16xf32>
          %swap3A_254 = arith.index_cast %add3A_202 : i32 to index
          %swap3A_255 = arith.constant 96 : index
          %swap3A_256 = tpu.vector_load %arg17[%swap3A_254, %swap3A_255] {strides = array<i32>} : memref<64x128xf32, #tpu.memory_space<vmem>>, vector<16xf32>,
          tpu.vector_store %arg17[%swap3A_254, %swap3A_255], %mul3A_253 {strides = array<i32>} : memref<64x128xf32, #tpu.memory_space<vmem>>, vector<16xf32>,
          %get3A_257 = arith.index_cast %add3A_202 : i32 to index
          %get3A_258 = arith.constant 112 : index
          %get3A_259 = tpu.vector_load %arg17[%get3A_257, %get3A_258] {strides = array<i32>} : memref<64x128xf32, #tpu.memory_space<vmem>>, vector<16xf32>,
          %mul3A_260 = arith.mulf %get3A_259, %gather3A_207 : vector<16xf32>
          %swap3A_261 = arith.index_cast %add3A_202 : i32 to index
          %swap3A_262 = arith.constant 112 : index
          %swap3A_263 = tpu.vector_load %arg17[%swap3A_261, %swap3A_262] {strides = array<i32>} : memref<64x128xf32, #tpu.memory_space<vmem>>, vector<16xf32>,
          tpu.vector_store %arg17[%swap3A_261, %swap3A_262], %mul3A_260 {strides = array<i32>} : memref<64x128xf32, #tpu.memory_space<vmem>>, vector<16xf32>,
          %scan3A_264 = arith.constant 0 : i32
          scf.yield %scan3A_264 : i32
        }
        %scan3A_131 = arith.constant 32 : i32
        "tpu.region"() ({
          %run_scoped3A = tpu.sem_alloc : memref<!tpu.dma_semaphore, #tpu.memory_space<semaphore_mem>>
          %dma_start3A_132 = arith.constant 0 : i32
          %dma_start3A_133 = arith.constant 0 : i32
          %dma_start3A_134 = tpu.memref_slice %arg20[%dma_start3A_132, %dma_start3A_133] : memref<10000x128xf32, #tpu.memory_space<vmem_shared>> -> memref<10000x128xf32, #tpu.memory_space<vmem_shared>>
          tpu.enqueue_indirect_dma source(%arg17 : memref<64x128xf32, #tpu.memory_space<vmem>>) target(%dma_start3A_134 : memref<10000x128xf32, #tpu.memory_space<vmem_shared>>) offsets(%arg13 : memref<64xi32, #tpu.memory_space<vmem>>) semaphore(%run_scoped3A : memref<!tpu.dma_semaphore, #tpu.memory_space<semaphore_mem>>) {add = true}
          %dma_wait3A_135 = arith.constant 0 : i32
          %dma_wait3A_136 = arith.constant 0 : i32
          %dma_wait3A_137 = tpu.memref_slice %arg20[%dma_wait3A_135, %dma_wait3A_136] : memref<10000x128xf32, #tpu.memory_space<vmem_shared>> -> memref<10000x128xf32, #tpu.memory_space<vmem_shared>>
          tpu.wait_indirect_dma semaphore(%run_scoped3A : memref<!tpu.dma_semaphore, #tpu.memory_space<semaphore_mem>>) src(%arg17 : memref<64x128xf32, #tpu.memory_space<vmem>>) dst(%dma_wait3A_137 : memref<10000x128xf32, #tpu.memory_space<vmem_shared>>)
          tpu.yield
        }) : () -> ()
      } else {
      }
      %mul3A_87 = arith.constant 2 : i32
      %mul3A_88 = arith.muli %mul3A_87, %scan3A_78 : i32
      %add3A_89 = arith.constant 1 : i32
      %add3A_90 = arith.addi %mul3A_88, %add3A_89 : i32
      %scan3A_91 = arith.constant 0 : i32
      %scan3A_92 = arith.constant 0 : i32
      %scan3A_93 = arith.constant 4 : i32
      %scan3A_94 = arith.addi %scan3A_92, %scan3A_93 : i32
      %scan3A_95 = arith.constant 1 : i32
      %scan3A_96 = scf.for %scan3A_122 = %scan3A_92 to %scan3A_94 step %scan3A_95 iter_args(%scan3A_123 = %scan3A_91) -> (i32)  : i32 {
        %mul3A_124 = arith.constant 64 : i32
        %mul3A_125 = arith.muli %add3A_90, %mul3A_124 : i32
        %mul3A_126 = arith.constant 16 : i32
        %mul3A_127 = arith.muli %scan3A_122, %mul3A_126 : i32
        %add3A_128 = arith.addi %mul3A_125, %mul3A_127 : i32
        %get3A_129 = arith.index_cast %add3A_128 : i32 to index
        %get3A_130 = tpu.vector_load %arg8[%get3A_129] {strides = array<i32>} : memref<10000xi32, #tpu.memory_space<vmem>>, vector<16xi32>,
        %and3A_131 = arith.constant 65535 : i32
        %and3A_132 = vector.broadcast %and3A_131 : i32 to vector<16xi32>
        %and3A_133 = arith.andi %get3A_130, %and3A_132 : vector<16xi32>
        %shift_right_arithmetic3A_134 = arith.constant 16 : i32
        %shift_right_arithmetic3A_135 = vector.broadcast %shift_right_arithmetic3A_134 : i32 to vector<16xi32>
        %shift_right_arithmetic3A_136 = arith.shrsi %get3A_130, %shift_right_arithmetic3A_135 : vector<16xi32>
        %add3A_137 = arith.addi %shift_right_arithmetic3A_136, %broadcast_in_dim3A_19 : vector<16xi32>
        %mul3A_138 = arith.constant 16 : i32
        %mul3A_139 = arith.muli %scan3A_122, %mul3A_138 : i32
        %swap3A_140 = arith.index_cast %mul3A_139 : i32 to index
        %swap3A_141 = tpu.vector_load %arg11[%swap3A_140] {strides = array<i32>} : memref<64xi32, #tpu.memory_space<vmem>>, vector<16xi32>,
        tpu.vector_store %arg11[%swap3A_140], %add3A_137 {strides = array<i32>} : memref<64xi32, #tpu.memory_space<vmem>>, vector<16xi32>,
        %mul3A_142 = arith.constant 16 : i32
        %mul3A_143 = arith.muli %scan3A_122, %mul3A_142 : i32
        %swap3A_144 = arith.index_cast %mul3A_143 : i32 to index
        %swap3A_145 = tpu.vector_load %arg13[%swap3A_144] {strides = array<i32>} : memref<64xi32, #tpu.memory_space<vmem>>, vector<16xi32>,
        tpu.vector_store %arg13[%swap3A_144], %and3A_133 {strides = array<i32>} : memref<64xi32, #tpu.memory_space<vmem>>, vector<16xi32>,
        %gather3A_146 = tpu.vector_load_idx %arg7[%and3A_133] : memref<10000xf32, #tpu.memory_space<vmem>>[vector<16xi32>], vector<16xf32>,
        %get3A_147 = arith.index_cast %add3A_128 : i32 to index
        %get3A_148 = tpu.vector_load %arg9[%get3A_147] {strides = array<i32>} : memref<10000xf32, #tpu.memory_space<vmem>>, vector<16xf32>,
        %add3A_149 = arith.constant 1.000000e-16 : f32
        %add3A_150 = vector.broadcast %add3A_149 : f32 to vector<16xf32>
        %add3A_151 = arith.addf %gather3A_146, %add3A_150 : vector<16xf32>
        %div3A_152 = arith.divf %get3A_148, %add3A_151 : vector<16xf32>
        %swap3A_153 = arith.index_cast %add3A_128 : i32 to index
        %swap3A_154 = tpu.vector_load %arg9[%swap3A_153] {strides = array<i32>} : memref<10000xf32, #tpu.memory_space<vmem>>, vector<16xf32>,
        tpu.vector_store %arg9[%swap3A_153], %div3A_152 {strides = array<i32>} : memref<10000xf32, #tpu.memory_space<vmem>>, vector<16xf32>,
        %scan3A_155 = arith.constant 0 : i32
        scf.yield %scan3A_155 : i32
      }
      %scan3A_97 = arith.constant 4 : i32
      %dma_wait3A_98 = arith.constant 0 : i32
      %dma_wait3A_99 = arith.constant 0 : i32
      %dma_wait3A_100 = tpu.memref_slice %arg2[%dma_wait3A_98, %dma_wait3A_99] : memref<20000x128xf32, #tpu.memory_space<hbm>> -> memref<20000x128xf32, #tpu.memory_space<hbm>>
      tpu.wait_indirect_dma semaphore(%arg19 : memref<!tpu.dma_semaphore, #tpu.memory_space<semaphore_mem>>) src(%dma_wait3A_100 : memref<20000x128xf32, #tpu.memory_space<hbm>>) dst(%arg16 : memref<64x128xf32, #tpu.memory_space<vmem>>)
      %dma_start3A_101 = arith.constant 0 : i32
      %dma_start3A_102 = arith.constant 0 : i32
      %dma_start3A_103 = tpu.memref_slice %arg2[%dma_start3A_101, %dma_start3A_102] : memref<20000x128xf32, #tpu.memory_space<hbm>> -> memref<20000x128xf32, #tpu.memory_space<hbm>>
      tpu.enqueue_indirect_dma source(%dma_start3A_103 : memref<20000x128xf32, #tpu.memory_space<hbm>>) target(%arg17 : memref<64x128xf32, #tpu.memory_space<vmem>>) offsets(%arg11 : memref<64xi32, #tpu.memory_space<vmem>>) semaphore(%arg19 : memref<!tpu.dma_semaphore, #tpu.memory_space<semaphore_mem>>)
      %mul3A_104 = arith.constant 2 : i32
      %mul3A_105 = arith.muli %mul3A_104, %scan3A_78 : i32
      %scan3A_106 = arith.constant 0 : i32
      %scan3A_107 = arith.constant 0 : i32
      %scan3A_108 = arith.constant 32 : i32
      %scan3A_109 = arith.addi %scan3A_107, %scan3A_108 : i32
      %scan3A_110 = arith.constant 1 : i32
      %scan3A_111 = scf.for %scan3A_122 = %scan3A_107 to %scan3A_109 step %scan3A_110 iter_args(%scan3A_123 = %scan3A_106) -> (i32)  : i32 {
        %mul3A_124 = arith.constant 2 : i32
        %mul3A_125 = arith.muli %scan3A_122, %mul3A_124 : i32
        %add3A_126 = arith.constant 0 : i32
        %add3A_127 = arith.addi %mul3A_125, %add3A_126 : i32
        %mul3A_128 = arith.constant 64 : i32
        %mul3A_129 = arith.muli %mul3A_105, %mul3A_128 : i32
        %add3A_130 = arith.addi %mul3A_129, %add3A_127 : i32
        %broadcast_in_dim3A_131 = vector.broadcast %add3A_130 : i32 to vector<16xi32>
        %gather3A_132 = tpu.vector_load_idx %arg9[%broadcast_in_dim3A_131] : memref<10000xf32, #tpu.memory_space<vmem>>[vector<16xi32>], vector<16xf32>,
        %get3A_133 = arith.index_cast %add3A_127 : i32 to index
        %get3A_134 = arith.constant 0 : index
        %get3A_135 = tpu.vector_load %arg16[%get3A_133, %get3A_134] {strides = array<i32>} : memref<64x128xf32, #tpu.memory_space<vmem>>, vector<16xf32>,
        %mul3A_136 = arith.mulf %get3A_135, %gather3A_132 : vector<16xf32>
        %swap3A_137 = arith.index_cast %add3A_127 : i32 to index
        %swap3A_138 = arith.constant 0 : index
        %swap3A_139 = tpu.vector_load %arg16[%swap3A_137, %swap3A_138] {strides = array<i32>} : memref<64x128xf32, #tpu.memory_space<vmem>>, vector<16xf32>,
        tpu.vector_store %arg16[%swap3A_137, %swap3A_138], %mul3A_136 {strides = array<i32>} : memref<64x128xf32, #tpu.memory_space<vmem>>, vector<16xf32>,
        %get3A_140 = arith.index_cast %add3A_127 : i32 to index
        %get3A_141 = arith.constant 16 : index
        %get3A_142 = tpu.vector_load %arg16[%get3A_140, %get3A_141] {strides = array<i32>} : memref<64x128xf32, #tpu.memory_space<vmem>>, vector<16xf32>,
        %mul3A_143 = arith.mulf %get3A_142, %gather3A_132 : vector<16xf32>
        %swap3A_144 = arith.index_cast %add3A_127 : i32 to index
        %swap3A_145 = arith.constant 16 : index
        %swap3A_146 = tpu.vector_load %arg16[%swap3A_144, %swap3A_145] {strides = array<i32>} : memref<64x128xf32, #tpu.memory_space<vmem>>, vector<16xf32>,
        tpu.vector_store %arg16[%swap3A_144, %swap3A_145], %mul3A_143 {strides = array<i32>} : memref<64x128xf32, #tpu.memory_space<vmem>>, vector<16xf32>,
        %get3A_147 = arith.index_cast %add3A_127 : i32 to index
        %get3A_148 = arith.constant 32 : index
        %get3A_149 = tpu.vector_load %arg16[%get3A_147, %get3A_148] {strides = array<i32>} : memref<64x128xf32, #tpu.memory_space<vmem>>, vector<16xf32>,
        %mul3A_150 = arith.mulf %get3A_149, %gather3A_132 : vector<16xf32>
        %swap3A_151 = arith.index_cast %add3A_127 : i32 to index
        %swap3A_152 = arith.constant 32 : index
        %swap3A_153 = tpu.vector_load %arg16[%swap3A_151, %swap3A_152] {strides = array<i32>} : memref<64x128xf32, #tpu.memory_space<vmem>>, vector<16xf32>,
        tpu.vector_store %arg16[%swap3A_151, %swap3A_152], %mul3A_150 {strides = array<i32>} : memref<64x128xf32, #tpu.memory_space<vmem>>, vector<16xf32>,
        %get3A_154 = arith.index_cast %add3A_127 : i32 to index
        %get3A_155 = arith.constant 48 : index
        %get3A_156 = tpu.vector_load %arg16[%get3A_154, %get3A_155] {strides = array<i32>} : memref<64x128xf32, #tpu.memory_space<vmem>>, vector<16xf32>,
        %mul3A_157 = arith.mulf %get3A_156, %gather3A_132 : vector<16xf32>
        %swap3A_158 = arith.index_cast %add3A_127 : i32 to index
        %swap3A_159 = arith.constant 48 : index
        %swap3A_160 = tpu.vector_load %arg16[%swap3A_158, %swap3A_159] {strides = array<i32>} : memref<64x128xf32, #tpu.memory_space<vmem>>, vector<16xf32>,
        tpu.vector_store %arg16[%swap3A_158, %swap3A_159], %mul3A_157 {strides = array<i32>} : memref<64x128xf32, #tpu.memory_space<vmem>>, vector<16xf32>,
        %get3A_161 = arith.index_cast %add3A_127 : i32 to index
        %get3A_162 = arith.constant 64 : index
        %get3A_163 = tpu.vector_load %arg16[%get3A_161, %get3A_162] {strides = array<i32>} : memref<64x128xf32, #tpu.memory_space<vmem>>, vector<16xf32>,
        %mul3A_164 = arith.mulf %get3A_163, %gather3A_132 : vector<16xf32>
        %swap3A_165 = arith.index_cast %add3A_127 : i32 to index
        %swap3A_166 = arith.constant 64 : index
        %swap3A_167 = tpu.vector_load %arg16[%swap3A_165, %swap3A_166] {strides = array<i32>} : memref<64x128xf32, #tpu.memory_space<vmem>>, vector<16xf32>,
        tpu.vector_store %arg16[%swap3A_165, %swap3A_166], %mul3A_164 {strides = array<i32>} : memref<64x128xf32, #tpu.memory_space<vmem>>, vector<16xf32>,
        %get3A_168 = arith.index_cast %add3A_127 : i32 to index
        %get3A_169 = arith.constant 80 : index
        %get3A_170 = tpu.vector_load %arg16[%get3A_168, %get3A_169] {strides = array<i32>} : memref<64x128xf32, #tpu.memory_space<vmem>>, vector<16xf32>,
        %mul3A_171 = arith.mulf %get3A_170, %gather3A_132 : vector<16xf32>
        %swap3A_172 = arith.index_cast %add3A_127 : i32 to index
        %swap3A_173 = arith.constant 80 : index
        %swap3A_174 = tpu.vector_load %arg16[%swap3A_172, %swap3A_173] {strides = array<i32>} : memref<64x128xf32, #tpu.memory_space<vmem>>, vector<16xf32>,
        tpu.vector_store %arg16[%swap3A_172, %swap3A_173], %mul3A_171 {strides = array<i32>} : memref<64x128xf32, #tpu.memory_space<vmem>>, vector<16xf32>,
        %get3A_175 = arith.index_cast %add3A_127 : i32 to index
        %get3A_176 = arith.constant 96 : index
        %get3A_177 = tpu.vector_load %arg16[%get3A_175, %get3A_176] {strides = array<i32>} : memref<64x128xf32, #tpu.memory_space<vmem>>, vector<16xf32>,
        %mul3A_178 = arith.mulf %get3A_177, %gather3A_132 : vector<16xf32>
        %swap3A_179 = arith.index_cast %add3A_127 : i32 to index
        %swap3A_180 = arith.constant 96 : index
        %swap3A_181 = tpu.vector_load %arg16[%swap3A_179, %swap3A_180] {strides = array<i32>} : memref<64x128xf32, #tpu.memory_space<vmem>>, vector<16xf32>,
        tpu.vector_store %arg16[%swap3A_179, %swap3A_180], %mul3A_178 {strides = array<i32>} : memref<64x128xf32, #tpu.memory_space<vmem>>, vector<16xf32>,
        %get3A_182 = arith.index_cast %add3A_127 : i32 to index
        %get3A_183 = arith.constant 112 : index
        %get3A_184 = tpu.vector_load %arg16[%get3A_182, %get3A_183] {strides = array<i32>} : memref<64x128xf32, #tpu.memory_space<vmem>>, vector<16xf32>,
        %mul3A_185 = arith.mulf %get3A_184, %gather3A_132 : vector<16xf32>
        %swap3A_186 = arith.index_cast %add3A_127 : i32 to index
        %swap3A_187 = arith.constant 112 : index
        %swap3A_188 = tpu.vector_load %arg16[%swap3A_186, %swap3A_187] {strides = array<i32>} : memref<64x128xf32, #tpu.memory_space<vmem>>, vector<16xf32>,
        tpu.vector_store %arg16[%swap3A_186, %swap3A_187], %mul3A_185 {strides = array<i32>} : memref<64x128xf32, #tpu.memory_space<vmem>>, vector<16xf32>,
        %mul3A_189 = arith.constant 2 : i32
        %mul3A_190 = arith.muli %scan3A_122, %mul3A_189 : i32
        %add3A_191 = arith.constant 1 : i32
        %add3A_192 = arith.addi %mul3A_190, %add3A_191 : i32
        %mul3A_193 = arith.constant 64 : i32
        %mul3A_194 = arith.muli %mul3A_105, %mul3A_193 : i32
        %add3A_195 = arith.addi %mul3A_194, %add3A_192 : i32
        %broadcast_in_dim3A_196 = vector.broadcast %add3A_195 : i32 to vector<16xi32>
        %gather3A_197 = tpu.vector_load_idx %arg9[%broadcast_in_dim3A_196] : memref<10000xf32, #tpu.memory_space<vmem>>[vector<16xi32>], vector<16xf32>,
        %get3A_198 = arith.index_cast %add3A_192 : i32 to index
        %get3A_199 = arith.constant 0 : index
        %get3A_200 = tpu.vector_load %arg16[%get3A_198, %get3A_199] {strides = array<i32>} : memref<64x128xf32, #tpu.memory_space<vmem>>, vector<16xf32>,
        %mul3A_201 = arith.mulf %get3A_200, %gather3A_197 : vector<16xf32>
        %swap3A_202 = arith.index_cast %add3A_192 : i32 to index
        %swap3A_203 = arith.constant 0 : index
        %swap3A_204 = tpu.vector_load %arg16[%swap3A_202, %swap3A_203] {strides = array<i32>} : memref<64x128xf32, #tpu.memory_space<vmem>>, vector<16xf32>,
        tpu.vector_store %arg16[%swap3A_202, %swap3A_203], %mul3A_201 {strides = array<i32>} : memref<64x128xf32, #tpu.memory_space<vmem>>, vector<16xf32>,
        %get3A_205 = arith.index_cast %add3A_192 : i32 to index
        %get3A_206 = arith.constant 16 : index
        %get3A_207 = tpu.vector_load %arg16[%get3A_205, %get3A_206] {strides = array<i32>} : memref<64x128xf32, #tpu.memory_space<vmem>>, vector<16xf32>,
        %mul3A_208 = arith.mulf %get3A_207, %gather3A_197 : vector<16xf32>
        %swap3A_209 = arith.index_cast %add3A_192 : i32 to index
        %swap3A_210 = arith.constant 16 : index
        %swap3A_211 = tpu.vector_load %arg16[%swap3A_209, %swap3A_210] {strides = array<i32>} : memref<64x128xf32, #tpu.memory_space<vmem>>, vector<16xf32>,
        tpu.vector_store %arg16[%swap3A_209, %swap3A_210], %mul3A_208 {strides = array<i32>} : memref<64x128xf32, #tpu.memory_space<vmem>>, vector<16xf32>,
        %get3A_212 = arith.index_cast %add3A_192 : i32 to index
        %get3A_213 = arith.constant 32 : index
        %get3A_214 = tpu.vector_load %arg16[%get3A_212, %get3A_213] {strides = array<i32>} : memref<64x128xf32, #tpu.memory_space<vmem>>, vector<16xf32>,
        %mul3A_215 = arith.mulf %get3A_214, %gather3A_197 : vector<16xf32>
        %swap3A_216 = arith.index_cast %add3A_192 : i32 to index
        %swap3A_217 = arith.constant 32 : index
        %swap3A_218 = tpu.vector_load %arg16[%swap3A_216, %swap3A_217] {strides = array<i32>} : memref<64x128xf32, #tpu.memory_space<vmem>>, vector<16xf32>,
        tpu.vector_store %arg16[%swap3A_216, %swap3A_217], %mul3A_215 {strides = array<i32>} : memref<64x128xf32, #tpu.memory_space<vmem>>, vector<16xf32>,
        %get3A_219 = arith.index_cast %add3A_192 : i32 to index
        %get3A_220 = arith.constant 48 : index
        %get3A_221 = tpu.vector_load %arg16[%get3A_219, %get3A_220] {strides = array<i32>} : memref<64x128xf32, #tpu.memory_space<vmem>>, vector<16xf32>,
        %mul3A_222 = arith.mulf %get3A_221, %gather3A_197 : vector<16xf32>
        %swap3A_223 = arith.index_cast %add3A_192 : i32 to index
        %swap3A_224 = arith.constant 48 : index
        %swap3A_225 = tpu.vector_load %arg16[%swap3A_223, %swap3A_224] {strides = array<i32>} : memref<64x128xf32, #tpu.memory_space<vmem>>, vector<16xf32>,
        tpu.vector_store %arg16[%swap3A_223, %swap3A_224], %mul3A_222 {strides = array<i32>} : memref<64x128xf32, #tpu.memory_space<vmem>>, vector<16xf32>,
        %get3A_226 = arith.index_cast %add3A_192 : i32 to index
        %get3A_227 = arith.constant 64 : index
        %get3A_228 = tpu.vector_load %arg16[%get3A_226, %get3A_227] {strides = array<i32>} : memref<64x128xf32, #tpu.memory_space<vmem>>, vector<16xf32>,
        %mul3A_229 = arith.mulf %get3A_228, %gather3A_197 : vector<16xf32>
        %swap3A_230 = arith.index_cast %add3A_192 : i32 to index
        %swap3A_231 = arith.constant 64 : index
        %swap3A_232 = tpu.vector_load %arg16[%swap3A_230, %swap3A_231] {strides = array<i32>} : memref<64x128xf32, #tpu.memory_space<vmem>>, vector<16xf32>,
        tpu.vector_store %arg16[%swap3A_230, %swap3A_231], %mul3A_229 {strides = array<i32>} : memref<64x128xf32, #tpu.memory_space<vmem>>, vector<16xf32>,
        %get3A_233 = arith.index_cast %add3A_192 : i32 to index
        %get3A_234 = arith.constant 80 : index
        %get3A_235 = tpu.vector_load %arg16[%get3A_233, %get3A_234] {strides = array<i32>} : memref<64x128xf32, #tpu.memory_space<vmem>>, vector<16xf32>,
        %mul3A_236 = arith.mulf %get3A_235, %gather3A_197 : vector<16xf32>
        %swap3A_237 = arith.index_cast %add3A_192 : i32 to index
        %swap3A_238 = arith.constant 80 : index
        %swap3A_239 = tpu.vector_load %arg16[%swap3A_237, %swap3A_238] {strides = array<i32>} : memref<64x128xf32, #tpu.memory_space<vmem>>, vector<16xf32>,
        tpu.vector_store %arg16[%swap3A_237, %swap3A_238], %mul3A_236 {strides = array<i32>} : memref<64x128xf32, #tpu.memory_space<vmem>>, vector<16xf32>,
        %get3A_240 = arith.index_cast %add3A_192 : i32 to index
        %get3A_241 = arith.constant 96 : index
        %get3A_242 = tpu.vector_load %arg16[%get3A_240, %get3A_241] {strides = array<i32>} : memref<64x128xf32, #tpu.memory_space<vmem>>, vector<16xf32>,
        %mul3A_243 = arith.mulf %get3A_242, %gather3A_197 : vector<16xf32>
        %swap3A_244 = arith.index_cast %add3A_192 : i32 to index
        %swap3A_245 = arith.constant 96 : index
        %swap3A_246 = tpu.vector_load %arg16[%swap3A_244, %swap3A_245] {strides = array<i32>} : memref<64x128xf32, #tpu.memory_space<vmem>>, vector<16xf32>,
        tpu.vector_store %arg16[%swap3A_244, %swap3A_245], %mul3A_243 {strides = array<i32>} : memref<64x128xf32, #tpu.memory_space<vmem>>, vector<16xf32>,
        %get3A_247 = arith.index_cast %add3A_192 : i32 to index
        %get3A_248 = arith.constant 112 : index
        %get3A_249 = tpu.vector_load %arg16[%get3A_247, %get3A_248] {strides = array<i32>} : memref<64x128xf32, #tpu.memory_space<vmem>>, vector<16xf32>,
        %mul3A_250 = arith.mulf %get3A_249, %gather3A_197 : vector<16xf32>
        %swap3A_251 = arith.index_cast %add3A_192 : i32 to index
        %swap3A_252 = arith.constant 112 : index
        %swap3A_253 = tpu.vector_load %arg16[%swap3A_251, %swap3A_252] {strides = array<i32>} : memref<64x128xf32, #tpu.memory_space<vmem>>, vector<16xf32>,
        tpu.vector_store %arg16[%swap3A_251, %swap3A_252], %mul3A_250 {strides = array<i32>} : memref<64x128xf32, #tpu.memory_space<vmem>>, vector<16xf32>,
        %scan3A_254 = arith.constant 0 : i32
        scf.yield %scan3A_254 : i32
      }
      %scan3A_112 = arith.constant 32 : i32
      "tpu.region"() ({
        %run_scoped3A = tpu.sem_alloc : memref<!tpu.dma_semaphore, #tpu.memory_space<semaphore_mem>>
        %dma_start3A_122 = arith.constant 0 : i32
        %dma_start3A_123 = arith.constant 0 : i32
        %dma_start3A_124 = tpu.memref_slice %arg20[%dma_start3A_122, %dma_start3A_123] : memref<10000x128xf32, #tpu.memory_space<vmem_shared>> -> memref<10000x128xf32, #tpu.memory_space<vmem_shared>>
        tpu.enqueue_indirect_dma source(%arg16 : memref<64x128xf32, #tpu.memory_space<vmem>>) target(%dma_start3A_124 : memref<10000x128xf32, #tpu.memory_space<vmem_shared>>) offsets(%arg12 : memref<64xi32, #tpu.memory_space<vmem>>) semaphore(%run_scoped3A : memref<!tpu.dma_semaphore, #tpu.memory_space<semaphore_mem>>) {add = true}
        %dma_wait3A_125 = arith.constant 0 : i32
        %dma_wait3A_126 = arith.constant 0 : i32
        %dma_wait3A_127 = tpu.memref_slice %arg20[%dma_wait3A_125, %dma_wait3A_126] : memref<10000x128xf32, #tpu.memory_space<vmem_shared>> -> memref<10000x128xf32, #tpu.memory_space<vmem_shared>>
        tpu.wait_indirect_dma semaphore(%run_scoped3A : memref<!tpu.dma_semaphore, #tpu.memory_space<semaphore_mem>>) src(%arg16 : memref<64x128xf32, #tpu.memory_space<vmem>>) dst(%dma_wait3A_127 : memref<10000x128xf32, #tpu.memory_space<vmem_shared>>)
        tpu.yield
      }) : () -> ()
      %lt3A_113 = arith.constant 77 : i32
      %lt3A_114 = arith.cmpi slt, %scan3A_78, %lt3A_113 : i32
      %convert_element_type3A_115 = arith.extui %lt3A_114 : i1 to i32
      %cond3A_116 = arith.constant 0 : i32
      %cond3A_117 = arith.cmpi ne, %convert_element_type3A_115, %cond3A_116 : i32
      scf.if %cond3A_117 {
        %mul3A_122 = arith.constant 2 : i32
        %mul3A_123 = arith.muli %mul3A_122, %scan3A_78 : i32
        %add3A_124 = arith.constant 2 : i32
        %add3A_125 = arith.addi %mul3A_123, %add3A_124 : i32
        %scan3A_126 = arith.constant 0 : i32
        %scan3A_127 = arith.constant 0 : i32
        %scan3A_128 = arith.constant 4 : i32
        %scan3A_129 = arith.addi %scan3A_127, %scan3A_128 : i32
        %scan3A_130 = arith.constant 1 : i32
        %scan3A_131 = scf.for %scan3A_133 = %scan3A_127 to %scan3A_129 step %scan3A_130 iter_args(%scan3A_134 = %scan3A_126) -> (i32)  : i32 {
          %mul3A_135 = arith.constant 64 : i32
          %mul3A_136 = arith.muli %add3A_125, %mul3A_135 : i32
          %mul3A_137 = arith.constant 16 : i32
          %mul3A_138 = arith.muli %scan3A_133, %mul3A_137 : i32
          %add3A_139 = arith.addi %mul3A_136, %mul3A_138 : i32
          %get3A_140 = arith.index_cast %add3A_139 : i32 to index
          %get3A_141 = tpu.vector_load %arg8[%get3A_140] {strides = array<i32>} : memref<10000xi32, #tpu.memory_space<vmem>>, vector<16xi32>,
          %and3A_142 = arith.constant 65535 : i32
          %and3A_143 = vector.broadcast %and3A_142 : i32 to vector<16xi32>
          %and3A_144 = arith.andi %get3A_141, %and3A_143 : vector<16xi32>
          %shift_right_arithmetic3A_145 = arith.constant 16 : i32
          %shift_right_arithmetic3A_146 = vector.broadcast %shift_right_arithmetic3A_145 : i32 to vector<16xi32>
          %shift_right_arithmetic3A_147 = arith.shrsi %get3A_141, %shift_right_arithmetic3A_146 : vector<16xi32>
          %add3A_148 = arith.addi %shift_right_arithmetic3A_147, %broadcast_in_dim3A_19 : vector<16xi32>
          %mul3A_149 = arith.constant 16 : i32
          %mul3A_150 = arith.muli %scan3A_133, %mul3A_149 : i32
          %swap3A_151 = arith.index_cast %mul3A_150 : i32 to index
          %swap3A_152 = tpu.vector_load %arg10[%swap3A_151] {strides = array<i32>} : memref<64xi32, #tpu.memory_space<vmem>>, vector<16xi32>,
          tpu.vector_store %arg10[%swap3A_151], %add3A_148 {strides = array<i32>} : memref<64xi32, #tpu.memory_space<vmem>>, vector<16xi32>,
          %mul3A_153 = arith.constant 16 : i32
          %mul3A_154 = arith.muli %scan3A_133, %mul3A_153 : i32
          %swap3A_155 = arith.index_cast %mul3A_154 : i32 to index
          %swap3A_156 = tpu.vector_load %arg12[%swap3A_155] {strides = array<i32>} : memref<64xi32, #tpu.memory_space<vmem>>, vector<16xi32>,
          tpu.vector_store %arg12[%swap3A_155], %and3A_144 {strides = array<i32>} : memref<64xi32, #tpu.memory_space<vmem>>, vector<16xi32>,
          %gather3A_157 = tpu.vector_load_idx %arg7[%and3A_144] : memref<10000xf32, #tpu.memory_space<vmem>>[vector<16xi32>], vector<16xf32>,
          %get3A_158 = arith.index_cast %add3A_139 : i32 to index
          %get3A_159 = tpu.vector_load %arg9[%get3A_158] {strides = array<i32>} : memref<10000xf32, #tpu.memory_space<vmem>>, vector<16xf32>,
          %add3A_160 = arith.constant 1.000000e-16 : f32
          %add3A_161 = vector.broadcast %add3A_160 : f32 to vector<16xf32>
          %add3A_162 = arith.addf %gather3A_157, %add3A_161 : vector<16xf32>
          %div3A_163 = arith.divf %get3A_159, %add3A_162 : vector<16xf32>
          %swap3A_164 = arith.index_cast %add3A_139 : i32 to index
          %swap3A_165 = tpu.vector_load %arg9[%swap3A_164] {strides = array<i32>} : memref<10000xf32, #tpu.memory_space<vmem>>, vector<16xf32>,
          tpu.vector_store %arg9[%swap3A_164], %div3A_163 {strides = array<i32>} : memref<10000xf32, #tpu.memory_space<vmem>>, vector<16xf32>,
          %scan3A_166 = arith.constant 0 : i32
          scf.yield %scan3A_166 : i32
        }
        %scan3A_132 = arith.constant 4 : i32
      } else {
      }
      %dma_wait3A_118 = arith.constant 0 : i32
      %dma_wait3A_119 = arith.constant 0 : i32
      %dma_wait3A_120 = tpu.memref_slice %arg2[%dma_wait3A_118, %dma_wait3A_119] : memref<20000x128xf32, #tpu.memory_space<hbm>> -> memref<20000x128xf32, #tpu.memory_space<hbm>>
      tpu.wait_indirect_dma semaphore(%arg19 : memref<!tpu.dma_semaphore, #tpu.memory_space<semaphore_mem>>) src(%dma_wait3A_120 : memref<20000x128xf32, #tpu.memory_space<hbm>>) dst(%arg17 : memref<64x128xf32, #tpu.memory_space<vmem>>)
      %scan3A_121 = arith.constant 0 : i32
      scf.yield %scan3A_121 : i32
    }
    %scan3A_33 = arith.constant 78 : i32
    %scan3A_34 = arith.constant 0 : i32
    %scan3A_35 = arith.constant 0 : i32
    %scan3A_36 = arith.constant 32 : i32
    %scan3A_37 = arith.addi %scan3A_35, %scan3A_36 : i32
    %scan3A_38 = arith.constant 1 : i32
    %scan3A_39 = scf.for %scan3A_78 = %scan3A_35 to %scan3A_37 step %scan3A_38 iter_args(%scan3A_79 = %scan3A_34) -> (i32)  : i32 {
      %mul3A_80 = arith.constant 2 : i32
      %mul3A_81 = arith.muli %scan3A_78, %mul3A_80 : i32
      %add3A_82 = arith.constant 0 : i32
      %add3A_83 = arith.addi %mul3A_81, %add3A_82 : i32
      %add3A_84 = arith.constant 9920 : i32
      %add3A_85 = arith.addi %add3A_84, %add3A_83 : i32
      %broadcast_in_dim3A_86 = vector.broadcast %add3A_85 : i32 to vector<16xi32>
      %gather3A_87 = tpu.vector_load_idx %arg9[%broadcast_in_dim3A_86] : memref<10000xf32, #tpu.memory_space<vmem>>[vector<16xi32>], vector<16xf32>,
      %get3A_88 = arith.index_cast %add3A_83 : i32 to index
      %get3A_89 = arith.constant 0 : index
      %get3A_90 = tpu.vector_load %arg17[%get3A_88, %get3A_89] {strides = array<i32>} : memref<64x128xf32, #tpu.memory_space<vmem>>, vector<16xf32>,
      %mul3A_91 = arith.mulf %get3A_90, %gather3A_87 : vector<16xf32>
      %swap3A_92 = arith.index_cast %add3A_83 : i32 to index
      %swap3A_93 = arith.constant 0 : index
      %swap3A_94 = tpu.vector_load %arg17[%swap3A_92, %swap3A_93] {strides = array<i32>} : memref<64x128xf32, #tpu.memory_space<vmem>>, vector<16xf32>,
      tpu.vector_store %arg17[%swap3A_92, %swap3A_93], %mul3A_91 {strides = array<i32>} : memref<64x128xf32, #tpu.memory_space<vmem>>, vector<16xf32>,
      %get3A_95 = arith.index_cast %add3A_83 : i32 to index
      %get3A_96 = arith.constant 16 : index
      %get3A_97 = tpu.vector_load %arg17[%get3A_95, %get3A_96] {strides = array<i32>} : memref<64x128xf32, #tpu.memory_space<vmem>>, vector<16xf32>,
      %mul3A_98 = arith.mulf %get3A_97, %gather3A_87 : vector<16xf32>
      %swap3A_99 = arith.index_cast %add3A_83 : i32 to index
      %swap3A_100 = arith.constant 16 : index
      %swap3A_101 = tpu.vector_load %arg17[%swap3A_99, %swap3A_100] {strides = array<i32>} : memref<64x128xf32, #tpu.memory_space<vmem>>, vector<16xf32>,
      tpu.vector_store %arg17[%swap3A_99, %swap3A_100], %mul3A_98 {strides = array<i32>} : memref<64x128xf32, #tpu.memory_space<vmem>>, vector<16xf32>,
      %get3A_102 = arith.index_cast %add3A_83 : i32 to index
      %get3A_103 = arith.constant 32 : index
      %get3A_104 = tpu.vector_load %arg17[%get3A_102, %get3A_103] {strides = array<i32>} : memref<64x128xf32, #tpu.memory_space<vmem>>, vector<16xf32>,
      %mul3A_105 = arith.mulf %get3A_104, %gather3A_87 : vector<16xf32>
      %swap3A_106 = arith.index_cast %add3A_83 : i32 to index
      %swap3A_107 = arith.constant 32 : index
      %swap3A_108 = tpu.vector_load %arg17[%swap3A_106, %swap3A_107] {strides = array<i32>} : memref<64x128xf32, #tpu.memory_space<vmem>>, vector<16xf32>,
      tpu.vector_store %arg17[%swap3A_106, %swap3A_107], %mul3A_105 {strides = array<i32>} : memref<64x128xf32, #tpu.memory_space<vmem>>, vector<16xf32>,
      %get3A_109 = arith.index_cast %add3A_83 : i32 to index
      %get3A_110 = arith.constant 48 : index
      %get3A_111 = tpu.vector_load %arg17[%get3A_109, %get3A_110] {strides = array<i32>} : memref<64x128xf32, #tpu.memory_space<vmem>>, vector<16xf32>,
      %mul3A_112 = arith.mulf %get3A_111, %gather3A_87 : vector<16xf32>
      %swap3A_113 = arith.index_cast %add3A_83 : i32 to index
      %swap3A_114 = arith.constant 48 : index
      %swap3A_115 = tpu.vector_load %arg17[%swap3A_113, %swap3A_114] {strides = array<i32>} : memref<64x128xf32, #tpu.memory_space<vmem>>, vector<16xf32>,
      tpu.vector_store %arg17[%swap3A_113, %swap3A_114], %mul3A_112 {strides = array<i32>} : memref<64x128xf32, #tpu.memory_space<vmem>>, vector<16xf32>,
      %get3A_116 = arith.index_cast %add3A_83 : i32 to index
      %get3A_117 = arith.constant 64 : index
      %get3A_118 = tpu.vector_load %arg17[%get3A_116, %get3A_117] {strides = array<i32>} : memref<64x128xf32, #tpu.memory_space<vmem>>, vector<16xf32>,
      %mul3A_119 = arith.mulf %get3A_118, %gather3A_87 : vector<16xf32>
      %swap3A_120 = arith.index_cast %add3A_83 : i32 to index
      %swap3A_121 = arith.constant 64 : index
      %swap3A_122 = tpu.vector_load %arg17[%swap3A_120, %swap3A_121] {strides = array<i32>} : memref<64x128xf32, #tpu.memory_space<vmem>>, vector<16xf32>,
      tpu.vector_store %arg17[%swap3A_120, %swap3A_121], %mul3A_119 {strides = array<i32>} : memref<64x128xf32, #tpu.memory_space<vmem>>, vector<16xf32>,
      %get3A_123 = arith.index_cast %add3A_83 : i32 to index
      %get3A_124 = arith.constant 80 : index
      %get3A_125 = tpu.vector_load %arg17[%get3A_123, %get3A_124] {strides = array<i32>} : memref<64x128xf32, #tpu.memory_space<vmem>>, vector<16xf32>,
      %mul3A_126 = arith.mulf %get3A_125, %gather3A_87 : vector<16xf32>
      %swap3A_127 = arith.index_cast %add3A_83 : i32 to index
      %swap3A_128 = arith.constant 80 : index
      %swap3A_129 = tpu.vector_load %arg17[%swap3A_127, %swap3A_128] {strides = array<i32>} : memref<64x128xf32, #tpu.memory_space<vmem>>, vector<16xf32>,
      tpu.vector_store %arg17[%swap3A_127, %swap3A_128], %mul3A_126 {strides = array<i32>} : memref<64x128xf32, #tpu.memory_space<vmem>>, vector<16xf32>,
      %get3A_130 = arith.index_cast %add3A_83 : i32 to index
      %get3A_131 = arith.constant 96 : index
      %get3A_132 = tpu.vector_load %arg17[%get3A_130, %get3A_131] {strides = array<i32>} : memref<64x128xf32, #tpu.memory_space<vmem>>, vector<16xf32>,
      %mul3A_133 = arith.mulf %get3A_132, %gather3A_87 : vector<16xf32>
      %swap3A_134 = arith.index_cast %add3A_83 : i32 to index
      %swap3A_135 = arith.constant 96 : index
      %swap3A_136 = tpu.vector_load %arg17[%swap3A_134, %swap3A_135] {strides = array<i32>} : memref<64x128xf32, #tpu.memory_space<vmem>>, vector<16xf32>,
      tpu.vector_store %arg17[%swap3A_134, %swap3A_135], %mul3A_133 {strides = array<i32>} : memref<64x128xf32, #tpu.memory_space<vmem>>, vector<16xf32>,
      %get3A_137 = arith.index_cast %add3A_83 : i32 to index
      %get3A_138 = arith.constant 112 : index
      %get3A_139 = tpu.vector_load %arg17[%get3A_137, %get3A_138] {strides = array<i32>} : memref<64x128xf32, #tpu.memory_space<vmem>>, vector<16xf32>,
      %mul3A_140 = arith.mulf %get3A_139, %gather3A_87 : vector<16xf32>
      %swap3A_141 = arith.index_cast %add3A_83 : i32 to index
      %swap3A_142 = arith.constant 112 : index
      %swap3A_143 = tpu.vector_load %arg17[%swap3A_141, %swap3A_142] {strides = array<i32>} : memref<64x128xf32, #tpu.memory_space<vmem>>, vector<16xf32>,
      tpu.vector_store %arg17[%swap3A_141, %swap3A_142], %mul3A_140 {strides = array<i32>} : memref<64x128xf32, #tpu.memory_space<vmem>>, vector<16xf32>,
      %mul3A_144 = arith.constant 2 : i32
      %mul3A_145 = arith.muli %scan3A_78, %mul3A_144 : i32
      %add3A_146 = arith.constant 1 : i32
      %add3A_147 = arith.addi %mul3A_145, %add3A_146 : i32
      %add3A_148 = arith.constant 9920 : i32
      %add3A_149 = arith.addi %add3A_148, %add3A_147 : i32
      %broadcast_in_dim3A_150 = vector.broadcast %add3A_149 : i32 to vector<16xi32>
      %gather3A_151 = tpu.vector_load_idx %arg9[%broadcast_in_dim3A_150] : memref<10000xf32, #tpu.memory_space<vmem>>[vector<16xi32>], vector<16xf32>,
      %get3A_152 = arith.index_cast %add3A_147 : i32 to index
      %get3A_153 = arith.constant 0 : index
      %get3A_154 = tpu.vector_load %arg17[%get3A_152, %get3A_153] {strides = array<i32>} : memref<64x128xf32, #tpu.memory_space<vmem>>, vector<16xf32>,
      %mul3A_155 = arith.mulf %get3A_154, %gather3A_151 : vector<16xf32>
      %swap3A_156 = arith.index_cast %add3A_147 : i32 to index
      %swap3A_157 = arith.constant 0 : index
      %swap3A_158 = tpu.vector_load %arg17[%swap3A_156, %swap3A_157] {strides = array<i32>} : memref<64x128xf32, #tpu.memory_space<vmem>>, vector<16xf32>,
      tpu.vector_store %arg17[%swap3A_156, %swap3A_157], %mul3A_155 {strides = array<i32>} : memref<64x128xf32, #tpu.memory_space<vmem>>, vector<16xf32>,
      %get3A_159 = arith.index_cast %add3A_147 : i32 to index
      %get3A_160 = arith.constant 16 : index
      %get3A_161 = tpu.vector_load %arg17[%get3A_159, %get3A_160] {strides = array<i32>} : memref<64x128xf32, #tpu.memory_space<vmem>>, vector<16xf32>,
      %mul3A_162 = arith.mulf %get3A_161, %gather3A_151 : vector<16xf32>
      %swap3A_163 = arith.index_cast %add3A_147 : i32 to index
      %swap3A_164 = arith.constant 16 : index
      %swap3A_165 = tpu.vector_load %arg17[%swap3A_163, %swap3A_164] {strides = array<i32>} : memref<64x128xf32, #tpu.memory_space<vmem>>, vector<16xf32>,
      tpu.vector_store %arg17[%swap3A_163, %swap3A_164], %mul3A_162 {strides = array<i32>} : memref<64x128xf32, #tpu.memory_space<vmem>>, vector<16xf32>,
      %get3A_166 = arith.index_cast %add3A_147 : i32 to index
      %get3A_167 = arith.constant 32 : index
      %get3A_168 = tpu.vector_load %arg17[%get3A_166, %get3A_167] {strides = array<i32>} : memref<64x128xf32, #tpu.memory_space<vmem>>, vector<16xf32>,
      %mul3A_169 = arith.mulf %get3A_168, %gather3A_151 : vector<16xf32>
      %swap3A_170 = arith.index_cast %add3A_147 : i32 to index
      %swap3A_171 = arith.constant 32 : index
      %swap3A_172 = tpu.vector_load %arg17[%swap3A_170, %swap3A_171] {strides = array<i32>} : memref<64x128xf32, #tpu.memory_space<vmem>>, vector<16xf32>,
      tpu.vector_store %arg17[%swap3A_170, %swap3A_171], %mul3A_169 {strides = array<i32>} : memref<64x128xf32, #tpu.memory_space<vmem>>, vector<16xf32>,
      %get3A_173 = arith.index_cast %add3A_147 : i32 to index
      %get3A_174 = arith.constant 48 : index
      %get3A_175 = tpu.vector_load %arg17[%get3A_173, %get3A_174] {strides = array<i32>} : memref<64x128xf32, #tpu.memory_space<vmem>>, vector<16xf32>,
      %mul3A_176 = arith.mulf %get3A_175, %gather3A_151 : vector<16xf32>
      %swap3A_177 = arith.index_cast %add3A_147 : i32 to index
      %swap3A_178 = arith.constant 48 : index
      %swap3A_179 = tpu.vector_load %arg17[%swap3A_177, %swap3A_178] {strides = array<i32>} : memref<64x128xf32, #tpu.memory_space<vmem>>, vector<16xf32>,
      tpu.vector_store %arg17[%swap3A_177, %swap3A_178], %mul3A_176 {strides = array<i32>} : memref<64x128xf32, #tpu.memory_space<vmem>>, vector<16xf32>,
      %get3A_180 = arith.index_cast %add3A_147 : i32 to index
      %get3A_181 = arith.constant 64 : index
      %get3A_182 = tpu.vector_load %arg17[%get3A_180, %get3A_181] {strides = array<i32>} : memref<64x128xf32, #tpu.memory_space<vmem>>, vector<16xf32>,
      %mul3A_183 = arith.mulf %get3A_182, %gather3A_151 : vector<16xf32>
      %swap3A_184 = arith.index_cast %add3A_147 : i32 to index
      %swap3A_185 = arith.constant 64 : index
      %swap3A_186 = tpu.vector_load %arg17[%swap3A_184, %swap3A_185] {strides = array<i32>} : memref<64x128xf32, #tpu.memory_space<vmem>>, vector<16xf32>,
      tpu.vector_store %arg17[%swap3A_184, %swap3A_185], %mul3A_183 {strides = array<i32>} : memref<64x128xf32, #tpu.memory_space<vmem>>, vector<16xf32>,
      %get3A_187 = arith.index_cast %add3A_147 : i32 to index
      %get3A_188 = arith.constant 80 : index
      %get3A_189 = tpu.vector_load %arg17[%get3A_187, %get3A_188] {strides = array<i32>} : memref<64x128xf32, #tpu.memory_space<vmem>>, vector<16xf32>,
      %mul3A_190 = arith.mulf %get3A_189, %gather3A_151 : vector<16xf32>
      %swap3A_191 = arith.index_cast %add3A_147 : i32 to index
      %swap3A_192 = arith.constant 80 : index
      %swap3A_193 = tpu.vector_load %arg17[%swap3A_191, %swap3A_192] {strides = array<i32>} : memref<64x128xf32, #tpu.memory_space<vmem>>, vector<16xf32>,
      tpu.vector_store %arg17[%swap3A_191, %swap3A_192], %mul3A_190 {strides = array<i32>} : memref<64x128xf32, #tpu.memory_space<vmem>>, vector<16xf32>,
      %get3A_194 = arith.index_cast %add3A_147 : i32 to index
      %get3A_195 = arith.constant 96 : index
      %get3A_196 = tpu.vector_load %arg17[%get3A_194, %get3A_195] {strides = array<i32>} : memref<64x128xf32, #tpu.memory_space<vmem>>, vector<16xf32>,
      %mul3A_197 = arith.mulf %get3A_196, %gather3A_151 : vector<16xf32>
      %swap3A_198 = arith.index_cast %add3A_147 : i32 to index
      %swap3A_199 = arith.constant 96 : index
      %swap3A_200 = tpu.vector_load %arg17[%swap3A_198, %swap3A_199] {strides = array<i32>} : memref<64x128xf32, #tpu.memory_space<vmem>>, vector<16xf32>,
      tpu.vector_store %arg17[%swap3A_198, %swap3A_199], %mul3A_197 {strides = array<i32>} : memref<64x128xf32, #tpu.memory_space<vmem>>, vector<16xf32>,
      %get3A_201 = arith.index_cast %add3A_147 : i32 to index
      %get3A_202 = arith.constant 112 : index
      %get3A_203 = tpu.vector_load %arg17[%get3A_201, %get3A_202] {strides = array<i32>} : memref<64x128xf32, #tpu.memory_space<vmem>>, vector<16xf32>,
      %mul3A_204 = arith.mulf %get3A_203, %gather3A_151 : vector<16xf32>
      %swap3A_205 = arith.index_cast %add3A_147 : i32 to index
      %swap3A_206 = arith.constant 112 : index
      %swap3A_207 = tpu.vector_load %arg17[%swap3A_205, %swap3A_206] {strides = array<i32>} : memref<64x128xf32, #tpu.memory_space<vmem>>, vector<16xf32>,
      tpu.vector_store %arg17[%swap3A_205, %swap3A_206], %mul3A_204 {strides = array<i32>} : memref<64x128xf32, #tpu.memory_space<vmem>>, vector<16xf32>,
      %scan3A_208 = arith.constant 0 : i32
      scf.yield %scan3A_208 : i32
    }
    %scan3A_40 = arith.constant 32 : i32
    "tpu.region"() ({
      %run_scoped3A = tpu.sem_alloc : memref<!tpu.dma_semaphore, #tpu.memory_space<semaphore_mem>>
      %dma_start3A_78 = arith.constant 0 : i32
      %dma_start3A_79 = arith.constant 0 : i32
      %dma_start3A_80 = tpu.memref_slice %arg20[%dma_start3A_78, %dma_start3A_79] : memref<10000x128xf32, #tpu.memory_space<vmem_shared>> -> memref<10000x128xf32, #tpu.memory_space<vmem_shared>>
      tpu.enqueue_indirect_dma source(%arg17 : memref<64x128xf32, #tpu.memory_space<vmem>>) target(%dma_start3A_80 : memref<10000x128xf32, #tpu.memory_space<vmem_shared>>) offsets(%arg13 : memref<64xi32, #tpu.memory_space<vmem>>) semaphore(%run_scoped3A : memref<!tpu.dma_semaphore, #tpu.memory_space<semaphore_mem>>) {add = true}
      %dma_wait3A_81 = arith.constant 0 : i32
      %dma_wait3A_82 = arith.constant 0 : i32
      %dma_wait3A_83 = tpu.memref_slice %arg20[%dma_wait3A_81, %dma_wait3A_82] : memref<10000x128xf32, #tpu.memory_space<vmem_shared>> -> memref<10000x128xf32, #tpu.memory_space<vmem_shared>>
      tpu.wait_indirect_dma semaphore(%run_scoped3A : memref<!tpu.dma_semaphore, #tpu.memory_space<semaphore_mem>>) src(%arg17 : memref<64x128xf32, #tpu.memory_space<vmem>>) dst(%dma_wait3A_83 : memref<10000x128xf32, #tpu.memory_space<vmem_shared>>)
      tpu.yield
    }) : () -> ()
    %get3A = arith.constant 9984 : index
    %get3A_41 = tpu.vector_load %arg8[%get3A] {strides = array<i32>} : memref<10000xi32, #tpu.memory_space<vmem>>, vector<16xi32>,
    %and3A = arith.constant 65535 : i32
    %and3A_42 = vector.broadcast %and3A : i32 to vector<16xi32>
    %and3A_43 = arith.andi %get3A_41, %and3A_42 : vector<16xi32>
    %shift_right_arithmetic3A = arith.constant 16 : i32
    %shift_right_arithmetic3A_44 = vector.broadcast %shift_right_arithmetic3A : i32 to vector<16xi32>
    %shift_right_arithmetic3A_45 = arith.shrsi %get3A_41, %shift_right_arithmetic3A_44 : vector<16xi32>
    %add3A = arith.addi %shift_right_arithmetic3A_45, %broadcast_in_dim3A_19 : vector<16xi32>
    %swap3A = arith.constant 0 : index
    %swap3A_46 = tpu.vector_load %arg14[%swap3A] {strides = array<i32>} : memref<16xi32, #tpu.memory_space<vmem>>, vector<16xi32>,
    tpu.vector_store %arg14[%swap3A], %add3A {strides = array<i32>} : memref<16xi32, #tpu.memory_space<vmem>>, vector<16xi32>,
    %swap3A_47 = arith.constant 0 : index
    %swap3A_48 = tpu.vector_load %arg15[%swap3A_47] {strides = array<i32>} : memref<16xi32, #tpu.memory_space<vmem>>, vector<16xi32>,
    tpu.vector_store %arg15[%swap3A_47], %and3A_43 {strides = array<i32>} : memref<16xi32, #tpu.memory_space<vmem>>, vector<16xi32>,
    %gather3A = tpu.vector_load_idx %arg7[%and3A_43] : memref<10000xf32, #tpu.memory_space<vmem>>[vector<16xi32>], vector<16xf32>,
    %get3A_49 = arith.constant 9984 : index
    %get3A_50 = tpu.vector_load %arg9[%get3A_49] {strides = array<i32>} : memref<10000xf32, #tpu.memory_space<vmem>>, vector<16xf32>,
    %add3A_51 = arith.constant 1.000000e-16 : f32
    %add3A_52 = vector.broadcast %add3A_51 : f32 to vector<16xf32>
    %add3A_53 = arith.addf %gather3A, %add3A_52 : vector<16xf32>
    %div3A = arith.divf %get3A_50, %add3A_53 : vector<16xf32>
    %swap3A_54 = arith.constant 9984 : index
    %swap3A_55 = tpu.vector_load %arg9[%swap3A_54] {strides = array<i32>} : memref<10000xf32, #tpu.memory_space<vmem>>, vector<16xf32>,
    tpu.vector_store %arg9[%swap3A_54], %div3A {strides = array<i32>} : memref<10000xf32, #tpu.memory_space<vmem>>, vector<16xf32>,
    %dma_start3A = arith.constant 0 : i32
    %dma_start3A_56 = arith.constant 0 : i32
    %dma_start3A_57 = tpu.memref_slice %arg2[%dma_start3A, %dma_start3A_56] : memref<20000x128xf32, #tpu.memory_space<hbm>> -> memref<20000x128xf32, #tpu.memory_space<hbm>>
    tpu.enqueue_indirect_dma source(%dma_start3A_57 : memref<20000x128xf32, #tpu.memory_space<hbm>>) target(%arg18 : memref<16x128xf32, #tpu.memory_space<vmem>>) offsets(%arg14 : memref<16xi32, #tpu.memory_space<vmem>>) semaphore(%arg19 : memref<!tpu.dma_semaphore, #tpu.memory_space<semaphore_mem>>)
    %dma_wait3A = arith.constant 0 : i32
    %dma_wait3A_58 = arith.constant 0 : i32
    %dma_wait3A_59 = tpu.memref_slice %arg2[%dma_wait3A, %dma_wait3A_58] : memref<20000x128xf32, #tpu.memory_space<hbm>> -> memref<20000x128xf32, #tpu.memory_space<hbm>>
    tpu.wait_indirect_dma semaphore(%arg19 : memref<!tpu.dma_semaphore, #tpu.memory_space<semaphore_mem>>) src(%dma_wait3A_59 : memref<20000x128xf32, #tpu.memory_space<hbm>>) dst(%arg18 : memref<16x128xf32, #tpu.memory_space<vmem>>)
    %scan3A_60 = arith.constant 0 : i32
    %scan3A_61 = arith.constant 0 : i32
    %scan3A_62 = arith.constant 16 : i32
    %scan3A_63 = arith.addi %scan3A_61, %scan3A_62 : i32
    %scan3A_64 = arith.constant 1 : i32
    %scan3A_65 = scf.for %scan3A_78 = %scan3A_61 to %scan3A_63 step %scan3A_64 iter_args(%scan3A_79 = %scan3A_60) -> (i32)  : i32 {
      %add3A_80 = arith.constant 9984 : i32
      %add3A_81 = arith.addi %add3A_80, %scan3A_78 : i32
      %broadcast_in_dim3A_82 = vector.broadcast %add3A_81 : i32 to vector<16xi32>
      %gather3A_83 = tpu.vector_load_idx %arg9[%broadcast_in_dim3A_82] : memref<10000xf32, #tpu.memory_space<vmem>>[vector<16xi32>], vector<16xf32>,
      %get3A_84 = arith.index_cast %scan3A_78 : i32 to index
      %get3A_85 = arith.constant 0 : index
      %get3A_86 = tpu.vector_load %arg18[%get3A_84, %get3A_85] {strides = array<i32>} : memref<16x128xf32, #tpu.memory_space<vmem>>, vector<16xf32>,
      %mul3A_87 = arith.mulf %get3A_86, %gather3A_83 : vector<16xf32>
      %swap3A_88 = arith.index_cast %scan3A_78 : i32 to index
      %swap3A_89 = arith.constant 0 : index
      %swap3A_90 = tpu.vector_load %arg18[%swap3A_88, %swap3A_89] {strides = array<i32>} : memref<16x128xf32, #tpu.memory_space<vmem>>, vector<16xf32>,
      tpu.vector_store %arg18[%swap3A_88, %swap3A_89], %mul3A_87 {strides = array<i32>} : memref<16x128xf32, #tpu.memory_space<vmem>>, vector<16xf32>,
      %get3A_91 = arith.index_cast %scan3A_78 : i32 to index
      %get3A_92 = arith.constant 16 : index
      %get3A_93 = tpu.vector_load %arg18[%get3A_91, %get3A_92] {strides = array<i32>} : memref<16x128xf32, #tpu.memory_space<vmem>>, vector<16xf32>,
      %mul3A_94 = arith.mulf %get3A_93, %gather3A_83 : vector<16xf32>
      %swap3A_95 = arith.index_cast %scan3A_78 : i32 to index
      %swap3A_96 = arith.constant 16 : index
      %swap3A_97 = tpu.vector_load %arg18[%swap3A_95, %swap3A_96] {strides = array<i32>} : memref<16x128xf32, #tpu.memory_space<vmem>>, vector<16xf32>,
      tpu.vector_store %arg18[%swap3A_95, %swap3A_96], %mul3A_94 {strides = array<i32>} : memref<16x128xf32, #tpu.memory_space<vmem>>, vector<16xf32>,
      %get3A_98 = arith.index_cast %scan3A_78 : i32 to index
      %get3A_99 = arith.constant 32 : index
      %get3A_100 = tpu.vector_load %arg18[%get3A_98, %get3A_99] {strides = array<i32>} : memref<16x128xf32, #tpu.memory_space<vmem>>, vector<16xf32>,
      %mul3A_101 = arith.mulf %get3A_100, %gather3A_83 : vector<16xf32>
      %swap3A_102 = arith.index_cast %scan3A_78 : i32 to index
      %swap3A_103 = arith.constant 32 : index
      %swap3A_104 = tpu.vector_load %arg18[%swap3A_102, %swap3A_103] {strides = array<i32>} : memref<16x128xf32, #tpu.memory_space<vmem>>, vector<16xf32>,
      tpu.vector_store %arg18[%swap3A_102, %swap3A_103], %mul3A_101 {strides = array<i32>} : memref<16x128xf32, #tpu.memory_space<vmem>>, vector<16xf32>,
      %get3A_105 = arith.index_cast %scan3A_78 : i32 to index
      %get3A_106 = arith.constant 48 : index
      %get3A_107 = tpu.vector_load %arg18[%get3A_105, %get3A_106] {strides = array<i32>} : memref<16x128xf32, #tpu.memory_space<vmem>>, vector<16xf32>,
      %mul3A_108 = arith.mulf %get3A_107, %gather3A_83 : vector<16xf32>
      %swap3A_109 = arith.index_cast %scan3A_78 : i32 to index
      %swap3A_110 = arith.constant 48 : index
      %swap3A_111 = tpu.vector_load %arg18[%swap3A_109, %swap3A_110] {strides = array<i32>} : memref<16x128xf32, #tpu.memory_space<vmem>>, vector<16xf32>,
      tpu.vector_store %arg18[%swap3A_109, %swap3A_110], %mul3A_108 {strides = array<i32>} : memref<16x128xf32, #tpu.memory_space<vmem>>, vector<16xf32>,
      %get3A_112 = arith.index_cast %scan3A_78 : i32 to index
      %get3A_113 = arith.constant 64 : index
      %get3A_114 = tpu.vector_load %arg18[%get3A_112, %get3A_113] {strides = array<i32>} : memref<16x128xf32, #tpu.memory_space<vmem>>, vector<16xf32>,
      %mul3A_115 = arith.mulf %get3A_114, %gather3A_83 : vector<16xf32>
      %swap3A_116 = arith.index_cast %scan3A_78 : i32 to index
      %swap3A_117 = arith.constant 64 : index
      %swap3A_118 = tpu.vector_load %arg18[%swap3A_116, %swap3A_117] {strides = array<i32>} : memref<16x128xf32, #tpu.memory_space<vmem>>, vector<16xf32>,
      tpu.vector_store %arg18[%swap3A_116, %swap3A_117], %mul3A_115 {strides = array<i32>} : memref<16x128xf32, #tpu.memory_space<vmem>>, vector<16xf32>,
      %get3A_119 = arith.index_cast %scan3A_78 : i32 to index
      %get3A_120 = arith.constant 80 : index
      %get3A_121 = tpu.vector_load %arg18[%get3A_119, %get3A_120] {strides = array<i32>} : memref<16x128xf32, #tpu.memory_space<vmem>>, vector<16xf32>,
      %mul3A_122 = arith.mulf %get3A_121, %gather3A_83 : vector<16xf32>
      %swap3A_123 = arith.index_cast %scan3A_78 : i32 to index
      %swap3A_124 = arith.constant 80 : index
      %swap3A_125 = tpu.vector_load %arg18[%swap3A_123, %swap3A_124] {strides = array<i32>} : memref<16x128xf32, #tpu.memory_space<vmem>>, vector<16xf32>,
      tpu.vector_store %arg18[%swap3A_123, %swap3A_124], %mul3A_122 {strides = array<i32>} : memref<16x128xf32, #tpu.memory_space<vmem>>, vector<16xf32>,
      %get3A_126 = arith.index_cast %scan3A_78 : i32 to index
      %get3A_127 = arith.constant 96 : index
      %get3A_128 = tpu.vector_load %arg18[%get3A_126, %get3A_127] {strides = array<i32>} : memref<16x128xf32, #tpu.memory_space<vmem>>, vector<16xf32>,
      %mul3A_129 = arith.mulf %get3A_128, %gather3A_83 : vector<16xf32>
      %swap3A_130 = arith.index_cast %scan3A_78 : i32 to index
      %swap3A_131 = arith.constant 96 : index
      %swap3A_132 = tpu.vector_load %arg18[%swap3A_130, %swap3A_131] {strides = array<i32>} : memref<16x128xf32, #tpu.memory_space<vmem>>, vector<16xf32>,
      tpu.vector_store %arg18[%swap3A_130, %swap3A_131], %mul3A_129 {strides = array<i32>} : memref<16x128xf32, #tpu.memory_space<vmem>>, vector<16xf32>,
      %get3A_133 = arith.index_cast %scan3A_78 : i32 to index
      %get3A_134 = arith.constant 112 : index
      %get3A_135 = tpu.vector_load %arg18[%get3A_133, %get3A_134] {strides = array<i32>} : memref<16x128xf32, #tpu.memory_space<vmem>>, vector<16xf32>,
      %mul3A_136 = arith.mulf %get3A_135, %gather3A_83 : vector<16xf32>
      %swap3A_137 = arith.index_cast %scan3A_78 : i32 to index
      %swap3A_138 = arith.constant 112 : index
      %swap3A_139 = tpu.vector_load %arg18[%swap3A_137, %swap3A_138] {strides = array<i32>} : memref<16x128xf32, #tpu.memory_space<vmem>>, vector<16xf32>,
      tpu.vector_store %arg18[%swap3A_137, %swap3A_138], %mul3A_136 {strides = array<i32>} : memref<16x128xf32, #tpu.memory_space<vmem>>, vector<16xf32>,
      %scan3A_140 = arith.constant 0 : i32
      scf.yield %scan3A_140 : i32
    }
    %scan3A_66 = arith.constant 16 : i32
    "tpu.region"() ({
      %run_scoped3A = tpu.sem_alloc : memref<!tpu.dma_semaphore, #tpu.memory_space<semaphore_mem>>
      %dma_start3A_78 = arith.constant 0 : i32
      %dma_start3A_79 = arith.constant 0 : i32
      %dma_start3A_80 = tpu.memref_slice %arg20[%dma_start3A_78, %dma_start3A_79] : memref<10000x128xf32, #tpu.memory_space<vmem_shared>> -> memref<10000x128xf32, #tpu.memory_space<vmem_shared>>
      tpu.enqueue_indirect_dma source(%arg18 : memref<16x128xf32, #tpu.memory_space<vmem>>) target(%dma_start3A_80 : memref<10000x128xf32, #tpu.memory_space<vmem_shared>>) offsets(%arg15 : memref<16xi32, #tpu.memory_space<vmem>>) semaphore(%run_scoped3A : memref<!tpu.dma_semaphore, #tpu.memory_space<semaphore_mem>>) {add = true}
      %dma_wait3A_81 = arith.constant 0 : i32
      %dma_wait3A_82 = arith.constant 0 : i32
      %dma_wait3A_83 = tpu.memref_slice %arg20[%dma_wait3A_81, %dma_wait3A_82] : memref<10000x128xf32, #tpu.memory_space<vmem_shared>> -> memref<10000x128xf32, #tpu.memory_space<vmem_shared>>
      tpu.wait_indirect_dma semaphore(%run_scoped3A : memref<!tpu.dma_semaphore, #tpu.memory_space<semaphore_mem>>) src(%arg18 : memref<16x128xf32, #tpu.memory_space<vmem>>) dst(%dma_wait3A_83 : memref<10000x128xf32, #tpu.memory_space<vmem_shared>>)
      tpu.yield
    }) : () -> ()
    %barrier3A_67 = arith.constant 0 : index
    tpu.barrier barrier_id(%barrier3A_67)
    %lt3A_68 = arith.constant 15 : i32
    %lt3A_69 = arith.cmpi slt, %arg1, %lt3A_68 : i32
    %convert_element_type3A_70 = arith.extui %lt3A_69 : i1 to i32
    %cond3A_71 = arith.constant 0 : i32
    %cond3A_72 = arith.cmpi ne, %convert_element_type3A_70, %cond3A_71 : i32
    scf.if %cond3A_72 {
      "tpu.region"() ({
        %run_scoped3A = tpu.sem_alloc : memref<!tpu.dma_semaphore, #tpu.memory_space<semaphore_mem>>
        %dma_start3A_78 = arith.constant 0 : i32
        %dma_start3A_79 = tpu.memref_slice %arg6[%arg0, %multiple_of3A_3, %dma_start3A_78] : memref<2x10000x128xf32, #tpu.memory_space<hbm>> -> memref<1x640x128xf32, #tpu.memory_space<hbm>>
        %dma_start3A_80 = tpu.memref_squeeze %dma_start3A_79 : memref<1x640x128xf32, #tpu.memory_space<hbm>> -> memref<640x128xf32, #tpu.memory_space<hbm>>
        %dma_start3A_81 = arith.constant 0 : i32
        %dma_start3A_82 = tpu.memref_slice %arg20[%multiple_of3A_3, %dma_start3A_81] : memref<10000x128xf32, #tpu.memory_space<vmem_shared>> -> memref<640x128xf32, #tpu.memory_space<vmem_shared>>
        tpu.enqueue_dma source(%dma_start3A_82 : memref<640x128xf32, #tpu.memory_space<vmem_shared>>) target(%dma_start3A_80 : memref<640x128xf32, #tpu.memory_space<hbm>>) target_semaphore(%run_scoped3A : memref<!tpu.dma_semaphore, #tpu.memory_space<semaphore_mem>>)
        %dma_wait3A_83 = arith.constant 0 : i32
        %dma_wait3A_84 = tpu.memref_slice %arg6[%arg0, %multiple_of3A_3, %dma_wait3A_83] : memref<2x10000x128xf32, #tpu.memory_space<hbm>> -> memref<1x640x128xf32, #tpu.memory_space<hbm>>
        %dma_wait3A_85 = tpu.memref_squeeze %dma_wait3A_84 : memref<1x640x128xf32, #tpu.memory_space<hbm>> -> memref<640x128xf32, #tpu.memory_space<hbm>>
        %dma_wait3A_86 = arith.constant 0 : i32
        %dma_wait3A_87 = tpu.memref_slice %arg20[%multiple_of3A_3, %dma_wait3A_86] : memref<10000x128xf32, #tpu.memory_space<vmem_shared>> -> memref<640x128xf32, #tpu.memory_space<vmem_shared>>
        tpu.wait_dma2 semaphore(%run_scoped3A : memref<!tpu.dma_semaphore, #tpu.memory_space<semaphore_mem>>) src(%dma_wait3A_87 : memref<640x128xf32, #tpu.memory_space<vmem_shared>>) dst(%dma_wait3A_85 : memref<640x128xf32, #tpu.memory_space<hbm>>)
        tpu.yield
      }) : () -> ()
    } else {
    }
    %eq3A_73 = arith.constant 15 : i32
    %eq3A_74 = arith.cmpi eq, %arg1, %eq3A_73 : i32
    %convert_element_type3A_75 = arith.extui %eq3A_74 : i1 to i32
    %cond3A_76 = arith.constant 0 : i32
    %cond3A_77 = arith.cmpi ne, %convert_element_type3A_75, %cond3A_76 : i32
    scf.if %cond3A_77 {
      "tpu.region"() ({
        %run_scoped3A = tpu.sem_alloc : memref<!tpu.dma_semaphore, #tpu.memory_space<semaphore_mem>>
        %dma_start3A_78 = arith.constant 0 : i32
        %dma_start3A_79 = tpu.memref_slice %arg6[%arg0, %multiple_of3A_3, %dma_start3A_78] : memref<2x10000x128xf32, #tpu.memory_space<hbm>> -> memref<1x400x128xf32, #tpu.memory_space<hbm>>
        %dma_start3A_80 = tpu.memref_squeeze %dma_start3A_79 : memref<1x400x128xf32, #tpu.memory_space<hbm>> -> memref<400x128xf32, #tpu.memory_space<hbm>>
        %dma_start3A_81 = arith.constant 0 : i32
        %dma_start3A_82 = tpu.memref_slice %arg20[%multiple_of3A_3, %dma_start3A_81] : memref<10000x128xf32, #tpu.memory_space<vmem_shared>> -> memref<400x128xf32, #tpu.memory_space<vmem_shared>>
        tpu.enqueue_dma source(%dma_start3A_82 : memref<400x128xf32, #tpu.memory_space<vmem_shared>>) target(%dma_start3A_80 : memref<400x128xf32, #tpu.memory_space<hbm>>) target_semaphore(%run_scoped3A : memref<!tpu.dma_semaphore, #tpu.memory_space<semaphore_mem>>)
        %dma_wait3A_83 = arith.constant 0 : i32
        %dma_wait3A_84 = tpu.memref_slice %arg6[%arg0, %multiple_of3A_3, %dma_wait3A_83] : memref<2x10000x128xf32, #tpu.memory_space<hbm>> -> memref<1x400x128xf32, #tpu.memory_space<hbm>>
        %dma_wait3A_85 = tpu.memref_squeeze %dma_wait3A_84 : memref<1x400x128xf32, #tpu.memory_space<hbm>> -> memref<400x128xf32, #tpu.memory_space<hbm>>
        %dma_wait3A_86 = arith.constant 0 : i32
        %dma_wait3A_87 = tpu.memref_slice %arg20[%multiple_of3A_3, %dma_wait3A_86] : memref<10000x128xf32, #tpu.memory_space<vmem_shared>> -> memref<400x128xf32, #tpu.memory_space<vmem_shared>>
        tpu.wait_dma2 semaphore(%run_scoped3A : memref<!tpu.dma_semaphore, #tpu.memory_space<semaphore_mem>>) src(%dma_wait3A_87 : memref<400x128xf32, #tpu.memory_space<vmem_shared>>) dst(%dma_wait3A_85 : memref<400x128xf32, #tpu.memory_space<hbm>>)
        tpu.yield
      }) : () -> ()
    } else {
    }
    return
  }
}

#map = affine_map<(d0, d1) -> (0, 0)>
#map1 = affine_map<(d0, d1) -> (0)>
#map2 = affine_map<(d0, d1) -> (0, 0, 0)>
module attributes {stable_mosaic.version = 14 : i64} {
  func.func @_edge_b_body(%arg0: i32, %arg1: i32, %arg2: memref<20000x128xf32, #tpu.memory_space<hbm>>, %arg3: memref<160000xi32, #tpu.memory_space<hbm>>, %arg4: memref<160000xf32, #tpu.memory_space<hbm>>, %arg5: memref<10000xf32, #tpu.memory_space<hbm>>, %arg6: memref<2x10000x128xf32, #tpu.memory_space<hbm>>, %arg7: memref<10000xf32, #tpu.memory_space<vmem>>, %arg8: memref<10000xi32, #tpu.memory_space<vmem>>, %arg9: memref<10000xf32, #tpu.memory_space<vmem>>, %arg10: memref<64xi32, #tpu.memory_space<vmem>>, %arg11: memref<64xi32, #tpu.memory_space<vmem>>, %arg12: memref<64xi32, #tpu.memory_space<vmem>>, %arg13: memref<64xi32, #tpu.memory_space<vmem>>, %arg14: memref<16xi32, #tpu.memory_space<vmem>>, %arg15: memref<16xi32, #tpu.memory_space<vmem>>, %arg16: memref<64x128xf32, #tpu.memory_space<vmem>>, %arg17: memref<64x128xf32, #tpu.memory_space<vmem>>, %arg18: memref<16x128xf32, #tpu.memory_space<vmem>>, %arg19: memref<!tpu.dma_semaphore, #tpu.memory_space<semaphore_mem>>, %arg20: memref<10000x128xf32, #tpu.memory_space<vmem_shared>>) attributes {dimension_semantics = [#tpu.dimension_semantics<core_parallel>, #tpu.dimension_semantics<subcore_parallel>], iteration_bounds = array<i64: 2, 16>, scalar_prefetch = 0 : i64, scratch_operands = 14 : i64, tpu.core_type = #tpu.core_type<sc_vector_subcore>, window_params = [{transform_indices = #map}, {transform_indices = #map1}, {transform_indices = #map1}, {transform_indices = #map1}, {transform_indices = #map2}]} {
    %mul3A = arith.constant 10000 : i32
    %mul3A_0 = arith.muli %arg1, %mul3A : i32
    %multiple_of3A = tpu.assume_multiple %mul3A_0, 8 : i32
    %mul3A_1 = arith.constant 640 : i32
    %mul3A_2 = arith.muli %arg1, %mul3A_1 : i32
    %multiple_of3A_3 = tpu.assume_multiple %mul3A_2, 8 : i32
    "tpu.region"() ({
      %run_scoped3A = tpu.sem_alloc : memref<!tpu.dma_semaphore, #tpu.memory_space<semaphore_mem>>
      %dma_start3A_78 = tpu.memref_slice %arg3[%multiple_of3A] : memref<160000xi32, #tpu.memory_space<hbm>> -> memref<10000xi32, #tpu.memory_space<hbm>>
      %dma_start3A_79 = tpu.memref_slice %arg3[%multiple_of3A] : memref<160000xi32, #tpu.memory_space<hbm>> -> memref<10000xi32, #tpu.memory_space<hbm>>
      tpu.enqueue_dma source(%dma_start3A_79 : memref<10000xi32, #tpu.memory_space<hbm>>) target(%arg8 : memref<10000xi32, #tpu.memory_space<vmem>>) target_semaphore(%run_scoped3A : memref<!tpu.dma_semaphore, #tpu.memory_space<semaphore_mem>>)
      %dma_wait3A_80 = tpu.memref_slice %arg3[%multiple_of3A] : memref<160000xi32, #tpu.memory_space<hbm>> -> memref<10000xi32, #tpu.memory_space<hbm>>
      %dma_wait3A_81 = tpu.memref_slice %arg3[%multiple_of3A] : memref<160000xi32, #tpu.memory_space<hbm>> -> memref<10000xi32, #tpu.memory_space<hbm>>
      tpu.wait_dma2 semaphore(%run_scoped3A : memref<!tpu.dma_semaphore, #tpu.memory_space<semaphore_mem>>) src(%dma_wait3A_81 : memref<10000xi32, #tpu.memory_space<hbm>>) dst(%arg8 : memref<10000xi32, #tpu.memory_space<vmem>>)
      tpu.yield
    }) : () -> ()
    "tpu.region"() ({
      %run_scoped3A = tpu.sem_alloc : memref<!tpu.dma_semaphore, #tpu.memory_space<semaphore_mem>>
      %dma_start3A_78 = tpu.memref_slice %arg4[%multiple_of3A] : memref<160000xf32, #tpu.memory_space<hbm>> -> memref<10000xf32, #tpu.memory_space<hbm>>
      %dma_start3A_79 = tpu.memref_slice %arg4[%multiple_of3A] : memref<160000xf32, #tpu.memory_space<hbm>> -> memref<10000xf32, #tpu.memory_space<hbm>>
      tpu.enqueue_dma source(%dma_start3A_79 : memref<10000xf32, #tpu.memory_space<hbm>>) target(%arg9 : memref<10000xf32, #tpu.memory_space<vmem>>) target_semaphore(%run_scoped3A : memref<!tpu.dma_semaphore, #tpu.memory_space<semaphore_mem>>)
      %dma_wait3A_80 = tpu.memref_slice %arg4[%multiple_of3A] : memref<160000xf32, #tpu.memory_space<hbm>> -> memref<10000xf32, #tpu.memory_space<hbm>>
      %dma_wait3A_81 = tpu.memref_slice %arg4[%multiple_of3A] : memref<160000xf32, #tpu.memory_space<hbm>> -> memref<10000xf32, #tpu.memory_space<hbm>>
      tpu.wait_dma2 semaphore(%run_scoped3A : memref<!tpu.dma_semaphore, #tpu.memory_space<semaphore_mem>>) src(%dma_wait3A_81 : memref<10000xf32, #tpu.memory_space<hbm>>) dst(%arg9 : memref<10000xf32, #tpu.memory_space<vmem>>)
      tpu.yield
    }) : () -> ()
    "tpu.region"() ({
      %run_scoped3A = tpu.sem_alloc : memref<!tpu.dma_semaphore, #tpu.memory_space<semaphore_mem>>
      tpu.enqueue_dma source(%arg5 : memref<10000xf32, #tpu.memory_space<hbm>>) target(%arg7 : memref<10000xf32, #tpu.memory_space<vmem>>) target_semaphore(%run_scoped3A : memref<!tpu.dma_semaphore, #tpu.memory_space<semaphore_mem>>)
      tpu.wait_dma2 semaphore(%run_scoped3A : memref<!tpu.dma_semaphore, #tpu.memory_space<semaphore_mem>>) src(%arg5 : memref<10000xf32, #tpu.memory_space<hbm>>) dst(%arg7 : memref<10000xf32, #tpu.memory_space<vmem>>)
      tpu.yield
    }) : () -> ()
    %broadcast_in_dim3A = arith.constant 0.000000e+00 : f32
    %broadcast_in_dim3A_4 = vector.broadcast %broadcast_in_dim3A : f32 to vector<16xf32>
    %scan3A = arith.constant 0 : i32
    %scan3A_5 = arith.constant 0 : i32
    %scan3A_6 = arith.constant 64 : i32
    %scan3A_7 = arith.addi %scan3A_5, %scan3A_6 : i32
    %scan3A_8 = arith.constant 1 : i32
    %scan3A_9 = scf.for %scan3A_78 = %scan3A_5 to %scan3A_7 step %scan3A_8 iter_args(%scan3A_79 = %scan3A) -> (i32)  : i32 {
      %swap3A_80 = arith.index_cast %scan3A_78 : i32 to index
      %swap3A_81 = arith.constant 0 : index
      %swap3A_82 = tpu.vector_load %arg16[%swap3A_80, %swap3A_81] {strides = array<i32>} : memref<64x128xf32, #tpu.memory_space<vmem>>, vector<16xf32>,
      tpu.vector_store %arg16[%swap3A_80, %swap3A_81], %broadcast_in_dim3A_4 {strides = array<i32>} : memref<64x128xf32, #tpu.memory_space<vmem>>, vector<16xf32>,
      %swap3A_83 = arith.index_cast %scan3A_78 : i32 to index
      %swap3A_84 = arith.constant 16 : index
      %swap3A_85 = tpu.vector_load %arg16[%swap3A_83, %swap3A_84] {strides = array<i32>} : memref<64x128xf32, #tpu.memory_space<vmem>>, vector<16xf32>,
      tpu.vector_store %arg16[%swap3A_83, %swap3A_84], %broadcast_in_dim3A_4 {strides = array<i32>} : memref<64x128xf32, #tpu.memory_space<vmem>>, vector<16xf32>,
      %swap3A_86 = arith.index_cast %scan3A_78 : i32 to index
      %swap3A_87 = arith.constant 32 : index
      %swap3A_88 = tpu.vector_load %arg16[%swap3A_86, %swap3A_87] {strides = array<i32>} : memref<64x128xf32, #tpu.memory_space<vmem>>, vector<16xf32>,
      tpu.vector_store %arg16[%swap3A_86, %swap3A_87], %broadcast_in_dim3A_4 {strides = array<i32>} : memref<64x128xf32, #tpu.memory_space<vmem>>, vector<16xf32>,
      %swap3A_89 = arith.index_cast %scan3A_78 : i32 to index
      %swap3A_90 = arith.constant 48 : index
      %swap3A_91 = tpu.vector_load %arg16[%swap3A_89, %swap3A_90] {strides = array<i32>} : memref<64x128xf32, #tpu.memory_space<vmem>>, vector<16xf32>,
      tpu.vector_store %arg16[%swap3A_89, %swap3A_90], %broadcast_in_dim3A_4 {strides = array<i32>} : memref<64x128xf32, #tpu.memory_space<vmem>>, vector<16xf32>,
      %swap3A_92 = arith.index_cast %scan3A_78 : i32 to index
      %swap3A_93 = arith.constant 64 : index
      %swap3A_94 = tpu.vector_load %arg16[%swap3A_92, %swap3A_93] {strides = array<i32>} : memref<64x128xf32, #tpu.memory_space<vmem>>, vector<16xf32>,
      tpu.vector_store %arg16[%swap3A_92, %swap3A_93], %broadcast_in_dim3A_4 {strides = array<i32>} : memref<64x128xf32, #tpu.memory_space<vmem>>, vector<16xf32>,
      %swap3A_95 = arith.index_cast %scan3A_78 : i32 to index
      %swap3A_96 = arith.constant 80 : index
      %swap3A_97 = tpu.vector_load %arg16[%swap3A_95, %swap3A_96] {strides = array<i32>} : memref<64x128xf32, #tpu.memory_space<vmem>>, vector<16xf32>,
      tpu.vector_store %arg16[%swap3A_95, %swap3A_96], %broadcast_in_dim3A_4 {strides = array<i32>} : memref<64x128xf32, #tpu.memory_space<vmem>>, vector<16xf32>,
      %swap3A_98 = arith.index_cast %scan3A_78 : i32 to index
      %swap3A_99 = arith.constant 96 : index
      %swap3A_100 = tpu.vector_load %arg16[%swap3A_98, %swap3A_99] {strides = array<i32>} : memref<64x128xf32, #tpu.memory_space<vmem>>, vector<16xf32>,
      tpu.vector_store %arg16[%swap3A_98, %swap3A_99], %broadcast_in_dim3A_4 {strides = array<i32>} : memref<64x128xf32, #tpu.memory_space<vmem>>, vector<16xf32>,
      %swap3A_101 = arith.index_cast %scan3A_78 : i32 to index
      %swap3A_102 = arith.constant 112 : index
      %swap3A_103 = tpu.vector_load %arg16[%swap3A_101, %swap3A_102] {strides = array<i32>} : memref<64x128xf32, #tpu.memory_space<vmem>>, vector<16xf32>,
      tpu.vector_store %arg16[%swap3A_101, %swap3A_102], %broadcast_in_dim3A_4 {strides = array<i32>} : memref<64x128xf32, #tpu.memory_space<vmem>>, vector<16xf32>,
      %scan3A_104 = arith.constant 0 : i32
      scf.yield %scan3A_104 : i32
    }
    %scan3A_10 = arith.constant 64 : i32
    %lt3A = arith.constant 15 : i32
    %lt3A_11 = arith.cmpi slt, %arg1, %lt3A : i32
    %convert_element_type3A = arith.extui %lt3A_11 : i1 to i32
    %cond3A = arith.constant 0 : i32
    %cond3A_12 = arith.cmpi ne, %convert_element_type3A, %cond3A : i32
    scf.if %cond3A_12 {
      %add3A_78 = arith.constant 0 : i32
      %add3A_79 = arith.addi %multiple_of3A_3, %add3A_78 : i32
      "tpu.region"() ({
        %run_scoped3A = tpu.sem_alloc : memref<!tpu.dma_semaphore, #tpu.memory_space<semaphore_mem>>
        %dma_start3A_98 = arith.constant 0 : i32
        %dma_start3A_99 = tpu.memref_slice %arg20[%add3A_79, %dma_start3A_98] : memref<10000x128xf32, #tpu.memory_space<vmem_shared>> -> memref<64x128xf32, #tpu.memory_space<vmem_shared>>
        %dma_start3A_100 = arith.constant 0 : i32
        %dma_start3A_101 = tpu.memref_slice %arg20[%add3A_79, %dma_start3A_100] : memref<10000x128xf32, #tpu.memory_space<vmem_shared>> -> memref<64x128xf32, #tpu.memory_space<vmem_shared>>
        tpu.enqueue_dma source(%arg16 : memref<64x128xf32, #tpu.memory_space<vmem>>) target(%dma_start3A_101 : memref<64x128xf32, #tpu.memory_space<vmem_shared>>) target_semaphore(%run_scoped3A : memref<!tpu.dma_semaphore, #tpu.memory_space<semaphore_mem>>)
        %dma_wait3A_102 = arith.constant 0 : i32
        %dma_wait3A_103 = tpu.memref_slice %arg20[%add3A_79, %dma_wait3A_102] : memref<10000x128xf32, #tpu.memory_space<vmem_shared>> -> memref<64x128xf32, #tpu.memory_space<vmem_shared>>
        %dma_wait3A_104 = arith.constant 0 : i32
        %dma_wait3A_105 = tpu.memref_slice %arg20[%add3A_79, %dma_wait3A_104] : memref<10000x128xf32, #tpu.memory_space<vmem_shared>> -> memref<64x128xf32, #tpu.memory_space<vmem_shared>>
        tpu.wait_dma2 semaphore(%run_scoped3A : memref<!tpu.dma_semaphore, #tpu.memory_space<semaphore_mem>>) src(%arg16 : memref<64x128xf32, #tpu.memory_space<vmem>>) dst(%dma_wait3A_105 : memref<64x128xf32, #tpu.memory_space<vmem_shared>>)
        tpu.yield
      }) : () -> ()
      %add3A_80 = arith.constant 64 : i32
      %add3A_81 = arith.addi %multiple_of3A_3, %add3A_80 : i32
      "tpu.region"() ({
        %run_scoped3A = tpu.sem_alloc : memref<!tpu.dma_semaphore, #tpu.memory_space<semaphore_mem>>
        %dma_start3A_98 = arith.constant 0 : i32
        %dma_start3A_99 = tpu.memref_slice %arg20[%add3A_81, %dma_start3A_98] : memref<10000x128xf32, #tpu.memory_space<vmem_shared>> -> memref<64x128xf32, #tpu.memory_space<vmem_shared>>
        %dma_start3A_100 = arith.constant 0 : i32
        %dma_start3A_101 = tpu.memref_slice %arg20[%add3A_81, %dma_start3A_100] : memref<10000x128xf32, #tpu.memory_space<vmem_shared>> -> memref<64x128xf32, #tpu.memory_space<vmem_shared>>
        tpu.enqueue_dma source(%arg16 : memref<64x128xf32, #tpu.memory_space<vmem>>) target(%dma_start3A_101 : memref<64x128xf32, #tpu.memory_space<vmem_shared>>) target_semaphore(%run_scoped3A : memref<!tpu.dma_semaphore, #tpu.memory_space<semaphore_mem>>)
        %dma_wait3A_102 = arith.constant 0 : i32
        %dma_wait3A_103 = tpu.memref_slice %arg20[%add3A_81, %dma_wait3A_102] : memref<10000x128xf32, #tpu.memory_space<vmem_shared>> -> memref<64x128xf32, #tpu.memory_space<vmem_shared>>
        %dma_wait3A_104 = arith.constant 0 : i32
        %dma_wait3A_105 = tpu.memref_slice %arg20[%add3A_81, %dma_wait3A_104] : memref<10000x128xf32, #tpu.memory_space<vmem_shared>> -> memref<64x128xf32, #tpu.memory_space<vmem_shared>>
        tpu.wait_dma2 semaphore(%run_scoped3A : memref<!tpu.dma_semaphore, #tpu.memory_space<semaphore_mem>>) src(%arg16 : memref<64x128xf32, #tpu.memory_space<vmem>>) dst(%dma_wait3A_105 : memref<64x128xf32, #tpu.memory_space<vmem_shared>>)
        tpu.yield
      }) : () -> ()
      %add3A_82 = arith.constant 128 : i32
      %add3A_83 = arith.addi %multiple_of3A_3, %add3A_82 : i32
      "tpu.region"() ({
        %run_scoped3A = tpu.sem_alloc : memref<!tpu.dma_semaphore, #tpu.memory_space<semaphore_mem>>
        %dma_start3A_98 = arith.constant 0 : i32
        %dma_start3A_99 = tpu.memref_slice %arg20[%add3A_83, %dma_start3A_98] : memref<10000x128xf32, #tpu.memory_space<vmem_shared>> -> memref<64x128xf32, #tpu.memory_space<vmem_shared>>
        %dma_start3A_100 = arith.constant 0 : i32
        %dma_start3A_101 = tpu.memref_slice %arg20[%add3A_83, %dma_start3A_100] : memref<10000x128xf32, #tpu.memory_space<vmem_shared>> -> memref<64x128xf32, #tpu.memory_space<vmem_shared>>
        tpu.enqueue_dma source(%arg16 : memref<64x128xf32, #tpu.memory_space<vmem>>) target(%dma_start3A_101 : memref<64x128xf32, #tpu.memory_space<vmem_shared>>) target_semaphore(%run_scoped3A : memref<!tpu.dma_semaphore, #tpu.memory_space<semaphore_mem>>)
        %dma_wait3A_102 = arith.constant 0 : i32
        %dma_wait3A_103 = tpu.memref_slice %arg20[%add3A_83, %dma_wait3A_102] : memref<10000x128xf32, #tpu.memory_space<vmem_shared>> -> memref<64x128xf32, #tpu.memory_space<vmem_shared>>
        %dma_wait3A_104 = arith.constant 0 : i32
        %dma_wait3A_105 = tpu.memref_slice %arg20[%add3A_83, %dma_wait3A_104] : memref<10000x128xf32, #tpu.memory_space<vmem_shared>> -> memref<64x128xf32, #tpu.memory_space<vmem_shared>>
        tpu.wait_dma2 semaphore(%run_scoped3A : memref<!tpu.dma_semaphore, #tpu.memory_space<semaphore_mem>>) src(%arg16 : memref<64x128xf32, #tpu.memory_space<vmem>>) dst(%dma_wait3A_105 : memref<64x128xf32, #tpu.memory_space<vmem_shared>>)
        tpu.yield
      }) : () -> ()
      %add3A_84 = arith.constant 192 : i32
      %add3A_85 = arith.addi %multiple_of3A_3, %add3A_84 : i32
      "tpu.region"() ({
        %run_scoped3A = tpu.sem_alloc : memref<!tpu.dma_semaphore, #tpu.memory_space<semaphore_mem>>
        %dma_start3A_98 = arith.constant 0 : i32
        %dma_start3A_99 = tpu.memref_slice %arg20[%add3A_85, %dma_start3A_98] : memref<10000x128xf32, #tpu.memory_space<vmem_shared>> -> memref<64x128xf32, #tpu.memory_space<vmem_shared>>
        %dma_start3A_100 = arith.constant 0 : i32
        %dma_start3A_101 = tpu.memref_slice %arg20[%add3A_85, %dma_start3A_100] : memref<10000x128xf32, #tpu.memory_space<vmem_shared>> -> memref<64x128xf32, #tpu.memory_space<vmem_shared>>
        tpu.enqueue_dma source(%arg16 : memref<64x128xf32, #tpu.memory_space<vmem>>) target(%dma_start3A_101 : memref<64x128xf32, #tpu.memory_space<vmem_shared>>) target_semaphore(%run_scoped3A : memref<!tpu.dma_semaphore, #tpu.memory_space<semaphore_mem>>)
        %dma_wait3A_102 = arith.constant 0 : i32
        %dma_wait3A_103 = tpu.memref_slice %arg20[%add3A_85, %dma_wait3A_102] : memref<10000x128xf32, #tpu.memory_space<vmem_shared>> -> memref<64x128xf32, #tpu.memory_space<vmem_shared>>
        %dma_wait3A_104 = arith.constant 0 : i32
        %dma_wait3A_105 = tpu.memref_slice %arg20[%add3A_85, %dma_wait3A_104] : memref<10000x128xf32, #tpu.memory_space<vmem_shared>> -> memref<64x128xf32, #tpu.memory_space<vmem_shared>>
        tpu.wait_dma2 semaphore(%run_scoped3A : memref<!tpu.dma_semaphore, #tpu.memory_space<semaphore_mem>>) src(%arg16 : memref<64x128xf32, #tpu.memory_space<vmem>>) dst(%dma_wait3A_105 : memref<64x128xf32, #tpu.memory_space<vmem_shared>>)
        tpu.yield
      }) : () -> ()
      %add3A_86 = arith.constant 256 : i32
      %add3A_87 = arith.addi %multiple_of3A_3, %add3A_86 : i32
      "tpu.region"() ({
        %run_scoped3A = tpu.sem_alloc : memref<!tpu.dma_semaphore, #tpu.memory_space<semaphore_mem>>
        %dma_start3A_98 = arith.constant 0 : i32
        %dma_start3A_99 = tpu.memref_slice %arg20[%add3A_87, %dma_start3A_98] : memref<10000x128xf32, #tpu.memory_space<vmem_shared>> -> memref<64x128xf32, #tpu.memory_space<vmem_shared>>
        %dma_start3A_100 = arith.constant 0 : i32
        %dma_start3A_101 = tpu.memref_slice %arg20[%add3A_87, %dma_start3A_100] : memref<10000x128xf32, #tpu.memory_space<vmem_shared>> -> memref<64x128xf32, #tpu.memory_space<vmem_shared>>
        tpu.enqueue_dma source(%arg16 : memref<64x128xf32, #tpu.memory_space<vmem>>) target(%dma_start3A_101 : memref<64x128xf32, #tpu.memory_space<vmem_shared>>) target_semaphore(%run_scoped3A : memref<!tpu.dma_semaphore, #tpu.memory_space<semaphore_mem>>)
        %dma_wait3A_102 = arith.constant 0 : i32
        %dma_wait3A_103 = tpu.memref_slice %arg20[%add3A_87, %dma_wait3A_102] : memref<10000x128xf32, #tpu.memory_space<vmem_shared>> -> memref<64x128xf32, #tpu.memory_space<vmem_shared>>
        %dma_wait3A_104 = arith.constant 0 : i32
        %dma_wait3A_105 = tpu.memref_slice %arg20[%add3A_87, %dma_wait3A_104] : memref<10000x128xf32, #tpu.memory_space<vmem_shared>> -> memref<64x128xf32, #tpu.memory_space<vmem_shared>>
        tpu.wait_dma2 semaphore(%run_scoped3A : memref<!tpu.dma_semaphore, #tpu.memory_space<semaphore_mem>>) src(%arg16 : memref<64x128xf32, #tpu.memory_space<vmem>>) dst(%dma_wait3A_105 : memref<64x128xf32, #tpu.memory_space<vmem_shared>>)
        tpu.yield
      }) : () -> ()
      %add3A_88 = arith.constant 320 : i32
      %add3A_89 = arith.addi %multiple_of3A_3, %add3A_88 : i32
      "tpu.region"() ({
        %run_scoped3A = tpu.sem_alloc : memref<!tpu.dma_semaphore, #tpu.memory_space<semaphore_mem>>
        %dma_start3A_98 = arith.constant 0 : i32
        %dma_start3A_99 = tpu.memref_slice %arg20[%add3A_89, %dma_start3A_98] : memref<10000x128xf32, #tpu.memory_space<vmem_shared>> -> memref<64x128xf32, #tpu.memory_space<vmem_shared>>
        %dma_start3A_100 = arith.constant 0 : i32
        %dma_start3A_101 = tpu.memref_slice %arg20[%add3A_89, %dma_start3A_100] : memref<10000x128xf32, #tpu.memory_space<vmem_shared>> -> memref<64x128xf32, #tpu.memory_space<vmem_shared>>
        tpu.enqueue_dma source(%arg16 : memref<64x128xf32, #tpu.memory_space<vmem>>) target(%dma_start3A_101 : memref<64x128xf32, #tpu.memory_space<vmem_shared>>) target_semaphore(%run_scoped3A : memref<!tpu.dma_semaphore, #tpu.memory_space<semaphore_mem>>)
        %dma_wait3A_102 = arith.constant 0 : i32
        %dma_wait3A_103 = tpu.memref_slice %arg20[%add3A_89, %dma_wait3A_102] : memref<10000x128xf32, #tpu.memory_space<vmem_shared>> -> memref<64x128xf32, #tpu.memory_space<vmem_shared>>
        %dma_wait3A_104 = arith.constant 0 : i32
        %dma_wait3A_105 = tpu.memref_slice %arg20[%add3A_89, %dma_wait3A_104] : memref<10000x128xf32, #tpu.memory_space<vmem_shared>> -> memref<64x128xf32, #tpu.memory_space<vmem_shared>>
        tpu.wait_dma2 semaphore(%run_scoped3A : memref<!tpu.dma_semaphore, #tpu.memory_space<semaphore_mem>>) src(%arg16 : memref<64x128xf32, #tpu.memory_space<vmem>>) dst(%dma_wait3A_105 : memref<64x128xf32, #tpu.memory_space<vmem_shared>>)
        tpu.yield
      }) : () -> ()
      %add3A_90 = arith.constant 384 : i32
      %add3A_91 = arith.addi %multiple_of3A_3, %add3A_90 : i32
      "tpu.region"() ({
        %run_scoped3A = tpu.sem_alloc : memref<!tpu.dma_semaphore, #tpu.memory_space<semaphore_mem>>
        %dma_start3A_98 = arith.constant 0 : i32
        %dma_start3A_99 = tpu.memref_slice %arg20[%add3A_91, %dma_start3A_98] : memref<10000x128xf32, #tpu.memory_space<vmem_shared>> -> memref<64x128xf32, #tpu.memory_space<vmem_shared>>
        %dma_start3A_100 = arith.constant 0 : i32
        %dma_start3A_101 = tpu.memref_slice %arg20[%add3A_91, %dma_start3A_100] : memref<10000x128xf32, #tpu.memory_space<vmem_shared>> -> memref<64x128xf32, #tpu.memory_space<vmem_shared>>
        tpu.enqueue_dma source(%arg16 : memref<64x128xf32, #tpu.memory_space<vmem>>) target(%dma_start3A_101 : memref<64x128xf32, #tpu.memory_space<vmem_shared>>) target_semaphore(%run_scoped3A : memref<!tpu.dma_semaphore, #tpu.memory_space<semaphore_mem>>)
        %dma_wait3A_102 = arith.constant 0 : i32
        %dma_wait3A_103 = tpu.memref_slice %arg20[%add3A_91, %dma_wait3A_102] : memref<10000x128xf32, #tpu.memory_space<vmem_shared>> -> memref<64x128xf32, #tpu.memory_space<vmem_shared>>
        %dma_wait3A_104 = arith.constant 0 : i32
        %dma_wait3A_105 = tpu.memref_slice %arg20[%add3A_91, %dma_wait3A_104] : memref<10000x128xf32, #tpu.memory_space<vmem_shared>> -> memref<64x128xf32, #tpu.memory_space<vmem_shared>>
        tpu.wait_dma2 semaphore(%run_scoped3A : memref<!tpu.dma_semaphore, #tpu.memory_space<semaphore_mem>>) src(%arg16 : memref<64x128xf32, #tpu.memory_space<vmem>>) dst(%dma_wait3A_105 : memref<64x128xf32, #tpu.memory_space<vmem_shared>>)
        tpu.yield
      }) : () -> ()
      %add3A_92 = arith.constant 448 : i32
      %add3A_93 = arith.addi %multiple_of3A_3, %add3A_92 : i32
      "tpu.region"() ({
        %run_scoped3A = tpu.sem_alloc : memref<!tpu.dma_semaphore, #tpu.memory_space<semaphore_mem>>
        %dma_start3A_98 = arith.constant 0 : i32
        %dma_start3A_99 = tpu.memref_slice %arg20[%add3A_93, %dma_start3A_98] : memref<10000x128xf32, #tpu.memory_space<vmem_shared>> -> memref<64x128xf32, #tpu.memory_space<vmem_shared>>
        %dma_start3A_100 = arith.constant 0 : i32
        %dma_start3A_101 = tpu.memref_slice %arg20[%add3A_93, %dma_start3A_100] : memref<10000x128xf32, #tpu.memory_space<vmem_shared>> -> memref<64x128xf32, #tpu.memory_space<vmem_shared>>
        tpu.enqueue_dma source(%arg16 : memref<64x128xf32, #tpu.memory_space<vmem>>) target(%dma_start3A_101 : memref<64x128xf32, #tpu.memory_space<vmem_shared>>) target_semaphore(%run_scoped3A : memref<!tpu.dma_semaphore, #tpu.memory_space<semaphore_mem>>)
        %dma_wait3A_102 = arith.constant 0 : i32
        %dma_wait3A_103 = tpu.memref_slice %arg20[%add3A_93, %dma_wait3A_102] : memref<10000x128xf32, #tpu.memory_space<vmem_shared>> -> memref<64x128xf32, #tpu.memory_space<vmem_shared>>
        %dma_wait3A_104 = arith.constant 0 : i32
        %dma_wait3A_105 = tpu.memref_slice %arg20[%add3A_93, %dma_wait3A_104] : memref<10000x128xf32, #tpu.memory_space<vmem_shared>> -> memref<64x128xf32, #tpu.memory_space<vmem_shared>>
        tpu.wait_dma2 semaphore(%run_scoped3A : memref<!tpu.dma_semaphore, #tpu.memory_space<semaphore_mem>>) src(%arg16 : memref<64x128xf32, #tpu.memory_space<vmem>>) dst(%dma_wait3A_105 : memref<64x128xf32, #tpu.memory_space<vmem_shared>>)
        tpu.yield
      }) : () -> ()
      %add3A_94 = arith.constant 512 : i32
      %add3A_95 = arith.addi %multiple_of3A_3, %add3A_94 : i32
      "tpu.region"() ({
        %run_scoped3A = tpu.sem_alloc : memref<!tpu.dma_semaphore, #tpu.memory_space<semaphore_mem>>
        %dma_start3A_98 = arith.constant 0 : i32
        %dma_start3A_99 = tpu.memref_slice %arg20[%add3A_95, %dma_start3A_98] : memref<10000x128xf32, #tpu.memory_space<vmem_shared>> -> memref<64x128xf32, #tpu.memory_space<vmem_shared>>
        %dma_start3A_100 = arith.constant 0 : i32
        %dma_start3A_101 = tpu.memref_slice %arg20[%add3A_95, %dma_start3A_100] : memref<10000x128xf32, #tpu.memory_space<vmem_shared>> -> memref<64x128xf32, #tpu.memory_space<vmem_shared>>
        tpu.enqueue_dma source(%arg16 : memref<64x128xf32, #tpu.memory_space<vmem>>) target(%dma_start3A_101 : memref<64x128xf32, #tpu.memory_space<vmem_shared>>) target_semaphore(%run_scoped3A : memref<!tpu.dma_semaphore, #tpu.memory_space<semaphore_mem>>)
        %dma_wait3A_102 = arith.constant 0 : i32
        %dma_wait3A_103 = tpu.memref_slice %arg20[%add3A_95, %dma_wait3A_102] : memref<10000x128xf32, #tpu.memory_space<vmem_shared>> -> memref<64x128xf32, #tpu.memory_space<vmem_shared>>
        %dma_wait3A_104 = arith.constant 0 : i32
        %dma_wait3A_105 = tpu.memref_slice %arg20[%add3A_95, %dma_wait3A_104] : memref<10000x128xf32, #tpu.memory_space<vmem_shared>> -> memref<64x128xf32, #tpu.memory_space<vmem_shared>>
        tpu.wait_dma2 semaphore(%run_scoped3A : memref<!tpu.dma_semaphore, #tpu.memory_space<semaphore_mem>>) src(%arg16 : memref<64x128xf32, #tpu.memory_space<vmem>>) dst(%dma_wait3A_105 : memref<64x128xf32, #tpu.memory_space<vmem_shared>>)
        tpu.yield
      }) : () -> ()
      %add3A_96 = arith.constant 576 : i32
      %add3A_97 = arith.addi %multiple_of3A_3, %add3A_96 : i32
      "tpu.region"() ({
        %run_scoped3A = tpu.sem_alloc : memref<!tpu.dma_semaphore, #tpu.memory_space<semaphore_mem>>
        %dma_start3A_98 = arith.constant 0 : i32
        %dma_start3A_99 = tpu.memref_slice %arg20[%add3A_97, %dma_start3A_98] : memref<10000x128xf32, #tpu.memory_space<vmem_shared>> -> memref<64x128xf32, #tpu.memory_space<vmem_shared>>
        %dma_start3A_100 = arith.constant 0 : i32
        %dma_start3A_101 = tpu.memref_slice %arg20[%add3A_97, %dma_start3A_100] : memref<10000x128xf32, #tpu.memory_space<vmem_shared>> -> memref<64x128xf32, #tpu.memory_space<vmem_shared>>
        tpu.enqueue_dma source(%arg16 : memref<64x128xf32, #tpu.memory_space<vmem>>) target(%dma_start3A_101 : memref<64x128xf32, #tpu.memory_space<vmem_shared>>) target_semaphore(%run_scoped3A : memref<!tpu.dma_semaphore, #tpu.memory_space<semaphore_mem>>)
        %dma_wait3A_102 = arith.constant 0 : i32
        %dma_wait3A_103 = tpu.memref_slice %arg20[%add3A_97, %dma_wait3A_102] : memref<10000x128xf32, #tpu.memory_space<vmem_shared>> -> memref<64x128xf32, #tpu.memory_space<vmem_shared>>
        %dma_wait3A_104 = arith.constant 0 : i32
        %dma_wait3A_105 = tpu.memref_slice %arg20[%add3A_97, %dma_wait3A_104] : memref<10000x128xf32, #tpu.memory_space<vmem_shared>> -> memref<64x128xf32, #tpu.memory_space<vmem_shared>>
        tpu.wait_dma2 semaphore(%run_scoped3A : memref<!tpu.dma_semaphore, #tpu.memory_space<semaphore_mem>>) src(%arg16 : memref<64x128xf32, #tpu.memory_space<vmem>>) dst(%dma_wait3A_105 : memref<64x128xf32, #tpu.memory_space<vmem_shared>>)
        tpu.yield
      }) : () -> ()
    } else {
    }
    %eq3A = arith.constant 15 : i32
    %eq3A_13 = arith.cmpi eq, %arg1, %eq3A : i32
    %convert_element_type3A_14 = arith.extui %eq3A_13 : i1 to i32
    %cond3A_15 = arith.constant 0 : i32
    %cond3A_16 = arith.cmpi ne, %convert_element_type3A_14, %cond3A_15 : i32
    scf.if %cond3A_16 {
      %add3A_78 = arith.constant 0 : i32
      %add3A_79 = arith.addi %multiple_of3A_3, %add3A_78 : i32
      "tpu.region"() ({
        %run_scoped3A = tpu.sem_alloc : memref<!tpu.dma_semaphore, #tpu.memory_space<semaphore_mem>>
        %dma_start3A_92 = arith.constant 0 : i32
        %dma_start3A_93 = tpu.memref_slice %arg20[%add3A_79, %dma_start3A_92] : memref<10000x128xf32, #tpu.memory_space<vmem_shared>> -> memref<64x128xf32, #tpu.memory_space<vmem_shared>>
        %dma_start3A_94 = arith.constant 0 : i32
        %dma_start3A_95 = tpu.memref_slice %arg20[%add3A_79, %dma_start3A_94] : memref<10000x128xf32, #tpu.memory_space<vmem_shared>> -> memref<64x128xf32, #tpu.memory_space<vmem_shared>>
        tpu.enqueue_dma source(%arg16 : memref<64x128xf32, #tpu.memory_space<vmem>>) target(%dma_start3A_95 : memref<64x128xf32, #tpu.memory_space<vmem_shared>>) target_semaphore(%run_scoped3A : memref<!tpu.dma_semaphore, #tpu.memory_space<semaphore_mem>>)
        %dma_wait3A_96 = arith.constant 0 : i32
        %dma_wait3A_97 = tpu.memref_slice %arg20[%add3A_79, %dma_wait3A_96] : memref<10000x128xf32, #tpu.memory_space<vmem_shared>> -> memref<64x128xf32, #tpu.memory_space<vmem_shared>>
        %dma_wait3A_98 = arith.constant 0 : i32
        %dma_wait3A_99 = tpu.memref_slice %arg20[%add3A_79, %dma_wait3A_98] : memref<10000x128xf32, #tpu.memory_space<vmem_shared>> -> memref<64x128xf32, #tpu.memory_space<vmem_shared>>
        tpu.wait_dma2 semaphore(%run_scoped3A : memref<!tpu.dma_semaphore, #tpu.memory_space<semaphore_mem>>) src(%arg16 : memref<64x128xf32, #tpu.memory_space<vmem>>) dst(%dma_wait3A_99 : memref<64x128xf32, #tpu.memory_space<vmem_shared>>)
        tpu.yield
      }) : () -> ()
      %add3A_80 = arith.constant 64 : i32
      %add3A_81 = arith.addi %multiple_of3A_3, %add3A_80 : i32
      "tpu.region"() ({
        %run_scoped3A = tpu.sem_alloc : memref<!tpu.dma_semaphore, #tpu.memory_space<semaphore_mem>>
        %dma_start3A_92 = arith.constant 0 : i32
        %dma_start3A_93 = tpu.memref_slice %arg20[%add3A_81, %dma_start3A_92] : memref<10000x128xf32, #tpu.memory_space<vmem_shared>> -> memref<64x128xf32, #tpu.memory_space<vmem_shared>>
        %dma_start3A_94 = arith.constant 0 : i32
        %dma_start3A_95 = tpu.memref_slice %arg20[%add3A_81, %dma_start3A_94] : memref<10000x128xf32, #tpu.memory_space<vmem_shared>> -> memref<64x128xf32, #tpu.memory_space<vmem_shared>>
        tpu.enqueue_dma source(%arg16 : memref<64x128xf32, #tpu.memory_space<vmem>>) target(%dma_start3A_95 : memref<64x128xf32, #tpu.memory_space<vmem_shared>>) target_semaphore(%run_scoped3A : memref<!tpu.dma_semaphore, #tpu.memory_space<semaphore_mem>>)
        %dma_wait3A_96 = arith.constant 0 : i32
        %dma_wait3A_97 = tpu.memref_slice %arg20[%add3A_81, %dma_wait3A_96] : memref<10000x128xf32, #tpu.memory_space<vmem_shared>> -> memref<64x128xf32, #tpu.memory_space<vmem_shared>>
        %dma_wait3A_98 = arith.constant 0 : i32
        %dma_wait3A_99 = tpu.memref_slice %arg20[%add3A_81, %dma_wait3A_98] : memref<10000x128xf32, #tpu.memory_space<vmem_shared>> -> memref<64x128xf32, #tpu.memory_space<vmem_shared>>
        tpu.wait_dma2 semaphore(%run_scoped3A : memref<!tpu.dma_semaphore, #tpu.memory_space<semaphore_mem>>) src(%arg16 : memref<64x128xf32, #tpu.memory_space<vmem>>) dst(%dma_wait3A_99 : memref<64x128xf32, #tpu.memory_space<vmem_shared>>)
        tpu.yield
      }) : () -> ()
      %add3A_82 = arith.constant 128 : i32
      %add3A_83 = arith.addi %multiple_of3A_3, %add3A_82 : i32
      "tpu.region"() ({
        %run_scoped3A = tpu.sem_alloc : memref<!tpu.dma_semaphore, #tpu.memory_space<semaphore_mem>>
        %dma_start3A_92 = arith.constant 0 : i32
        %dma_start3A_93 = tpu.memref_slice %arg20[%add3A_83, %dma_start3A_92] : memref<10000x128xf32, #tpu.memory_space<vmem_shared>> -> memref<64x128xf32, #tpu.memory_space<vmem_shared>>
        %dma_start3A_94 = arith.constant 0 : i32
        %dma_start3A_95 = tpu.memref_slice %arg20[%add3A_83, %dma_start3A_94] : memref<10000x128xf32, #tpu.memory_space<vmem_shared>> -> memref<64x128xf32, #tpu.memory_space<vmem_shared>>
        tpu.enqueue_dma source(%arg16 : memref<64x128xf32, #tpu.memory_space<vmem>>) target(%dma_start3A_95 : memref<64x128xf32, #tpu.memory_space<vmem_shared>>) target_semaphore(%run_scoped3A : memref<!tpu.dma_semaphore, #tpu.memory_space<semaphore_mem>>)
        %dma_wait3A_96 = arith.constant 0 : i32
        %dma_wait3A_97 = tpu.memref_slice %arg20[%add3A_83, %dma_wait3A_96] : memref<10000x128xf32, #tpu.memory_space<vmem_shared>> -> memref<64x128xf32, #tpu.memory_space<vmem_shared>>
        %dma_wait3A_98 = arith.constant 0 : i32
        %dma_wait3A_99 = tpu.memref_slice %arg20[%add3A_83, %dma_wait3A_98] : memref<10000x128xf32, #tpu.memory_space<vmem_shared>> -> memref<64x128xf32, #tpu.memory_space<vmem_shared>>
        tpu.wait_dma2 semaphore(%run_scoped3A : memref<!tpu.dma_semaphore, #tpu.memory_space<semaphore_mem>>) src(%arg16 : memref<64x128xf32, #tpu.memory_space<vmem>>) dst(%dma_wait3A_99 : memref<64x128xf32, #tpu.memory_space<vmem_shared>>)
        tpu.yield
      }) : () -> ()
      %add3A_84 = arith.constant 192 : i32
      %add3A_85 = arith.addi %multiple_of3A_3, %add3A_84 : i32
      "tpu.region"() ({
        %run_scoped3A = tpu.sem_alloc : memref<!tpu.dma_semaphore, #tpu.memory_space<semaphore_mem>>
        %dma_start3A_92 = arith.constant 0 : i32
        %dma_start3A_93 = tpu.memref_slice %arg20[%add3A_85, %dma_start3A_92] : memref<10000x128xf32, #tpu.memory_space<vmem_shared>> -> memref<64x128xf32, #tpu.memory_space<vmem_shared>>
        %dma_start3A_94 = arith.constant 0 : i32
        %dma_start3A_95 = tpu.memref_slice %arg20[%add3A_85, %dma_start3A_94] : memref<10000x128xf32, #tpu.memory_space<vmem_shared>> -> memref<64x128xf32, #tpu.memory_space<vmem_shared>>
        tpu.enqueue_dma source(%arg16 : memref<64x128xf32, #tpu.memory_space<vmem>>) target(%dma_start3A_95 : memref<64x128xf32, #tpu.memory_space<vmem_shared>>) target_semaphore(%run_scoped3A : memref<!tpu.dma_semaphore, #tpu.memory_space<semaphore_mem>>)
        %dma_wait3A_96 = arith.constant 0 : i32
        %dma_wait3A_97 = tpu.memref_slice %arg20[%add3A_85, %dma_wait3A_96] : memref<10000x128xf32, #tpu.memory_space<vmem_shared>> -> memref<64x128xf32, #tpu.memory_space<vmem_shared>>
        %dma_wait3A_98 = arith.constant 0 : i32
        %dma_wait3A_99 = tpu.memref_slice %arg20[%add3A_85, %dma_wait3A_98] : memref<10000x128xf32, #tpu.memory_space<vmem_shared>> -> memref<64x128xf32, #tpu.memory_space<vmem_shared>>
        tpu.wait_dma2 semaphore(%run_scoped3A : memref<!tpu.dma_semaphore, #tpu.memory_space<semaphore_mem>>) src(%arg16 : memref<64x128xf32, #tpu.memory_space<vmem>>) dst(%dma_wait3A_99 : memref<64x128xf32, #tpu.memory_space<vmem_shared>>)
        tpu.yield
      }) : () -> ()
      %add3A_86 = arith.constant 256 : i32
      %add3A_87 = arith.addi %multiple_of3A_3, %add3A_86 : i32
      "tpu.region"() ({
        %run_scoped3A = tpu.sem_alloc : memref<!tpu.dma_semaphore, #tpu.memory_space<semaphore_mem>>
        %dma_start3A_92 = arith.constant 0 : i32
        %dma_start3A_93 = tpu.memref_slice %arg20[%add3A_87, %dma_start3A_92] : memref<10000x128xf32, #tpu.memory_space<vmem_shared>> -> memref<64x128xf32, #tpu.memory_space<vmem_shared>>
        %dma_start3A_94 = arith.constant 0 : i32
        %dma_start3A_95 = tpu.memref_slice %arg20[%add3A_87, %dma_start3A_94] : memref<10000x128xf32, #tpu.memory_space<vmem_shared>> -> memref<64x128xf32, #tpu.memory_space<vmem_shared>>
        tpu.enqueue_dma source(%arg16 : memref<64x128xf32, #tpu.memory_space<vmem>>) target(%dma_start3A_95 : memref<64x128xf32, #tpu.memory_space<vmem_shared>>) target_semaphore(%run_scoped3A : memref<!tpu.dma_semaphore, #tpu.memory_space<semaphore_mem>>)
        %dma_wait3A_96 = arith.constant 0 : i32
        %dma_wait3A_97 = tpu.memref_slice %arg20[%add3A_87, %dma_wait3A_96] : memref<10000x128xf32, #tpu.memory_space<vmem_shared>> -> memref<64x128xf32, #tpu.memory_space<vmem_shared>>
        %dma_wait3A_98 = arith.constant 0 : i32
        %dma_wait3A_99 = tpu.memref_slice %arg20[%add3A_87, %dma_wait3A_98] : memref<10000x128xf32, #tpu.memory_space<vmem_shared>> -> memref<64x128xf32, #tpu.memory_space<vmem_shared>>
        tpu.wait_dma2 semaphore(%run_scoped3A : memref<!tpu.dma_semaphore, #tpu.memory_space<semaphore_mem>>) src(%arg16 : memref<64x128xf32, #tpu.memory_space<vmem>>) dst(%dma_wait3A_99 : memref<64x128xf32, #tpu.memory_space<vmem_shared>>)
        tpu.yield
      }) : () -> ()
      %add3A_88 = arith.constant 320 : i32
      %add3A_89 = arith.addi %multiple_of3A_3, %add3A_88 : i32
      "tpu.region"() ({
        %run_scoped3A = tpu.sem_alloc : memref<!tpu.dma_semaphore, #tpu.memory_space<semaphore_mem>>
        %dma_start3A_92 = arith.constant 0 : i32
        %dma_start3A_93 = tpu.memref_slice %arg20[%add3A_89, %dma_start3A_92] : memref<10000x128xf32, #tpu.memory_space<vmem_shared>> -> memref<64x128xf32, #tpu.memory_space<vmem_shared>>
        %dma_start3A_94 = arith.constant 0 : i32
        %dma_start3A_95 = tpu.memref_slice %arg20[%add3A_89, %dma_start3A_94] : memref<10000x128xf32, #tpu.memory_space<vmem_shared>> -> memref<64x128xf32, #tpu.memory_space<vmem_shared>>
        tpu.enqueue_dma source(%arg16 : memref<64x128xf32, #tpu.memory_space<vmem>>) target(%dma_start3A_95 : memref<64x128xf32, #tpu.memory_space<vmem_shared>>) target_semaphore(%run_scoped3A : memref<!tpu.dma_semaphore, #tpu.memory_space<semaphore_mem>>)
        %dma_wait3A_96 = arith.constant 0 : i32
        %dma_wait3A_97 = tpu.memref_slice %arg20[%add3A_89, %dma_wait3A_96] : memref<10000x128xf32, #tpu.memory_space<vmem_shared>> -> memref<64x128xf32, #tpu.memory_space<vmem_shared>>
        %dma_wait3A_98 = arith.constant 0 : i32
        %dma_wait3A_99 = tpu.memref_slice %arg20[%add3A_89, %dma_wait3A_98] : memref<10000x128xf32, #tpu.memory_space<vmem_shared>> -> memref<64x128xf32, #tpu.memory_space<vmem_shared>>
        tpu.wait_dma2 semaphore(%run_scoped3A : memref<!tpu.dma_semaphore, #tpu.memory_space<semaphore_mem>>) src(%arg16 : memref<64x128xf32, #tpu.memory_space<vmem>>) dst(%dma_wait3A_99 : memref<64x128xf32, #tpu.memory_space<vmem_shared>>)
        tpu.yield
      }) : () -> ()
      %add3A_90 = arith.constant 384 : i32
      %add3A_91 = arith.addi %multiple_of3A_3, %add3A_90 : i32
      "tpu.region"() ({
        %run_scoped3A = tpu.sem_alloc : memref<!tpu.dma_semaphore, #tpu.memory_space<semaphore_mem>>
        %dma_start3A_92 = arith.constant 0 : i32
        %dma_start3A_93 = arith.constant 0 : i32
        %dma_start3A_94 = tpu.memref_slice %arg16[%dma_start3A_92, %dma_start3A_93] : memref<64x128xf32, #tpu.memory_space<vmem>> -> memref<16x128xf32, #tpu.memory_space<vmem>>
        %dma_start3A_95 = arith.constant 0 : i32
        %dma_start3A_96 = tpu.memref_slice %arg20[%add3A_91, %dma_start3A_95] : memref<10000x128xf32, #tpu.memory_space<vmem_shared>> -> memref<16x128xf32, #tpu.memory_space<vmem_shared>>
        %dma_start3A_97 = arith.constant 0 : i32
        %dma_start3A_98 = tpu.memref_slice %arg20[%add3A_91, %dma_start3A_97] : memref<10000x128xf32, #tpu.memory_space<vmem_shared>> -> memref<16x128xf32, #tpu.memory_space<vmem_shared>>
        %dma_start3A_99 = arith.constant 0 : i32
        %dma_start3A_100 = arith.constant 0 : i32
        %dma_start3A_101 = tpu.memref_slice %arg16[%dma_start3A_99, %dma_start3A_100] : memref<64x128xf32, #tpu.memory_space<vmem>> -> memref<16x128xf32, #tpu.memory_space<vmem>>
        tpu.enqueue_dma source(%dma_start3A_101 : memref<16x128xf32, #tpu.memory_space<vmem>>) target(%dma_start3A_98 : memref<16x128xf32, #tpu.memory_space<vmem_shared>>) target_semaphore(%run_scoped3A : memref<!tpu.dma_semaphore, #tpu.memory_space<semaphore_mem>>)
        %dma_wait3A_102 = arith.constant 0 : i32
        %dma_wait3A_103 = arith.constant 0 : i32
        %dma_wait3A_104 = tpu.memref_slice %arg16[%dma_wait3A_102, %dma_wait3A_103] : memref<64x128xf32, #tpu.memory_space<vmem>> -> memref<16x128xf32, #tpu.memory_space<vmem>>
        %dma_wait3A_105 = arith.constant 0 : i32
        %dma_wait3A_106 = tpu.memref_slice %arg20[%add3A_91, %dma_wait3A_105] : memref<10000x128xf32, #tpu.memory_space<vmem_shared>> -> memref<16x128xf32, #tpu.memory_space<vmem_shared>>
        %dma_wait3A_107 = arith.constant 0 : i32
        %dma_wait3A_108 = tpu.memref_slice %arg20[%add3A_91, %dma_wait3A_107] : memref<10000x128xf32, #tpu.memory_space<vmem_shared>> -> memref<16x128xf32, #tpu.memory_space<vmem_shared>>
        %dma_wait3A_109 = arith.constant 0 : i32
        %dma_wait3A_110 = arith.constant 0 : i32
        %dma_wait3A_111 = tpu.memref_slice %arg16[%dma_wait3A_109, %dma_wait3A_110] : memref<64x128xf32, #tpu.memory_space<vmem>> -> memref<16x128xf32, #tpu.memory_space<vmem>>
        tpu.wait_dma2 semaphore(%run_scoped3A : memref<!tpu.dma_semaphore, #tpu.memory_space<semaphore_mem>>) src(%dma_wait3A_111 : memref<16x128xf32, #tpu.memory_space<vmem>>) dst(%dma_wait3A_108 : memref<16x128xf32, #tpu.memory_space<vmem_shared>>)
        tpu.yield
      }) : () -> ()
    } else {
    }
    %barrier3A = arith.constant 0 : index
    tpu.barrier barrier_id(%barrier3A)
    %mul3A_17 = arith.constant 10000 : i32
    %mul3A_18 = arith.muli %arg0, %mul3A_17 : i32
    %broadcast_in_dim3A_19 = vector.broadcast %mul3A_18 : i32 to vector<16xi32>
    %scan3A_20 = arith.constant 0 : i32
    %scan3A_21 = arith.constant 0 : i32
    %scan3A_22 = arith.constant 4 : i32
    %scan3A_23 = arith.addi %scan3A_21, %scan3A_22 : i32
    %scan3A_24 = arith.constant 1 : i32
    %scan3A_25 = scf.for %scan3A_78 = %scan3A_21 to %scan3A_23 step %scan3A_24 iter_args(%scan3A_79 = %scan3A_20) -> (i32)  : i32 {
      %mul3A_80 = arith.constant 16 : i32
      %mul3A_81 = arith.muli %scan3A_78, %mul3A_80 : i32
      %add3A_82 = arith.constant 0 : i32
      %add3A_83 = arith.addi %add3A_82, %mul3A_81 : i32
      %get3A_84 = arith.index_cast %add3A_83 : i32 to index
      %get3A_85 = tpu.vector_load %arg8[%get3A_84] {strides = array<i32>} : memref<10000xi32, #tpu.memory_space<vmem>>, vector<16xi32>,
      %and3A_86 = arith.constant 65535 : i32
      %and3A_87 = vector.broadcast %and3A_86 : i32 to vector<16xi32>
      %and3A_88 = arith.andi %get3A_85, %and3A_87 : vector<16xi32>
      %shift_right_arithmetic3A_89 = arith.constant 16 : i32
      %shift_right_arithmetic3A_90 = vector.broadcast %shift_right_arithmetic3A_89 : i32 to vector<16xi32>
      %shift_right_arithmetic3A_91 = arith.shrsi %get3A_85, %shift_right_arithmetic3A_90 : vector<16xi32>
      %add3A_92 = arith.addi %shift_right_arithmetic3A_91, %broadcast_in_dim3A_19 : vector<16xi32>
      %mul3A_93 = arith.constant 16 : i32
      %mul3A_94 = arith.muli %scan3A_78, %mul3A_93 : i32
      %swap3A_95 = arith.index_cast %mul3A_94 : i32 to index
      %swap3A_96 = tpu.vector_load %arg10[%swap3A_95] {strides = array<i32>} : memref<64xi32, #tpu.memory_space<vmem>>, vector<16xi32>,
      tpu.vector_store %arg10[%swap3A_95], %add3A_92 {strides = array<i32>} : memref<64xi32, #tpu.memory_space<vmem>>, vector<16xi32>,
      %mul3A_97 = arith.constant 16 : i32
      %mul3A_98 = arith.muli %scan3A_78, %mul3A_97 : i32
      %swap3A_99 = arith.index_cast %mul3A_98 : i32 to index
      %swap3A_100 = tpu.vector_load %arg12[%swap3A_99] {strides = array<i32>} : memref<64xi32, #tpu.memory_space<vmem>>, vector<16xi32>,
      tpu.vector_store %arg12[%swap3A_99], %and3A_88 {strides = array<i32>} : memref<64xi32, #tpu.memory_space<vmem>>, vector<16xi32>,
      %gather3A_101 = tpu.vector_load_idx %arg7[%and3A_88] : memref<10000xf32, #tpu.memory_space<vmem>>[vector<16xi32>], vector<16xf32>,
      %get3A_102 = arith.index_cast %add3A_83 : i32 to index
      %get3A_103 = tpu.vector_load %arg9[%get3A_102] {strides = array<i32>} : memref<10000xf32, #tpu.memory_space<vmem>>, vector<16xf32>,
      %add3A_104 = arith.constant 1.000000e-16 : f32
      %add3A_105 = vector.broadcast %add3A_104 : f32 to vector<16xf32>
      %add3A_106 = arith.addf %gather3A_101, %add3A_105 : vector<16xf32>
      %div3A_107 = arith.divf %get3A_103, %add3A_106 : vector<16xf32>
      %swap3A_108 = arith.index_cast %add3A_83 : i32 to index
      %swap3A_109 = tpu.vector_load %arg9[%swap3A_108] {strides = array<i32>} : memref<10000xf32, #tpu.memory_space<vmem>>, vector<16xf32>,
      tpu.vector_store %arg9[%swap3A_108], %div3A_107 {strides = array<i32>} : memref<10000xf32, #tpu.memory_space<vmem>>, vector<16xf32>,
      %scan3A_110 = arith.constant 0 : i32
      scf.yield %scan3A_110 : i32
    }
    %scan3A_26 = arith.constant 4 : i32
    %scan3A_27 = arith.constant 0 : i32
    %scan3A_28 = arith.constant 0 : i32
    %scan3A_29 = arith.constant 78 : i32
    %scan3A_30 = arith.addi %scan3A_28, %scan3A_29 : i32
    %scan3A_31 = arith.constant 1 : i32
    %scan3A_32 = scf.for %scan3A_78 = %scan3A_28 to %scan3A_30 step %scan3A_31 iter_args(%scan3A_79 = %scan3A_27) -> (i32)  : i32 {
      %dma_start3A_80 = arith.constant 0 : i32
      %dma_start3A_81 = arith.constant 0 : i32
      %dma_start3A_82 = tpu.memref_slice %arg2[%dma_start3A_80, %dma_start3A_81] : memref<20000x128xf32, #tpu.memory_space<hbm>> -> memref<20000x128xf32, #tpu.memory_space<hbm>>
      tpu.enqueue_indirect_dma source(%dma_start3A_82 : memref<20000x128xf32, #tpu.memory_space<hbm>>) target(%arg16 : memref<64x128xf32, #tpu.memory_space<vmem>>) offsets(%arg10 : memref<64xi32, #tpu.memory_space<vmem>>) semaphore(%arg19 : memref<!tpu.dma_semaphore, #tpu.memory_space<semaphore_mem>>)
      %gt3A = arith.constant 0 : i32
      %gt3A_83 = arith.cmpi sgt, %scan3A_78, %gt3A : i32
      %convert_element_type3A_84 = arith.extui %gt3A_83 : i1 to i32
      %cond3A_85 = arith.constant 0 : i32
      %cond3A_86 = arith.cmpi ne, %convert_element_type3A_84, %cond3A_85 : i32
      scf.if %cond3A_86 {
        %mul3A_122 = arith.constant 2 : i32
        %mul3A_123 = arith.muli %mul3A_122, %scan3A_78 : i32
        %sub3A = arith.constant 1 : i32
        %sub3A_124 = arith.subi %mul3A_123, %sub3A : i32
        %scan3A_125 = arith.constant 0 : i32
        %scan3A_126 = arith.constant 0 : i32
        %scan3A_127 = arith.constant 32 : i32
        %scan3A_128 = arith.addi %scan3A_126, %scan3A_127 : i32
        %scan3A_129 = arith.constant 1 : i32
        %scan3A_130 = scf.for %scan3A_132 = %scan3A_126 to %scan3A_128 step %scan3A_129 iter_args(%scan3A_133 = %scan3A_125) -> (i32)  : i32 {
          %mul3A_134 = arith.constant 2 : i32
          %mul3A_135 = arith.muli %scan3A_132, %mul3A_134 : i32
          %add3A_136 = arith.constant 0 : i32
          %add3A_137 = arith.addi %mul3A_135, %add3A_136 : i32
          %mul3A_138 = arith.constant 64 : i32
          %mul3A_139 = arith.muli %sub3A_124, %mul3A_138 : i32
          %add3A_140 = arith.addi %mul3A_139, %add3A_137 : i32
          %broadcast_in_dim3A_141 = vector.broadcast %add3A_140 : i32 to vector<16xi32>
          %gather3A_142 = tpu.vector_load_idx %arg9[%broadcast_in_dim3A_141] : memref<10000xf32, #tpu.memory_space<vmem>>[vector<16xi32>], vector<16xf32>,
          %get3A_143 = arith.index_cast %add3A_137 : i32 to index
          %get3A_144 = arith.constant 0 : index
          %get3A_145 = tpu.vector_load %arg17[%get3A_143, %get3A_144] {strides = array<i32>} : memref<64x128xf32, #tpu.memory_space<vmem>>, vector<16xf32>,
          %mul3A_146 = arith.mulf %get3A_145, %gather3A_142 : vector<16xf32>
          %swap3A_147 = arith.index_cast %add3A_137 : i32 to index
          %swap3A_148 = arith.constant 0 : index
          %swap3A_149 = tpu.vector_load %arg17[%swap3A_147, %swap3A_148] {strides = array<i32>} : memref<64x128xf32, #tpu.memory_space<vmem>>, vector<16xf32>,
          tpu.vector_store %arg17[%swap3A_147, %swap3A_148], %mul3A_146 {strides = array<i32>} : memref<64x128xf32, #tpu.memory_space<vmem>>, vector<16xf32>,
          %get3A_150 = arith.index_cast %add3A_137 : i32 to index
          %get3A_151 = arith.constant 16 : index
          %get3A_152 = tpu.vector_load %arg17[%get3A_150, %get3A_151] {strides = array<i32>} : memref<64x128xf32, #tpu.memory_space<vmem>>, vector<16xf32>,
          %mul3A_153 = arith.mulf %get3A_152, %gather3A_142 : vector<16xf32>
          %swap3A_154 = arith.index_cast %add3A_137 : i32 to index
          %swap3A_155 = arith.constant 16 : index
          %swap3A_156 = tpu.vector_load %arg17[%swap3A_154, %swap3A_155] {strides = array<i32>} : memref<64x128xf32, #tpu.memory_space<vmem>>, vector<16xf32>,
          tpu.vector_store %arg17[%swap3A_154, %swap3A_155], %mul3A_153 {strides = array<i32>} : memref<64x128xf32, #tpu.memory_space<vmem>>, vector<16xf32>,
          %get3A_157 = arith.index_cast %add3A_137 : i32 to index
          %get3A_158 = arith.constant 32 : index
          %get3A_159 = tpu.vector_load %arg17[%get3A_157, %get3A_158] {strides = array<i32>} : memref<64x128xf32, #tpu.memory_space<vmem>>, vector<16xf32>,
          %mul3A_160 = arith.mulf %get3A_159, %gather3A_142 : vector<16xf32>
          %swap3A_161 = arith.index_cast %add3A_137 : i32 to index
          %swap3A_162 = arith.constant 32 : index
          %swap3A_163 = tpu.vector_load %arg17[%swap3A_161, %swap3A_162] {strides = array<i32>} : memref<64x128xf32, #tpu.memory_space<vmem>>, vector<16xf32>,
          tpu.vector_store %arg17[%swap3A_161, %swap3A_162], %mul3A_160 {strides = array<i32>} : memref<64x128xf32, #tpu.memory_space<vmem>>, vector<16xf32>,
          %get3A_164 = arith.index_cast %add3A_137 : i32 to index
          %get3A_165 = arith.constant 48 : index
          %get3A_166 = tpu.vector_load %arg17[%get3A_164, %get3A_165] {strides = array<i32>} : memref<64x128xf32, #tpu.memory_space<vmem>>, vector<16xf32>,
          %mul3A_167 = arith.mulf %get3A_166, %gather3A_142 : vector<16xf32>
          %swap3A_168 = arith.index_cast %add3A_137 : i32 to index
          %swap3A_169 = arith.constant 48 : index
          %swap3A_170 = tpu.vector_load %arg17[%swap3A_168, %swap3A_169] {strides = array<i32>} : memref<64x128xf32, #tpu.memory_space<vmem>>, vector<16xf32>,
          tpu.vector_store %arg17[%swap3A_168, %swap3A_169], %mul3A_167 {strides = array<i32>} : memref<64x128xf32, #tpu.memory_space<vmem>>, vector<16xf32>,
          %get3A_171 = arith.index_cast %add3A_137 : i32 to index
          %get3A_172 = arith.constant 64 : index
          %get3A_173 = tpu.vector_load %arg17[%get3A_171, %get3A_172] {strides = array<i32>} : memref<64x128xf32, #tpu.memory_space<vmem>>, vector<16xf32>,
          %mul3A_174 = arith.mulf %get3A_173, %gather3A_142 : vector<16xf32>
          %swap3A_175 = arith.index_cast %add3A_137 : i32 to index
          %swap3A_176 = arith.constant 64 : index
          %swap3A_177 = tpu.vector_load %arg17[%swap3A_175, %swap3A_176] {strides = array<i32>} : memref<64x128xf32, #tpu.memory_space<vmem>>, vector<16xf32>,
          tpu.vector_store %arg17[%swap3A_175, %swap3A_176], %mul3A_174 {strides = array<i32>} : memref<64x128xf32, #tpu.memory_space<vmem>>, vector<16xf32>,
          %get3A_178 = arith.index_cast %add3A_137 : i32 to index
          %get3A_179 = arith.constant 80 : index
          %get3A_180 = tpu.vector_load %arg17[%get3A_178, %get3A_179] {strides = array<i32>} : memref<64x128xf32, #tpu.memory_space<vmem>>, vector<16xf32>,
          %mul3A_181 = arith.mulf %get3A_180, %gather3A_142 : vector<16xf32>
          %swap3A_182 = arith.index_cast %add3A_137 : i32 to index
          %swap3A_183 = arith.constant 80 : index
          %swap3A_184 = tpu.vector_load %arg17[%swap3A_182, %swap3A_183] {strides = array<i32>} : memref<64x128xf32, #tpu.memory_space<vmem>>, vector<16xf32>,
          tpu.vector_store %arg17[%swap3A_182, %swap3A_183], %mul3A_181 {strides = array<i32>} : memref<64x128xf32, #tpu.memory_space<vmem>>, vector<16xf32>,
          %get3A_185 = arith.index_cast %add3A_137 : i32 to index
          %get3A_186 = arith.constant 96 : index
          %get3A_187 = tpu.vector_load %arg17[%get3A_185, %get3A_186] {strides = array<i32>} : memref<64x128xf32, #tpu.memory_space<vmem>>, vector<16xf32>,
          %mul3A_188 = arith.mulf %get3A_187, %gather3A_142 : vector<16xf32>
          %swap3A_189 = arith.index_cast %add3A_137 : i32 to index
          %swap3A_190 = arith.constant 96 : index
          %swap3A_191 = tpu.vector_load %arg17[%swap3A_189, %swap3A_190] {strides = array<i32>} : memref<64x128xf32, #tpu.memory_space<vmem>>, vector<16xf32>,
          tpu.vector_store %arg17[%swap3A_189, %swap3A_190], %mul3A_188 {strides = array<i32>} : memref<64x128xf32, #tpu.memory_space<vmem>>, vector<16xf32>,
          %get3A_192 = arith.index_cast %add3A_137 : i32 to index
          %get3A_193 = arith.constant 112 : index
          %get3A_194 = tpu.vector_load %arg17[%get3A_192, %get3A_193] {strides = array<i32>} : memref<64x128xf32, #tpu.memory_space<vmem>>, vector<16xf32>,
          %mul3A_195 = arith.mulf %get3A_194, %gather3A_142 : vector<16xf32>
          %swap3A_196 = arith.index_cast %add3A_137 : i32 to index
          %swap3A_197 = arith.constant 112 : index
          %swap3A_198 = tpu.vector_load %arg17[%swap3A_196, %swap3A_197] {strides = array<i32>} : memref<64x128xf32, #tpu.memory_space<vmem>>, vector<16xf32>,
          tpu.vector_store %arg17[%swap3A_196, %swap3A_197], %mul3A_195 {strides = array<i32>} : memref<64x128xf32, #tpu.memory_space<vmem>>, vector<16xf32>,
          %mul3A_199 = arith.constant 2 : i32
          %mul3A_200 = arith.muli %scan3A_132, %mul3A_199 : i32
          %add3A_201 = arith.constant 1 : i32
          %add3A_202 = arith.addi %mul3A_200, %add3A_201 : i32
          %mul3A_203 = arith.constant 64 : i32
          %mul3A_204 = arith.muli %sub3A_124, %mul3A_203 : i32
          %add3A_205 = arith.addi %mul3A_204, %add3A_202 : i32
          %broadcast_in_dim3A_206 = vector.broadcast %add3A_205 : i32 to vector<16xi32>
          %gather3A_207 = tpu.vector_load_idx %arg9[%broadcast_in_dim3A_206] : memref<10000xf32, #tpu.memory_space<vmem>>[vector<16xi32>], vector<16xf32>,
          %get3A_208 = arith.index_cast %add3A_202 : i32 to index
          %get3A_209 = arith.constant 0 : index
          %get3A_210 = tpu.vector_load %arg17[%get3A_208, %get3A_209] {strides = array<i32>} : memref<64x128xf32, #tpu.memory_space<vmem>>, vector<16xf32>,
          %mul3A_211 = arith.mulf %get3A_210, %gather3A_207 : vector<16xf32>
          %swap3A_212 = arith.index_cast %add3A_202 : i32 to index
          %swap3A_213 = arith.constant 0 : index
          %swap3A_214 = tpu.vector_load %arg17[%swap3A_212, %swap3A_213] {strides = array<i32>} : memref<64x128xf32, #tpu.memory_space<vmem>>, vector<16xf32>,
          tpu.vector_store %arg17[%swap3A_212, %swap3A_213], %mul3A_211 {strides = array<i32>} : memref<64x128xf32, #tpu.memory_space<vmem>>, vector<16xf32>,
          %get3A_215 = arith.index_cast %add3A_202 : i32 to index
          %get3A_216 = arith.constant 16 : index
          %get3A_217 = tpu.vector_load %arg17[%get3A_215, %get3A_216] {strides = array<i32>} : memref<64x128xf32, #tpu.memory_space<vmem>>, vector<16xf32>,
          %mul3A_218 = arith.mulf %get3A_217, %gather3A_207 : vector<16xf32>
          %swap3A_219 = arith.index_cast %add3A_202 : i32 to index
          %swap3A_220 = arith.constant 16 : index
          %swap3A_221 = tpu.vector_load %arg17[%swap3A_219, %swap3A_220] {strides = array<i32>} : memref<64x128xf32, #tpu.memory_space<vmem>>, vector<16xf32>,
          tpu.vector_store %arg17[%swap3A_219, %swap3A_220], %mul3A_218 {strides = array<i32>} : memref<64x128xf32, #tpu.memory_space<vmem>>, vector<16xf32>,
          %get3A_222 = arith.index_cast %add3A_202 : i32 to index
          %get3A_223 = arith.constant 32 : index
          %get3A_224 = tpu.vector_load %arg17[%get3A_222, %get3A_223] {strides = array<i32>} : memref<64x128xf32, #tpu.memory_space<vmem>>, vector<16xf32>,
          %mul3A_225 = arith.mulf %get3A_224, %gather3A_207 : vector<16xf32>
          %swap3A_226 = arith.index_cast %add3A_202 : i32 to index
          %swap3A_227 = arith.constant 32 : index
          %swap3A_228 = tpu.vector_load %arg17[%swap3A_226, %swap3A_227] {strides = array<i32>} : memref<64x128xf32, #tpu.memory_space<vmem>>, vector<16xf32>,
          tpu.vector_store %arg17[%swap3A_226, %swap3A_227], %mul3A_225 {strides = array<i32>} : memref<64x128xf32, #tpu.memory_space<vmem>>, vector<16xf32>,
          %get3A_229 = arith.index_cast %add3A_202 : i32 to index
          %get3A_230 = arith.constant 48 : index
          %get3A_231 = tpu.vector_load %arg17[%get3A_229, %get3A_230] {strides = array<i32>} : memref<64x128xf32, #tpu.memory_space<vmem>>, vector<16xf32>,
          %mul3A_232 = arith.mulf %get3A_231, %gather3A_207 : vector<16xf32>
          %swap3A_233 = arith.index_cast %add3A_202 : i32 to index
          %swap3A_234 = arith.constant 48 : index
          %swap3A_235 = tpu.vector_load %arg17[%swap3A_233, %swap3A_234] {strides = array<i32>} : memref<64x128xf32, #tpu.memory_space<vmem>>, vector<16xf32>,
          tpu.vector_store %arg17[%swap3A_233, %swap3A_234], %mul3A_232 {strides = array<i32>} : memref<64x128xf32, #tpu.memory_space<vmem>>, vector<16xf32>,
          %get3A_236 = arith.index_cast %add3A_202 : i32 to index
          %get3A_237 = arith.constant 64 : index
          %get3A_238 = tpu.vector_load %arg17[%get3A_236, %get3A_237] {strides = array<i32>} : memref<64x128xf32, #tpu.memory_space<vmem>>, vector<16xf32>,
          %mul3A_239 = arith.mulf %get3A_238, %gather3A_207 : vector<16xf32>
          %swap3A_240 = arith.index_cast %add3A_202 : i32 to index
          %swap3A_241 = arith.constant 64 : index
          %swap3A_242 = tpu.vector_load %arg17[%swap3A_240, %swap3A_241] {strides = array<i32>} : memref<64x128xf32, #tpu.memory_space<vmem>>, vector<16xf32>,
          tpu.vector_store %arg17[%swap3A_240, %swap3A_241], %mul3A_239 {strides = array<i32>} : memref<64x128xf32, #tpu.memory_space<vmem>>, vector<16xf32>,
          %get3A_243 = arith.index_cast %add3A_202 : i32 to index
          %get3A_244 = arith.constant 80 : index
          %get3A_245 = tpu.vector_load %arg17[%get3A_243, %get3A_244] {strides = array<i32>} : memref<64x128xf32, #tpu.memory_space<vmem>>, vector<16xf32>,
          %mul3A_246 = arith.mulf %get3A_245, %gather3A_207 : vector<16xf32>
          %swap3A_247 = arith.index_cast %add3A_202 : i32 to index
          %swap3A_248 = arith.constant 80 : index
          %swap3A_249 = tpu.vector_load %arg17[%swap3A_247, %swap3A_248] {strides = array<i32>} : memref<64x128xf32, #tpu.memory_space<vmem>>, vector<16xf32>,
          tpu.vector_store %arg17[%swap3A_247, %swap3A_248], %mul3A_246 {strides = array<i32>} : memref<64x128xf32, #tpu.memory_space<vmem>>, vector<16xf32>,
          %get3A_250 = arith.index_cast %add3A_202 : i32 to index
          %get3A_251 = arith.constant 96 : index
          %get3A_252 = tpu.vector_load %arg17[%get3A_250, %get3A_251] {strides = array<i32>} : memref<64x128xf32, #tpu.memory_space<vmem>>, vector<16xf32>,
          %mul3A_253 = arith.mulf %get3A_252, %gather3A_207 : vector<16xf32>
          %swap3A_254 = arith.index_cast %add3A_202 : i32 to index
          %swap3A_255 = arith.constant 96 : index
          %swap3A_256 = tpu.vector_load %arg17[%swap3A_254, %swap3A_255] {strides = array<i32>} : memref<64x128xf32, #tpu.memory_space<vmem>>, vector<16xf32>,
          tpu.vector_store %arg17[%swap3A_254, %swap3A_255], %mul3A_253 {strides = array<i32>} : memref<64x128xf32, #tpu.memory_space<vmem>>, vector<16xf32>,
          %get3A_257 = arith.index_cast %add3A_202 : i32 to index
          %get3A_258 = arith.constant 112 : index
          %get3A_259 = tpu.vector_load %arg17[%get3A_257, %get3A_258] {strides = array<i32>} : memref<64x128xf32, #tpu.memory_space<vmem>>, vector<16xf32>,
          %mul3A_260 = arith.mulf %get3A_259, %gather3A_207 : vector<16xf32>
          %swap3A_261 = arith.index_cast %add3A_202 : i32 to index
          %swap3A_262 = arith.constant 112 : index
          %swap3A_263 = tpu.vector_load %arg17[%swap3A_261, %swap3A_262] {strides = array<i32>} : memref<64x128xf32, #tpu.memory_space<vmem>>, vector<16xf32>,
          tpu.vector_store %arg17[%swap3A_261, %swap3A_262], %mul3A_260 {strides = array<i32>} : memref<64x128xf32, #tpu.memory_space<vmem>>, vector<16xf32>,
          %scan3A_264 = arith.constant 0 : i32
          scf.yield %scan3A_264 : i32
        }
        %scan3A_131 = arith.constant 32 : i32
        "tpu.region"() ({
          %run_scoped3A = tpu.sem_alloc : memref<!tpu.dma_semaphore, #tpu.memory_space<semaphore_mem>>
          %dma_start3A_132 = arith.constant 0 : i32
          %dma_start3A_133 = arith.constant 0 : i32
          %dma_start3A_134 = tpu.memref_slice %arg20[%dma_start3A_132, %dma_start3A_133] : memref<10000x128xf32, #tpu.memory_space<vmem_shared>> -> memref<10000x128xf32, #tpu.memory_space<vmem_shared>>
          tpu.enqueue_indirect_dma source(%arg17 : memref<64x128xf32, #tpu.memory_space<vmem>>) target(%dma_start3A_134 : memref<10000x128xf32, #tpu.memory_space<vmem_shared>>) offsets(%arg13 : memref<64xi32, #tpu.memory_space<vmem>>) semaphore(%run_scoped3A : memref<!tpu.dma_semaphore, #tpu.memory_space<semaphore_mem>>) {add = true}
          %dma_wait3A_135 = arith.constant 0 : i32
          %dma_wait3A_136 = arith.constant 0 : i32
          %dma_wait3A_137 = tpu.memref_slice %arg20[%dma_wait3A_135, %dma_wait3A_136] : memref<10000x128xf32, #tpu.memory_space<vmem_shared>> -> memref<10000x128xf32, #tpu.memory_space<vmem_shared>>
          tpu.wait_indirect_dma semaphore(%run_scoped3A : memref<!tpu.dma_semaphore, #tpu.memory_space<semaphore_mem>>) src(%arg17 : memref<64x128xf32, #tpu.memory_space<vmem>>) dst(%dma_wait3A_137 : memref<10000x128xf32, #tpu.memory_space<vmem_shared>>)
          tpu.yield
        }) : () -> ()
      } else {
      }
      %mul3A_87 = arith.constant 2 : i32
      %mul3A_88 = arith.muli %mul3A_87, %scan3A_78 : i32
      %add3A_89 = arith.constant 1 : i32
      %add3A_90 = arith.addi %mul3A_88, %add3A_89 : i32
      %scan3A_91 = arith.constant 0 : i32
      %scan3A_92 = arith.constant 0 : i32
      %scan3A_93 = arith.constant 4 : i32
      %scan3A_94 = arith.addi %scan3A_92, %scan3A_93 : i32
      %scan3A_95 = arith.constant 1 : i32
      %scan3A_96 = scf.for %scan3A_122 = %scan3A_92 to %scan3A_94 step %scan3A_95 iter_args(%scan3A_123 = %scan3A_91) -> (i32)  : i32 {
        %mul3A_124 = arith.constant 64 : i32
        %mul3A_125 = arith.muli %add3A_90, %mul3A_124 : i32
        %mul3A_126 = arith.constant 16 : i32
        %mul3A_127 = arith.muli %scan3A_122, %mul3A_126 : i32
        %add3A_128 = arith.addi %mul3A_125, %mul3A_127 : i32
        %get3A_129 = arith.index_cast %add3A_128 : i32 to index
        %get3A_130 = tpu.vector_load %arg8[%get3A_129] {strides = array<i32>} : memref<10000xi32, #tpu.memory_space<vmem>>, vector<16xi32>,
        %and3A_131 = arith.constant 65535 : i32
        %and3A_132 = vector.broadcast %and3A_131 : i32 to vector<16xi32>
        %and3A_133 = arith.andi %get3A_130, %and3A_132 : vector<16xi32>
        %shift_right_arithmetic3A_134 = arith.constant 16 : i32
        %shift_right_arithmetic3A_135 = vector.broadcast %shift_right_arithmetic3A_134 : i32 to vector<16xi32>
        %shift_right_arithmetic3A_136 = arith.shrsi %get3A_130, %shift_right_arithmetic3A_135 : vector<16xi32>
        %add3A_137 = arith.addi %shift_right_arithmetic3A_136, %broadcast_in_dim3A_19 : vector<16xi32>
        %mul3A_138 = arith.constant 16 : i32
        %mul3A_139 = arith.muli %scan3A_122, %mul3A_138 : i32
        %swap3A_140 = arith.index_cast %mul3A_139 : i32 to index
        %swap3A_141 = tpu.vector_load %arg11[%swap3A_140] {strides = array<i32>} : memref<64xi32, #tpu.memory_space<vmem>>, vector<16xi32>,
        tpu.vector_store %arg11[%swap3A_140], %add3A_137 {strides = array<i32>} : memref<64xi32, #tpu.memory_space<vmem>>, vector<16xi32>,
        %mul3A_142 = arith.constant 16 : i32
        %mul3A_143 = arith.muli %scan3A_122, %mul3A_142 : i32
        %swap3A_144 = arith.index_cast %mul3A_143 : i32 to index
        %swap3A_145 = tpu.vector_load %arg13[%swap3A_144] {strides = array<i32>} : memref<64xi32, #tpu.memory_space<vmem>>, vector<16xi32>,
        tpu.vector_store %arg13[%swap3A_144], %and3A_133 {strides = array<i32>} : memref<64xi32, #tpu.memory_space<vmem>>, vector<16xi32>,
        %gather3A_146 = tpu.vector_load_idx %arg7[%and3A_133] : memref<10000xf32, #tpu.memory_space<vmem>>[vector<16xi32>], vector<16xf32>,
        %get3A_147 = arith.index_cast %add3A_128 : i32 to index
        %get3A_148 = tpu.vector_load %arg9[%get3A_147] {strides = array<i32>} : memref<10000xf32, #tpu.memory_space<vmem>>, vector<16xf32>,
        %add3A_149 = arith.constant 1.000000e-16 : f32
        %add3A_150 = vector.broadcast %add3A_149 : f32 to vector<16xf32>
        %add3A_151 = arith.addf %gather3A_146, %add3A_150 : vector<16xf32>
        %div3A_152 = arith.divf %get3A_148, %add3A_151 : vector<16xf32>
        %swap3A_153 = arith.index_cast %add3A_128 : i32 to index
        %swap3A_154 = tpu.vector_load %arg9[%swap3A_153] {strides = array<i32>} : memref<10000xf32, #tpu.memory_space<vmem>>, vector<16xf32>,
        tpu.vector_store %arg9[%swap3A_153], %div3A_152 {strides = array<i32>} : memref<10000xf32, #tpu.memory_space<vmem>>, vector<16xf32>,
        %scan3A_155 = arith.constant 0 : i32
        scf.yield %scan3A_155 : i32
      }
      %scan3A_97 = arith.constant 4 : i32
      %dma_wait3A_98 = arith.constant 0 : i32
      %dma_wait3A_99 = arith.constant 0 : i32
      %dma_wait3A_100 = tpu.memref_slice %arg2[%dma_wait3A_98, %dma_wait3A_99] : memref<20000x128xf32, #tpu.memory_space<hbm>> -> memref<20000x128xf32, #tpu.memory_space<hbm>>
      tpu.wait_indirect_dma semaphore(%arg19 : memref<!tpu.dma_semaphore, #tpu.memory_space<semaphore_mem>>) src(%dma_wait3A_100 : memref<20000x128xf32, #tpu.memory_space<hbm>>) dst(%arg16 : memref<64x128xf32, #tpu.memory_space<vmem>>)
      %dma_start3A_101 = arith.constant 0 : i32
      %dma_start3A_102 = arith.constant 0 : i32
      %dma_start3A_103 = tpu.memref_slice %arg2[%dma_start3A_101, %dma_start3A_102] : memref<20000x128xf32, #tpu.memory_space<hbm>> -> memref<20000x128xf32, #tpu.memory_space<hbm>>
      tpu.enqueue_indirect_dma source(%dma_start3A_103 : memref<20000x128xf32, #tpu.memory_space<hbm>>) target(%arg17 : memref<64x128xf32, #tpu.memory_space<vmem>>) offsets(%arg11 : memref<64xi32, #tpu.memory_space<vmem>>) semaphore(%arg19 : memref<!tpu.dma_semaphore, #tpu.memory_space<semaphore_mem>>)
      %mul3A_104 = arith.constant 2 : i32
      %mul3A_105 = arith.muli %mul3A_104, %scan3A_78 : i32
      %scan3A_106 = arith.constant 0 : i32
      %scan3A_107 = arith.constant 0 : i32
      %scan3A_108 = arith.constant 32 : i32
      %scan3A_109 = arith.addi %scan3A_107, %scan3A_108 : i32
      %scan3A_110 = arith.constant 1 : i32
      %scan3A_111 = scf.for %scan3A_122 = %scan3A_107 to %scan3A_109 step %scan3A_110 iter_args(%scan3A_123 = %scan3A_106) -> (i32)  : i32 {
        %mul3A_124 = arith.constant 2 : i32
        %mul3A_125 = arith.muli %scan3A_122, %mul3A_124 : i32
        %add3A_126 = arith.constant 0 : i32
        %add3A_127 = arith.addi %mul3A_125, %add3A_126 : i32
        %mul3A_128 = arith.constant 64 : i32
        %mul3A_129 = arith.muli %mul3A_105, %mul3A_128 : i32
        %add3A_130 = arith.addi %mul3A_129, %add3A_127 : i32
        %broadcast_in_dim3A_131 = vector.broadcast %add3A_130 : i32 to vector<16xi32>
        %gather3A_132 = tpu.vector_load_idx %arg9[%broadcast_in_dim3A_131] : memref<10000xf32, #tpu.memory_space<vmem>>[vector<16xi32>], vector<16xf32>,
        %get3A_133 = arith.index_cast %add3A_127 : i32 to index
        %get3A_134 = arith.constant 0 : index
        %get3A_135 = tpu.vector_load %arg16[%get3A_133, %get3A_134] {strides = array<i32>} : memref<64x128xf32, #tpu.memory_space<vmem>>, vector<16xf32>,
        %mul3A_136 = arith.mulf %get3A_135, %gather3A_132 : vector<16xf32>
        %swap3A_137 = arith.index_cast %add3A_127 : i32 to index
        %swap3A_138 = arith.constant 0 : index
        %swap3A_139 = tpu.vector_load %arg16[%swap3A_137, %swap3A_138] {strides = array<i32>} : memref<64x128xf32, #tpu.memory_space<vmem>>, vector<16xf32>,
        tpu.vector_store %arg16[%swap3A_137, %swap3A_138], %mul3A_136 {strides = array<i32>} : memref<64x128xf32, #tpu.memory_space<vmem>>, vector<16xf32>,
        %get3A_140 = arith.index_cast %add3A_127 : i32 to index
        %get3A_141 = arith.constant 16 : index
        %get3A_142 = tpu.vector_load %arg16[%get3A_140, %get3A_141] {strides = array<i32>} : memref<64x128xf32, #tpu.memory_space<vmem>>, vector<16xf32>,
        %mul3A_143 = arith.mulf %get3A_142, %gather3A_132 : vector<16xf32>
        %swap3A_144 = arith.index_cast %add3A_127 : i32 to index
        %swap3A_145 = arith.constant 16 : index
        %swap3A_146 = tpu.vector_load %arg16[%swap3A_144, %swap3A_145] {strides = array<i32>} : memref<64x128xf32, #tpu.memory_space<vmem>>, vector<16xf32>,
        tpu.vector_store %arg16[%swap3A_144, %swap3A_145], %mul3A_143 {strides = array<i32>} : memref<64x128xf32, #tpu.memory_space<vmem>>, vector<16xf32>,
        %get3A_147 = arith.index_cast %add3A_127 : i32 to index
        %get3A_148 = arith.constant 32 : index
        %get3A_149 = tpu.vector_load %arg16[%get3A_147, %get3A_148] {strides = array<i32>} : memref<64x128xf32, #tpu.memory_space<vmem>>, vector<16xf32>,
        %mul3A_150 = arith.mulf %get3A_149, %gather3A_132 : vector<16xf32>
        %swap3A_151 = arith.index_cast %add3A_127 : i32 to index
        %swap3A_152 = arith.constant 32 : index
        %swap3A_153 = tpu.vector_load %arg16[%swap3A_151, %swap3A_152] {strides = array<i32>} : memref<64x128xf32, #tpu.memory_space<vmem>>, vector<16xf32>,
        tpu.vector_store %arg16[%swap3A_151, %swap3A_152], %mul3A_150 {strides = array<i32>} : memref<64x128xf32, #tpu.memory_space<vmem>>, vector<16xf32>,
        %get3A_154 = arith.index_cast %add3A_127 : i32 to index
        %get3A_155 = arith.constant 48 : index
        %get3A_156 = tpu.vector_load %arg16[%get3A_154, %get3A_155] {strides = array<i32>} : memref<64x128xf32, #tpu.memory_space<vmem>>, vector<16xf32>,
        %mul3A_157 = arith.mulf %get3A_156, %gather3A_132 : vector<16xf32>
        %swap3A_158 = arith.index_cast %add3A_127 : i32 to index
        %swap3A_159 = arith.constant 48 : index
        %swap3A_160 = tpu.vector_load %arg16[%swap3A_158, %swap3A_159] {strides = array<i32>} : memref<64x128xf32, #tpu.memory_space<vmem>>, vector<16xf32>,
        tpu.vector_store %arg16[%swap3A_158, %swap3A_159], %mul3A_157 {strides = array<i32>} : memref<64x128xf32, #tpu.memory_space<vmem>>, vector<16xf32>,
        %get3A_161 = arith.index_cast %add3A_127 : i32 to index
        %get3A_162 = arith.constant 64 : index
        %get3A_163 = tpu.vector_load %arg16[%get3A_161, %get3A_162] {strides = array<i32>} : memref<64x128xf32, #tpu.memory_space<vmem>>, vector<16xf32>,
        %mul3A_164 = arith.mulf %get3A_163, %gather3A_132 : vector<16xf32>
        %swap3A_165 = arith.index_cast %add3A_127 : i32 to index
        %swap3A_166 = arith.constant 64 : index
        %swap3A_167 = tpu.vector_load %arg16[%swap3A_165, %swap3A_166] {strides = array<i32>} : memref<64x128xf32, #tpu.memory_space<vmem>>, vector<16xf32>,
        tpu.vector_store %arg16[%swap3A_165, %swap3A_166], %mul3A_164 {strides = array<i32>} : memref<64x128xf32, #tpu.memory_space<vmem>>, vector<16xf32>,
        %get3A_168 = arith.index_cast %add3A_127 : i32 to index
        %get3A_169 = arith.constant 80 : index
        %get3A_170 = tpu.vector_load %arg16[%get3A_168, %get3A_169] {strides = array<i32>} : memref<64x128xf32, #tpu.memory_space<vmem>>, vector<16xf32>,
        %mul3A_171 = arith.mulf %get3A_170, %gather3A_132 : vector<16xf32>
        %swap3A_172 = arith.index_cast %add3A_127 : i32 to index
        %swap3A_173 = arith.constant 80 : index
        %swap3A_174 = tpu.vector_load %arg16[%swap3A_172, %swap3A_173] {strides = array<i32>} : memref<64x128xf32, #tpu.memory_space<vmem>>, vector<16xf32>,
        tpu.vector_store %arg16[%swap3A_172, %swap3A_173], %mul3A_171 {strides = array<i32>} : memref<64x128xf32, #tpu.memory_space<vmem>>, vector<16xf32>,
        %get3A_175 = arith.index_cast %add3A_127 : i32 to index
        %get3A_176 = arith.constant 96 : index
        %get3A_177 = tpu.vector_load %arg16[%get3A_175, %get3A_176] {strides = array<i32>} : memref<64x128xf32, #tpu.memory_space<vmem>>, vector<16xf32>,
        %mul3A_178 = arith.mulf %get3A_177, %gather3A_132 : vector<16xf32>
        %swap3A_179 = arith.index_cast %add3A_127 : i32 to index
        %swap3A_180 = arith.constant 96 : index
        %swap3A_181 = tpu.vector_load %arg16[%swap3A_179, %swap3A_180] {strides = array<i32>} : memref<64x128xf32, #tpu.memory_space<vmem>>, vector<16xf32>,
        tpu.vector_store %arg16[%swap3A_179, %swap3A_180], %mul3A_178 {strides = array<i32>} : memref<64x128xf32, #tpu.memory_space<vmem>>, vector<16xf32>,
        %get3A_182 = arith.index_cast %add3A_127 : i32 to index
        %get3A_183 = arith.constant 112 : index
        %get3A_184 = tpu.vector_load %arg16[%get3A_182, %get3A_183] {strides = array<i32>} : memref<64x128xf32, #tpu.memory_space<vmem>>, vector<16xf32>,
        %mul3A_185 = arith.mulf %get3A_184, %gather3A_132 : vector<16xf32>
        %swap3A_186 = arith.index_cast %add3A_127 : i32 to index
        %swap3A_187 = arith.constant 112 : index
        %swap3A_188 = tpu.vector_load %arg16[%swap3A_186, %swap3A_187] {strides = array<i32>} : memref<64x128xf32, #tpu.memory_space<vmem>>, vector<16xf32>,
        tpu.vector_store %arg16[%swap3A_186, %swap3A_187], %mul3A_185 {strides = array<i32>} : memref<64x128xf32, #tpu.memory_space<vmem>>, vector<16xf32>,
        %mul3A_189 = arith.constant 2 : i32
        %mul3A_190 = arith.muli %scan3A_122, %mul3A_189 : i32
        %add3A_191 = arith.constant 1 : i32
        %add3A_192 = arith.addi %mul3A_190, %add3A_191 : i32
        %mul3A_193 = arith.constant 64 : i32
        %mul3A_194 = arith.muli %mul3A_105, %mul3A_193 : i32
        %add3A_195 = arith.addi %mul3A_194, %add3A_192 : i32
        %broadcast_in_dim3A_196 = vector.broadcast %add3A_195 : i32 to vector<16xi32>
        %gather3A_197 = tpu.vector_load_idx %arg9[%broadcast_in_dim3A_196] : memref<10000xf32, #tpu.memory_space<vmem>>[vector<16xi32>], vector<16xf32>,
        %get3A_198 = arith.index_cast %add3A_192 : i32 to index
        %get3A_199 = arith.constant 0 : index
        %get3A_200 = tpu.vector_load %arg16[%get3A_198, %get3A_199] {strides = array<i32>} : memref<64x128xf32, #tpu.memory_space<vmem>>, vector<16xf32>,
        %mul3A_201 = arith.mulf %get3A_200, %gather3A_197 : vector<16xf32>
        %swap3A_202 = arith.index_cast %add3A_192 : i32 to index
        %swap3A_203 = arith.constant 0 : index
        %swap3A_204 = tpu.vector_load %arg16[%swap3A_202, %swap3A_203] {strides = array<i32>} : memref<64x128xf32, #tpu.memory_space<vmem>>, vector<16xf32>,
        tpu.vector_store %arg16[%swap3A_202, %swap3A_203], %mul3A_201 {strides = array<i32>} : memref<64x128xf32, #tpu.memory_space<vmem>>, vector<16xf32>,
        %get3A_205 = arith.index_cast %add3A_192 : i32 to index
        %get3A_206 = arith.constant 16 : index
        %get3A_207 = tpu.vector_load %arg16[%get3A_205, %get3A_206] {strides = array<i32>} : memref<64x128xf32, #tpu.memory_space<vmem>>, vector<16xf32>,
        %mul3A_208 = arith.mulf %get3A_207, %gather3A_197 : vector<16xf32>
        %swap3A_209 = arith.index_cast %add3A_192 : i32 to index
        %swap3A_210 = arith.constant 16 : index
        %swap3A_211 = tpu.vector_load %arg16[%swap3A_209, %swap3A_210] {strides = array<i32>} : memref<64x128xf32, #tpu.memory_space<vmem>>, vector<16xf32>,
        tpu.vector_store %arg16[%swap3A_209, %swap3A_210], %mul3A_208 {strides = array<i32>} : memref<64x128xf32, #tpu.memory_space<vmem>>, vector<16xf32>,
        %get3A_212 = arith.index_cast %add3A_192 : i32 to index
        %get3A_213 = arith.constant 32 : index
        %get3A_214 = tpu.vector_load %arg16[%get3A_212, %get3A_213] {strides = array<i32>} : memref<64x128xf32, #tpu.memory_space<vmem>>, vector<16xf32>,
        %mul3A_215 = arith.mulf %get3A_214, %gather3A_197 : vector<16xf32>
        %swap3A_216 = arith.index_cast %add3A_192 : i32 to index
        %swap3A_217 = arith.constant 32 : index
        %swap3A_218 = tpu.vector_load %arg16[%swap3A_216, %swap3A_217] {strides = array<i32>} : memref<64x128xf32, #tpu.memory_space<vmem>>, vector<16xf32>,
        tpu.vector_store %arg16[%swap3A_216, %swap3A_217], %mul3A_215 {strides = array<i32>} : memref<64x128xf32, #tpu.memory_space<vmem>>, vector<16xf32>,
        %get3A_219 = arith.index_cast %add3A_192 : i32 to index
        %get3A_220 = arith.constant 48 : index
        %get3A_221 = tpu.vector_load %arg16[%get3A_219, %get3A_220] {strides = array<i32>} : memref<64x128xf32, #tpu.memory_space<vmem>>, vector<16xf32>,
        %mul3A_222 = arith.mulf %get3A_221, %gather3A_197 : vector<16xf32>
        %swap3A_223 = arith.index_cast %add3A_192 : i32 to index
        %swap3A_224 = arith.constant 48 : index
        %swap3A_225 = tpu.vector_load %arg16[%swap3A_223, %swap3A_224] {strides = array<i32>} : memref<64x128xf32, #tpu.memory_space<vmem>>, vector<16xf32>,
        tpu.vector_store %arg16[%swap3A_223, %swap3A_224], %mul3A_222 {strides = array<i32>} : memref<64x128xf32, #tpu.memory_space<vmem>>, vector<16xf32>,
        %get3A_226 = arith.index_cast %add3A_192 : i32 to index
        %get3A_227 = arith.constant 64 : index
        %get3A_228 = tpu.vector_load %arg16[%get3A_226, %get3A_227] {strides = array<i32>} : memref<64x128xf32, #tpu.memory_space<vmem>>, vector<16xf32>,
        %mul3A_229 = arith.mulf %get3A_228, %gather3A_197 : vector<16xf32>
        %swap3A_230 = arith.index_cast %add3A_192 : i32 to index
        %swap3A_231 = arith.constant 64 : index
        %swap3A_232 = tpu.vector_load %arg16[%swap3A_230, %swap3A_231] {strides = array<i32>} : memref<64x128xf32, #tpu.memory_space<vmem>>, vector<16xf32>,
        tpu.vector_store %arg16[%swap3A_230, %swap3A_231], %mul3A_229 {strides = array<i32>} : memref<64x128xf32, #tpu.memory_space<vmem>>, vector<16xf32>,
        %get3A_233 = arith.index_cast %add3A_192 : i32 to index
        %get3A_234 = arith.constant 80 : index
        %get3A_235 = tpu.vector_load %arg16[%get3A_233, %get3A_234] {strides = array<i32>} : memref<64x128xf32, #tpu.memory_space<vmem>>, vector<16xf32>,
        %mul3A_236 = arith.mulf %get3A_235, %gather3A_197 : vector<16xf32>
        %swap3A_237 = arith.index_cast %add3A_192 : i32 to index
        %swap3A_238 = arith.constant 80 : index
        %swap3A_239 = tpu.vector_load %arg16[%swap3A_237, %swap3A_238] {strides = array<i32>} : memref<64x128xf32, #tpu.memory_space<vmem>>, vector<16xf32>,
        tpu.vector_store %arg16[%swap3A_237, %swap3A_238], %mul3A_236 {strides = array<i32>} : memref<64x128xf32, #tpu.memory_space<vmem>>, vector<16xf32>,
        %get3A_240 = arith.index_cast %add3A_192 : i32 to index
        %get3A_241 = arith.constant 96 : index
        %get3A_242 = tpu.vector_load %arg16[%get3A_240, %get3A_241] {strides = array<i32>} : memref<64x128xf32, #tpu.memory_space<vmem>>, vector<16xf32>,
        %mul3A_243 = arith.mulf %get3A_242, %gather3A_197 : vector<16xf32>
        %swap3A_244 = arith.index_cast %add3A_192 : i32 to index
        %swap3A_245 = arith.constant 96 : index
        %swap3A_246 = tpu.vector_load %arg16[%swap3A_244, %swap3A_245] {strides = array<i32>} : memref<64x128xf32, #tpu.memory_space<vmem>>, vector<16xf32>,
        tpu.vector_store %arg16[%swap3A_244, %swap3A_245], %mul3A_243 {strides = array<i32>} : memref<64x128xf32, #tpu.memory_space<vmem>>, vector<16xf32>,
        %get3A_247 = arith.index_cast %add3A_192 : i32 to index
        %get3A_248 = arith.constant 112 : index
        %get3A_249 = tpu.vector_load %arg16[%get3A_247, %get3A_248] {strides = array<i32>} : memref<64x128xf32, #tpu.memory_space<vmem>>, vector<16xf32>,
        %mul3A_250 = arith.mulf %get3A_249, %gather3A_197 : vector<16xf32>
        %swap3A_251 = arith.index_cast %add3A_192 : i32 to index
        %swap3A_252 = arith.constant 112 : index
        %swap3A_253 = tpu.vector_load %arg16[%swap3A_251, %swap3A_252] {strides = array<i32>} : memref<64x128xf32, #tpu.memory_space<vmem>>, vector<16xf32>,
        tpu.vector_store %arg16[%swap3A_251, %swap3A_252], %mul3A_250 {strides = array<i32>} : memref<64x128xf32, #tpu.memory_space<vmem>>, vector<16xf32>,
        %scan3A_254 = arith.constant 0 : i32
        scf.yield %scan3A_254 : i32
      }
      %scan3A_112 = arith.constant 32 : i32
      "tpu.region"() ({
        %run_scoped3A = tpu.sem_alloc : memref<!tpu.dma_semaphore, #tpu.memory_space<semaphore_mem>>
        %dma_start3A_122 = arith.constant 0 : i32
        %dma_start3A_123 = arith.constant 0 : i32
        %dma_start3A_124 = tpu.memref_slice %arg20[%dma_start3A_122, %dma_start3A_123] : memref<10000x128xf32, #tpu.memory_space<vmem_shared>> -> memref<10000x128xf32, #tpu.memory_space<vmem_shared>>
        tpu.enqueue_indirect_dma source(%arg16 : memref<64x128xf32, #tpu.memory_space<vmem>>) target(%dma_start3A_124 : memref<10000x128xf32, #tpu.memory_space<vmem_shared>>) offsets(%arg12 : memref<64xi32, #tpu.memory_space<vmem>>) semaphore(%run_scoped3A : memref<!tpu.dma_semaphore, #tpu.memory_space<semaphore_mem>>) {add = true}
        %dma_wait3A_125 = arith.constant 0 : i32
        %dma_wait3A_126 = arith.constant 0 : i32
        %dma_wait3A_127 = tpu.memref_slice %arg20[%dma_wait3A_125, %dma_wait3A_126] : memref<10000x128xf32, #tpu.memory_space<vmem_shared>> -> memref<10000x128xf32, #tpu.memory_space<vmem_shared>>
        tpu.wait_indirect_dma semaphore(%run_scoped3A : memref<!tpu.dma_semaphore, #tpu.memory_space<semaphore_mem>>) src(%arg16 : memref<64x128xf32, #tpu.memory_space<vmem>>) dst(%dma_wait3A_127 : memref<10000x128xf32, #tpu.memory_space<vmem_shared>>)
        tpu.yield
      }) : () -> ()
      %lt3A_113 = arith.constant 77 : i32
      %lt3A_114 = arith.cmpi slt, %scan3A_78, %lt3A_113 : i32
      %convert_element_type3A_115 = arith.extui %lt3A_114 : i1 to i32
      %cond3A_116 = arith.constant 0 : i32
      %cond3A_117 = arith.cmpi ne, %convert_element_type3A_115, %cond3A_116 : i32
      scf.if %cond3A_117 {
        %mul3A_122 = arith.constant 2 : i32
        %mul3A_123 = arith.muli %mul3A_122, %scan3A_78 : i32
        %add3A_124 = arith.constant 2 : i32
        %add3A_125 = arith.addi %mul3A_123, %add3A_124 : i32
        %scan3A_126 = arith.constant 0 : i32
        %scan3A_127 = arith.constant 0 : i32
        %scan3A_128 = arith.constant 4 : i32
        %scan3A_129 = arith.addi %scan3A_127, %scan3A_128 : i32
        %scan3A_130 = arith.constant 1 : i32
        %scan3A_131 = scf.for %scan3A_133 = %scan3A_127 to %scan3A_129 step %scan3A_130 iter_args(%scan3A_134 = %scan3A_126) -> (i32)  : i32 {
          %mul3A_135 = arith.constant 64 : i32
          %mul3A_136 = arith.muli %add3A_125, %mul3A_135 : i32
          %mul3A_137 = arith.constant 16 : i32
          %mul3A_138 = arith.muli %scan3A_133, %mul3A_137 : i32
          %add3A_139 = arith.addi %mul3A_136, %mul3A_138 : i32
          %get3A_140 = arith.index_cast %add3A_139 : i32 to index
          %get3A_141 = tpu.vector_load %arg8[%get3A_140] {strides = array<i32>} : memref<10000xi32, #tpu.memory_space<vmem>>, vector<16xi32>,
          %and3A_142 = arith.constant 65535 : i32
          %and3A_143 = vector.broadcast %and3A_142 : i32 to vector<16xi32>
          %and3A_144 = arith.andi %get3A_141, %and3A_143 : vector<16xi32>
          %shift_right_arithmetic3A_145 = arith.constant 16 : i32
          %shift_right_arithmetic3A_146 = vector.broadcast %shift_right_arithmetic3A_145 : i32 to vector<16xi32>
          %shift_right_arithmetic3A_147 = arith.shrsi %get3A_141, %shift_right_arithmetic3A_146 : vector<16xi32>
          %add3A_148 = arith.addi %shift_right_arithmetic3A_147, %broadcast_in_dim3A_19 : vector<16xi32>
          %mul3A_149 = arith.constant 16 : i32
          %mul3A_150 = arith.muli %scan3A_133, %mul3A_149 : i32
          %swap3A_151 = arith.index_cast %mul3A_150 : i32 to index
          %swap3A_152 = tpu.vector_load %arg10[%swap3A_151] {strides = array<i32>} : memref<64xi32, #tpu.memory_space<vmem>>, vector<16xi32>,
          tpu.vector_store %arg10[%swap3A_151], %add3A_148 {strides = array<i32>} : memref<64xi32, #tpu.memory_space<vmem>>, vector<16xi32>,
          %mul3A_153 = arith.constant 16 : i32
          %mul3A_154 = arith.muli %scan3A_133, %mul3A_153 : i32
          %swap3A_155 = arith.index_cast %mul3A_154 : i32 to index
          %swap3A_156 = tpu.vector_load %arg12[%swap3A_155] {strides = array<i32>} : memref<64xi32, #tpu.memory_space<vmem>>, vector<16xi32>,
          tpu.vector_store %arg12[%swap3A_155], %and3A_144 {strides = array<i32>} : memref<64xi32, #tpu.memory_space<vmem>>, vector<16xi32>,
          %gather3A_157 = tpu.vector_load_idx %arg7[%and3A_144] : memref<10000xf32, #tpu.memory_space<vmem>>[vector<16xi32>], vector<16xf32>,
          %get3A_158 = arith.index_cast %add3A_139 : i32 to index
          %get3A_159 = tpu.vector_load %arg9[%get3A_158] {strides = array<i32>} : memref<10000xf32, #tpu.memory_space<vmem>>, vector<16xf32>,
          %add3A_160 = arith.constant 1.000000e-16 : f32
          %add3A_161 = vector.broadcast %add3A_160 : f32 to vector<16xf32>
          %add3A_162 = arith.addf %gather3A_157, %add3A_161 : vector<16xf32>
          %div3A_163 = arith.divf %get3A_159, %add3A_162 : vector<16xf32>
          %swap3A_164 = arith.index_cast %add3A_139 : i32 to index
          %swap3A_165 = tpu.vector_load %arg9[%swap3A_164] {strides = array<i32>} : memref<10000xf32, #tpu.memory_space<vmem>>, vector<16xf32>,
          tpu.vector_store %arg9[%swap3A_164], %div3A_163 {strides = array<i32>} : memref<10000xf32, #tpu.memory_space<vmem>>, vector<16xf32>,
          %scan3A_166 = arith.constant 0 : i32
          scf.yield %scan3A_166 : i32
        }
        %scan3A_132 = arith.constant 4 : i32
      } else {
      }
      %dma_wait3A_118 = arith.constant 0 : i32
      %dma_wait3A_119 = arith.constant 0 : i32
      %dma_wait3A_120 = tpu.memref_slice %arg2[%dma_wait3A_118, %dma_wait3A_119] : memref<20000x128xf32, #tpu.memory_space<hbm>> -> memref<20000x128xf32, #tpu.memory_space<hbm>>
      tpu.wait_indirect_dma semaphore(%arg19 : memref<!tpu.dma_semaphore, #tpu.memory_space<semaphore_mem>>) src(%dma_wait3A_120 : memref<20000x128xf32, #tpu.memory_space<hbm>>) dst(%arg17 : memref<64x128xf32, #tpu.memory_space<vmem>>)
      %scan3A_121 = arith.constant 0 : i32
      scf.yield %scan3A_121 : i32
    }
    %scan3A_33 = arith.constant 78 : i32
    %scan3A_34 = arith.constant 0 : i32
    %scan3A_35 = arith.constant 0 : i32
    %scan3A_36 = arith.constant 32 : i32
    %scan3A_37 = arith.addi %scan3A_35, %scan3A_36 : i32
    %scan3A_38 = arith.constant 1 : i32
    %scan3A_39 = scf.for %scan3A_78 = %scan3A_35 to %scan3A_37 step %scan3A_38 iter_args(%scan3A_79 = %scan3A_34) -> (i32)  : i32 {
      %mul3A_80 = arith.constant 2 : i32
      %mul3A_81 = arith.muli %scan3A_78, %mul3A_80 : i32
      %add3A_82 = arith.constant 0 : i32
      %add3A_83 = arith.addi %mul3A_81, %add3A_82 : i32
      %add3A_84 = arith.constant 9920 : i32
      %add3A_85 = arith.addi %add3A_84, %add3A_83 : i32
      %broadcast_in_dim3A_86 = vector.broadcast %add3A_85 : i32 to vector<16xi32>
      %gather3A_87 = tpu.vector_load_idx %arg9[%broadcast_in_dim3A_86] : memref<10000xf32, #tpu.memory_space<vmem>>[vector<16xi32>], vector<16xf32>,
      %get3A_88 = arith.index_cast %add3A_83 : i32 to index
      %get3A_89 = arith.constant 0 : index
      %get3A_90 = tpu.vector_load %arg17[%get3A_88, %get3A_89] {strides = array<i32>} : memref<64x128xf32, #tpu.memory_space<vmem>>, vector<16xf32>,
      %mul3A_91 = arith.mulf %get3A_90, %gather3A_87 : vector<16xf32>
      %swap3A_92 = arith.index_cast %add3A_83 : i32 to index
      %swap3A_93 = arith.constant 0 : index
      %swap3A_94 = tpu.vector_load %arg17[%swap3A_92, %swap3A_93] {strides = array<i32>} : memref<64x128xf32, #tpu.memory_space<vmem>>, vector<16xf32>,
      tpu.vector_store %arg17[%swap3A_92, %swap3A_93], %mul3A_91 {strides = array<i32>} : memref<64x128xf32, #tpu.memory_space<vmem>>, vector<16xf32>,
      %get3A_95 = arith.index_cast %add3A_83 : i32 to index
      %get3A_96 = arith.constant 16 : index
      %get3A_97 = tpu.vector_load %arg17[%get3A_95, %get3A_96] {strides = array<i32>} : memref<64x128xf32, #tpu.memory_space<vmem>>, vector<16xf32>,
      %mul3A_98 = arith.mulf %get3A_97, %gather3A_87 : vector<16xf32>
      %swap3A_99 = arith.index_cast %add3A_83 : i32 to index
      %swap3A_100 = arith.constant 16 : index
      %swap3A_101 = tpu.vector_load %arg17[%swap3A_99, %swap3A_100] {strides = array<i32>} : memref<64x128xf32, #tpu.memory_space<vmem>>, vector<16xf32>,
      tpu.vector_store %arg17[%swap3A_99, %swap3A_100], %mul3A_98 {strides = array<i32>} : memref<64x128xf32, #tpu.memory_space<vmem>>, vector<16xf32>,
      %get3A_102 = arith.index_cast %add3A_83 : i32 to index
      %get3A_103 = arith.constant 32 : index
      %get3A_104 = tpu.vector_load %arg17[%get3A_102, %get3A_103] {strides = array<i32>} : memref<64x128xf32, #tpu.memory_space<vmem>>, vector<16xf32>,
      %mul3A_105 = arith.mulf %get3A_104, %gather3A_87 : vector<16xf32>
      %swap3A_106 = arith.index_cast %add3A_83 : i32 to index
      %swap3A_107 = arith.constant 32 : index
      %swap3A_108 = tpu.vector_load %arg17[%swap3A_106, %swap3A_107] {strides = array<i32>} : memref<64x128xf32, #tpu.memory_space<vmem>>, vector<16xf32>,
      tpu.vector_store %arg17[%swap3A_106, %swap3A_107], %mul3A_105 {strides = array<i32>} : memref<64x128xf32, #tpu.memory_space<vmem>>, vector<16xf32>,
      %get3A_109 = arith.index_cast %add3A_83 : i32 to index
      %get3A_110 = arith.constant 48 : index
      %get3A_111 = tpu.vector_load %arg17[%get3A_109, %get3A_110] {strides = array<i32>} : memref<64x128xf32, #tpu.memory_space<vmem>>, vector<16xf32>,
      %mul3A_112 = arith.mulf %get3A_111, %gather3A_87 : vector<16xf32>
      %swap3A_113 = arith.index_cast %add3A_83 : i32 to index
      %swap3A_114 = arith.constant 48 : index
      %swap3A_115 = tpu.vector_load %arg17[%swap3A_113, %swap3A_114] {strides = array<i32>} : memref<64x128xf32, #tpu.memory_space<vmem>>, vector<16xf32>,
      tpu.vector_store %arg17[%swap3A_113, %swap3A_114], %mul3A_112 {strides = array<i32>} : memref<64x128xf32, #tpu.memory_space<vmem>>, vector<16xf32>,
      %get3A_116 = arith.index_cast %add3A_83 : i32 to index
      %get3A_117 = arith.constant 64 : index
      %get3A_118 = tpu.vector_load %arg17[%get3A_116, %get3A_117] {strides = array<i32>} : memref<64x128xf32, #tpu.memory_space<vmem>>, vector<16xf32>,
      %mul3A_119 = arith.mulf %get3A_118, %gather3A_87 : vector<16xf32>
      %swap3A_120 = arith.index_cast %add3A_83 : i32 to index
      %swap3A_121 = arith.constant 64 : index
      %swap3A_122 = tpu.vector_load %arg17[%swap3A_120, %swap3A_121] {strides = array<i32>} : memref<64x128xf32, #tpu.memory_space<vmem>>, vector<16xf32>,
      tpu.vector_store %arg17[%swap3A_120, %swap3A_121], %mul3A_119 {strides = array<i32>} : memref<64x128xf32, #tpu.memory_space<vmem>>, vector<16xf32>,
      %get3A_123 = arith.index_cast %add3A_83 : i32 to index
      %get3A_124 = arith.constant 80 : index
      %get3A_125 = tpu.vector_load %arg17[%get3A_123, %get3A_124] {strides = array<i32>} : memref<64x128xf32, #tpu.memory_space<vmem>>, vector<16xf32>,
      %mul3A_126 = arith.mulf %get3A_125, %gather3A_87 : vector<16xf32>
      %swap3A_127 = arith.index_cast %add3A_83 : i32 to index
      %swap3A_128 = arith.constant 80 : index
      %swap3A_129 = tpu.vector_load %arg17[%swap3A_127, %swap3A_128] {strides = array<i32>} : memref<64x128xf32, #tpu.memory_space<vmem>>, vector<16xf32>,
      tpu.vector_store %arg17[%swap3A_127, %swap3A_128], %mul3A_126 {strides = array<i32>} : memref<64x128xf32, #tpu.memory_space<vmem>>, vector<16xf32>,
      %get3A_130 = arith.index_cast %add3A_83 : i32 to index
      %get3A_131 = arith.constant 96 : index
      %get3A_132 = tpu.vector_load %arg17[%get3A_130, %get3A_131] {strides = array<i32>} : memref<64x128xf32, #tpu.memory_space<vmem>>, vector<16xf32>,
      %mul3A_133 = arith.mulf %get3A_132, %gather3A_87 : vector<16xf32>
      %swap3A_134 = arith.index_cast %add3A_83 : i32 to index
      %swap3A_135 = arith.constant 96 : index
      %swap3A_136 = tpu.vector_load %arg17[%swap3A_134, %swap3A_135] {strides = array<i32>} : memref<64x128xf32, #tpu.memory_space<vmem>>, vector<16xf32>,
      tpu.vector_store %arg17[%swap3A_134, %swap3A_135], %mul3A_133 {strides = array<i32>} : memref<64x128xf32, #tpu.memory_space<vmem>>, vector<16xf32>,
      %get3A_137 = arith.index_cast %add3A_83 : i32 to index
      %get3A_138 = arith.constant 112 : index
      %get3A_139 = tpu.vector_load %arg17[%get3A_137, %get3A_138] {strides = array<i32>} : memref<64x128xf32, #tpu.memory_space<vmem>>, vector<16xf32>,
      %mul3A_140 = arith.mulf %get3A_139, %gather3A_87 : vector<16xf32>
      %swap3A_141 = arith.index_cast %add3A_83 : i32 to index
      %swap3A_142 = arith.constant 112 : index
      %swap3A_143 = tpu.vector_load %arg17[%swap3A_141, %swap3A_142] {strides = array<i32>} : memref<64x128xf32, #tpu.memory_space<vmem>>, vector<16xf32>,
      tpu.vector_store %arg17[%swap3A_141, %swap3A_142], %mul3A_140 {strides = array<i32>} : memref<64x128xf32, #tpu.memory_space<vmem>>, vector<16xf32>,
      %mul3A_144 = arith.constant 2 : i32
      %mul3A_145 = arith.muli %scan3A_78, %mul3A_144 : i32
      %add3A_146 = arith.constant 1 : i32
      %add3A_147 = arith.addi %mul3A_145, %add3A_146 : i32
      %add3A_148 = arith.constant 9920 : i32
      %add3A_149 = arith.addi %add3A_148, %add3A_147 : i32
      %broadcast_in_dim3A_150 = vector.broadcast %add3A_149 : i32 to vector<16xi32>
      %gather3A_151 = tpu.vector_load_idx %arg9[%broadcast_in_dim3A_150] : memref<10000xf32, #tpu.memory_space<vmem>>[vector<16xi32>], vector<16xf32>,
      %get3A_152 = arith.index_cast %add3A_147 : i32 to index
      %get3A_153 = arith.constant 0 : index
      %get3A_154 = tpu.vector_load %arg17[%get3A_152, %get3A_153] {strides = array<i32>} : memref<64x128xf32, #tpu.memory_space<vmem>>, vector<16xf32>,
      %mul3A_155 = arith.mulf %get3A_154, %gather3A_151 : vector<16xf32>
      %swap3A_156 = arith.index_cast %add3A_147 : i32 to index
      %swap3A_157 = arith.constant 0 : index
      %swap3A_158 = tpu.vector_load %arg17[%swap3A_156, %swap3A_157] {strides = array<i32>} : memref<64x128xf32, #tpu.memory_space<vmem>>, vector<16xf32>,
      tpu.vector_store %arg17[%swap3A_156, %swap3A_157], %mul3A_155 {strides = array<i32>} : memref<64x128xf32, #tpu.memory_space<vmem>>, vector<16xf32>,
      %get3A_159 = arith.index_cast %add3A_147 : i32 to index
      %get3A_160 = arith.constant 16 : index
      %get3A_161 = tpu.vector_load %arg17[%get3A_159, %get3A_160] {strides = array<i32>} : memref<64x128xf32, #tpu.memory_space<vmem>>, vector<16xf32>,
      %mul3A_162 = arith.mulf %get3A_161, %gather3A_151 : vector<16xf32>
      %swap3A_163 = arith.index_cast %add3A_147 : i32 to index
      %swap3A_164 = arith.constant 16 : index
      %swap3A_165 = tpu.vector_load %arg17[%swap3A_163, %swap3A_164] {strides = array<i32>} : memref<64x128xf32, #tpu.memory_space<vmem>>, vector<16xf32>,
      tpu.vector_store %arg17[%swap3A_163, %swap3A_164], %mul3A_162 {strides = array<i32>} : memref<64x128xf32, #tpu.memory_space<vmem>>, vector<16xf32>,
      %get3A_166 = arith.index_cast %add3A_147 : i32 to index
      %get3A_167 = arith.constant 32 : index
      %get3A_168 = tpu.vector_load %arg17[%get3A_166, %get3A_167] {strides = array<i32>} : memref<64x128xf32, #tpu.memory_space<vmem>>, vector<16xf32>,
      %mul3A_169 = arith.mulf %get3A_168, %gather3A_151 : vector<16xf32>
      %swap3A_170 = arith.index_cast %add3A_147 : i32 to index
      %swap3A_171 = arith.constant 32 : index
      %swap3A_172 = tpu.vector_load %arg17[%swap3A_170, %swap3A_171] {strides = array<i32>} : memref<64x128xf32, #tpu.memory_space<vmem>>, vector<16xf32>,
      tpu.vector_store %arg17[%swap3A_170, %swap3A_171], %mul3A_169 {strides = array<i32>} : memref<64x128xf32, #tpu.memory_space<vmem>>, vector<16xf32>,
      %get3A_173 = arith.index_cast %add3A_147 : i32 to index
      %get3A_174 = arith.constant 48 : index
      %get3A_175 = tpu.vector_load %arg17[%get3A_173, %get3A_174] {strides = array<i32>} : memref<64x128xf32, #tpu.memory_space<vmem>>, vector<16xf32>,
      %mul3A_176 = arith.mulf %get3A_175, %gather3A_151 : vector<16xf32>
      %swap3A_177 = arith.index_cast %add3A_147 : i32 to index
      %swap3A_178 = arith.constant 48 : index
      %swap3A_179 = tpu.vector_load %arg17[%swap3A_177, %swap3A_178] {strides = array<i32>} : memref<64x128xf32, #tpu.memory_space<vmem>>, vector<16xf32>,
      tpu.vector_store %arg17[%swap3A_177, %swap3A_178], %mul3A_176 {strides = array<i32>} : memref<64x128xf32, #tpu.memory_space<vmem>>, vector<16xf32>,
      %get3A_180 = arith.index_cast %add3A_147 : i32 to index
      %get3A_181 = arith.constant 64 : index
      %get3A_182 = tpu.vector_load %arg17[%get3A_180, %get3A_181] {strides = array<i32>} : memref<64x128xf32, #tpu.memory_space<vmem>>, vector<16xf32>,
      %mul3A_183 = arith.mulf %get3A_182, %gather3A_151 : vector<16xf32>
      %swap3A_184 = arith.index_cast %add3A_147 : i32 to index
      %swap3A_185 = arith.constant 64 : index
      %swap3A_186 = tpu.vector_load %arg17[%swap3A_184, %swap3A_185] {strides = array<i32>} : memref<64x128xf32, #tpu.memory_space<vmem>>, vector<16xf32>,
      tpu.vector_store %arg17[%swap3A_184, %swap3A_185], %mul3A_183 {strides = array<i32>} : memref<64x128xf32, #tpu.memory_space<vmem>>, vector<16xf32>,
      %get3A_187 = arith.index_cast %add3A_147 : i32 to index
      %get3A_188 = arith.constant 80 : index
      %get3A_189 = tpu.vector_load %arg17[%get3A_187, %get3A_188] {strides = array<i32>} : memref<64x128xf32, #tpu.memory_space<vmem>>, vector<16xf32>,
      %mul3A_190 = arith.mulf %get3A_189, %gather3A_151 : vector<16xf32>
      %swap3A_191 = arith.index_cast %add3A_147 : i32 to index
      %swap3A_192 = arith.constant 80 : index
      %swap3A_193 = tpu.vector_load %arg17[%swap3A_191, %swap3A_192] {strides = array<i32>} : memref<64x128xf32, #tpu.memory_space<vmem>>, vector<16xf32>,
      tpu.vector_store %arg17[%swap3A_191, %swap3A_192], %mul3A_190 {strides = array<i32>} : memref<64x128xf32, #tpu.memory_space<vmem>>, vector<16xf32>,
      %get3A_194 = arith.index_cast %add3A_147 : i32 to index
      %get3A_195 = arith.constant 96 : index
      %get3A_196 = tpu.vector_load %arg17[%get3A_194, %get3A_195] {strides = array<i32>} : memref<64x128xf32, #tpu.memory_space<vmem>>, vector<16xf32>,
      %mul3A_197 = arith.mulf %get3A_196, %gather3A_151 : vector<16xf32>
      %swap3A_198 = arith.index_cast %add3A_147 : i32 to index
      %swap3A_199 = arith.constant 96 : index
      %swap3A_200 = tpu.vector_load %arg17[%swap3A_198, %swap3A_199] {strides = array<i32>} : memref<64x128xf32, #tpu.memory_space<vmem>>, vector<16xf32>,
      tpu.vector_store %arg17[%swap3A_198, %swap3A_199], %mul3A_197 {strides = array<i32>} : memref<64x128xf32, #tpu.memory_space<vmem>>, vector<16xf32>,
      %get3A_201 = arith.index_cast %add3A_147 : i32 to index
      %get3A_202 = arith.constant 112 : index
      %get3A_203 = tpu.vector_load %arg17[%get3A_201, %get3A_202] {strides = array<i32>} : memref<64x128xf32, #tpu.memory_space<vmem>>, vector<16xf32>,
      %mul3A_204 = arith.mulf %get3A_203, %gather3A_151 : vector<16xf32>
      %swap3A_205 = arith.index_cast %add3A_147 : i32 to index
      %swap3A_206 = arith.constant 112 : index
      %swap3A_207 = tpu.vector_load %arg17[%swap3A_205, %swap3A_206] {strides = array<i32>} : memref<64x128xf32, #tpu.memory_space<vmem>>, vector<16xf32>,
      tpu.vector_store %arg17[%swap3A_205, %swap3A_206], %mul3A_204 {strides = array<i32>} : memref<64x128xf32, #tpu.memory_space<vmem>>, vector<16xf32>,
      %scan3A_208 = arith.constant 0 : i32
      scf.yield %scan3A_208 : i32
    }
    %scan3A_40 = arith.constant 32 : i32
    "tpu.region"() ({
      %run_scoped3A = tpu.sem_alloc : memref<!tpu.dma_semaphore, #tpu.memory_space<semaphore_mem>>
      %dma_start3A_78 = arith.constant 0 : i32
      %dma_start3A_79 = arith.constant 0 : i32
      %dma_start3A_80 = tpu.memref_slice %arg20[%dma_start3A_78, %dma_start3A_79] : memref<10000x128xf32, #tpu.memory_space<vmem_shared>> -> memref<10000x128xf32, #tpu.memory_space<vmem_shared>>
      tpu.enqueue_indirect_dma source(%arg17 : memref<64x128xf32, #tpu.memory_space<vmem>>) target(%dma_start3A_80 : memref<10000x128xf32, #tpu.memory_space<vmem_shared>>) offsets(%arg13 : memref<64xi32, #tpu.memory_space<vmem>>) semaphore(%run_scoped3A : memref<!tpu.dma_semaphore, #tpu.memory_space<semaphore_mem>>) {add = true}
      %dma_wait3A_81 = arith.constant 0 : i32
      %dma_wait3A_82 = arith.constant 0 : i32
      %dma_wait3A_83 = tpu.memref_slice %arg20[%dma_wait3A_81, %dma_wait3A_82] : memref<10000x128xf32, #tpu.memory_space<vmem_shared>> -> memref<10000x128xf32, #tpu.memory_space<vmem_shared>>
      tpu.wait_indirect_dma semaphore(%run_scoped3A : memref<!tpu.dma_semaphore, #tpu.memory_space<semaphore_mem>>) src(%arg17 : memref<64x128xf32, #tpu.memory_space<vmem>>) dst(%dma_wait3A_83 : memref<10000x128xf32, #tpu.memory_space<vmem_shared>>)
      tpu.yield
    }) : () -> ()
    %get3A = arith.constant 9984 : index
    %get3A_41 = tpu.vector_load %arg8[%get3A] {strides = array<i32>} : memref<10000xi32, #tpu.memory_space<vmem>>, vector<16xi32>,
    %and3A = arith.constant 65535 : i32
    %and3A_42 = vector.broadcast %and3A : i32 to vector<16xi32>
    %and3A_43 = arith.andi %get3A_41, %and3A_42 : vector<16xi32>
    %shift_right_arithmetic3A = arith.constant 16 : i32
    %shift_right_arithmetic3A_44 = vector.broadcast %shift_right_arithmetic3A : i32 to vector<16xi32>
    %shift_right_arithmetic3A_45 = arith.shrsi %get3A_41, %shift_right_arithmetic3A_44 : vector<16xi32>
    %add3A = arith.addi %shift_right_arithmetic3A_45, %broadcast_in_dim3A_19 : vector<16xi32>
    %swap3A = arith.constant 0 : index
    %swap3A_46 = tpu.vector_load %arg14[%swap3A] {strides = array<i32>} : memref<16xi32, #tpu.memory_space<vmem>>, vector<16xi32>,
    tpu.vector_store %arg14[%swap3A], %add3A {strides = array<i32>} : memref<16xi32, #tpu.memory_space<vmem>>, vector<16xi32>,
    %swap3A_47 = arith.constant 0 : index
    %swap3A_48 = tpu.vector_load %arg15[%swap3A_47] {strides = array<i32>} : memref<16xi32, #tpu.memory_space<vmem>>, vector<16xi32>,
    tpu.vector_store %arg15[%swap3A_47], %and3A_43 {strides = array<i32>} : memref<16xi32, #tpu.memory_space<vmem>>, vector<16xi32>,
    %gather3A = tpu.vector_load_idx %arg7[%and3A_43] : memref<10000xf32, #tpu.memory_space<vmem>>[vector<16xi32>], vector<16xf32>,
    %get3A_49 = arith.constant 9984 : index
    %get3A_50 = tpu.vector_load %arg9[%get3A_49] {strides = array<i32>} : memref<10000xf32, #tpu.memory_space<vmem>>, vector<16xf32>,
    %add3A_51 = arith.constant 1.000000e-16 : f32
    %add3A_52 = vector.broadcast %add3A_51 : f32 to vector<16xf32>
    %add3A_53 = arith.addf %gather3A, %add3A_52 : vector<16xf32>
    %div3A = arith.divf %get3A_50, %add3A_53 : vector<16xf32>
    %swap3A_54 = arith.constant 9984 : index
    %swap3A_55 = tpu.vector_load %arg9[%swap3A_54] {strides = array<i32>} : memref<10000xf32, #tpu.memory_space<vmem>>, vector<16xf32>,
    tpu.vector_store %arg9[%swap3A_54], %div3A {strides = array<i32>} : memref<10000xf32, #tpu.memory_space<vmem>>, vector<16xf32>,
    %dma_start3A = arith.constant 0 : i32
    %dma_start3A_56 = arith.constant 0 : i32
    %dma_start3A_57 = tpu.memref_slice %arg2[%dma_start3A, %dma_start3A_56] : memref<20000x128xf32, #tpu.memory_space<hbm>> -> memref<20000x128xf32, #tpu.memory_space<hbm>>
    tpu.enqueue_indirect_dma source(%dma_start3A_57 : memref<20000x128xf32, #tpu.memory_space<hbm>>) target(%arg18 : memref<16x128xf32, #tpu.memory_space<vmem>>) offsets(%arg14 : memref<16xi32, #tpu.memory_space<vmem>>) semaphore(%arg19 : memref<!tpu.dma_semaphore, #tpu.memory_space<semaphore_mem>>)
    %dma_wait3A = arith.constant 0 : i32
    %dma_wait3A_58 = arith.constant 0 : i32
    %dma_wait3A_59 = tpu.memref_slice %arg2[%dma_wait3A, %dma_wait3A_58] : memref<20000x128xf32, #tpu.memory_space<hbm>> -> memref<20000x128xf32, #tpu.memory_space<hbm>>
    tpu.wait_indirect_dma semaphore(%arg19 : memref<!tpu.dma_semaphore, #tpu.memory_space<semaphore_mem>>) src(%dma_wait3A_59 : memref<20000x128xf32, #tpu.memory_space<hbm>>) dst(%arg18 : memref<16x128xf32, #tpu.memory_space<vmem>>)
    %scan3A_60 = arith.constant 0 : i32
    %scan3A_61 = arith.constant 0 : i32
    %scan3A_62 = arith.constant 16 : i32
    %scan3A_63 = arith.addi %scan3A_61, %scan3A_62 : i32
    %scan3A_64 = arith.constant 1 : i32
    %scan3A_65 = scf.for %scan3A_78 = %scan3A_61 to %scan3A_63 step %scan3A_64 iter_args(%scan3A_79 = %scan3A_60) -> (i32)  : i32 {
      %add3A_80 = arith.constant 9984 : i32
      %add3A_81 = arith.addi %add3A_80, %scan3A_78 : i32
      %broadcast_in_dim3A_82 = vector.broadcast %add3A_81 : i32 to vector<16xi32>
      %gather3A_83 = tpu.vector_load_idx %arg9[%broadcast_in_dim3A_82] : memref<10000xf32, #tpu.memory_space<vmem>>[vector<16xi32>], vector<16xf32>,
      %get3A_84 = arith.index_cast %scan3A_78 : i32 to index
      %get3A_85 = arith.constant 0 : index
      %get3A_86 = tpu.vector_load %arg18[%get3A_84, %get3A_85] {strides = array<i32>} : memref<16x128xf32, #tpu.memory_space<vmem>>, vector<16xf32>,
      %mul3A_87 = arith.mulf %get3A_86, %gather3A_83 : vector<16xf32>
      %swap3A_88 = arith.index_cast %scan3A_78 : i32 to index
      %swap3A_89 = arith.constant 0 : index
      %swap3A_90 = tpu.vector_load %arg18[%swap3A_88, %swap3A_89] {strides = array<i32>} : memref<16x128xf32, #tpu.memory_space<vmem>>, vector<16xf32>,
      tpu.vector_store %arg18[%swap3A_88, %swap3A_89], %mul3A_87 {strides = array<i32>} : memref<16x128xf32, #tpu.memory_space<vmem>>, vector<16xf32>,
      %get3A_91 = arith.index_cast %scan3A_78 : i32 to index
      %get3A_92 = arith.constant 16 : index
      %get3A_93 = tpu.vector_load %arg18[%get3A_91, %get3A_92] {strides = array<i32>} : memref<16x128xf32, #tpu.memory_space<vmem>>, vector<16xf32>,
      %mul3A_94 = arith.mulf %get3A_93, %gather3A_83 : vector<16xf32>
      %swap3A_95 = arith.index_cast %scan3A_78 : i32 to index
      %swap3A_96 = arith.constant 16 : index
      %swap3A_97 = tpu.vector_load %arg18[%swap3A_95, %swap3A_96] {strides = array<i32>} : memref<16x128xf32, #tpu.memory_space<vmem>>, vector<16xf32>,
      tpu.vector_store %arg18[%swap3A_95, %swap3A_96], %mul3A_94 {strides = array<i32>} : memref<16x128xf32, #tpu.memory_space<vmem>>, vector<16xf32>,
      %get3A_98 = arith.index_cast %scan3A_78 : i32 to index
      %get3A_99 = arith.constant 32 : index
      %get3A_100 = tpu.vector_load %arg18[%get3A_98, %get3A_99] {strides = array<i32>} : memref<16x128xf32, #tpu.memory_space<vmem>>, vector<16xf32>,
      %mul3A_101 = arith.mulf %get3A_100, %gather3A_83 : vector<16xf32>
      %swap3A_102 = arith.index_cast %scan3A_78 : i32 to index
      %swap3A_103 = arith.constant 32 : index
      %swap3A_104 = tpu.vector_load %arg18[%swap3A_102, %swap3A_103] {strides = array<i32>} : memref<16x128xf32, #tpu.memory_space<vmem>>, vector<16xf32>,
      tpu.vector_store %arg18[%swap3A_102, %swap3A_103], %mul3A_101 {strides = array<i32>} : memref<16x128xf32, #tpu.memory_space<vmem>>, vector<16xf32>,
      %get3A_105 = arith.index_cast %scan3A_78 : i32 to index
      %get3A_106 = arith.constant 48 : index
      %get3A_107 = tpu.vector_load %arg18[%get3A_105, %get3A_106] {strides = array<i32>} : memref<16x128xf32, #tpu.memory_space<vmem>>, vector<16xf32>,
      %mul3A_108 = arith.mulf %get3A_107, %gather3A_83 : vector<16xf32>
      %swap3A_109 = arith.index_cast %scan3A_78 : i32 to index
      %swap3A_110 = arith.constant 48 : index
      %swap3A_111 = tpu.vector_load %arg18[%swap3A_109, %swap3A_110] {strides = array<i32>} : memref<16x128xf32, #tpu.memory_space<vmem>>, vector<16xf32>,
      tpu.vector_store %arg18[%swap3A_109, %swap3A_110], %mul3A_108 {strides = array<i32>} : memref<16x128xf32, #tpu.memory_space<vmem>>, vector<16xf32>,
      %get3A_112 = arith.index_cast %scan3A_78 : i32 to index
      %get3A_113 = arith.constant 64 : index
      %get3A_114 = tpu.vector_load %arg18[%get3A_112, %get3A_113] {strides = array<i32>} : memref<16x128xf32, #tpu.memory_space<vmem>>, vector<16xf32>,
      %mul3A_115 = arith.mulf %get3A_114, %gather3A_83 : vector<16xf32>
      %swap3A_116 = arith.index_cast %scan3A_78 : i32 to index
      %swap3A_117 = arith.constant 64 : index
      %swap3A_118 = tpu.vector_load %arg18[%swap3A_116, %swap3A_117] {strides = array<i32>} : memref<16x128xf32, #tpu.memory_space<vmem>>, vector<16xf32>,
      tpu.vector_store %arg18[%swap3A_116, %swap3A_117], %mul3A_115 {strides = array<i32>} : memref<16x128xf32, #tpu.memory_space<vmem>>, vector<16xf32>,
      %get3A_119 = arith.index_cast %scan3A_78 : i32 to index
      %get3A_120 = arith.constant 80 : index
      %get3A_121 = tpu.vector_load %arg18[%get3A_119, %get3A_120] {strides = array<i32>} : memref<16x128xf32, #tpu.memory_space<vmem>>, vector<16xf32>,
      %mul3A_122 = arith.mulf %get3A_121, %gather3A_83 : vector<16xf32>
      %swap3A_123 = arith.index_cast %scan3A_78 : i32 to index
      %swap3A_124 = arith.constant 80 : index
      %swap3A_125 = tpu.vector_load %arg18[%swap3A_123, %swap3A_124] {strides = array<i32>} : memref<16x128xf32, #tpu.memory_space<vmem>>, vector<16xf32>,
      tpu.vector_store %arg18[%swap3A_123, %swap3A_124], %mul3A_122 {strides = array<i32>} : memref<16x128xf32, #tpu.memory_space<vmem>>, vector<16xf32>,
      %get3A_126 = arith.index_cast %scan3A_78 : i32 to index
      %get3A_127 = arith.constant 96 : index
      %get3A_128 = tpu.vector_load %arg18[%get3A_126, %get3A_127] {strides = array<i32>} : memref<16x128xf32, #tpu.memory_space<vmem>>, vector<16xf32>,
      %mul3A_129 = arith.mulf %get3A_128, %gather3A_83 : vector<16xf32>
      %swap3A_130 = arith.index_cast %scan3A_78 : i32 to index
      %swap3A_131 = arith.constant 96 : index
      %swap3A_132 = tpu.vector_load %arg18[%swap3A_130, %swap3A_131] {strides = array<i32>} : memref<16x128xf32, #tpu.memory_space<vmem>>, vector<16xf32>,
      tpu.vector_store %arg18[%swap3A_130, %swap3A_131], %mul3A_129 {strides = array<i32>} : memref<16x128xf32, #tpu.memory_space<vmem>>, vector<16xf32>,
      %get3A_133 = arith.index_cast %scan3A_78 : i32 to index
      %get3A_134 = arith.constant 112 : index
      %get3A_135 = tpu.vector_load %arg18[%get3A_133, %get3A_134] {strides = array<i32>} : memref<16x128xf32, #tpu.memory_space<vmem>>, vector<16xf32>,
      %mul3A_136 = arith.mulf %get3A_135, %gather3A_83 : vector<16xf32>
      %swap3A_137 = arith.index_cast %scan3A_78 : i32 to index
      %swap3A_138 = arith.constant 112 : index
      %swap3A_139 = tpu.vector_load %arg18[%swap3A_137, %swap3A_138] {strides = array<i32>} : memref<16x128xf32, #tpu.memory_space<vmem>>, vector<16xf32>,
      tpu.vector_store %arg18[%swap3A_137, %swap3A_138], %mul3A_136 {strides = array<i32>} : memref<16x128xf32, #tpu.memory_space<vmem>>, vector<16xf32>,
      %scan3A_140 = arith.constant 0 : i32
      scf.yield %scan3A_140 : i32
    }
    %scan3A_66 = arith.constant 16 : i32
    "tpu.region"() ({
      %run_scoped3A = tpu.sem_alloc : memref<!tpu.dma_semaphore, #tpu.memory_space<semaphore_mem>>
      %dma_start3A_78 = arith.constant 0 : i32
      %dma_start3A_79 = arith.constant 0 : i32
      %dma_start3A_80 = tpu.memref_slice %arg20[%dma_start3A_78, %dma_start3A_79] : memref<10000x128xf32, #tpu.memory_space<vmem_shared>> -> memref<10000x128xf32, #tpu.memory_space<vmem_shared>>
      tpu.enqueue_indirect_dma source(%arg18 : memref<16x128xf32, #tpu.memory_space<vmem>>) target(%dma_start3A_80 : memref<10000x128xf32, #tpu.memory_space<vmem_shared>>) offsets(%arg15 : memref<16xi32, #tpu.memory_space<vmem>>) semaphore(%run_scoped3A : memref<!tpu.dma_semaphore, #tpu.memory_space<semaphore_mem>>) {add = true}
      %dma_wait3A_81 = arith.constant 0 : i32
      %dma_wait3A_82 = arith.constant 0 : i32
      %dma_wait3A_83 = tpu.memref_slice %arg20[%dma_wait3A_81, %dma_wait3A_82] : memref<10000x128xf32, #tpu.memory_space<vmem_shared>> -> memref<10000x128xf32, #tpu.memory_space<vmem_shared>>
      tpu.wait_indirect_dma semaphore(%run_scoped3A : memref<!tpu.dma_semaphore, #tpu.memory_space<semaphore_mem>>) src(%arg18 : memref<16x128xf32, #tpu.memory_space<vmem>>) dst(%dma_wait3A_83 : memref<10000x128xf32, #tpu.memory_space<vmem_shared>>)
      tpu.yield
    }) : () -> ()
    %barrier3A_67 = arith.constant 0 : index
    tpu.barrier barrier_id(%barrier3A_67)
    %lt3A_68 = arith.constant 15 : i32
    %lt3A_69 = arith.cmpi slt, %arg1, %lt3A_68 : i32
    %convert_element_type3A_70 = arith.extui %lt3A_69 : i1 to i32
    %cond3A_71 = arith.constant 0 : i32
    %cond3A_72 = arith.cmpi ne, %convert_element_type3A_70, %cond3A_71 : i32
    scf.if %cond3A_72 {
      "tpu.region"() ({
        %run_scoped3A = tpu.sem_alloc : memref<!tpu.dma_semaphore, #tpu.memory_space<semaphore_mem>>
        %dma_start3A_78 = arith.constant 0 : i32
        %dma_start3A_79 = tpu.memref_slice %arg6[%arg0, %multiple_of3A_3, %dma_start3A_78] : memref<2x10000x128xf32, #tpu.memory_space<hbm>> -> memref<1x640x128xf32, #tpu.memory_space<hbm>>
        %dma_start3A_80 = tpu.memref_squeeze %dma_start3A_79 : memref<1x640x128xf32, #tpu.memory_space<hbm>> -> memref<640x128xf32, #tpu.memory_space<hbm>>
        %dma_start3A_81 = arith.constant 0 : i32
        %dma_start3A_82 = tpu.memref_slice %arg20[%multiple_of3A_3, %dma_start3A_81] : memref<10000x128xf32, #tpu.memory_space<vmem_shared>> -> memref<640x128xf32, #tpu.memory_space<vmem_shared>>
        tpu.enqueue_dma source(%dma_start3A_82 : memref<640x128xf32, #tpu.memory_space<vmem_shared>>) target(%dma_start3A_80 : memref<640x128xf32, #tpu.memory_space<hbm>>) target_semaphore(%run_scoped3A : memref<!tpu.dma_semaphore, #tpu.memory_space<semaphore_mem>>)
        %dma_wait3A_83 = arith.constant 0 : i32
        %dma_wait3A_84 = tpu.memref_slice %arg6[%arg0, %multiple_of3A_3, %dma_wait3A_83] : memref<2x10000x128xf32, #tpu.memory_space<hbm>> -> memref<1x640x128xf32, #tpu.memory_space<hbm>>
        %dma_wait3A_85 = tpu.memref_squeeze %dma_wait3A_84 : memref<1x640x128xf32, #tpu.memory_space<hbm>> -> memref<640x128xf32, #tpu.memory_space<hbm>>
        %dma_wait3A_86 = arith.constant 0 : i32
        %dma_wait3A_87 = tpu.memref_slice %arg20[%multiple_of3A_3, %dma_wait3A_86] : memref<10000x128xf32, #tpu.memory_space<vmem_shared>> -> memref<640x128xf32, #tpu.memory_space<vmem_shared>>
        tpu.wait_dma2 semaphore(%run_scoped3A : memref<!tpu.dma_semaphore, #tpu.memory_space<semaphore_mem>>) src(%dma_wait3A_87 : memref<640x128xf32, #tpu.memory_space<vmem_shared>>) dst(%dma_wait3A_85 : memref<640x128xf32, #tpu.memory_space<hbm>>)
        tpu.yield
      }) : () -> ()
    } else {
    }
    %eq3A_73 = arith.constant 15 : i32
    %eq3A_74 = arith.cmpi eq, %arg1, %eq3A_73 : i32
    %convert_element_type3A_75 = arith.extui %eq3A_74 : i1 to i32
    %cond3A_76 = arith.constant 0 : i32
    %cond3A_77 = arith.cmpi ne, %convert_element_type3A_75, %cond3A_76 : i32
    scf.if %cond3A_77 {
      "tpu.region"() ({
        %run_scoped3A = tpu.sem_alloc : memref<!tpu.dma_semaphore, #tpu.memory_space<semaphore_mem>>
        %dma_start3A_78 = arith.constant 0 : i32
        %dma_start3A_79 = tpu.memref_slice %arg6[%arg0, %multiple_of3A_3, %dma_start3A_78] : memref<2x10000x128xf32, #tpu.memory_space<hbm>> -> memref<1x400x128xf32, #tpu.memory_space<hbm>>
        %dma_start3A_80 = tpu.memref_squeeze %dma_start3A_79 : memref<1x400x128xf32, #tpu.memory_space<hbm>> -> memref<400x128xf32, #tpu.memory_space<hbm>>
        %dma_start3A_81 = arith.constant 0 : i32
        %dma_start3A_82 = tpu.memref_slice %arg20[%multiple_of3A_3, %dma_start3A_81] : memref<10000x128xf32, #tpu.memory_space<vmem_shared>> -> memref<400x128xf32, #tpu.memory_space<vmem_shared>>
        tpu.enqueue_dma source(%dma_start3A_82 : memref<400x128xf32, #tpu.memory_space<vmem_shared>>) target(%dma_start3A_80 : memref<400x128xf32, #tpu.memory_space<hbm>>) target_semaphore(%run_scoped3A : memref<!tpu.dma_semaphore, #tpu.memory_space<semaphore_mem>>)
        %dma_wait3A_83 = arith.constant 0 : i32
        %dma_wait3A_84 = tpu.memref_slice %arg6[%arg0, %multiple_of3A_3, %dma_wait3A_83] : memref<2x10000x128xf32, #tpu.memory_space<hbm>> -> memref<1x400x128xf32, #tpu.memory_space<hbm>>
        %dma_wait3A_85 = tpu.memref_squeeze %dma_wait3A_84 : memref<1x400x128xf32, #tpu.memory_space<hbm>> -> memref<400x128xf32, #tpu.memory_space<hbm>>
        %dma_wait3A_86 = arith.constant 0 : i32
        %dma_wait3A_87 = tpu.memref_slice %arg20[%multiple_of3A_3, %dma_wait3A_86] : memref<10000x128xf32, #tpu.memory_space<vmem_shared>> -> memref<400x128xf32, #tpu.memory_space<vmem_shared>>
        tpu.wait_dma2 semaphore(%run_scoped3A : memref<!tpu.dma_semaphore, #tpu.memory_space<semaphore_mem>>) src(%dma_wait3A_87 : memref<400x128xf32, #tpu.memory_space<vmem_shared>>) dst(%dma_wait3A_85 : memref<400x128xf32, #tpu.memory_space<hbm>>)
        tpu.yield
      }) : () -> ()
    } else {
    }
    return
  }
}

#map = affine_map<(d0, d1) -> (0)>
module attributes {stable_mosaic.version = 14 : i64} {
  func.func @_edge_a_body(%arg0: i32, %arg1: i32, %arg2: memref<10000xf32, #tpu.memory_space<hbm>>, %arg3: memref<10000xf32, #tpu.memory_space<hbm>>, %arg4: memref<160000xi32, #tpu.memory_space<hbm>>, %arg5: memref<160000xf32, #tpu.memory_space<hbm>>, %arg6: memref<10000xf32, #tpu.memory_space<hbm>>, %arg7: memref<10000xf32, #tpu.memory_space<vmem>>, %arg8: memref<10000xf32, #tpu.memory_space<vmem>>, %arg9: memref<10000xi32, #tpu.memory_space<vmem>>, %arg10: memref<10000xf32, #tpu.memory_space<vmem>>, %arg11: memref<128xi32, #tpu.memory_space<vmem>>, %arg12: memref<16xi32, #tpu.memory_space<vmem>>, %arg13: memref<640xf32, #tpu.memory_space<vmem>>, %arg14: memref<10000xf32, #tpu.memory_space<vmem_shared>>) attributes {dimension_semantics = [#tpu.dimension_semantics<core_parallel>, #tpu.dimension_semantics<subcore_parallel>], iteration_bounds = array<i64: 2, 16>, scalar_prefetch = 0 : i64, scratch_operands = 8 : i64, tpu.core_type = #tpu.core_type<sc_vector_subcore>, window_params = [{transform_indices = #map}, {transform_indices = #map}, {transform_indices = #map}, {transform_indices = #map}, {transform_indices = #map}]} {
    %mul3A = arith.constant 10000 : i32
    %mul3A_0 = arith.muli %arg1, %mul3A : i32
    %multiple_of3A = tpu.assume_multiple %mul3A_0, 8 : i32
    %mul3A_1 = arith.constant 640 : i32
    %mul3A_2 = arith.muli %arg1, %mul3A_1 : i32
    %multiple_of3A_3 = tpu.assume_multiple %mul3A_2, 8 : i32
    %broadcast_in_dim3A = arith.constant 0.000000e+00 : f32
    %broadcast_in_dim3A_4 = vector.broadcast %broadcast_in_dim3A : f32 to vector<16xf32>
    "tpu.region"() ({
      %run_scoped3A = tpu.sem_alloc : memref<!tpu.dma_semaphore, #tpu.memory_space<semaphore_mem>>
      tpu.enqueue_dma source(%arg2 : memref<10000xf32, #tpu.memory_space<hbm>>) target(%arg7 : memref<10000xf32, #tpu.memory_space<vmem>>) target_semaphore(%run_scoped3A : memref<!tpu.dma_semaphore, #tpu.memory_space<semaphore_mem>>)
      tpu.wait_dma2 semaphore(%run_scoped3A : memref<!tpu.dma_semaphore, #tpu.memory_space<semaphore_mem>>) src(%arg2 : memref<10000xf32, #tpu.memory_space<hbm>>) dst(%arg7 : memref<10000xf32, #tpu.memory_space<vmem>>)
      tpu.yield
    }) : () -> ()
    "tpu.region"() ({
      %run_scoped3A = tpu.sem_alloc : memref<!tpu.dma_semaphore, #tpu.memory_space<semaphore_mem>>
      tpu.enqueue_dma source(%arg3 : memref<10000xf32, #tpu.memory_space<hbm>>) target(%arg8 : memref<10000xf32, #tpu.memory_space<vmem>>) target_semaphore(%run_scoped3A : memref<!tpu.dma_semaphore, #tpu.memory_space<semaphore_mem>>)
      tpu.wait_dma2 semaphore(%run_scoped3A : memref<!tpu.dma_semaphore, #tpu.memory_space<semaphore_mem>>) src(%arg3 : memref<10000xf32, #tpu.memory_space<hbm>>) dst(%arg8 : memref<10000xf32, #tpu.memory_space<vmem>>)
      tpu.yield
    }) : () -> ()
    "tpu.region"() ({
      %run_scoped3A = tpu.sem_alloc : memref<!tpu.dma_semaphore, #tpu.memory_space<semaphore_mem>>
      %dma_start3A = tpu.memref_slice %arg4[%multiple_of3A] : memref<160000xi32, #tpu.memory_space<hbm>> -> memref<10000xi32, #tpu.memory_space<hbm>>
      %dma_start3A_60 = tpu.memref_slice %arg4[%multiple_of3A] : memref<160000xi32, #tpu.memory_space<hbm>> -> memref<10000xi32, #tpu.memory_space<hbm>>
      tpu.enqueue_dma source(%dma_start3A_60 : memref<10000xi32, #tpu.memory_space<hbm>>) target(%arg9 : memref<10000xi32, #tpu.memory_space<vmem>>) target_semaphore(%run_scoped3A : memref<!tpu.dma_semaphore, #tpu.memory_space<semaphore_mem>>)
      %dma_wait3A = tpu.memref_slice %arg4[%multiple_of3A] : memref<160000xi32, #tpu.memory_space<hbm>> -> memref<10000xi32, #tpu.memory_space<hbm>>
      %dma_wait3A_61 = tpu.memref_slice %arg4[%multiple_of3A] : memref<160000xi32, #tpu.memory_space<hbm>> -> memref<10000xi32, #tpu.memory_space<hbm>>
      tpu.wait_dma2 semaphore(%run_scoped3A : memref<!tpu.dma_semaphore, #tpu.memory_space<semaphore_mem>>) src(%dma_wait3A_61 : memref<10000xi32, #tpu.memory_space<hbm>>) dst(%arg9 : memref<10000xi32, #tpu.memory_space<vmem>>)
      tpu.yield
    }) : () -> ()
    %scan3A = arith.constant 0 : i32
    %scan3A_5 = arith.constant 0 : i32
    %scan3A_6 = arith.constant 40 : i32
    %scan3A_7 = arith.addi %scan3A_5, %scan3A_6 : i32
    %scan3A_8 = arith.constant 1 : i32
    %scan3A_9 = scf.for %scan3A_60 = %scan3A_5 to %scan3A_7 step %scan3A_8 iter_args(%scan3A_61 = %scan3A) -> (i32)  : i32 {
      %mul3A_62 = arith.constant 16 : i32
      %mul3A_63 = arith.muli %scan3A_60, %mul3A_62 : i32
      %swap3A_64 = arith.index_cast %mul3A_63 : i32 to index
      %swap3A_65 = tpu.vector_load %arg13[%swap3A_64] {strides = array<i32>} : memref<640xf32, #tpu.memory_space<vmem>>, vector<16xf32>,
      tpu.vector_store %arg13[%swap3A_64], %broadcast_in_dim3A_4 {strides = array<i32>} : memref<640xf32, #tpu.memory_space<vmem>>, vector<16xf32>,
      %scan3A_66 = arith.constant 0 : i32
      scf.yield %scan3A_66 : i32
    }
    %scan3A_10 = arith.constant 40 : i32
    %lt3A = arith.constant 15 : i32
    %lt3A_11 = arith.cmpi slt, %arg1, %lt3A : i32
    %convert_element_type3A = arith.extui %lt3A_11 : i1 to i32
    %cond3A = arith.constant 0 : i32
    %cond3A_12 = arith.cmpi ne, %convert_element_type3A, %cond3A : i32
    scf.if %cond3A_12 {
      "tpu.region"() ({
        %run_scoped3A = tpu.sem_alloc : memref<!tpu.dma_semaphore, #tpu.memory_space<semaphore_mem>>
        %dma_start3A = tpu.memref_slice %arg14[%multiple_of3A_3] : memref<10000xf32, #tpu.memory_space<vmem_shared>> -> memref<640xf32, #tpu.memory_space<vmem_shared>>
        %dma_start3A_60 = tpu.memref_slice %arg14[%multiple_of3A_3] : memref<10000xf32, #tpu.memory_space<vmem_shared>> -> memref<640xf32, #tpu.memory_space<vmem_shared>>
        tpu.enqueue_dma source(%arg13 : memref<640xf32, #tpu.memory_space<vmem>>) target(%dma_start3A_60 : memref<640xf32, #tpu.memory_space<vmem_shared>>) target_semaphore(%run_scoped3A : memref<!tpu.dma_semaphore, #tpu.memory_space<semaphore_mem>>)
        %dma_wait3A = tpu.memref_slice %arg14[%multiple_of3A_3] : memref<10000xf32, #tpu.memory_space<vmem_shared>> -> memref<640xf32, #tpu.memory_space<vmem_shared>>
        %dma_wait3A_61 = tpu.memref_slice %arg14[%multiple_of3A_3] : memref<10000xf32, #tpu.memory_space<vmem_shared>> -> memref<640xf32, #tpu.memory_space<vmem_shared>>
        tpu.wait_dma2 semaphore(%run_scoped3A : memref<!tpu.dma_semaphore, #tpu.memory_space<semaphore_mem>>) src(%arg13 : memref<640xf32, #tpu.memory_space<vmem>>) dst(%dma_wait3A_61 : memref<640xf32, #tpu.memory_space<vmem_shared>>)
        tpu.yield
      }) : () -> ()
    } else {
    }
    %eq3A = arith.constant 15 : i32
    %eq3A_13 = arith.cmpi eq, %arg1, %eq3A : i32
    %convert_element_type3A_14 = arith.extui %eq3A_13 : i1 to i32
    %cond3A_15 = arith.constant 0 : i32
    %cond3A_16 = arith.cmpi ne, %convert_element_type3A_14, %cond3A_15 : i32
    scf.if %cond3A_16 {
      "tpu.region"() ({
        %run_scoped3A = tpu.sem_alloc : memref<!tpu.dma_semaphore, #tpu.memory_space<semaphore_mem>>
        %dma_start3A = arith.constant 0 : i32
        %dma_start3A_60 = tpu.memref_slice %arg13[%dma_start3A] : memref<640xf32, #tpu.memory_space<vmem>> -> memref<400xf32, #tpu.memory_space<vmem>>
        %dma_start3A_61 = tpu.memref_slice %arg14[%multiple_of3A_3] : memref<10000xf32, #tpu.memory_space<vmem_shared>> -> memref<400xf32, #tpu.memory_space<vmem_shared>>
        %dma_start3A_62 = tpu.memref_slice %arg14[%multiple_of3A_3] : memref<10000xf32, #tpu.memory_space<vmem_shared>> -> memref<400xf32, #tpu.memory_space<vmem_shared>>
        %dma_start3A_63 = arith.constant 0 : i32
        %dma_start3A_64 = tpu.memref_slice %arg13[%dma_start3A_63] : memref<640xf32, #tpu.memory_space<vmem>> -> memref<400xf32, #tpu.memory_space<vmem>>
        tpu.enqueue_dma source(%dma_start3A_64 : memref<400xf32, #tpu.memory_space<vmem>>) target(%dma_start3A_62 : memref<400xf32, #tpu.memory_space<vmem_shared>>) target_semaphore(%run_scoped3A : memref<!tpu.dma_semaphore, #tpu.memory_space<semaphore_mem>>)
        %dma_wait3A = arith.constant 0 : i32
        %dma_wait3A_65 = tpu.memref_slice %arg13[%dma_wait3A] : memref<640xf32, #tpu.memory_space<vmem>> -> memref<400xf32, #tpu.memory_space<vmem>>
        %dma_wait3A_66 = tpu.memref_slice %arg14[%multiple_of3A_3] : memref<10000xf32, #tpu.memory_space<vmem_shared>> -> memref<400xf32, #tpu.memory_space<vmem_shared>>
        %dma_wait3A_67 = tpu.memref_slice %arg14[%multiple_of3A_3] : memref<10000xf32, #tpu.memory_space<vmem_shared>> -> memref<400xf32, #tpu.memory_space<vmem_shared>>
        %dma_wait3A_68 = arith.constant 0 : i32
        %dma_wait3A_69 = tpu.memref_slice %arg13[%dma_wait3A_68] : memref<640xf32, #tpu.memory_space<vmem>> -> memref<400xf32, #tpu.memory_space<vmem>>
        tpu.wait_dma2 semaphore(%run_scoped3A : memref<!tpu.dma_semaphore, #tpu.memory_space<semaphore_mem>>) src(%dma_wait3A_69 : memref<400xf32, #tpu.memory_space<vmem>>) dst(%dma_wait3A_67 : memref<400xf32, #tpu.memory_space<vmem_shared>>)
        tpu.yield
      }) : () -> ()
    } else {
    }
    %barrier3A = arith.constant 0 : index
    tpu.barrier barrier_id(%barrier3A)
    %scan3A_17 = arith.constant 0 : i32
    %scan3A_18 = arith.constant 0 : i32
    %scan3A_19 = arith.constant 78 : i32
    %scan3A_20 = arith.addi %scan3A_18, %scan3A_19 : i32
    %scan3A_21 = arith.constant 1 : i32
    %scan3A_22 = scf.for %scan3A_60 = %scan3A_18 to %scan3A_20 step %scan3A_21 iter_args(%scan3A_61 = %scan3A_17) -> (i32)  : i32 {
      %scan3A_62 = arith.constant 0 : i32
      %scan3A_63 = arith.constant 0 : i32
      %scan3A_64 = arith.constant 8 : i32
      %scan3A_65 = arith.addi %scan3A_63, %scan3A_64 : i32
      %scan3A_66 = arith.constant 1 : i32
      %scan3A_67 = scf.for %scan3A_73 = %scan3A_63 to %scan3A_65 step %scan3A_66 iter_args(%scan3A_74 = %scan3A_62) -> (i32)  : i32 {
        %mul3A_75 = arith.constant 8 : i32
        %mul3A_76 = arith.muli %scan3A_60, %mul3A_75 : i32
        %add3A_77 = arith.addi %mul3A_76, %scan3A_73 : i32
        %mul3A_78 = arith.constant 16 : i32
        %mul3A_79 = arith.muli %add3A_77, %mul3A_78 : i32
        %get3A_80 = arith.index_cast %mul3A_79 : i32 to index
        %get3A_81 = tpu.vector_load %arg9[%get3A_80] {strides = array<i32>} : memref<10000xi32, #tpu.memory_space<vmem>>, vector<16xi32>,
        %shift_right_arithmetic3A_82 = arith.constant 16 : i32
        %shift_right_arithmetic3A_83 = vector.broadcast %shift_right_arithmetic3A_82 : i32 to vector<16xi32>
        %shift_right_arithmetic3A_84 = arith.shrsi %get3A_81, %shift_right_arithmetic3A_83 : vector<16xi32>
        %and3A_85 = arith.constant 65535 : i32
        %and3A_86 = vector.broadcast %and3A_85 : i32 to vector<16xi32>
        %and3A_87 = arith.andi %get3A_81, %and3A_86 : vector<16xi32>
        %gather3A_88 = tpu.vector_load_idx %arg7[%shift_right_arithmetic3A_84] : memref<10000xf32, #tpu.memory_space<vmem>>[vector<16xi32>], vector<16xf32>,
        %gather3A_89 = tpu.vector_load_idx %arg8[%and3A_87] : memref<10000xf32, #tpu.memory_space<vmem>>[vector<16xi32>], vector<16xf32>,
        %add3A_90 = arith.addf %gather3A_88, %gather3A_89 : vector<16xf32>
        %ge3A_91 = arith.constant 0.000000e+00 : f32
        %ge3A_92 = vector.broadcast %ge3A_91 : f32 to vector<16xf32>
        %ge3A_93 = arith.cmpf oge, %add3A_90, %ge3A_92 : vector<16xf32>
        %mul3A_94 = arith.constant 2.000000e-01 : f32
        %mul3A_95 = vector.broadcast %mul3A_94 : f32 to vector<16xf32>
        %mul3A_96 = arith.mulf %mul3A_95, %add3A_90 : vector<16xf32>
        %select_n3A_97 = arith.select %ge3A_93, %add3A_90, %mul3A_96 : vector<16xi1>, vector<16xf32>
        %exp3A_98 = math.exp %select_n3A_97 : vector<16xf32>
        %swap3A_99 = arith.index_cast %mul3A_79 : i32 to index
        %swap3A_100 = tpu.vector_load %arg10[%swap3A_99] {strides = array<i32>} : memref<10000xf32, #tpu.memory_space<vmem>>, vector<16xf32>,
        tpu.vector_store %arg10[%swap3A_99], %exp3A_98 {strides = array<i32>} : memref<10000xf32, #tpu.memory_space<vmem>>, vector<16xf32>,
        %mul3A_101 = arith.constant 16 : i32
        %mul3A_102 = arith.muli %scan3A_73, %mul3A_101 : i32
        %swap3A_103 = arith.index_cast %mul3A_102 : i32 to index
        %swap3A_104 = tpu.vector_load %arg11[%swap3A_103] {strides = array<i32>} : memref<128xi32, #tpu.memory_space<vmem>>, vector<16xi32>,
        tpu.vector_store %arg11[%swap3A_103], %and3A_87 {strides = array<i32>} : memref<128xi32, #tpu.memory_space<vmem>>, vector<16xi32>,
        %scan3A_105 = arith.constant 0 : i32
        scf.yield %scan3A_105 : i32
      }
      %scan3A_68 = arith.constant 8 : i32
      %mul3A_69 = arith.constant 128 : i32
      %mul3A_70 = arith.muli %scan3A_60, %mul3A_69 : i32
      %multiple_of3A_71 = tpu.assume_multiple %mul3A_70, 8 : i32
      "tpu.region"() ({
        %run_scoped3A = tpu.sem_alloc : memref<!tpu.dma_semaphore, #tpu.memory_space<semaphore_mem>>
        %dma_start3A = tpu.memref_slice %arg10[%multiple_of3A_71] : memref<10000xf32, #tpu.memory_space<vmem>> -> memref<128xf32, #tpu.memory_space<vmem>>
        %dma_start3A_73 = arith.constant 0 : i32
        %dma_start3A_74 = tpu.memref_slice %arg14[%dma_start3A_73] : memref<10000xf32, #tpu.memory_space<vmem_shared>> -> memref<10000xf32, #tpu.memory_space<vmem_shared>>
        tpu.enqueue_indirect_dma source(%dma_start3A : memref<128xf32, #tpu.memory_space<vmem>>) target(%dma_start3A_74 : memref<10000xf32, #tpu.memory_space<vmem_shared>>) offsets(%arg11 : memref<128xi32, #tpu.memory_space<vmem>>) semaphore(%run_scoped3A : memref<!tpu.dma_semaphore, #tpu.memory_space<semaphore_mem>>) {add = true}
        %dma_wait3A = tpu.memref_slice %arg10[%multiple_of3A_71] : memref<10000xf32, #tpu.memory_space<vmem>> -> memref<128xf32, #tpu.memory_space<vmem>>
        %dma_wait3A_75 = arith.constant 0 : i32
        %dma_wait3A_76 = tpu.memref_slice %arg14[%dma_wait3A_75] : memref<10000xf32, #tpu.memory_space<vmem_shared>> -> memref<10000xf32, #tpu.memory_space<vmem_shared>>
        tpu.wait_indirect_dma semaphore(%run_scoped3A : memref<!tpu.dma_semaphore, #tpu.memory_space<semaphore_mem>>) src(%dma_wait3A : memref<128xf32, #tpu.memory_space<vmem>>) dst(%dma_wait3A_76 : memref<10000xf32, #tpu.memory_space<vmem_shared>>)
        tpu.yield
      }) : () -> ()
      %scan3A_72 = arith.constant 0 : i32
      scf.yield %scan3A_72 : i32
    }
    %scan3A_23 = arith.constant 78 : i32
    %get3A = arith.constant 9984 : index
    %get3A_24 = tpu.vector_load %arg9[%get3A] {strides = array<i32>} : memref<10000xi32, #tpu.memory_space<vmem>>, vector<16xi32>,
    %shift_right_arithmetic3A = arith.constant 16 : i32
    %shift_right_arithmetic3A_25 = vector.broadcast %shift_right_arithmetic3A : i32 to vector<16xi32>
    %shift_right_arithmetic3A_26 = arith.shrsi %get3A_24, %shift_right_arithmetic3A_25 : vector<16xi32>
    %and3A = arith.constant 65535 : i32
    %and3A_27 = vector.broadcast %and3A : i32 to vector<16xi32>
    %and3A_28 = arith.andi %get3A_24, %and3A_27 : vector<16xi32>
    %gather3A = tpu.vector_load_idx %arg7[%shift_right_arithmetic3A_26] : memref<10000xf32, #tpu.memory_space<vmem>>[vector<16xi32>], vector<16xf32>,
    %gather3A_29 = tpu.vector_load_idx %arg8[%and3A_28] : memref<10000xf32, #tpu.memory_space<vmem>>[vector<16xi32>], vector<16xf32>,
    %add3A = arith.addf %gather3A, %gather3A_29 : vector<16xf32>
    %ge3A = arith.constant 0.000000e+00 : f32
    %ge3A_30 = vector.broadcast %ge3A : f32 to vector<16xf32>
    %ge3A_31 = arith.cmpf oge, %add3A, %ge3A_30 : vector<16xf32>
    %mul3A_32 = arith.constant 2.000000e-01 : f32
    %mul3A_33 = vector.broadcast %mul3A_32 : f32 to vector<16xf32>
    %mul3A_34 = arith.mulf %mul3A_33, %add3A : vector<16xf32>
    %select_n3A = arith.select %ge3A_31, %add3A, %mul3A_34 : vector<16xi1>, vector<16xf32>
    %exp3A = math.exp %select_n3A : vector<16xf32>
    %swap3A = arith.constant 9984 : index
    %swap3A_35 = tpu.vector_load %arg10[%swap3A] {strides = array<i32>} : memref<10000xf32, #tpu.memory_space<vmem>>, vector<16xf32>,
    tpu.vector_store %arg10[%swap3A], %exp3A {strides = array<i32>} : memref<10000xf32, #tpu.memory_space<vmem>>, vector<16xf32>,
    %swap3A_36 = arith.constant 0 : index
    %swap3A_37 = tpu.vector_load %arg12[%swap3A_36] {strides = array<i32>} : memref<16xi32, #tpu.memory_space<vmem>>, vector<16xi32>,
    tpu.vector_store %arg12[%swap3A_36], %and3A_28 {strides = array<i32>} : memref<16xi32, #tpu.memory_space<vmem>>, vector<16xi32>,
    "tpu.region"() ({
      %run_scoped3A = tpu.sem_alloc : memref<!tpu.dma_semaphore, #tpu.memory_space<semaphore_mem>>
      %dma_start3A = arith.constant 9984 : i32
      %dma_start3A_60 = tpu.memref_slice %arg10[%dma_start3A] : memref<10000xf32, #tpu.memory_space<vmem>> -> memref<16xf32, #tpu.memory_space<vmem>>
      %dma_start3A_61 = arith.constant 0 : i32
      %dma_start3A_62 = tpu.memref_slice %arg14[%dma_start3A_61] : memref<10000xf32, #tpu.memory_space<vmem_shared>> -> memref<10000xf32, #tpu.memory_space<vmem_shared>>
      tpu.enqueue_indirect_dma source(%dma_start3A_60 : memref<16xf32, #tpu.memory_space<vmem>>) target(%dma_start3A_62 : memref<10000xf32, #tpu.memory_space<vmem_shared>>) offsets(%arg12 : memref<16xi32, #tpu.memory_space<vmem>>) semaphore(%run_scoped3A : memref<!tpu.dma_semaphore, #tpu.memory_space<semaphore_mem>>) {add = true}
      %dma_wait3A = arith.constant 9984 : i32
      %dma_wait3A_63 = tpu.memref_slice %arg10[%dma_wait3A] : memref<10000xf32, #tpu.memory_space<vmem>> -> memref<16xf32, #tpu.memory_space<vmem>>
      %dma_wait3A_64 = arith.constant 0 : i32
      %dma_wait3A_65 = tpu.memref_slice %arg14[%dma_wait3A_64] : memref<10000xf32, #tpu.memory_space<vmem_shared>> -> memref<10000xf32, #tpu.memory_space<vmem_shared>>
      tpu.wait_indirect_dma semaphore(%run_scoped3A : memref<!tpu.dma_semaphore, #tpu.memory_space<semaphore_mem>>) src(%dma_wait3A_63 : memref<16xf32, #tpu.memory_space<vmem>>) dst(%dma_wait3A_65 : memref<10000xf32, #tpu.memory_space<vmem_shared>>)
      tpu.yield
    }) : () -> ()
    %eq3A_38 = arith.constant 0 : i32
    %eq3A_39 = arith.cmpi eq, %arg0, %eq3A_38 : i32
    %convert_element_type3A_40 = arith.extui %eq3A_39 : i1 to i32
    %cond3A_41 = arith.constant 0 : i32
    %cond3A_42 = arith.cmpi ne, %convert_element_type3A_40, %cond3A_41 : i32
    scf.if %cond3A_42 {
      "tpu.region"() ({
        %run_scoped3A = tpu.sem_alloc : memref<!tpu.dma_semaphore, #tpu.memory_space<semaphore_mem>>
        %dma_start3A = tpu.memref_slice %arg5[%multiple_of3A] : memref<160000xf32, #tpu.memory_space<hbm>> -> memref<10000xf32, #tpu.memory_space<hbm>>
        %dma_start3A_60 = tpu.memref_slice %arg5[%multiple_of3A] : memref<160000xf32, #tpu.memory_space<hbm>> -> memref<10000xf32, #tpu.memory_space<hbm>>
        tpu.enqueue_dma source(%arg10 : memref<10000xf32, #tpu.memory_space<vmem>>) target(%dma_start3A_60 : memref<10000xf32, #tpu.memory_space<hbm>>) target_semaphore(%run_scoped3A : memref<!tpu.dma_semaphore, #tpu.memory_space<semaphore_mem>>)
        %dma_wait3A = tpu.memref_slice %arg5[%multiple_of3A] : memref<160000xf32, #tpu.memory_space<hbm>> -> memref<10000xf32, #tpu.memory_space<hbm>>
        %dma_wait3A_61 = tpu.memref_slice %arg5[%multiple_of3A] : memref<160000xf32, #tpu.memory_space<hbm>> -> memref<10000xf32, #tpu.memory_space<hbm>>
        tpu.wait_dma2 semaphore(%run_scoped3A : memref<!tpu.dma_semaphore, #tpu.memory_space<semaphore_mem>>) src(%arg10 : memref<10000xf32, #tpu.memory_space<vmem>>) dst(%dma_wait3A_61 : memref<10000xf32, #tpu.memory_space<hbm>>)
        tpu.yield
      }) : () -> ()
    } else {
    }
    %barrier3A_43 = arith.constant 0 : index
    tpu.barrier barrier_id(%barrier3A_43)
    %eq3A_44 = arith.constant 0 : i32
    %eq3A_45 = arith.cmpi eq, %arg0, %eq3A_44 : i32
    %lt3A_46 = arith.constant 15 : i32
    %lt3A_47 = arith.cmpi slt, %arg1, %lt3A_46 : i32
    %and3A_48 = arith.andi %eq3A_45, %lt3A_47 : i1
    %convert_element_type3A_49 = arith.extui %and3A_48 : i1 to i32
    %cond3A_50 = arith.constant 0 : i32
    %cond3A_51 = arith.cmpi ne, %convert_element_type3A_49, %cond3A_50 : i32
    scf.if %cond3A_51 {
      "tpu.region"() ({
        %run_scoped3A = tpu.sem_alloc : memref<!tpu.dma_semaphore, #tpu.memory_space<semaphore_mem>>
        %dma_start3A = tpu.memref_slice %arg14[%multiple_of3A_3] : memref<10000xf32, #tpu.memory_space<vmem_shared>> -> memref<640xf32, #tpu.memory_space<vmem_shared>>
        %dma_start3A_60 = tpu.memref_slice %arg14[%multiple_of3A_3] : memref<10000xf32, #tpu.memory_space<vmem_shared>> -> memref<640xf32, #tpu.memory_space<vmem_shared>>
        tpu.enqueue_dma source(%dma_start3A_60 : memref<640xf32, #tpu.memory_space<vmem_shared>>) target(%arg13 : memref<640xf32, #tpu.memory_space<vmem>>) target_semaphore(%run_scoped3A : memref<!tpu.dma_semaphore, #tpu.memory_space<semaphore_mem>>)
        %dma_wait3A = tpu.memref_slice %arg14[%multiple_of3A_3] : memref<10000xf32, #tpu.memory_space<vmem_shared>> -> memref<640xf32, #tpu.memory_space<vmem_shared>>
        %dma_wait3A_61 = tpu.memref_slice %arg14[%multiple_of3A_3] : memref<10000xf32, #tpu.memory_space<vmem_shared>> -> memref<640xf32, #tpu.memory_space<vmem_shared>>
        tpu.wait_dma2 semaphore(%run_scoped3A : memref<!tpu.dma_semaphore, #tpu.memory_space<semaphore_mem>>) src(%dma_wait3A_61 : memref<640xf32, #tpu.memory_space<vmem_shared>>) dst(%arg13 : memref<640xf32, #tpu.memory_space<vmem>>)
        tpu.yield
      }) : () -> ()
      "tpu.region"() ({
        %run_scoped3A = tpu.sem_alloc : memref<!tpu.dma_semaphore, #tpu.memory_space<semaphore_mem>>
        %dma_start3A = tpu.memref_slice %arg6[%multiple_of3A_3] : memref<10000xf32, #tpu.memory_space<hbm>> -> memref<640xf32, #tpu.memory_space<hbm>>
        %dma_start3A_60 = tpu.memref_slice %arg6[%multiple_of3A_3] : memref<10000xf32, #tpu.memory_space<hbm>> -> memref<640xf32, #tpu.memory_space<hbm>>
        tpu.enqueue_dma source(%arg13 : memref<640xf32, #tpu.memory_space<vmem>>) target(%dma_start3A_60 : memref<640xf32, #tpu.memory_space<hbm>>) target_semaphore(%run_scoped3A : memref<!tpu.dma_semaphore, #tpu.memory_space<semaphore_mem>>)
        %dma_wait3A = tpu.memref_slice %arg6[%multiple_of3A_3] : memref<10000xf32, #tpu.memory_space<hbm>> -> memref<640xf32, #tpu.memory_space<hbm>>
        %dma_wait3A_61 = tpu.memref_slice %arg6[%multiple_of3A_3] : memref<10000xf32, #tpu.memory_space<hbm>> -> memref<640xf32, #tpu.memory_space<hbm>>
        tpu.wait_dma2 semaphore(%run_scoped3A : memref<!tpu.dma_semaphore, #tpu.memory_space<semaphore_mem>>) src(%arg13 : memref<640xf32, #tpu.memory_space<vmem>>) dst(%dma_wait3A_61 : memref<640xf32, #tpu.memory_space<hbm>>)
        tpu.yield
      }) : () -> ()
    } else {
    }
    %eq3A_52 = arith.constant 0 : i32
    %eq3A_53 = arith.cmpi eq, %arg0, %eq3A_52 : i32
    %eq3A_54 = arith.constant 15 : i32
    %eq3A_55 = arith.cmpi eq, %arg1, %eq3A_54 : i32
    %and3A_56 = arith.andi %eq3A_53, %eq3A_55 : i1
    %convert_element_type3A_57 = arith.extui %and3A_56 : i1 to i32
    %cond3A_58 = arith.constant 0 : i32
    %cond3A_59 = arith.cmpi ne, %convert_element_type3A_57, %cond3A_58 : i32
    scf.if %cond3A_59 {
      "tpu.region"() ({
        %run_scoped3A = tpu.sem_alloc : memref<!tpu.dma_semaphore, #tpu.memory_space<semaphore_mem>>
        %dma_start3A = arith.constant 0 : i32
        %dma_start3A_60 = tpu.memref_slice %arg13[%dma_start3A] : memref<640xf32, #tpu.memory_space<vmem>> -> memref<400xf32, #tpu.memory_space<vmem>>
        %dma_start3A_61 = tpu.memref_slice %arg14[%multiple_of3A_3] : memref<10000xf32, #tpu.memory_space<vmem_shared>> -> memref<400xf32, #tpu.memory_space<vmem_shared>>
        %dma_start3A_62 = arith.constant 0 : i32
        %dma_start3A_63 = tpu.memref_slice %arg13[%dma_start3A_62] : memref<640xf32, #tpu.memory_space<vmem>> -> memref<400xf32, #tpu.memory_space<vmem>>
        %dma_start3A_64 = tpu.memref_slice %arg14[%multiple_of3A_3] : memref<10000xf32, #tpu.memory_space<vmem_shared>> -> memref<400xf32, #tpu.memory_space<vmem_shared>>
        tpu.enqueue_dma source(%dma_start3A_64 : memref<400xf32, #tpu.memory_space<vmem_shared>>) target(%dma_start3A_63 : memref<400xf32, #tpu.memory_space<vmem>>) target_semaphore(%run_scoped3A : memref<!tpu.dma_semaphore, #tpu.memory_space<semaphore_mem>>)
        %dma_wait3A = arith.constant 0 : i32
        %dma_wait3A_65 = tpu.memref_slice %arg13[%dma_wait3A] : memref<640xf32, #tpu.memory_space<vmem>> -> memref<400xf32, #tpu.memory_space<vmem>>
        %dma_wait3A_66 = tpu.memref_slice %arg14[%multiple_of3A_3] : memref<10000xf32, #tpu.memory_space<vmem_shared>> -> memref<400xf32, #tpu.memory_space<vmem_shared>>
        %dma_wait3A_67 = arith.constant 0 : i32
        %dma_wait3A_68 = tpu.memref_slice %arg13[%dma_wait3A_67] : memref<640xf32, #tpu.memory_space<vmem>> -> memref<400xf32, #tpu.memory_space<vmem>>
        %dma_wait3A_69 = tpu.memref_slice %arg14[%multiple_of3A_3] : memref<10000xf32, #tpu.memory_space<vmem_shared>> -> memref<400xf32, #tpu.memory_space<vmem_shared>>
        tpu.wait_dma2 semaphore(%run_scoped3A : memref<!tpu.dma_semaphore, #tpu.memory_space<semaphore_mem>>) src(%dma_wait3A_69 : memref<400xf32, #tpu.memory_space<vmem_shared>>) dst(%dma_wait3A_68 : memref<400xf32, #tpu.memory_space<vmem>>)
        tpu.yield
      }) : () -> ()
      "tpu.region"() ({
        %run_scoped3A = tpu.sem_alloc : memref<!tpu.dma_semaphore, #tpu.memory_space<semaphore_mem>>
        %dma_start3A = arith.constant 0 : i32
        %dma_start3A_60 = tpu.memref_slice %arg13[%dma_start3A] : memref<640xf32, #tpu.memory_space<vmem>> -> memref<400xf32, #tpu.memory_space<vmem>>
        %dma_start3A_61 = tpu.memref_slice %arg6[%multiple_of3A_3] : memref<10000xf32, #tpu.memory_space<hbm>> -> memref<400xf32, #tpu.memory_space<hbm>>
        %dma_start3A_62 = tpu.memref_slice %arg6[%multiple_of3A_3] : memref<10000xf32, #tpu.memory_space<hbm>> -> memref<400xf32, #tpu.memory_space<hbm>>
        %dma_start3A_63 = arith.constant 0 : i32
        %dma_start3A_64 = tpu.memref_slice %arg13[%dma_start3A_63] : memref<640xf32, #tpu.memory_space<vmem>> -> memref<400xf32, #tpu.memory_space<vmem>>
        tpu.enqueue_dma source(%dma_start3A_64 : memref<400xf32, #tpu.memory_space<vmem>>) target(%dma_start3A_62 : memref<400xf32, #tpu.memory_space<hbm>>) target_semaphore(%run_scoped3A : memref<!tpu.dma_semaphore, #tpu.memory_space<semaphore_mem>>)
        %dma_wait3A = arith.constant 0 : i32
        %dma_wait3A_65 = tpu.memref_slice %arg13[%dma_wait3A] : memref<640xf32, #tpu.memory_space<vmem>> -> memref<400xf32, #tpu.memory_space<vmem>>
        %dma_wait3A_66 = tpu.memref_slice %arg6[%multiple_of3A_3] : memref<10000xf32, #tpu.memory_space<hbm>> -> memref<400xf32, #tpu.memory_space<hbm>>
        %dma_wait3A_67 = tpu.memref_slice %arg6[%multiple_of3A_3] : memref<10000xf32, #tpu.memory_space<hbm>> -> memref<400xf32, #tpu.memory_space<hbm>>
        %dma_wait3A_68 = arith.constant 0 : i32
        %dma_wait3A_69 = tpu.memref_slice %arg13[%dma_wait3A_68] : memref<640xf32, #tpu.memory_space<vmem>> -> memref<400xf32, #tpu.memory_space<vmem>>
        tpu.wait_dma2 semaphore(%run_scoped3A : memref<!tpu.dma_semaphore, #tpu.memory_space<semaphore_mem>>) src(%dma_wait3A_69 : memref<400xf32, #tpu.memory_space<vmem>>) dst(%dma_wait3A_67 : memref<400xf32, #tpu.memory_space<hbm>>)
        tpu.yield
      }) : () -> ()
    } else {
    }
    return
  }
}

module attributes {stable_mosaic.version = 14 : i64} {
  func.func @_proj_bn_body(%arg0: i32, %arg1: memref<1000x256xf32, #tpu.memory_space<vmem>>, %arg2: memref<2x256xf32, #tpu.memory_space<vmem>>, %arg3: memref<1x256xf32, #tpu.memory_space<vmem>>, %arg4: memref<1x256xf32, #tpu.memory_space<vmem>>, %arg5: memref<256x256xf32, #tpu.memory_space<vmem>>, %arg6: memref<1x256xf32, #tpu.memory_space<vmem>>, %arg7: memref<1x256xf32, #tpu.memory_space<vmem>>, %arg8: memref<2x1000x128xf32, #tpu.memory_space<vmem>>, %arg9: memref<1000x1xf32, #tpu.memory_space<vmem>>, %arg10: memref<1000x1xf32, #tpu.memory_space<vmem>>) attributes {dimension_semantics = [#tpu.dimension_semantics<arbitrary>], iteration_bounds = array<i64: 10>, scalar_prefetch = 0 : i64, scratch_operands = 0 : i64, tpu.core_type = #tpu.core_type<tc>, window_params = [{transform_indices = @transform_0, window_bounds = array<i64: 1000, 256>}, {pipeline_mode = #tpu.pipeline_mode<synchronous>, transform_indices = @transform_1, window_bounds = array<i64: 2, 256>}, {pipeline_mode = #tpu.pipeline_mode<synchronous>, transform_indices = @transform_2, window_bounds = array<i64: 1, 256>}, {pipeline_mode = #tpu.pipeline_mode<synchronous>, transform_indices = @transform_3, window_bounds = array<i64: 1, 256>}, {pipeline_mode = #tpu.pipeline_mode<synchronous>, transform_indices = @transform_4, window_bounds = array<i64: 256, 256>}, {pipeline_mode = #tpu.pipeline_mode<synchronous>, transform_indices = @transform_5, window_bounds = array<i64: 1, 256>}, {pipeline_mode = #tpu.pipeline_mode<synchronous>, transform_indices = @transform_6, window_bounds = array<i64: 1, 256>}, {transform_indices = @transform_7, window_bounds = array<i64: 2, 1000, 128>}, {transform_indices = @transform_8, window_bounds = array<i64: 1000, 1>}, {transform_indices = @transform_9, window_bounds = array<i64: 1000, 1>}]} {
    %get3A = arith.constant 0 : index
    %get3A_0 = arith.constant 0 : index
    %get3A_1 = vector.load %arg2[%get3A, %get3A_0] : memref<2x256xf32, #tpu.memory_space<vmem>>, vector<1x256xf32>
    %div3A = arith.constant 1.000000e+04 : f32
    %div3A_2 = vector.broadcast %div3A : f32 to vector<1x256xf32>
    %div3A_3 = arith.divf %get3A_1, %div3A_2 : vector<1x256xf32>
    %get3A_4 = arith.constant 1 : index
    %get3A_5 = arith.constant 0 : index
    %get3A_6 = vector.load %arg2[%get3A_4, %get3A_5] : memref<2x256xf32, #tpu.memory_space<vmem>>, vector<1x256xf32>
    %div3A_7 = arith.constant 1.000000e+04 : f32
    %div3A_8 = vector.broadcast %div3A_7 : f32 to vector<1x256xf32>
    %div3A_9 = arith.divf %get3A_6, %div3A_8 : vector<1x256xf32>
    %mul3A = arith.mulf %div3A_3, %div3A_3 : vector<1x256xf32>
    %sub3A = arith.subf %div3A_9, %mul3A : vector<1x256xf32>
    %get3A_10 = arith.constant 0 : index
    %get3A_11 = arith.constant 0 : index
    %get3A_12 = vector.load %arg3[%get3A_10, %get3A_11] : memref<1x256xf32, #tpu.memory_space<vmem>>, vector<1x256xf32>
    %add3A = arith.constant 9.99999974E-6 : f32
    %add3A_13 = vector.broadcast %add3A : f32 to vector<1x256xf32>
    %add3A_14 = arith.addf %sub3A, %add3A_13 : vector<1x256xf32>
    %rsqrt3A = math.rsqrt %add3A_14 : vector<1x256xf32>
    %mul3A_15 = arith.mulf %get3A_12, %rsqrt3A : vector<1x256xf32>
    %get3A_16 = arith.constant 0 : index
    %get3A_17 = arith.constant 0 : index
    %get3A_18 = vector.load %arg1[%get3A_16, %get3A_17] : memref<1000x256xf32, #tpu.memory_space<vmem>>, vector<1000x256xf32>
    %sub3A_19 = vector.broadcast %div3A_3 : vector<1x256xf32> to vector<1000x256xf32>
    %sub3A_20 = arith.subf %get3A_18, %sub3A_19 : vector<1000x256xf32>
    %mul3A_21 = vector.broadcast %mul3A_15 : vector<1x256xf32> to vector<1000x256xf32>
    %mul3A_22 = arith.mulf %sub3A_20, %mul3A_21 : vector<1000x256xf32>
    %get3A_23 = arith.constant 0 : index
    %get3A_24 = arith.constant 0 : index
    %get3A_25 = vector.load %arg4[%get3A_23, %get3A_24] : memref<1x256xf32, #tpu.memory_space<vmem>>, vector<1x256xf32>
    %add3A_26 = vector.broadcast %get3A_25 : vector<1x256xf32> to vector<1000x256xf32>
    %add3A_27 = arith.addf %mul3A_22, %add3A_26 : vector<1000x256xf32>
    %gt3A = arith.constant 0.000000e+00 : f32
    %gt3A_28 = vector.broadcast %gt3A : f32 to vector<1000x256xf32>
    %gt3A_29 = arith.cmpf ogt, %add3A_27, %gt3A_28 : vector<1000x256xf32>
    %exp3A = math.exp %add3A_27 : vector<1000x256xf32>
    %sub3A_30 = arith.constant 1.000000e+00 : f32
    %sub3A_31 = vector.broadcast %sub3A_30 : f32 to vector<1000x256xf32>
    %sub3A_32 = arith.subf %exp3A, %sub3A_31 : vector<1000x256xf32>
    %select_n3A = arith.select %gt3A_29, %add3A_27, %sub3A_32 : vector<1000x256xi1>, vector<1000x256xf32>
    %get3A_33 = arith.constant 0 : index
    %get3A_34 = arith.constant 0 : index
    %get3A_35 = vector.load %arg5[%get3A_33, %get3A_34] : memref<256x256xf32, #tpu.memory_space<vmem>>, vector<256x256xf32>
    %dot_general3A = arith.constant dense<0.000000e+00> : vector<1000x256xf32>
    %dot_general3A_36 = tpu.matmul %select_n3A, %get3A_35, %dot_general3A {dimension_numbers = #tpu.dot_dimension_numbers<[1], [0], [0], [1], [0, 0, 1, 1], [], []>, transpose_lhs_hint = false} : vector<1000x256xf32>, vector<256x256xf32>, vector<1000x256xf32> -> vector<1000x256xf32>
    %slice3A = vector.extract_strided_slice %dot_general3A_36 {offsets = [0, 0], sizes = [1000, 128], strides = [1, 1]} : vector<1000x256xf32> to vector<1000x128xf32>
    %swap3A = arith.constant 0 : index
    %swap3A_37 = arith.constant 0 : index
    %swap3A_38 = arith.constant 0 : index
    %swap3A_39 = vector.load %arg8[%swap3A, %swap3A_37, %swap3A_38] : memref<2x1000x128xf32, #tpu.memory_space<vmem>>, vector<1x1000x128xf32>
    %swap3A_40 = vector.shape_cast %swap3A_39 : vector<1x1000x128xf32> to vector<1000x128xf32>
    %swap3A_41 = vector.shape_cast %slice3A : vector<1000x128xf32> to vector<1x1000x128xf32>
    tpu.vector_store %arg8[%swap3A, %swap3A_37, %swap3A_38], %swap3A_41 {strides = array<i32>} : memref<2x1000x128xf32, #tpu.memory_space<vmem>>, vector<1x1000x128xf32>,
    %slice3A_42 = vector.extract_strided_slice %dot_general3A_36 {offsets = [0, 128], sizes = [1000, 128], strides = [1, 1]} : vector<1000x256xf32> to vector<1000x128xf32>
    %swap3A_43 = arith.constant 1 : index
    %swap3A_44 = arith.constant 0 : index
    %swap3A_45 = arith.constant 0 : index
    %swap3A_46 = vector.load %arg8[%swap3A_43, %swap3A_44, %swap3A_45] : memref<2x1000x128xf32, #tpu.memory_space<vmem>>, vector<1x1000x128xf32>
    %swap3A_47 = vector.shape_cast %swap3A_46 : vector<1x1000x128xf32> to vector<1000x128xf32>
    %swap3A_48 = vector.shape_cast %slice3A_42 : vector<1000x128xf32> to vector<1x1000x128xf32>
    tpu.vector_store %arg8[%swap3A_43, %swap3A_44, %swap3A_45], %swap3A_48 {strides = array<i32>} : memref<2x1000x128xf32, #tpu.memory_space<vmem>>, vector<1x1000x128xf32>,
    %get3A_49 = arith.constant 0 : index
    %get3A_50 = arith.constant 0 : index
    %get3A_51 = vector.load %arg6[%get3A_49, %get3A_50] : memref<1x256xf32, #tpu.memory_space<vmem>>, vector<1x256xf32>
    %mul3A_52 = vector.broadcast %get3A_51 : vector<1x256xf32> to vector<1000x256xf32>
    %mul3A_53 = arith.mulf %dot_general3A_36, %mul3A_52 : vector<1000x256xf32>
    %reduce_sum3A = arith.constant dense<0.000000e+00> : vector<1000xf32>
    %reduce_sum3A_54 = vector.multi_reduction <add>, %mul3A_53, %reduce_sum3A [1] : vector<1000x256xf32> to vector<1000xf32>
    %broadcast_in_dim3A = vector.shape_cast %reduce_sum3A_54 : vector<1000xf32> to vector<1000x1xf32>
    %swap3A_55 = arith.constant 0 : index
    %swap3A_56 = arith.constant 0 : index
    %swap3A_57 = vector.load %arg9[%swap3A_55, %swap3A_56] : memref<1000x1xf32, #tpu.memory_space<vmem>>, vector<1000x1xf32>
    tpu.vector_store %arg9[%swap3A_55, %swap3A_56], %broadcast_in_dim3A {strides = array<i32>} : memref<1000x1xf32, #tpu.memory_space<vmem>>, vector<1000x1xf32>,
    %get3A_58 = arith.constant 0 : index
    %get3A_59 = arith.constant 0 : index
    %get3A_60 = vector.load %arg7[%get3A_58, %get3A_59] : memref<1x256xf32, #tpu.memory_space<vmem>>, vector<1x256xf32>
    %mul3A_61 = vector.broadcast %get3A_60 : vector<1x256xf32> to vector<1000x256xf32>
    %mul3A_62 = arith.mulf %dot_general3A_36, %mul3A_61 : vector<1000x256xf32>
    %reduce_sum3A_63 = arith.constant dense<0.000000e+00> : vector<1000xf32>
    %reduce_sum3A_64 = vector.multi_reduction <add>, %mul3A_62, %reduce_sum3A_63 [1] : vector<1000x256xf32> to vector<1000xf32>
    %broadcast_in_dim3A_65 = vector.shape_cast %reduce_sum3A_64 : vector<1000xf32> to vector<1000x1xf32>
    %swap3A_66 = arith.constant 0 : index
    %swap3A_67 = arith.constant 0 : index
    %swap3A_68 = vector.load %arg10[%swap3A_66, %swap3A_67] : memref<1000x1xf32, #tpu.memory_space<vmem>>, vector<1000x1xf32>
    tpu.vector_store %arg10[%swap3A_66, %swap3A_67], %broadcast_in_dim3A_65 {strides = array<i32>} : memref<1000x1xf32, #tpu.memory_space<vmem>>, vector<1000x1xf32>,
    return
  }
  func.func @transform_0(%arg0: i32) -> (i32, i32) {
    %c0_i32 = arith.constant 0 : i32
    %c0_i32_0 = arith.constant 0 : i32
    return %arg0, %c0_i32 : i32, i32
  }
  func.func @transform_1(%arg0: i32) -> (i32, i32) {
    %c0_i32 = arith.constant 0 : i32
    %c0_i32_0 = arith.constant 0 : i32
    %c0_i32_1 = arith.constant 0 : i32
    return %c0_i32, %c0_i32_0 : i32, i32
  }
  func.func @transform_2(%arg0: i32) -> (i32, i32) {
    %c0_i32 = arith.constant 0 : i32
    %c0_i32_0 = arith.constant 0 : i32
    %c0_i32_1 = arith.constant 0 : i32
    return %c0_i32, %c0_i32_0 : i32, i32
  }
  func.func @transform_3(%arg0: i32) -> (i32, i32) {
    %c0_i32 = arith.constant 0 : i32
    %c0_i32_0 = arith.constant 0 : i32
    %c0_i32_1 = arith.constant 0 : i32
    return %c0_i32, %c0_i32_0 : i32, i32
  }
  func.func @transform_4(%arg0: i32) -> (i32, i32) {
    %c0_i32 = arith.constant 0 : i32
    %c0_i32_0 = arith.constant 0 : i32
    %c0_i32_1 = arith.constant 0 : i32
    return %c0_i32, %c0_i32_0 : i32, i32
  }
  func.func @transform_5(%arg0: i32) -> (i32, i32) {
    %c0_i32 = arith.constant 0 : i32
    %c0_i32_0 = arith.constant 0 : i32
    %c0_i32_1 = arith.constant 0 : i32
    return %c0_i32, %c0_i32_0 : i32, i32
  }
  func.func @transform_6(%arg0: i32) -> (i32, i32) {
    %c0_i32 = arith.constant 0 : i32
    %c0_i32_0 = arith.constant 0 : i32
    %c0_i32_1 = arith.constant 0 : i32
    return %c0_i32, %c0_i32_0 : i32, i32
  }
  func.func @transform_7(%arg0: i32) -> (i32, i32, i32) {
    %c0_i32 = arith.constant 0 : i32
    %c0_i32_0 = arith.constant 0 : i32
    %c0_i32_1 = arith.constant 0 : i32
    return %c0_i32, %arg0, %c0_i32_0 : i32, i32, i32
  }
  func.func @transform_8(%arg0: i32) -> (i32, i32) {
    %c0_i32 = arith.constant 0 : i32
    %c0_i32_0 = arith.constant 0 : i32
    return %arg0, %c0_i32 : i32, i32
  }
  func.func @transform_9(%arg0: i32) -> (i32, i32) {
    %c0_i32 = arith.constant 0 : i32
    %c0_i32_0 = arith.constant 0 : i32
    return %arg0, %c0_i32 : i32, i32
  }
}

module attributes {stable_mosaic.version = 14 : i64} {
  func.func @_stem1_body(%arg0: i32, %arg1: memref<256x10000xf32, #tpu.memory_space<vmem>>, %arg2: memref<256x256xf32, #tpu.memory_space<vmem>>, %arg3: memref<1x256xf32, #tpu.memory_space<vmem>>, %arg4: memref<10000x256xf32, #tpu.memory_space<vmem>>, %arg5: memref<2x256xf32, #tpu.memory_space<vmem>>) attributes {dimension_semantics = [#tpu.dimension_semantics<arbitrary>], iteration_bounds = array<i64: 11>, scalar_prefetch = 0 : i64, scratch_operands = 0 : i64, tpu.core_type = #tpu.core_type<tc>, window_params = [{transform_indices = @transform_0, window_bounds = array<i64: 256, 10000>}, {transform_indices = @transform_1, window_bounds = array<i64: 256, 256>}, {pipeline_mode = #tpu.pipeline_mode<synchronous>, transform_indices = @transform_2, window_bounds = array<i64: 1, 256>}, {pipeline_mode = #tpu.pipeline_mode<synchronous>, transform_indices = @transform_3, window_bounds = array<i64: 10000, 256>}, {pipeline_mode = #tpu.pipeline_mode<synchronous>, transform_indices = @transform_4, window_bounds = array<i64: 2, 256>}]} {
    %eq3A = arith.constant 0 : i32
    %eq3A_0 = arith.cmpi eq, %arg0, %eq3A : i32
    %convert_element_type3A = arith.extui %eq3A_0 : i1 to i32
    %cond3A = arith.constant 0 : i32
    %cond3A_1 = arith.cmpi ne, %convert_element_type3A, %cond3A : i32
    scf.if %cond3A_1 {
      %get3A = arith.constant 0 : index
      %get3A_11 = arith.constant 0 : index
      %get3A_12 = vector.load %arg3[%get3A, %get3A_11] : memref<1x256xf32, #tpu.memory_space<vmem>>, vector<1x256xf32>
      %broadcast_in_dim3A = vector.shape_cast %get3A_12 : vector<1x256xf32> to vector<1x256xf32>
      %broadcast_in_dim3A_13 = vector.broadcast %broadcast_in_dim3A : vector<1x256xf32> to vector<10000x256xf32>
      %swap3A = arith.constant 0 : index
      %swap3A_14 = arith.constant 0 : index
      %swap3A_15 = vector.load %arg4[%swap3A, %swap3A_14] : memref<10000x256xf32, #tpu.memory_space<vmem>>, vector<10000x256xf32>
      tpu.vector_store %arg4[%swap3A, %swap3A_14], %broadcast_in_dim3A_13 {strides = array<i32>} : memref<10000x256xf32, #tpu.memory_space<vmem>>, vector<10000x256xf32>,
    } else {
    }
    %lt3A = arith.constant 10 : i32
    %lt3A_2 = arith.cmpi slt, %arg0, %lt3A : i32
    %convert_element_type3A_3 = arith.extui %lt3A_2 : i1 to i32
    %cond3A_4 = arith.constant 0 : i32
    %cond3A_5 = arith.cmpi ne, %convert_element_type3A_3, %cond3A_4 : i32
    scf.if %cond3A_5 {
      %get3A = arith.constant 0 : index
      %get3A_11 = arith.constant 0 : index
      %get3A_12 = vector.load %arg4[%get3A, %get3A_11] : memref<10000x256xf32, #tpu.memory_space<vmem>>, vector<10000x256xf32>
      %get3A_13 = arith.constant 0 : index
      %get3A_14 = arith.constant 0 : index
      %get3A_15 = vector.load %arg1[%get3A_13, %get3A_14] : memref<256x10000xf32, #tpu.memory_space<vmem>>, vector<256x10000xf32>
      %get3A_16 = arith.constant 0 : index
      %get3A_17 = arith.constant 0 : index
      %get3A_18 = vector.load %arg2[%get3A_16, %get3A_17] : memref<256x256xf32, #tpu.memory_space<vmem>>, vector<256x256xf32>
      %dot_general3A = arith.constant dense<0.000000e+00> : vector<10000x256xf32>
      %dot_general3A_19 = tpu.matmul %get3A_15, %get3A_18, %dot_general3A {dimension_numbers = #tpu.dot_dimension_numbers<[0], [0], [1], [1], [0, 1, 1, 1], [], []>, transpose_lhs_hint = false} : vector<256x10000xf32>, vector<256x256xf32>, vector<10000x256xf32> -> vector<10000x256xf32>
      %add3A = arith.addf %get3A_12, %dot_general3A_19 : vector<10000x256xf32>
      %swap3A = arith.constant 0 : index
      %swap3A_20 = arith.constant 0 : index
      %swap3A_21 = vector.load %arg4[%swap3A, %swap3A_20] : memref<10000x256xf32, #tpu.memory_space<vmem>>, vector<10000x256xf32>
      tpu.vector_store %arg4[%swap3A, %swap3A_20], %add3A {strides = array<i32>} : memref<10000x256xf32, #tpu.memory_space<vmem>>, vector<10000x256xf32>,
    } else {
    }
    %eq3A_6 = arith.constant 10 : i32
    %eq3A_7 = arith.cmpi eq, %arg0, %eq3A_6 : i32
    %convert_element_type3A_8 = arith.extui %eq3A_7 : i1 to i32
    %cond3A_9 = arith.constant 0 : i32
    %cond3A_10 = arith.cmpi ne, %convert_element_type3A_8, %cond3A_9 : i32
    scf.if %cond3A_10 {
      %iota3A = tpu.iota {dimensions = array<i32: 0>} : vector<256x1xi32>
      %lt3A_11 = arith.constant 53 : i32
      %lt3A_12 = vector.broadcast %lt3A_11 : i32 to vector<256x1xi32>
      %lt3A_13 = arith.cmpi slt, %iota3A, %lt3A_12 : vector<256x1xi32>
      %get3A = arith.constant 0 : index
      %get3A_14 = arith.constant 0 : index
      %get3A_15 = vector.load %arg1[%get3A, %get3A_14] : memref<256x10000xf32, #tpu.memory_space<vmem>>, vector<256x10000xf32>
      %jit3A = arith.constant 0.000000e+00 : f32
      %broadcast_in_dim3A = vector.shape_cast %lt3A_13 : vector<256x1xi1> to vector<256x1xi1>
      %broadcast_in_dim3A_16 = vector.broadcast %broadcast_in_dim3A : vector<256x1xi1> to vector<256x10000xi1>
      %broadcast_in_dim3A_17 = vector.broadcast %jit3A : f32 to vector<256x10000xf32>
      %select_n3A = arith.select %broadcast_in_dim3A_16, %get3A_15, %broadcast_in_dim3A_17 : vector<256x10000xi1>, vector<256x10000xf32>
      %get3A_18 = arith.constant 0 : index
      %get3A_19 = arith.constant 0 : index
      %get3A_20 = vector.load %arg2[%get3A_18, %get3A_19] : memref<256x256xf32, #tpu.memory_space<vmem>>, vector<256x256xf32>
      %jit3A_21 = arith.constant 0.000000e+00 : f32
      %broadcast_in_dim3A_22 = vector.shape_cast %lt3A_13 : vector<256x1xi1> to vector<256x1xi1>
      %broadcast_in_dim3A_23 = vector.broadcast %broadcast_in_dim3A_22 : vector<256x1xi1> to vector<256x256xi1>
      %broadcast_in_dim3A_24 = vector.broadcast %jit3A_21 : f32 to vector<256x256xf32>
      %select_n3A_25 = arith.select %broadcast_in_dim3A_23, %get3A_20, %broadcast_in_dim3A_24 : vector<256x256xi1>, vector<256x256xf32>
      %get3A_26 = arith.constant 0 : index
      %get3A_27 = arith.constant 0 : index
      %get3A_28 = vector.load %arg4[%get3A_26, %get3A_27] : memref<10000x256xf32, #tpu.memory_space<vmem>>, vector<10000x256xf32>
      %dot_general3A = arith.constant dense<0.000000e+00> : vector<10000x256xf32>
      %dot_general3A_29 = tpu.matmul %select_n3A, %select_n3A_25, %dot_general3A {dimension_numbers = #tpu.dot_dimension_numbers<[0], [0], [1], [1], [0, 1, 1, 1], [], []>, transpose_lhs_hint = false} : vector<256x10000xf32>, vector<256x256xf32>, vector<10000x256xf32> -> vector<10000x256xf32>
      %add3A = arith.addf %get3A_28, %dot_general3A_29 : vector<10000x256xf32>
      %swap3A = arith.constant 0 : index
      %swap3A_30 = arith.constant 0 : index
      %swap3A_31 = vector.load %arg4[%swap3A, %swap3A_30] : memref<10000x256xf32, #tpu.memory_space<vmem>>, vector<10000x256xf32>
      tpu.vector_store %arg4[%swap3A, %swap3A_30], %add3A {strides = array<i32>} : memref<10000x256xf32, #tpu.memory_space<vmem>>, vector<10000x256xf32>,
      %get3A_32 = arith.constant 0 : index
      %get3A_33 = arith.constant 0 : index
      %get3A_34 = vector.load %arg4[%get3A_32, %get3A_33] : memref<10000x256xf32, #tpu.memory_space<vmem>>, vector<10000x256xf32>
      %reduce_sum3A = arith.constant dense<0.000000e+00> : vector<256xf32>
      %reduce_sum3A_35 = vector.multi_reduction <add>, %get3A_34, %reduce_sum3A [0] : vector<10000x256xf32> to vector<256xf32>
      %broadcast_in_dim3A_36 = vector.shape_cast %reduce_sum3A_35 : vector<256xf32> to vector<1x256xf32>
      %swap3A_37 = arith.constant 0 : index
      %swap3A_38 = arith.constant 0 : index
      %swap3A_39 = vector.load %arg5[%swap3A_37, %swap3A_38] : memref<2x256xf32, #tpu.memory_space<vmem>>, vector<1x256xf32>
      tpu.vector_store %arg5[%swap3A_37, %swap3A_38], %broadcast_in_dim3A_36 {strides = array<i32>} : memref<2x256xf32, #tpu.memory_space<vmem>>, vector<1x256xf32>,
      %mul3A = arith.mulf %get3A_34, %get3A_34 : vector<10000x256xf32>
      %reduce_sum3A_40 = arith.constant dense<0.000000e+00> : vector<256xf32>
      %reduce_sum3A_41 = vector.multi_reduction <add>, %mul3A, %reduce_sum3A_40 [0] : vector<10000x256xf32> to vector<256xf32>
      %broadcast_in_dim3A_42 = vector.shape_cast %reduce_sum3A_41 : vector<256xf32> to vector<1x256xf32>
      %swap3A_43 = arith.constant 1 : index
      %swap3A_44 = arith.constant 0 : index
      %swap3A_45 = vector.load %arg5[%swap3A_43, %swap3A_44] : memref<2x256xf32, #tpu.memory_space<vmem>>, vector<1x256xf32>
      tpu.vector_store %arg5[%swap3A_43, %swap3A_44], %broadcast_in_dim3A_42 {strides = array<i32>} : memref<2x256xf32, #tpu.memory_space<vmem>>, vector<1x256xf32>,
    } else {
    }
    return
  }
  func.func @transform_0(%arg0: i32) -> (i32, i32) {
    %c0_i32 = arith.constant 0 : i32
    %c0_i32_0 = arith.constant 0 : i32
    return %arg0, %c0_i32 : i32, i32
  }
  func.func @transform_1(%arg0: i32) -> (i32, i32) {
    %c0_i32 = arith.constant 0 : i32
    %c0_i32_0 = arith.constant 0 : i32
    return %arg0, %c0_i32 : i32, i32
  }
  func.func @transform_2(%arg0: i32) -> (i32, i32) {
    %c0_i32 = arith.constant 0 : i32
    %c0_i32_0 = arith.constant 0 : i32
    %c0_i32_1 = arith.constant 0 : i32
    return %c0_i32, %c0_i32_0 : i32, i32
  }
  func.func @transform_3(%arg0: i32) -> (i32, i32) {
    %c0_i32 = arith.constant 0 : i32
    %c0_i32_0 = arith.constant 0 : i32
    %c0_i32_1 = arith.constant 0 : i32
    return %c0_i32, %c0_i32_0 : i32, i32
  }
  func.func @transform_4(%arg0: i32) -> (i32, i32) {
    %c0_i32 = arith.constant 0 : i32
    %c0_i32_0 = arith.constant 0 : i32
    %c0_i32_1 = arith.constant 0 : i32
    return %c0_i32, %c0_i32_0 : i32, i32
  }
}

module attributes {stable_mosaic.version = 14 : i64} {
  func.func @_stem_mid_body(%arg0: i32, %arg1: memref<1000x256xf32, #tpu.memory_space<vmem>>, %arg2: memref<2x256xf32, #tpu.memory_space<vmem>>, %arg3: memref<1x256xf32, #tpu.memory_space<vmem>>, %arg4: memref<1x256xf32, #tpu.memory_space<vmem>>, %arg5: memref<256x256xf32, #tpu.memory_space<vmem>>, %arg6: memref<1x256xf32, #tpu.memory_space<vmem>>, %arg7: memref<1000x256xf32, #tpu.memory_space<vmem>>, %arg8: memref<2x256xf32, #tpu.memory_space<vmem>>) attributes {dimension_semantics = [#tpu.dimension_semantics<arbitrary>], iteration_bounds = array<i64: 10>, scalar_prefetch = 0 : i64, scratch_operands = 0 : i64, tpu.core_type = #tpu.core_type<tc>, window_params = [{transform_indices = @transform_0, window_bounds = array<i64: 1000, 256>}, {pipeline_mode = #tpu.pipeline_mode<synchronous>, transform_indices = @transform_1, window_bounds = array<i64: 2, 256>}, {pipeline_mode = #tpu.pipeline_mode<synchronous>, transform_indices = @transform_2, window_bounds = array<i64: 1, 256>}, {pipeline_mode = #tpu.pipeline_mode<synchronous>, transform_indices = @transform_3, window_bounds = array<i64: 1, 256>}, {pipeline_mode = #tpu.pipeline_mode<synchronous>, transform_indices = @transform_4, window_bounds = array<i64: 256, 256>}, {pipeline_mode = #tpu.pipeline_mode<synchronous>, transform_indices = @transform_5, window_bounds = array<i64: 1, 256>}, {transform_indices = @transform_6, window_bounds = array<i64: 1000, 256>}, {pipeline_mode = #tpu.pipeline_mode<synchronous>, transform_indices = @transform_7, window_bounds = array<i64: 2, 256>}]} {
    %get3A = arith.constant 0 : index
    %get3A_0 = arith.constant 0 : index
    %get3A_1 = vector.load %arg2[%get3A, %get3A_0] : memref<2x256xf32, #tpu.memory_space<vmem>>, vector<1x256xf32>
    %div3A = arith.constant 1.000000e+04 : f32
    %div3A_2 = vector.broadcast %div3A : f32 to vector<1x256xf32>
    %div3A_3 = arith.divf %get3A_1, %div3A_2 : vector<1x256xf32>
    %get3A_4 = arith.constant 1 : index
    %get3A_5 = arith.constant 0 : index
    %get3A_6 = vector.load %arg2[%get3A_4, %get3A_5] : memref<2x256xf32, #tpu.memory_space<vmem>>, vector<1x256xf32>
    %div3A_7 = arith.constant 1.000000e+04 : f32
    %div3A_8 = vector.broadcast %div3A_7 : f32 to vector<1x256xf32>
    %div3A_9 = arith.divf %get3A_6, %div3A_8 : vector<1x256xf32>
    %mul3A = arith.mulf %div3A_3, %div3A_3 : vector<1x256xf32>
    %sub3A = arith.subf %div3A_9, %mul3A : vector<1x256xf32>
    %get3A_10 = arith.constant 0 : index
    %get3A_11 = arith.constant 0 : index
    %get3A_12 = vector.load %arg3[%get3A_10, %get3A_11] : memref<1x256xf32, #tpu.memory_space<vmem>>, vector<1x256xf32>
    %add3A = arith.constant 9.99999974E-6 : f32
    %add3A_13 = vector.broadcast %add3A : f32 to vector<1x256xf32>
    %add3A_14 = arith.addf %sub3A, %add3A_13 : vector<1x256xf32>
    %rsqrt3A = math.rsqrt %add3A_14 : vector<1x256xf32>
    %mul3A_15 = arith.mulf %get3A_12, %rsqrt3A : vector<1x256xf32>
    %get3A_16 = arith.constant 0 : index
    %get3A_17 = arith.constant 0 : index
    %get3A_18 = vector.load %arg1[%get3A_16, %get3A_17] : memref<1000x256xf32, #tpu.memory_space<vmem>>, vector<1000x256xf32>
    %sub3A_19 = vector.broadcast %div3A_3 : vector<1x256xf32> to vector<1000x256xf32>
    %sub3A_20 = arith.subf %get3A_18, %sub3A_19 : vector<1000x256xf32>
    %mul3A_21 = vector.broadcast %mul3A_15 : vector<1x256xf32> to vector<1000x256xf32>
    %mul3A_22 = arith.mulf %sub3A_20, %mul3A_21 : vector<1000x256xf32>
    %get3A_23 = arith.constant 0 : index
    %get3A_24 = arith.constant 0 : index
    %get3A_25 = vector.load %arg4[%get3A_23, %get3A_24] : memref<1x256xf32, #tpu.memory_space<vmem>>, vector<1x256xf32>
    %add3A_26 = vector.broadcast %get3A_25 : vector<1x256xf32> to vector<1000x256xf32>
    %add3A_27 = arith.addf %mul3A_22, %add3A_26 : vector<1000x256xf32>
    %gt3A = arith.constant 0.000000e+00 : f32
    %gt3A_28 = vector.broadcast %gt3A : f32 to vector<1000x256xf32>
    %gt3A_29 = arith.cmpf ogt, %add3A_27, %gt3A_28 : vector<1000x256xf32>
    %exp3A = math.exp %add3A_27 : vector<1000x256xf32>
    %sub3A_30 = arith.constant 1.000000e+00 : f32
    %sub3A_31 = vector.broadcast %sub3A_30 : f32 to vector<1000x256xf32>
    %sub3A_32 = arith.subf %exp3A, %sub3A_31 : vector<1000x256xf32>
    %select_n3A = arith.select %gt3A_29, %add3A_27, %sub3A_32 : vector<1000x256xi1>, vector<1000x256xf32>
    %get3A_33 = arith.constant 0 : index
    %get3A_34 = arith.constant 0 : index
    %get3A_35 = vector.load %arg5[%get3A_33, %get3A_34] : memref<256x256xf32, #tpu.memory_space<vmem>>, vector<256x256xf32>
    %dot_general3A = arith.constant dense<0.000000e+00> : vector<1000x256xf32>
    %dot_general3A_36 = tpu.matmul %select_n3A, %get3A_35, %dot_general3A {dimension_numbers = #tpu.dot_dimension_numbers<[1], [0], [0], [1], [0, 0, 1, 1], [], []>, transpose_lhs_hint = false} : vector<1000x256xf32>, vector<256x256xf32>, vector<1000x256xf32> -> vector<1000x256xf32>
    %get3A_37 = arith.constant 0 : index
    %get3A_38 = arith.constant 0 : index
    %get3A_39 = vector.load %arg6[%get3A_37, %get3A_38] : memref<1x256xf32, #tpu.memory_space<vmem>>, vector<1x256xf32>
    %add3A_40 = vector.broadcast %get3A_39 : vector<1x256xf32> to vector<1000x256xf32>
    %add3A_41 = arith.addf %dot_general3A_36, %add3A_40 : vector<1000x256xf32>
    %swap3A = arith.constant 0 : index
    %swap3A_42 = arith.constant 0 : index
    %swap3A_43 = vector.load %arg7[%swap3A, %swap3A_42] : memref<1000x256xf32, #tpu.memory_space<vmem>>, vector<1000x256xf32>
    tpu.vector_store %arg7[%swap3A, %swap3A_42], %add3A_41 {strides = array<i32>} : memref<1000x256xf32, #tpu.memory_space<vmem>>, vector<1000x256xf32>,
    %eq3A = arith.constant 0 : i32
    %eq3A_44 = arith.cmpi eq, %arg0, %eq3A : i32
    %convert_element_type3A = arith.extui %eq3A_44 : i1 to i32
    %cond3A = arith.constant 0 : i32
    %cond3A_45 = arith.cmpi ne, %convert_element_type3A, %cond3A : i32
    scf.if %cond3A_45 {
      %broadcast_in_dim3A_65 = arith.constant 0.000000e+00 : f32
      %broadcast_in_dim3A_66 = vector.broadcast %broadcast_in_dim3A_65 : f32 to vector<2x256xf32>
      %swap3A_67 = arith.constant 0 : index
      %swap3A_68 = arith.constant 0 : index
      %swap3A_69 = vector.load %arg8[%swap3A_67, %swap3A_68] : memref<2x256xf32, #tpu.memory_space<vmem>>, vector<2x256xf32>
      tpu.vector_store %arg8[%swap3A_67, %swap3A_68], %broadcast_in_dim3A_66 {strides = array<i32>} : memref<2x256xf32, #tpu.memory_space<vmem>>, vector<2x256xf32>,
    } else {
    }
    %get3A_46 = arith.constant 0 : index
    %get3A_47 = arith.constant 0 : index
    %get3A_48 = vector.load %arg8[%get3A_46, %get3A_47] : memref<2x256xf32, #tpu.memory_space<vmem>>, vector<1x256xf32>
    %reduce_sum3A = arith.constant dense<0.000000e+00> : vector<256xf32>
    %reduce_sum3A_49 = vector.multi_reduction <add>, %add3A_41, %reduce_sum3A [0] : vector<1000x256xf32> to vector<256xf32>
    %broadcast_in_dim3A = vector.shape_cast %reduce_sum3A_49 : vector<256xf32> to vector<1x256xf32>
    %add3A_50 = arith.addf %get3A_48, %broadcast_in_dim3A : vector<1x256xf32>
    %swap3A_51 = arith.constant 0 : index
    %swap3A_52 = arith.constant 0 : index
    %swap3A_53 = vector.load %arg8[%swap3A_51, %swap3A_52] : memref<2x256xf32, #tpu.memory_space<vmem>>, vector<1x256xf32>
    tpu.vector_store %arg8[%swap3A_51, %swap3A_52], %add3A_50 {strides = array<i32>} : memref<2x256xf32, #tpu.memory_space<vmem>>, vector<1x256xf32>,
    %get3A_54 = arith.constant 1 : index
    %get3A_55 = arith.constant 0 : index
    %get3A_56 = vector.load %arg8[%get3A_54, %get3A_55] : memref<2x256xf32, #tpu.memory_space<vmem>>, vector<1x256xf32>
    %mul3A_57 = arith.mulf %add3A_41, %add3A_41 : vector<1000x256xf32>
    %reduce_sum3A_58 = arith.constant dense<0.000000e+00> : vector<256xf32>
    %reduce_sum3A_59 = vector.multi_reduction <add>, %mul3A_57, %reduce_sum3A_58 [0] : vector<1000x256xf32> to vector<256xf32>
    %broadcast_in_dim3A_60 = vector.shape_cast %reduce_sum3A_59 : vector<256xf32> to vector<1x256xf32>
    %add3A_61 = arith.addf %get3A_56, %broadcast_in_dim3A_60 : vector<1x256xf32>
    %swap3A_62 = arith.constant 1 : index
    %swap3A_63 = arith.constant 0 : index
    %swap3A_64 = vector.load %arg8[%swap3A_62, %swap3A_63] : memref<2x256xf32, #tpu.memory_space<vmem>>, vector<1x256xf32>
    tpu.vector_store %arg8[%swap3A_62, %swap3A_63], %add3A_61 {strides = array<i32>} : memref<2x256xf32, #tpu.memory_space<vmem>>, vector<1x256xf32>,
    return
  }
  func.func @transform_0(%arg0: i32) -> (i32, i32) {
    %c0_i32 = arith.constant 0 : i32
    %c0_i32_0 = arith.constant 0 : i32
    return %arg0, %c0_i32 : i32, i32
  }
  func.func @transform_1(%arg0: i32) -> (i32, i32) {
    %c0_i32 = arith.constant 0 : i32
    %c0_i32_0 = arith.constant 0 : i32
    %c0_i32_1 = arith.constant 0 : i32
    return %c0_i32, %c0_i32_0 : i32, i32
  }
  func.func @transform_2(%arg0: i32) -> (i32, i32) {
    %c0_i32 = arith.constant 0 : i32
    %c0_i32_0 = arith.constant 0 : i32
    %c0_i32_1 = arith.constant 0 : i32
    return %c0_i32, %c0_i32_0 : i32, i32
  }
  func.func @transform_3(%arg0: i32) -> (i32, i32) {
    %c0_i32 = arith.constant 0 : i32
    %c0_i32_0 = arith.constant 0 : i32
    %c0_i32_1 = arith.constant 0 : i32
    return %c0_i32, %c0_i32_0 : i32, i32
  }
  func.func @transform_4(%arg0: i32) -> (i32, i32) {
    %c0_i32 = arith.constant 0 : i32
    %c0_i32_0 = arith.constant 0 : i32
    %c0_i32_1 = arith.constant 0 : i32
    return %c0_i32, %c0_i32_0 : i32, i32
  }
  func.func @transform_5(%arg0: i32) -> (i32, i32) {
    %c0_i32 = arith.constant 0 : i32
    %c0_i32_0 = arith.constant 0 : i32
    %c0_i32_1 = arith.constant 0 : i32
    return %c0_i32, %c0_i32_0 : i32, i32
  }
  func.func @transform_6(%arg0: i32) -> (i32, i32) {
    %c0_i32 = arith.constant 0 : i32
    %c0_i32_0 = arith.constant 0 : i32
    return %arg0, %c0_i32 : i32, i32
  }
  func.func @transform_7(%arg0: i32) -> (i32, i32) {
    %c0_i32 = arith.constant 0 : i32
    %c0_i32_0 = arith.constant 0 : i32
    %c0_i32_1 = arith.constant 0 : i32
    return %c0_i32, %c0_i32_0 : i32, i32
  }
}

module attributes {stable_mosaic.version = 14 : i64} {
  func.func @_proj_bias_body(%arg0: i32, %arg1: memref<1000x128xf32, #tpu.memory_space<vmem>>, %arg2: memref<1000x128xf32, #tpu.memory_space<vmem>>, %arg3: memref<1x256xf32, #tpu.memory_space<vmem>>, %arg4: memref<256x256xf32, #tpu.memory_space<vmem>>, %arg5: memref<1x256xf32, #tpu.memory_space<vmem>>, %arg6: memref<1x256xf32, #tpu.memory_space<vmem>>, %arg7: memref<2x1000x128xf32, #tpu.memory_space<vmem>>, %arg8: memref<1000x1xf32, #tpu.memory_space<vmem>>, %arg9: memref<1000x1xf32, #tpu.memory_space<vmem>>) attributes {dimension_semantics = [#tpu.dimension_semantics<arbitrary>], iteration_bounds = array<i64: 10>, scalar_prefetch = 0 : i64, scratch_operands = 0 : i64, tpu.core_type = #tpu.core_type<tc>, window_params = [{transform_indices = @transform_0, window_bounds = array<i64: 1000, 128>}, {transform_indices = @transform_1, window_bounds = array<i64: 1000, 128>}, {pipeline_mode = #tpu.pipeline_mode<synchronous>, transform_indices = @transform_2, window_bounds = array<i64: 1, 256>}, {pipeline_mode = #tpu.pipeline_mode<synchronous>, transform_indices = @transform_3, window_bounds = array<i64: 256, 256>}, {pipeline_mode = #tpu.pipeline_mode<synchronous>, transform_indices = @transform_4, window_bounds = array<i64: 1, 256>}, {pipeline_mode = #tpu.pipeline_mode<synchronous>, transform_indices = @transform_5, window_bounds = array<i64: 1, 256>}, {transform_indices = @transform_6, window_bounds = array<i64: 2, 1000, 128>}, {transform_indices = @transform_7, window_bounds = array<i64: 1000, 1>}, {transform_indices = @transform_8, window_bounds = array<i64: 1000, 1>}]} {
    %get3A = arith.constant 0 : index
    %get3A_0 = arith.constant 0 : index
    %get3A_1 = vector.load %arg1[%get3A, %get3A_0] : memref<1000x128xf32, #tpu.memory_space<vmem>>, vector<1000x128xf32>
    %get3A_2 = arith.constant 0 : index
    %get3A_3 = arith.constant 0 : index
    %get3A_4 = vector.load %arg2[%get3A_2, %get3A_3] : memref<1000x128xf32, #tpu.memory_space<vmem>>, vector<1000x128xf32>
    %concatenate3A = tpu.concatenate %get3A_1, %get3A_4 in 1 : vector<1000x128xf32>, vector<1000x128xf32> -> vector<1000x256xf32>
    %get3A_5 = arith.constant 0 : index
    %get3A_6 = arith.constant 0 : index
    %get3A_7 = vector.load %arg3[%get3A_5, %get3A_6] : memref<1x256xf32, #tpu.memory_space<vmem>>, vector<1x256xf32>
    %add3A = vector.broadcast %get3A_7 : vector<1x256xf32> to vector<1000x256xf32>
    %add3A_8 = arith.addf %concatenate3A, %add3A : vector<1000x256xf32>
    %gt3A = arith.constant 0.000000e+00 : f32
    %gt3A_9 = vector.broadcast %gt3A : f32 to vector<1000x256xf32>
    %gt3A_10 = arith.cmpf ogt, %add3A_8, %gt3A_9 : vector<1000x256xf32>
    %exp3A = math.exp %add3A_8 : vector<1000x256xf32>
    %sub3A = arith.constant 1.000000e+00 : f32
    %sub3A_11 = vector.broadcast %sub3A : f32 to vector<1000x256xf32>
    %sub3A_12 = arith.subf %exp3A, %sub3A_11 : vector<1000x256xf32>
    %select_n3A = arith.select %gt3A_10, %add3A_8, %sub3A_12 : vector<1000x256xi1>, vector<1000x256xf32>
    %get3A_13 = arith.constant 0 : index
    %get3A_14 = arith.constant 0 : index
    %get3A_15 = vector.load %arg4[%get3A_13, %get3A_14] : memref<256x256xf32, #tpu.memory_space<vmem>>, vector<256x256xf32>
    %dot_general3A = arith.constant dense<0.000000e+00> : vector<1000x256xf32>
    %dot_general3A_16 = tpu.matmul %select_n3A, %get3A_15, %dot_general3A {dimension_numbers = #tpu.dot_dimension_numbers<[1], [0], [0], [1], [0, 0, 1, 1], [], []>, transpose_lhs_hint = false} : vector<1000x256xf32>, vector<256x256xf32>, vector<1000x256xf32> -> vector<1000x256xf32>
    %slice3A = vector.extract_strided_slice %dot_general3A_16 {offsets = [0, 0], sizes = [1000, 128], strides = [1, 1]} : vector<1000x256xf32> to vector<1000x128xf32>
    %swap3A = arith.constant 0 : index
    %swap3A_17 = arith.constant 0 : index
    %swap3A_18 = arith.constant 0 : index
    %swap3A_19 = vector.load %arg7[%swap3A, %swap3A_17, %swap3A_18] : memref<2x1000x128xf32, #tpu.memory_space<vmem>>, vector<1x1000x128xf32>
    %swap3A_20 = vector.shape_cast %swap3A_19 : vector<1x1000x128xf32> to vector<1000x128xf32>
    %swap3A_21 = vector.shape_cast %slice3A : vector<1000x128xf32> to vector<1x1000x128xf32>
    tpu.vector_store %arg7[%swap3A, %swap3A_17, %swap3A_18], %swap3A_21 {strides = array<i32>} : memref<2x1000x128xf32, #tpu.memory_space<vmem>>, vector<1x1000x128xf32>,
    %slice3A_22 = vector.extract_strided_slice %dot_general3A_16 {offsets = [0, 128], sizes = [1000, 128], strides = [1, 1]} : vector<1000x256xf32> to vector<1000x128xf32>
    %swap3A_23 = arith.constant 1 : index
    %swap3A_24 = arith.constant 0 : index
    %swap3A_25 = arith.constant 0 : index
    %swap3A_26 = vector.load %arg7[%swap3A_23, %swap3A_24, %swap3A_25] : memref<2x1000x128xf32, #tpu.memory_space<vmem>>, vector<1x1000x128xf32>
    %swap3A_27 = vector.shape_cast %swap3A_26 : vector<1x1000x128xf32> to vector<1000x128xf32>
    %swap3A_28 = vector.shape_cast %slice3A_22 : vector<1000x128xf32> to vector<1x1000x128xf32>
    tpu.vector_store %arg7[%swap3A_23, %swap3A_24, %swap3A_25], %swap3A_28 {strides = array<i32>} : memref<2x1000x128xf32, #tpu.memory_space<vmem>>, vector<1x1000x128xf32>,
    %get3A_29 = arith.constant 0 : index
    %get3A_30 = arith.constant 0 : index
    %get3A_31 = vector.load %arg5[%get3A_29, %get3A_30] : memref<1x256xf32, #tpu.memory_space<vmem>>, vector<1x256xf32>
    %mul3A = vector.broadcast %get3A_31 : vector<1x256xf32> to vector<1000x256xf32>
    %mul3A_32 = arith.mulf %dot_general3A_16, %mul3A : vector<1000x256xf32>
    %reduce_sum3A = arith.constant dense<0.000000e+00> : vector<1000xf32>
    %reduce_sum3A_33 = vector.multi_reduction <add>, %mul3A_32, %reduce_sum3A [1] : vector<1000x256xf32> to vector<1000xf32>
    %broadcast_in_dim3A = vector.shape_cast %reduce_sum3A_33 : vector<1000xf32> to vector<1000x1xf32>
    %swap3A_34 = arith.constant 0 : index
    %swap3A_35 = arith.constant 0 : index
    %swap3A_36 = vector.load %arg8[%swap3A_34, %swap3A_35] : memref<1000x1xf32, #tpu.memory_space<vmem>>, vector<1000x1xf32>
    tpu.vector_store %arg8[%swap3A_34, %swap3A_35], %broadcast_in_dim3A {strides = array<i32>} : memref<1000x1xf32, #tpu.memory_space<vmem>>, vector<1000x1xf32>,
    %get3A_37 = arith.constant 0 : index
    %get3A_38 = arith.constant 0 : index
    %get3A_39 = vector.load %arg6[%get3A_37, %get3A_38] : memref<1x256xf32, #tpu.memory_space<vmem>>, vector<1x256xf32>
    %mul3A_40 = vector.broadcast %get3A_39 : vector<1x256xf32> to vector<1000x256xf32>
    %mul3A_41 = arith.mulf %dot_general3A_16, %mul3A_40 : vector<1000x256xf32>
    %reduce_sum3A_42 = arith.constant dense<0.000000e+00> : vector<1000xf32>
    %reduce_sum3A_43 = vector.multi_reduction <add>, %mul3A_41, %reduce_sum3A_42 [1] : vector<1000x256xf32> to vector<1000xf32>
    %broadcast_in_dim3A_44 = vector.shape_cast %reduce_sum3A_43 : vector<1000xf32> to vector<1000x1xf32>
    %swap3A_45 = arith.constant 0 : index
    %swap3A_46 = arith.constant 0 : index
    %swap3A_47 = vector.load %arg9[%swap3A_45, %swap3A_46] : memref<1000x1xf32, #tpu.memory_space<vmem>>, vector<1000x1xf32>
    tpu.vector_store %arg9[%swap3A_45, %swap3A_46], %broadcast_in_dim3A_44 {strides = array<i32>} : memref<1000x1xf32, #tpu.memory_space<vmem>>, vector<1000x1xf32>,
    return
  }
  func.func @transform_0(%arg0: i32) -> (i32, i32) {
    %c0_i32 = arith.constant 0 : i32
    %c0_i32_0 = arith.constant 0 : i32
    return %arg0, %c0_i32 : i32, i32
  }
  func.func @transform_1(%arg0: i32) -> (i32, i32) {
    %c0_i32 = arith.constant 0 : i32
    %c0_i32_0 = arith.constant 0 : i32
    return %arg0, %c0_i32 : i32, i32
  }
  func.func @transform_2(%arg0: i32) -> (i32, i32) {
    %c0_i32 = arith.constant 0 : i32
    %c0_i32_0 = arith.constant 0 : i32
    %c0_i32_1 = arith.constant 0 : i32
    return %c0_i32, %c0_i32_0 : i32, i32
  }
  func.func @transform_3(%arg0: i32) -> (i32, i32) {
    %c0_i32 = arith.constant 0 : i32
    %c0_i32_0 = arith.constant 0 : i32
    %c0_i32_1 = arith.constant 0 : i32
    return %c0_i32, %c0_i32_0 : i32, i32
  }
  func.func @transform_4(%arg0: i32) -> (i32, i32) {
    %c0_i32 = arith.constant 0 : i32
    %c0_i32_0 = arith.constant 0 : i32
    %c0_i32_1 = arith.constant 0 : i32
    return %c0_i32, %c0_i32_0 : i32, i32
  }
  func.func @transform_5(%arg0: i32) -> (i32, i32) {
    %c0_i32 = arith.constant 0 : i32
    %c0_i32_0 = arith.constant 0 : i32
    %c0_i32_1 = arith.constant 0 : i32
    return %c0_i32, %c0_i32_0 : i32, i32
  }
  func.func @transform_6(%arg0: i32) -> (i32, i32, i32) {
    %c0_i32 = arith.constant 0 : i32
    %c0_i32_0 = arith.constant 0 : i32
    %c0_i32_1 = arith.constant 0 : i32
    return %c0_i32, %arg0, %c0_i32_0 : i32, i32, i32
  }
  func.func @transform_7(%arg0: i32) -> (i32, i32) {
    %c0_i32 = arith.constant 0 : i32
    %c0_i32_0 = arith.constant 0 : i32
    return %arg0, %c0_i32 : i32, i32
  }
  func.func @transform_8(%arg0: i32) -> (i32, i32) {
    %c0_i32 = arith.constant 0 : i32
    %c0_i32_0 = arith.constant 0 : i32
    return %arg0, %c0_i32 : i32, i32
  }
}

module attributes {stable_mosaic.version = 14 : i64} {
  func.func @_final_body(%arg0: i32, %arg1: memref<1000x128xf32, #tpu.memory_space<vmem>>, %arg2: memref<1000x128xf32, #tpu.memory_space<vmem>>, %arg3: memref<1x256xf32, #tpu.memory_space<vmem>>, %arg4: memref<1000x256xf32, #tpu.memory_space<vmem>>) attributes {dimension_semantics = [#tpu.dimension_semantics<arbitrary>], iteration_bounds = array<i64: 10>, scalar_prefetch = 0 : i64, scratch_operands = 0 : i64, tpu.core_type = #tpu.core_type<tc>, window_params = [{transform_indices = @transform_0, window_bounds = array<i64: 1000, 128>}, {transform_indices = @transform_1, window_bounds = array<i64: 1000, 128>}, {pipeline_mode = #tpu.pipeline_mode<synchronous>, transform_indices = @transform_2, window_bounds = array<i64: 1, 256>}, {transform_indices = @transform_3, window_bounds = array<i64: 1000, 256>}]} {
    %get3A = arith.constant 0 : index
    %get3A_0 = arith.constant 0 : index
    %get3A_1 = vector.load %arg1[%get3A, %get3A_0] : memref<1000x128xf32, #tpu.memory_space<vmem>>, vector<1000x128xf32>
    %get3A_2 = arith.constant 0 : index
    %get3A_3 = arith.constant 0 : index
    %get3A_4 = vector.load %arg2[%get3A_2, %get3A_3] : memref<1000x128xf32, #tpu.memory_space<vmem>>, vector<1000x128xf32>
    %concatenate3A = tpu.concatenate %get3A_1, %get3A_4 in 1 : vector<1000x128xf32>, vector<1000x128xf32> -> vector<1000x256xf32>
    %get3A_5 = arith.constant 0 : index
    %get3A_6 = arith.constant 0 : index
    %get3A_7 = vector.load %arg3[%get3A_5, %get3A_6] : memref<1x256xf32, #tpu.memory_space<vmem>>, vector<1x256xf32>
    %add3A = vector.broadcast %get3A_7 : vector<1x256xf32> to vector<1000x256xf32>
    %add3A_8 = arith.addf %concatenate3A, %add3A : vector<1000x256xf32>
    %gt3A = arith.constant 0.000000e+00 : f32
    %gt3A_9 = vector.broadcast %gt3A : f32 to vector<1000x256xf32>
    %gt3A_10 = arith.cmpf ogt, %add3A_8, %gt3A_9 : vector<1000x256xf32>
    %exp3A = math.exp %add3A_8 : vector<1000x256xf32>
    %sub3A = arith.constant 1.000000e+00 : f32
    %sub3A_11 = vector.broadcast %sub3A : f32 to vector<1000x256xf32>
    %sub3A_12 = arith.subf %exp3A, %sub3A_11 : vector<1000x256xf32>
    %select_n3A = arith.select %gt3A_10, %add3A_8, %sub3A_12 : vector<1000x256xi1>, vector<1000x256xf32>
    %swap3A = arith.constant 0 : index
    %swap3A_13 = arith.constant 0 : index
    %swap3A_14 = vector.load %arg4[%swap3A, %swap3A_13] : memref<1000x256xf32, #tpu.memory_space<vmem>>, vector<1000x256xf32>
    tpu.vector_store %arg4[%swap3A, %swap3A_13], %select_n3A {strides = array<i32>} : memref<1000x256xf32, #tpu.memory_space<vmem>>, vector<1000x256xf32>,
    return
  }
  func.func @transform_0(%arg0: i32) -> (i32, i32) {
    %c0_i32 = arith.constant 0 : i32
    %c0_i32_0 = arith.constant 0 : i32
    return %arg0, %c0_i32 : i32, i32
  }
  func.func @transform_1(%arg0: i32) -> (i32, i32) {
    %c0_i32 = arith.constant 0 : i32
    %c0_i32_0 = arith.constant 0 : i32
    return %arg0, %c0_i32 : i32, i32
  }
  func.func @transform_2(%arg0: i32) -> (i32, i32) {
    %c0_i32 = arith.constant 0 : i32
    %c0_i32_0 = arith.constant 0 : i32
    %c0_i32_1 = arith.constant 0 : i32
    return %c0_i32, %c0_i32_0 : i32, i32
  }
  func.func @transform_3(%arg0: i32) -> (i32, i32) {
    %c0_i32 = arith.constant 0 : i32
    %c0_i32_0 = arith.constant 0 : i32
    return %arg0, %c0_i32 : i32, i32
  }
}

</mosaic_0001>

<sc_bundles>
// kernel: kernel.12.cloned.1.call-start
scs
__scs_entry_jumppad:
0x0: {  	(pc) =	sbr.rel $0x88, $3  }
0x1: {  	(tag) =	ssettag $0x0;
	lr =	simm.s32 $0x1  }
0x2: {  	[smem:$0x3F8B] =	sst lr;
	_ =	strace $0xD0000000  }
0x3: {  	_ = 	snop  }
0x4: {  	_ = 	snop  }
0x5: {  	_ = 	snop  }
0x6: {  	_ = 	snop  }
0x7: {  	_ = 	snop  }
__scs_overlays_trampoline_lowered:
0x8: {  	[smem:$0x3F9A] =	sst s0  }
0x9: {  	[smem:$0x3F9B] =	sst s1  }
0xa: {  	[smem:$0x3F9C] =	sst s2  }
0xb: {  	[smem:$0x3F9D] =	sst s3  }
0xc: {  	[smem:$0x3F9E] =	sst s4  }
0xd: {  	[smem:$0x3F9F] =	sst s5  }
0xe: {  	[smem:$0x3FA0] =	sst s6  }
0xf: {  	[smem:$0x3FA1] =	sst s7  }
0x10: {  	[smem:$0x3FA2] =	sst s8  }
0x11: {  	[smem:$0x3FA3] =	sst s9;
	s0 =	simm.s32 @!p0 $0x0  }
0x12: {  	s1 =	sld [smem:$0x3F89];
	s0 =	simm.s32 @p0 $0x1  }
0x13: {  	[smem:$0x3FA4] =	sst s0;
	s0 =	simm.s32 @!p1 $0x0  }
0x14: {  	s2 =	sld [smem:$0x3F88];
	s0 =	simm.s32 @p1 $0x1  }
0x15: {  	[smem:$0x3FA5] =	sst s0;
	s0 =	simm.s32 @!p2 $0x0  }
0x16: {  	s3 =	sld [smem:$0x3FDB];
	s0 =	simm.s32 @p2 $0x1  }
0x17: {  	s4 =	simm.s32 $0x1BF5;
	[smem:$0x3FA7] =	sst s0  }
0x18: {  	s0 =	sld [smem:$0x3F8A];
	_ =	swait.ge [sflag:s4], $0x0  }
0x19: {  	s7 =	sld [smem:$0x3F8B]  }
0x1a: {  	s8 =	sadd.s32 $0xFFFFE003, lr  }
0x1b: {  	s9 =	sadd.s32 $0xFFFFFEF7, lr;
	s5 =	simm.s32 $0xFFFFFFFF;
	p2 =	slt.u32 s8, $0xFFFFF086  }
0x1c: {  	p1 =	slt.u32 s9, $0xF7A;
	s5 =	simm.s32 @!p2 $0x0  }
0x1d: {  	s5 =	simm.s32 @p1 $0x1;
	p0 =	seq.s32 s7, s2  }
0x1e: {  	s7 =	smul.u32 @!p0 $0xF7A, s2;
	p2 =	seq.s32 @!p0 s5, $0x0  }
0x1f: {  	s9 =	smul.u32 $0xF7A, s1;
	s8 =	simm.s32 @!p0 $0x1BF5;
	p2 =	por !p2, p0  }
0x20: {  	[sflag:s8] =	ssyncset.s32 @!p0 $0xFFFFF086;
	s6 =	sadd.s32 @!p0 s3, s7;
	s7 =	simm.s32 @!p0 $0x108  }
0x21: {  	s3 =	sadd.s32 s3, s9;
	s6 =	sadd.s32 @!p0 $0x88, s6;
	s7 =	simm.s32 @p2 $0x1082  }
0x22: {  	[simem:s7], [sflag:s8] =	dma.local @!p0 [hbm:s6], $0xF7A  }
0x23: {  	s9 =	sor.u32 $0xD0000000, s2;
	s6 =	simm.s32 $0x108;
	_ =	swait.ge @!p0 [sflag:s8], $0x0  }
0x24: {  	s3 =	sadd.s32 $0x88, s3;
	s6 =	simm.s32 @!p1 $0x1082;
	[sflag:s4] =	ssyncset.s32 $0xFFFFF086  }
0x25: {  	[simem:s6], [sflag:s4] =	dma.local [hbm:s3], $0xF7A  }
0x26: {  	[smem:$0x3F8B] =	sst s1;
	(tag) =	ssettag s2;
	_ =	strace s9  }
0x27: {  	s1 =	sld [smem:$0x3F9B]  }
0x28: {  	s2 =	sld [smem:$0x3F9C]  }
0x29: {  	s4 =	sld [smem:$0x3F9E]  }
0x2a: {  	p0 =	seq.s32 s5, $0x0;
	s5 =	sld [smem:$0x3F9F]  }
0x2b: {  	s6 =	sld [smem:$0x3FA0]  }
0x2c: {  	s7 =	sld [smem:$0x3FA1]  }
0x2d: {  	s3 =	simm.s32 $0x108;
	s8 =	sld [smem:$0x3FA2]  }
0x2e: {  	s3 =	simm.s32 @!p0 $0x1082;
	s9 =	sld [smem:$0x3FA3]  }
0x2f: {  	lr =	sadd.s32 s0, s3;
	s0 =	sld [smem:$0x3F9A]  }
0x30: {  	s3 =	sld [smem:$0x3F9D]  }
0x31: {  	[smem:$0x3FA6] =	sst s10  }
0x32: {  	s10 =	sld [smem:$0x3FA4];
	_ =	sdelay $0x3  }
0x33: {  	p0 =	seq.s32 s10, $0x1;
	s10 =	sld [smem:$0x3FA6];
	_ =	sdelay $0x3  }
0x34: {  	[smem:$0x3FA6] =	sst s10  }
0x35: {  	s10 =	sld [smem:$0x3FA5];
	_ =	sdelay $0x3  }
0x36: {  	p1 =	seq.s32 s10, $0x1;
	s10 =	sld [smem:$0x3FA6];
	_ =	sdelay $0x3  }
0x37: {  	[smem:$0x3FA6] =	sst s10  }
0x38: {  	s10 =	sld [smem:$0x3FA7]  }
0x39: {  	_ = 	snop;
	(pc) =	sbr.ind lr, $3  }
0x3a: {  	_ = 	snop  }
0x3b: {  	_ = 	snop  }
0x3c: {  	p2 =	seq.s32 s10, $0x1;
	s10 =	sld [smem:$0x3FA6]  }
0x3d: {  	_ =	shalt  }
0x3e: {  	_ =	shalt  }
0x3f: {  	_ =	shalt  }
0x40: {  	_ =	shalt  }
0x41: {  	_ =	shalt  }
0x42: {  	_ =	shalt  }
0x43: {  	_ =	shalt  }
0x44: {  	_ =	shalt  }
0x45: {  	_ =	shalt  }
0x46: {  	_ =	shalt  }
0x47: {  	_ =	shalt  }
0x48: {  	_ =	shalt  }
0x49: {  	_ =	shalt  }
0x4a: {  	_ =	shalt  }
0x4b: {  	_ =	shalt  }
0x4c: {  	_ =	shalt  }
0x4d: {  	_ =	shalt  }
0x4e: {  	_ =	shalt  }
0x4f: {  	_ =	shalt  }
0x50: {  	_ =	shalt  }
0x51: {  	_ =	shalt  }
0x52: {  	_ =	shalt  }
0x53: {  	_ =	shalt  }
0x54: {  	_ =	shalt  }
0x55: {  	_ =	shalt  }
0x56: {  	_ =	shalt  }
0x57: {  	_ =	shalt  }
0x58: {  	_ =	shalt  }
0x59: {  	_ =	shalt  }
0x5a: {  	_ =	shalt  }
0x5b: {  	_ =	shalt  }
0x5c: {  	_ =	shalt  }
0x5d: {  	_ =	shalt  }
0x5e: {  	_ =	shalt  }
0x5f: {  	_ =	shalt  }
0x60: {  	_ =	shalt  }
0x61: {  	_ =	shalt  }
0x62: {  	_ =	shalt  }
0x63: {  	_ =	shalt  }
0x64: {  	_ =	shalt  }
0x65: {  	_ =	shalt  }
0x66: {  	_ =	shalt  }
0x67: {  	_ =	shalt  }
0x68: {  	_ =	shalt  }
0x69: {  	_ =	shalt  }
0x6a: {  	_ =	shalt  }
0x6b: {  	_ =	shalt  }
0x6c: {  	_ =	shalt  }
0x6d: {  	_ =	shalt  }
0x6e: {  	_ =	shalt  }
0x6f: {  	_ =	shalt  }
0x70: {  	_ =	shalt  }
0x71: {  	_ =	shalt  }
0x72: {  	_ =	shalt  }
0x73: {  	_ =	shalt  }
0x74: {  	_ =	shalt  }
0x75: {  	_ =	shalt  }
0x76: {  	_ =	shalt  }
0x77: {  	_ =	shalt  }
0x78: {  	_ =	shalt  }
0x79: {  	_ =	shalt  }
0x7a: {  	_ =	shalt  }
0x7b: {  	_ =	shalt  }
0x7c: {  	_ =	shalt  }
0x7d: {  	_ =	shalt  }
0x7e: {  	_ =	shalt  }
0x7f: {  	_ =	shalt  }
0x80: {  	_ =	shalt  }
0x81: {  	_ =	shalt  }
0x82: {  	_ =	shalt  }
0x83: {  	_ =	shalt  }
0x84: {  	_ =	shalt  }
0x85: {  	_ =	shalt  }
0x86: {  	_ =	shalt  }
0x87: {  	_ =	shalt  }
.Lfunc_end0:
.L_simem_size_0:
called_computation_lowered:
.L_overlay_start_0:
0x88: {  	s2 =	sld [smem:$0x3FD9]  }
0x89: {  	s3 =	sld [smem:$0x3FFE];
	_ =	sdelay $0x1  }
0x8a: {  	s1 =	srdreg.scid  }
0x8b: {  	s0 =	sand.u32 $0x1, s1  }
0x8c: {  	s16 =	sshll.u32 s0, $0xA;
	s2 =	sadd.s32 s3, s2  }
0x8d: {  	s2 =	sadd.s32 s2, s16  }
0x8e: {  	[smem:$0x3FB2] =	sst s2  }
0x8f: {  	_ = 	snop  }
0x90: {  	(tm) =	ssettm $0x1  }
0x91: {  	s17 =	sld [smem:$0x3FFB];
	_ =	sdelay $0x3  }
0x92: {  	_ =	strace s17  }
0x93: {  	s2 =	sld [smem:$0x3FFC];
	_ =	sdelay $0x3  }
0x94: {  	_ =	strace s2  }
0x95: {  	s2 =	sld [smem:$0x3FFD];
	_ =	sdelay $0x3  }
0x96: {  	_ =	strace s2  }
0x97: {  	_ =	strace $0x8FFFFFFF  }
0x98: {  	s18 =	sld [smem:$0x3FDB];
	_ =	sdelay $0x1  }
0x99: {  	s19 =	simm.s32 $_scs_section_size  }
0x9a: {  	s4 =	simm.s32 $_size__tile_overlayer_lowered;
	s5 =	simm.s32 $_tile_overlayer_lowered  }
0x9b: {  	s22 =	simm.s32 $0x1BFF;
	s21 =	sshll.u32 s5, $0x1;
	s2 =	sadd.s32 s19, s18  }
0x9c: {  	s6 =	simm.s32 $0x0;
	s20 =	sshll.u32 s4, $0x1;
	s4 =	sadd.s32 s21, s2  }
0x9d: {  	[timem:s6], [sflag:s22] =	dma.local [hbm:s4], s20  }
0x9e: {  	_ =	swait.ge [sflag:s22], s20  }
0x9f: {  	s3 =	ssub.s32 $0x0, s20;
	[sflag:s22] =	ssyncset.done $0x0  }
0xa0: {  	[sflag:s22] =	ssyncadd.s32 s3;
	_ =	sdelay $0x1  }
0xa1: {  	s23 =	simm.s32 $0x1B8B  }
0xa2: {  	_ =	swait.ge [sflag:s23], $0x1  }
0xa3: {  	[sflag:s23] =	ssyncset.done $0x0  }
0xa4: {  	s25 =	simm.s32 $0x1B8E;
	s24 =	sld [smem:$0x3FFE];
	[sflag:s23] =	ssyncadd.s32 $0xFFFFFFFF  }
0xa5: {  	s26 =	simm.s32 $execute0_lowered;
	[smem:$0x3FD2] =	sst s25  }
0xa6: {  	s4 =	sshll.u32 s26, $0x1;
	_ =	strace $0x80000046;
	[dreg:$0x1] =	wrdreg $0xFFFFFFFF  }
0xa7: {  	s28 =	simm.s32 $_size_execute0_lowered;
	s2 =	sadd.s32 s2, s4;
	[dreg:$0x0] =	wrdreg $0x0  }
0xa8: {  	s4 =	sshll.u32 s28, $0x1;
	[dreg:$0x2] =	wrdreg s2  }
0xa9: {  	[dreg:$0x3] =	wrdreg s4  }
0xaa: {  	[dreg:$0x4] =	wrdreg $0xC0  }
0xab: {  	_ =	task [dreg:s6], $0x5FFFF  }
0xac: {  	[dreg:$0x1] =	wrdreg $0xFFFFFFFF  }
0xad: {  	[dreg:$0x0] =	wrdreg $0x60  }
0xae: {  	[dreg:$0x2] =	wrdreg s24  }
0xaf: {  	[dreg:$0x3] =	wrdreg $0xA1800  }
0xb0: {  	[dreg:$0x4] =	wrdreg $0x9  }
0xb1: {  	_ =	task.clear_ibuf [dreg:s6], $0x5FFFF;
	_ =	strace $0x90000046  }
0xb2: {  	s29 =	simm.s32 $0x9;
	_ =	strace $0x80000048  }
0xb3: {  	_ =	swait.ge [sflag:s29], $0x1  }
0xb4: {  	[sflag:s29] =	ssyncadd.s32 $0xFFFFFFFF  }
0xb5: {  	_ =	strace $0x90000048  }
0xb6: {  	_ =	sfence  }
0xb7: {  	s30 =	sld [smem:$0x0];
	_ =	sdelay $0x2  }
0xb8: {  	s31 =	sshll.u32 s1, $0xD;
	s1 =	sshrl.u32 s1, $0x2  }
0xb9: {  	s3 =	sand.u32 $0x4000, s31;
	s1 =	sadd.s32 s1, s30  }
0xba: {  	s0 =	sor.u32 s3, s0;
	s1 =	sshll.u32 s1, $0x11  }
0xbb: {  	s0 =	sor.u32 s1, s0  }
0xbc: {  	s0 =	sadd.s32 $0x8F2B, s0  }
0xbd: {  	[sflag:s0] =	ssyncadd.remote.s32 $0x1  }
0xbe: {  	_ =	sfence.sel $0xFFFF  }
0xbf: {  	[dreg:$0x0] =	wrdreg $0xFFFFFFFF;
	(pc) =	sbr.abs _section_cstart, $3  }
0xc0: {  	[dreg:$0x1] =	wrdreg $0xFFFFFFFF  }
0xc1: {  	_ =	task.clear_ibuf [dreg:s6], $0x2FFFF;
	_ =	strace $0x9FFFFFFF  }
0xc2: {  	(tm) =	ssettm $0x7FFFFFFF  }
0xc3: {  	_ =	shalt  }
tec
execute0_lowered:
.L_overlay_start_1:
0x0: {  	(tag) =	ssettag $0x1  }
0x1: {  	s10 =	rddreg [dreg:$0x0]  }
0x2: {  	s2 =	rddreg [dreg:$0x1]  }
0x3: {  	s0 =	rddreg [dreg:$0x2]  }
0x4: {  	s3 =	simm.s32 $0x0;
	s1 =	stileid.u32;
	s5 =	srdreg.scid  }
0x5: {  	s14 =	simm.s32 $0x4F00;
	s15 =	simm.s32 $0x80;
	s16 =	simm.s32 $0x9E00  }
0x6: {  	s18 =	simm.s32 $0x9E80;
	s19 =	simm.s32 $0x9D80;
	s20 =	simm.s32 $0x0  }
0x7: {  	[smem:$0x7FF] =	sst s3;
	s7 =	smul.u32 $0x280, s1;
	s4 =	sadd.s32 $0x3800, s10  }
0x8: {  	s6 =	smul.u32 $0x4E2, s1;
	s17 =	sand.u32 $0x1, s5;
	s5 =	sadd.s32 $0x3E00, s10  }
0x9: {  	p0 =	seq.s32 s1, $0xF;
	_ =	strace $0x80000047;
	s9 =	ssub.s32 $0x2, s17  }
0xa: {  	p1 =	seq.s32 s17, $0x0;
	s17 =	simm.s32 $0x10;
	s8 =	sshrl.u32 s7, $0x3  }
0xb: {  	s11 =	sadd.s32 s6, s10;
	s31 =	sshrl.u32 s9, $0x1;
	s7 =	sadd.s32 s7, s2  }
0xc: {  	p3 =	seq.s32 @p1 s1, $0xF;
	s12 =	sadd.s32 s8, s10;
	s13 =	ssub.s32 s9, s31  }
0xd: {  	s6 =	sadd.s32 $0x4400, s11;
	s8 =	sadd.s32 $0x9400, s11;
	s10 =	sadd.s32 $0xE8B0, s10  }
0xe: {  	p2 =	por !p3, !p1;
	p3 =	por p3, !p1;
	s9 =	sadd.s32 $0xE400, s12  }
0xf: {  	v0 =	vimm.f32 $0.0e+00;
	s11 =	smax.u32 s13, $0x1;
	s12 =	simm.s32 $0x1;
	s13 =	simm.s32 $0x2780  }
.LBB2_1:
0x10: {  	[tilespmem:s3], [sflag:$0x1] =	stream.linear.gather [hbm4b:s4+s3], $0x2780, $0x38;
	[tilespmem:$0xA3F8] =	vst v63  }
0x11: {  	_ =	swait.ge [sflag:s12], $0x2780  }
0x12: {  	[sflag:s12] =	ssyncset.done $0x0  }
0x13: {  	[sflag:s12] =	ssyncadd.s32 $0xFFFFD880  }
0x14: {  	[tilespmem:s13], [sflag:$0x1] =	stream.linear.gather [hbm4b:s5+s3], $0x2780, $0x38;
	[tilespmem:$0xA3F8] =	vst v63  }
0x15: {  	_ =	swait.ge [sflag:s12], $0x2780  }
0x16: {  	[sflag:s12] =	ssyncset.done $0x0  }
0x17: {  	[sflag:s12] =	ssyncadd.s32 $0xFFFFD880  }
0x18: {  	[tilespmem:s14], [sflag:$0x1] =	stream.linear.gather [hbm4b:s6+s3], $0x2710, $0x38;
	[tilespmem:$0xA3F8] =	vst v63  }
0x19: {  	_ =	swait.ge [sflag:s12], $0x2710  }
0x1a: {  	[sflag:s12] =	ssyncset.done $0x0  }
0x1b: {  	[sflag:s12] =	ssyncadd.s32 $0xFFFFD8F0  }
0x1c: {  	[tilespmem:$0x9F00] =	vst v0  }
0x1d: {  	[tilespmem:$0x9F10] =	vst v0  }
0x1e: {  	[tilespmem:$0x9F20] =	vst v0  }
0x1f: {  	[tilespmem:$0x9F30] =	vst v0  }
0x20: {  	[tilespmem:$0x9F40] =	vst v0  }
0x21: {  	[tilespmem:$0x9F50] =	vst v0  }
0x22: {  	[tilespmem:$0x9F60] =	vst v0  }
0x23: {  	[tilespmem:$0x9F70] =	vst v0  }
0x24: {  	[tilespmem:$0x9F80] =	vst v0  }
0x25: {  	[tilespmem:$0x9F90] =	vst v0  }
0x26: {  	[tilespmem:$0x9FA0] =	vst v0  }
0x27: {  	[tilespmem:$0x9FB0] =	vst v0  }
0x28: {  	[tilespmem:$0x9FC0] =	vst v0  }
0x29: {  	[tilespmem:$0x9FD0] =	vst v0  }
0x2a: {  	[tilespmem:$0x9FE0] =	vst v0  }
0x2b: {  	[tilespmem:$0x9FF0] =	vst v0  }
0x2c: {  	[tilespmem:$0xA000] =	vst v0  }
0x2d: {  	[tilespmem:$0xA010] =	vst v0  }
0x2e: {  	[tilespmem:$0xA020] =	vst v0  }
0x2f: {  	[tilespmem:$0xA030] =	vst v0  }
0x30: {  	[tilespmem:$0xA040] =	vst v0  }
0x31: {  	[tilespmem:$0xA050] =	vst v0  }
0x32: {  	[tilespmem:$0xA060] =	vst v0  }
0x33: {  	[tilespmem:$0xA070] =	vst v0  }
0x34: {  	[tilespmem:$0xA080] =	vst v0  }
0x35: {  	[tilespmem:$0xA090] =	vst v0  }
0x36: {  	[tilespmem:$0xA0A0] =	vst v0  }
0x37: {  	[tilespmem:$0xA0B0] =	vst v0  }
0x38: {  	[tilespmem:$0xA0C0] =	vst v0  }
0x39: {  	[tilespmem:$0xA0D0] =	vst v0  }
0x3a: {  	[tilespmem:$0xA0E0] =	vst v0  }
0x3b: {  	[tilespmem:$0xA0F0] =	vst v0  }
0x3c: {  	[tilespmem:$0xA100] =	vst v0  }
0x3d: {  	[tilespmem:$0xA110] =	vst v0  }
0x3e: {  	[tilespmem:$0xA120] =	vst v0  }
0x3f: {  	[tilespmem:$0xA130] =	vst v0  }
0x40: {  	[tilespmem:$0xA140] =	vst v0  }
0x41: {  	[tilespmem:$0xA150] =	vst v0  }
0x42: {  	[tilespmem:$0xA160] =	vst v0  }
0x43: {  	s21 =	simm.s32 @p0 $0x9F00;
	[tilespmem:$0xA170] =	vst v0  }
0x44: {  	[spmem:s7] =	stream.linear.scatter @p0 [tilespmem:s21], [sflag:$0x1], $0x190, $0x38;
	[tilespmem:$0xA3F8] =	vst v63  }
0x45: {  	s21 =	simm.s32 @p0 $0x1  }
0x46: {  	_ =	swait.ge @p0 [sflag:s21], $0x190  }
0x47: {  	[sflag:s21] =	ssyncset.done @p0 $0x0  }
0x48: {  	[sflag:s21] =	ssyncadd.s32 @p0 $0xFFFFFE70;
	s21 =	simm.s32 @!p0 $0x9F00  }
0x49: {  	[spmem:s7] =	stream.linear.scatter @!p0 [tilespmem:s21], [sflag:$0x1], $0x280, $0x38;
	[tilespmem:$0xA3F8] =	vst v63  }
0x4a: {  	s21 =	simm.s32 @!p0 $0x1  }
0x4b: {  	_ =	swait.ge @!p0 [sflag:s21], $0x280  }
0x4c: {  	[sflag:s21] =	ssyncset.done @!p0 $0x0  }
0x4d: {  	[sflag:s21] =	ssyncadd.s32 @!p0 $0xFFFFFD80  }
0x4e: {  	s21 =	simm.s32 $0x0;
	[bflag:$0x0] =	sbarrier.arrive $0xFFFF  }
.LBB2_2:
0x4f: {  	s22 =	sshra.s32 s21, $0x2  }
0x50: {  	v1 =	vld [tilespmem:s22+$0x4F00];
	_ =	sdelay $0x4  }
0x51: {  	v2 =	vshra.s32 v1, $0x10  }
0x52: {  	v1 =	vand.u32 $0xFFFF, v1;
	_ =	sdelay $0x3  }
0x53: {  	v2 =	vld.idx.msk [tilespmem:v2+s3+$0x0], $0xffff  }
0x54: {  	v3 =	vld.idx.msk [tilespmem:v1+s13+$0x0], $0xffff;
	_ =	sdelay $0x4  }
0x55: {  	v2 =	vadd.f32 v3, v2;
	_ =	sdelay $0x1  }
0x56: {  	v3 =	vmul.f32 $2.000000030e-01, v2  }
0x57: {  	vm0 =	vge.f32 v2, $0.0e+00  }
0x58: {  	v2 =	vsel vm0, v2, v3  }
0x59: {  	v2 =	vmul.f32 $1.442695020e+00, v2;
	_ =	sdelay $0x1  }
0x5a: {  	(erf) = vpow2.f32 v2;
	_ =	sdelay $0x8  }
0x5b: {  	v2 =	vpop (erf)  }
0x5c: {  	[tilespmem:s22+$0x7680] =	vst v2  }
0x5d: {  	[tilespmem:$0x9E00] =	vst v1  }
0x5e: {  	v1 =	vld [tilespmem:s22+$0x4F10];
	_ =	sdelay $0x4  }
0x5f: {  	v2 =	vshra.s32 v1, $0x10  }
0x60: {  	v1 =	vand.u32 $0xFFFF, v1;
	_ =	sdelay $0x3  }
0x61: {  	v2 =	vld.idx.msk [tilespmem:v2+s3+$0x0], $0xffff  }
0x62: {  	v3 =	vld.idx.msk [tilespmem:v1+s13+$0x0], $0xffff;
	_ =	sdelay $0x4  }
0x63: {  	v2 =	vadd.f32 v3, v2;
	_ =	sdelay $0x1  }
0x64: {  	v3 =	vmul.f32 $2.000000030e-01, v2  }
0x65: {  	vm9 =	vge.f32 v2, $0.0e+00  }
0x66: {  	v2 =	vsel vm9, v2, v3  }
0x67: {  	v2 =	vmul.f32 $1.442695020e+00, v2;
	_ =	sdelay $0x1  }
0x68: {  	(erf) = vpow2.f32 v2;
	_ =	sdelay $0x8  }
0x69: {  	v2 =	vpop (erf)  }
0x6a: {  	[tilespmem:s22+$0x7690] =	vst v2  }
0x6b: {  	[tilespmem:$0x9E10] =	vst v1  }
0x6c: {  	v1 =	vld [tilespmem:s22+$0x4F20];
	_ =	sdelay $0x4  }
0x6d: {  	v2 =	vshra.s32 v1, $0x10  }
0x6e: {  	v1 =	vand.u32 $0xFFFF, v1;
	_ =	sdelay $0x3  }
0x6f: {  	v2 =	vld.idx.msk [tilespmem:v2+s3+$0x0], $0xffff  }
0x70: {  	v3 =	vld.idx.msk [tilespmem:v1+s13+$0x0], $0xffff;
	_ =	sdelay $0x4  }
0x71: {  	v2 =	vadd.f32 v3, v2;
	_ =	sdelay $0x1  }
0x72: {  	v3 =	vmul.f32 $2.000000030e-01, v2  }
0x73: {  	vm10 =	vge.f32 v2, $0.0e+00  }
0x74: {  	v2 =	vsel vm10, v2, v3  }
0x75: {  	v2 =	vmul.f32 $1.442695020e+00, v2;
	_ =	sdelay $0x1  }
0x76: {  	(erf) = vpow2.f32 v2;
	_ =	sdelay $0x8  }
0x77: {  	v2 =	vpop (erf)  }
0x78: {  	[tilespmem:s22+$0x76A0] =	vst v2  }
0x79: {  	[tilespmem:$0x9E20] =	vst v1  }
0x7a: {  	v1 =	vld [tilespmem:s22+$0x4F30];
	_ =	sdelay $0x4  }
0x7b: {  	v2 =	vshra.s32 v1, $0x10  }
0x7c: {  	v1 =	vand.u32 $0xFFFF, v1;
	_ =	sdelay $0x3  }
0x7d: {  	v2 =	vld.idx.msk [tilespmem:v2+s3+$0x0], $0xffff  }
0x7e: {  	v3 =	vld.idx.msk [tilespmem:v1+s13+$0x0], $0xffff;
	_ =	sdelay $0x4  }
0x7f: {  	v2 =	vadd.f32 v3, v2;
	_ =	sdelay $0x1  }
0x80: {  	v3 =	vmul.f32 $2.000000030e-01, v2  }
0x81: {  	vm11 =	vge.f32 v2, $0.0e+00  }
0x82: {  	v2 =	vsel vm11, v2, v3  }
0x83: {  	v2 =	vmul.f32 $1.442695020e+00, v2;
	_ =	sdelay $0x1  }
0x84: {  	(erf) = vpow2.f32 v2;
	_ =	sdelay $0x8  }
0x85: {  	v2 =	vpop (erf)  }
0x86: {  	[tilespmem:s22+$0x76B0] =	vst v2  }
0x87: {  	[tilespmem:$0x9E30] =	vst v1  }
0x88: {  	v1 =	vld [tilespmem:s22+$0x4F40];
	_ =	sdelay $0x4  }
0x89: {  	v2 =	vshra.s32 v1, $0x10  }
0x8a: {  	v1 =	vand.u32 $0xFFFF, v1;
	_ =	sdelay $0x3  }
0x8b: {  	v2 =	vld.idx.msk [tilespmem:v2+s3+$0x0], $0xffff  }
0x8c: {  	v3 =	vld.idx.msk [tilespmem:v1+s13+$0x0], $0xffff;
	_ =	sdelay $0x4  }
0x8d: {  	v2 =	vadd.f32 v3, v2;
	_ =	sdelay $0x1  }
0x8e: {  	v3 =	vmul.f32 $2.000000030e-01, v2  }
0x8f: {  	vm12 =	vge.f32 v2, $0.0e+00  }
0x90: {  	v2 =	vsel vm12, v2, v3  }
0x91: {  	v2 =	vmul.f32 $1.442695020e+00, v2;
	_ =	sdelay $0x1  }
0x92: {  	(erf) = vpow2.f32 v2;
	_ =	sdelay $0x8  }
0x93: {  	v2 =	vpop (erf)  }
0x94: {  	[tilespmem:s22+$0x76C0] =	vst v2  }
0x95: {  	[tilespmem:$0x9E40] =	vst v1  }
0x96: {  	v1 =	vld [tilespmem:s22+$0x4F50];
	_ =	sdelay $0x4  }
0x97: {  	v2 =	vshra.s32 v1, $0x10  }
0x98: {  	v1 =	vand.u32 $0xFFFF, v1;
	_ =	sdelay $0x3  }
0x99: {  	v2 =	vld.idx.msk [tilespmem:v2+s3+$0x0], $0xffff  }
0x9a: {  	v3 =	vld.idx.msk [tilespmem:v1+s13+$0x0], $0xffff;
	_ =	sdelay $0x4  }
0x9b: {  	v2 =	vadd.f32 v3, v2;
	_ =	sdelay $0x1  }
0x9c: {  	v3 =	vmul.f32 $2.000000030e-01, v2  }
0x9d: {  	vm13 =	vge.f32 v2, $0.0e+00  }
0x9e: {  	v2 =	vsel vm13, v2, v3  }
0x9f: {  	v2 =	vmul.f32 $1.442695020e+00, v2;
	_ =	sdelay $0x1  }
0xa0: {  	(erf) = vpow2.f32 v2;
	_ =	sdelay $0x8  }
0xa1: {  	v2 =	vpop (erf)  }
0xa2: {  	[tilespmem:s22+$0x76D0] =	vst v2  }
0xa3: {  	[tilespmem:$0x9E50] =	vst v1  }
0xa4: {  	v1 =	vld [tilespmem:s22+$0x4F60];
	_ =	sdelay $0x4  }
0xa5: {  	v2 =	vshra.s32 v1, $0x10  }
0xa6: {  	v1 =	vand.u32 $0xFFFF, v1;
	_ =	sdelay $0x3  }
0xa7: {  	v2 =	vld.idx.msk [tilespmem:v2+s3+$0x0], $0xffff  }
0xa8: {  	v3 =	vld.idx.msk [tilespmem:v1+s13+$0x0], $0xffff;
	_ =	sdelay $0x4  }
0xa9: {  	v2 =	vadd.f32 v3, v2;
	_ =	sdelay $0x1  }
0xaa: {  	v3 =	vmul.f32 $2.000000030e-01, v2  }
0xab: {  	vm14 =	vge.f32 v2, $0.0e+00  }
0xac: {  	v2 =	vsel vm14, v2, v3  }
0xad: {  	v2 =	vmul.f32 $1.442695020e+00, v2;
	_ =	sdelay $0x1  }
0xae: {  	(erf) = vpow2.f32 v2;
	_ =	sdelay $0x8  }
0xaf: {  	v2 =	vpop (erf)  }
0xb0: {  	[tilespmem:s22+$0x76E0] =	vst v2  }
0xb1: {  	[tilespmem:$0x9E60] =	vst v1  }
0xb2: {  	v1 =	vld [tilespmem:s22+$0x4F70];
	_ =	sdelay $0x4  }
0xb3: {  	v2 =	vshra.s32 v1, $0x10  }
0xb4: {  	v1 =	vand.u32 $0xFFFF, v1;
	_ =	sdelay $0x3  }
0xb5: {  	v2 =	vld.idx.msk [tilespmem:v2+s3+$0x0], $0xffff  }
0xb6: {  	v3 =	vld.idx.msk [tilespmem:v1+s13+$0x0], $0xffff;
	_ =	sdelay $0x4  }
0xb7: {  	v2 =	vadd.f32 v3, v2;
	_ =	sdelay $0x1  }
0xb8: {  	v3 =	vmul.f32 $2.000000030e-01, v2  }
0xb9: {  	vm15 =	vge.f32 v2, $0.0e+00  }
0xba: {  	v2 =	vsel vm15, v2, v3  }
0xbb: {  	v2 =	vmul.f32 $1.442695020e+00, v2;
	_ =	sdelay $0x1  }
0xbc: {  	(erf) = vpow2.f32 v2;
	_ =	sdelay $0x8  }
0xbd: {  	v2 =	vpop (erf)  }
0xbe: {  	p4 =	sne.s32 s21, $0x9A00;
	[tilespmem:s22+$0x76F0] =	vst v2  }
.Ltmp0:
0xbf: {  	s22 =	sadd.s32 $0x7680, s22;
	[tilespmem:$0x9E70] =	vst v1;
	(pc) =	sbr.rel @p4 .LBB2_2-.Ltmp0, $4  }
0xc0: {  	[spmem:s2] =	stream.indirect.scatter.add.f32 [tilespmem:s22], [sflag:$0x1], $0x1, s16, s15, $0xb8;
	[tilespmem:$0xA3F8] =	vst v63  }
0xc1: {  	_ =	swait.ge [sflag:s12], $0x80  }
0xc2: {  	[sflag:s12] =	ssyncset.done $0x0  }
0xc3: {  	s21 =	sadd.s32 $0x200, s21;
	[sflag:s12] =	ssyncadd.s32 $0xFFFFFF80  }
0xc4: {  	v1 =	vld [tilespmem:$0x7600];
	_ =	sdelay $0x4  }
0xc5: {  	v2 =	vshra.s32 v1, $0x10  }
0xc6: {  	v1 =	vand.u32 $0xFFFF, v1;
	_ =	sdelay $0x3  }
0xc7: {  	v2 =	vld.idx.msk [tilespmem:v2+s3+$0x0], $0xffff  }
0xc8: {  	v3 =	vld.idx.msk [tilespmem:v1+s13+$0x0], $0xffff;
	_ =	sdelay $0x4  }
0xc9: {  	v2 =	vadd.f32 v3, v2;
	_ =	sdelay $0x1  }
0xca: {  	v3 =	vmul.f32 $2.000000030e-01, v2  }
0xcb: {  	vm0 =	vge.f32 v2, $0.0e+00  }
0xcc: {  	v2 =	vsel vm0, v2, v3  }
0xcd: {  	v2 =	vmul.f32 $1.442695020e+00, v2;
	_ =	sdelay $0x1  }
0xce: {  	(erf) = vpow2.f32 v2;
	_ =	sdelay $0x8  }
0xcf: {  	[tilespmem:$0x9E80] =	vst v1;
	v2 =	vpop (erf)  }
0xd0: {  	[tilespmem:$0x9D80] =	vst v2  }
0xd1: {  	[spmem:s2] =	stream.indirect.scatter.add.f32 [tilespmem:s19], [sflag:$0x1], $0x1, s18, s17, $0xb8;
	[tilespmem:$0xA3F8] =	vst v63  }
0xd2: {  	_ =	swait.ge [sflag:s12], $0x10  }
0xd3: {  	[sflag:s12] =	ssyncset.done $0x0  }
0xd4: {  	s21 =	simm.s32 @p1 $0x0;
	s22 =	simm.s32 @p1 $0x7680;
	[sflag:s12] =	ssyncadd.s32 $0xFFFFFFF0  }
0xd5: {  	[hbm4b:s8+s21] =	stream.linear.scatter @p1 [tilespmem:s22], [sflag:$0x1], $0x2710, $0x38;
	[tilespmem:$0xA3F8] =	vst v63  }
0xd6: {  	s21 =	simm.s32 @p1 $0x1  }
0xd7: {  	_ =	swait.ge @p1 [sflag:s21], $0x2710  }
0xd8: {  	[sflag:s21] =	ssyncset.done @p1 $0x0  }
0xd9: {  	[sflag:s21] =	ssyncadd.s32 @p1 $0xFFFFD8F0  }
0xda: {  	s22 =	simm.s32 @!p2 $0x1;
	s21 =	simm.s32 @!p2 $0x9F00;
	[bflag:$0x0] =	sbarrier.arrive @p1 $0xFFFF  }
0xdb: {  	[tilespmem:s21], [sflag:$0x1] =	stream.linear.gather @!p2 [spmem:s7], $0x190, $0x38;
	[tilespmem:$0xA3F8] =	vst v63  }
0xdc: {  	_ =	swait.ge @!p2 [sflag:s22], $0x190  }
0xdd: {  	[sflag:s22] =	ssyncset.done @!p2 $0x0  }
0xde: {  	s23 =	simm.s32 @!p2 $0x0;
	[sflag:s22] =	ssyncadd.s32 @!p2 $0xFFFFFE70  }
0xdf: {  	[hbm4b:s10+s23] =	stream.linear.scatter @!p2 [tilespmem:s21], [sflag:$0x1], $0x190, $0x38;
	[tilespmem:$0xA3F8] =	vst v63  }
0xe0: {  	_ =	swait.ge @!p2 [sflag:s22], $0x190  }
0xe1: {  	[sflag:s22] =	ssyncset.done @!p2 $0x0  }
0xe2: {  	s21 =	simm.s32 @!p3 $0x9F00;
	[sflag:s22] =	ssyncadd.s32 @!p2 $0xFFFFFE70;
	s22 =	simm.s32 @!p3 $0x1  }
0xe3: {  	[tilespmem:s21], [sflag:$0x1] =	stream.linear.gather @!p3 [spmem:s7], $0x280, $0x38;
	[tilespmem:$0xA3F8] =	vst v63  }
0xe4: {  	_ =	swait.ge @!p3 [sflag:s22], $0x280  }
0xe5: {  	s20 =	sadd.s32 $0x1, s20;
	[sflag:s22] =	ssyncset.done @!p3 $0x0  }
0xe6: {  	p4 =	sne.s32 s20, s11;
	s23 =	simm.s32 @!p3 $0x0;
	[sflag:s22] =	ssyncadd.s32 @!p3 $0xFFFFFD80  }
0xe7: {  	[hbm4b:s9+s23] =	stream.linear.scatter @!p3 [tilespmem:s21], [sflag:$0x1], $0x280, $0x38;
	[tilespmem:$0xA3F8] =	vst v63  }
.Ltmp1:
0xe8: {  	_ =	swait.ge @!p3 [sflag:s22], $0x280;
	(pc) =	sbr.rel @p4 .LBB2_1-.Ltmp1, $3  }
0xe9: {  	[sflag:s22] =	ssyncset.done @!p3 $0x0  }
0xea: {  	[sflag:s22] =	ssyncadd.s32 @!p3 $0xFFFFFD80  }
0xeb: {  	[bflag:$0x0] =	sbarrier.arrive @!p1 $0xFFFF;
	_ =	sdelay $0x1  }
0xec: {  	_ =	sfence.sel $0x180000  }
0xed: {  	[bflag:$0x0] =	sbarrier.arrive $0xFFFF  }
0xee: {  	p0 =	sne.s32 s1, $0x0;
	_ =	strace $0x90000047  }
0xef: {  	s0 =	sadd.s32 @!p0 $0x100000, s0;
	[bflag:$0x2] =	sbarrier.arrive $0xFFFF  }
0xf0: {  	[sflag:s0] =	ssyncadd.tile.s32 @!p0 $0x1;
	_ =	shalt  }
.Lfunc_end2:
_tile_overlayer_lowered:
.L_overlay_start_2:
0xf1: {  	(tag) =	ssettag $0x2  }
0xf2: {  	s0 =	rddreg [dreg:$0x0];
	s2 =	stileid.u32  }
0xf3: {  	s1 =	rddreg [dreg:$0x1];
	p0 =	sne.s32 s2, $0x0  }
0xf4: {  	s3 =	rddreg [dreg:$0x2];
	[bflag:$0x3] =	sbarrier.arrive $0xFFFF;
	s2 =	simm.s32 @!p0 $0x1C01  }
0xf5: {  	[timem:s3], [sflag:s2] =	dma.local @!p0 [hbm:s0], s1  }
0xf6: {  	s0 =	simm.s32 @!p0 $0x1  }
0xf7: {  	_ =	swait.ge @!p0 [sflag:s0], s1  }
0xf8: {  	s1 =	ssub.s32 @!p0 $0x0, s1;
	[sflag:s0] =	ssyncset.done @!p0 $0x0  }
0xf9: {  	[sflag:s0] =	ssyncadd.s32 @!p0 s1  }
0xfa: {  	[bflag:$0x3] =	sbarrier.arrive $0xFFFF  }
0xfb: {  	_ =	shalt  }

// kernel: kernel.15.cloned.1.call-start
scs
__scs_entry_jumppad:
0x0: {  	(pc) =	sbr.rel $0x88, $3  }
0x1: {  	(tag) =	ssettag $0x0;
	lr =	simm.s32 $0x1  }
0x2: {  	[smem:$0x3F8B] =	sst lr;
	_ =	strace $0xD0000000  }
0x3: {  	_ = 	snop  }
0x4: {  	_ = 	snop  }
0x5: {  	_ = 	snop  }
0x6: {  	_ = 	snop  }
0x7: {  	_ = 	snop  }
__scs_overlays_trampoline_lowered:
0x8: {  	[smem:$0x3F9A] =	sst s0  }
0x9: {  	[smem:$0x3F9B] =	sst s1  }
0xa: {  	[smem:$0x3F9C] =	sst s2  }
0xb: {  	[smem:$0x3F9D] =	sst s3  }
0xc: {  	[smem:$0x3F9E] =	sst s4  }
0xd: {  	[smem:$0x3F9F] =	sst s5  }
0xe: {  	[smem:$0x3FA0] =	sst s6  }
0xf: {  	[smem:$0x3FA1] =	sst s7  }
0x10: {  	[smem:$0x3FA2] =	sst s8  }
0x11: {  	[smem:$0x3FA3] =	sst s9;
	s0 =	simm.s32 @!p0 $0x0  }
0x12: {  	s1 =	sld [smem:$0x3F89];
	s0 =	simm.s32 @p0 $0x1  }
0x13: {  	[smem:$0x3FA4] =	sst s0;
	s0 =	simm.s32 @!p1 $0x0  }
0x14: {  	s2 =	sld [smem:$0x3F88];
	s0 =	simm.s32 @p1 $0x1  }
0x15: {  	[smem:$0x3FA5] =	sst s0;
	s0 =	simm.s32 @!p2 $0x0  }
0x16: {  	s3 =	sld [smem:$0x3FDB];
	s0 =	simm.s32 @p2 $0x1  }
0x17: {  	s4 =	simm.s32 $0x1BF5;
	[smem:$0x3FA7] =	sst s0  }
0x18: {  	s0 =	sld [smem:$0x3F8A];
	_ =	swait.ge [sflag:s4], $0x0  }
0x19: {  	s7 =	sld [smem:$0x3F8B]  }
0x1a: {  	s8 =	sadd.s32 $0xFFFFE003, lr  }
0x1b: {  	s9 =	sadd.s32 $0xFFFFFEF7, lr;
	s5 =	simm.s32 $0xFFFFFFFF;
	p2 =	slt.u32 s8, $0xFFFFF086  }
0x1c: {  	p1 =	slt.u32 s9, $0xF7A;
	s5 =	simm.s32 @!p2 $0x0  }
0x1d: {  	s5 =	simm.s32 @p1 $0x1;
	p0 =	seq.s32 s7, s2  }
0x1e: {  	s7 =	smul.u32 @!p0 $0xF7A, s2;
	p2 =	seq.s32 @!p0 s5, $0x0  }
0x1f: {  	s9 =	smul.u32 $0xF7A, s1;
	s8 =	simm.s32 @!p0 $0x1BF5;
	p2 =	por !p2, p0  }
0x20: {  	[sflag:s8] =	ssyncset.s32 @!p0 $0xFFFFF086;
	s6 =	sadd.s32 @!p0 s3, s7;
	s7 =	simm.s32 @!p0 $0x108  }
0x21: {  	s3 =	sadd.s32 s3, s9;
	s6 =	sadd.s32 @!p0 $0x88, s6;
	s7 =	simm.s32 @p2 $0x1082  }
0x22: {  	[simem:s7], [sflag:s8] =	dma.local @!p0 [hbm:s6], $0xF7A  }
0x23: {  	s9 =	sor.u32 $0xD0000000, s2;
	s6 =	simm.s32 $0x108;
	_ =	swait.ge @!p0 [sflag:s8], $0x0  }
0x24: {  	s3 =	sadd.s32 $0x88, s3;
	s6 =	simm.s32 @!p1 $0x1082;
	[sflag:s4] =	ssyncset.s32 $0xFFFFF086  }
0x25: {  	[simem:s6], [sflag:s4] =	dma.local [hbm:s3], $0xF7A  }
0x26: {  	[smem:$0x3F8B] =	sst s1;
	(tag) =	ssettag s2;
	_ =	strace s9  }
0x27: {  	s1 =	sld [smem:$0x3F9B]  }
0x28: {  	s2 =	sld [smem:$0x3F9C]  }
0x29: {  	s4 =	sld [smem:$0x3F9E]  }
0x2a: {  	p0 =	seq.s32 s5, $0x0;
	s5 =	sld [smem:$0x3F9F]  }
0x2b: {  	s6 =	sld [smem:$0x3FA0]  }
0x2c: {  	s7 =	sld [smem:$0x3FA1]  }
0x2d: {  	s3 =	simm.s32 $0x108;
	s8 =	sld [smem:$0x3FA2]  }
0x2e: {  	s3 =	simm.s32 @!p0 $0x1082;
	s9 =	sld [smem:$0x3FA3]  }
0x2f: {  	lr =	sadd.s32 s0, s3;
	s0 =	sld [smem:$0x3F9A]  }
0x30: {  	s3 =	sld [smem:$0x3F9D]  }
0x31: {  	[smem:$0x3FA6] =	sst s10  }
0x32: {  	s10 =	sld [smem:$0x3FA4];
	_ =	sdelay $0x3  }
0x33: {  	p0 =	seq.s32 s10, $0x1;
	s10 =	sld [smem:$0x3FA6];
	_ =	sdelay $0x3  }
0x34: {  	[smem:$0x3FA6] =	sst s10  }
0x35: {  	s10 =	sld [smem:$0x3FA5];
	_ =	sdelay $0x3  }
0x36: {  	p1 =	seq.s32 s10, $0x1;
	s10 =	sld [smem:$0x3FA6];
	_ =	sdelay $0x3  }
0x37: {  	[smem:$0x3FA6] =	sst s10  }
0x38: {  	s10 =	sld [smem:$0x3FA7]  }
0x39: {  	_ = 	snop;
	(pc) =	sbr.ind lr, $3  }
0x3a: {  	_ = 	snop  }
0x3b: {  	_ = 	snop  }
0x3c: {  	p2 =	seq.s32 s10, $0x1;
	s10 =	sld [smem:$0x3FA6]  }
0x3d: {  	_ =	shalt  }
0x3e: {  	_ =	shalt  }
0x3f: {  	_ =	shalt  }
0x40: {  	_ =	shalt  }
0x41: {  	_ =	shalt  }
0x42: {  	_ =	shalt  }
0x43: {  	_ =	shalt  }
0x44: {  	_ =	shalt  }
0x45: {  	_ =	shalt  }
0x46: {  	_ =	shalt  }
0x47: {  	_ =	shalt  }
0x48: {  	_ =	shalt  }
0x49: {  	_ =	shalt  }
0x4a: {  	_ =	shalt  }
0x4b: {  	_ =	shalt  }
0x4c: {  	_ =	shalt  }
0x4d: {  	_ =	shalt  }
0x4e: {  	_ =	shalt  }
0x4f: {  	_ =	shalt  }
0x50: {  	_ =	shalt  }
0x51: {  	_ =	shalt  }
0x52: {  	_ =	shalt  }
0x53: {  	_ =	shalt  }
0x54: {  	_ =	shalt  }
0x55: {  	_ =	shalt  }
0x56: {  	_ =	shalt  }
0x57: {  	_ =	shalt  }
0x58: {  	_ =	shalt  }
0x59: {  	_ =	shalt  }
0x5a: {  	_ =	shalt  }
0x5b: {  	_ =	shalt  }
0x5c: {  	_ =	shalt  }
0x5d: {  	_ =	shalt  }
0x5e: {  	_ =	shalt  }
0x5f: {  	_ =	shalt  }
0x60: {  	_ =	shalt  }
0x61: {  	_ =	shalt  }
0x62: {  	_ =	shalt  }
0x63: {  	_ =	shalt  }
0x64: {  	_ =	shalt  }
0x65: {  	_ =	shalt  }
0x66: {  	_ =	shalt  }
0x67: {  	_ =	shalt  }
0x68: {  	_ =	shalt  }
0x69: {  	_ =	shalt  }
0x6a: {  	_ =	shalt  }
0x6b: {  	_ =	shalt  }
0x6c: {  	_ =	shalt  }
0x6d: {  	_ =	shalt  }
0x6e: {  	_ =	shalt  }
0x6f: {  	_ =	shalt  }
0x70: {  	_ =	shalt  }
0x71: {  	_ =	shalt  }
0x72: {  	_ =	shalt  }
0x73: {  	_ =	shalt  }
0x74: {  	_ =	shalt  }
0x75: {  	_ =	shalt  }
0x76: {  	_ =	shalt  }
0x77: {  	_ =	shalt  }
0x78: {  	_ =	shalt  }
0x79: {  	_ =	shalt  }
0x7a: {  	_ =	shalt  }
0x7b: {  	_ =	shalt  }
0x7c: {  	_ =	shalt  }
0x7d: {  	_ =	shalt  }
0x7e: {  	_ =	shalt  }
0x7f: {  	_ =	shalt  }
0x80: {  	_ =	shalt  }
0x81: {  	_ =	shalt  }
0x82: {  	_ =	shalt  }
0x83: {  	_ =	shalt  }
0x84: {  	_ =	shalt  }
0x85: {  	_ =	shalt  }
0x86: {  	_ =	shalt  }
0x87: {  	_ =	shalt  }
.Lfunc_end0:
.L_simem_size_0:
called_computation.1_lowered:
.L_overlay_start_0:
0x88: {  	s2 =	sld [smem:$0x3FD9]  }
0x89: {  	s3 =	sld [smem:$0x3FFE];
	_ =	sdelay $0x1  }
0x8a: {  	s1 =	srdreg.scid  }
0x8b: {  	s0 =	sand.u32 $0x1, s1  }
0x8c: {  	s17 =	sshll.u32 s0, $0xA;
	s2 =	sadd.s32 s3, s2  }
0x8d: {  	s2 =	sadd.s32 s2, s17  }
0x8e: {  	[smem:$0x3FB2] =	sst s2  }
0x8f: {  	_ = 	snop  }
0x90: {  	s2 =	sld [smem:$0x3FD0];
	(tm) =	ssettm $0x1  }
0x91: {  	s18 =	sld [smem:$0x3FFB];
	_ =	sdelay $0x3  }
0x92: {  	_ =	strace s18  }
0x93: {  	s3 =	sld [smem:$0x3FFC];
	_ =	sdelay $0x3  }
0x94: {  	_ =	strace s3  }
0x95: {  	s3 =	sld [smem:$0x3FFD];
	_ =	sdelay $0x3  }
0x96: {  	_ =	strace s3  }
0x97: {  	_ =	strace $0x8FFFFFFF  }
0x98: {  	s19 =	sld [smem:$0x3FDB];
	_ =	sdelay $0x1  }
0x99: {  	s4 =	simm.s32 $_scs_section_size  }
0x9a: {  	s5 =	simm.s32 $_size__tile_overlayer_lowered;
	s6 =	simm.s32 $_tile_overlayer_lowered  }
0x9b: {  	s22 =	simm.s32 $0x1BFF;
	s21 =	sshll.u32 s6, $0x1;
	s3 =	sadd.s32 s4, s19  }
0x9c: {  	s7 =	simm.s32 $0x0;
	s20 =	sshll.u32 s5, $0x1;
	s5 =	sadd.s32 s21, s3  }
0x9d: {  	[timem:s7], [sflag:s22] =	dma.local [hbm:s5], s20  }
0x9e: {  	_ =	swait.ge [sflag:s22], s20  }
0x9f: {  	s4 =	ssub.s32 $0x0, s20;
	[sflag:s22] =	ssyncset.done $0x0  }
0xa0: {  	[sflag:s22] =	ssyncadd.s32 s4;
	_ =	sdelay $0x1  }
0xa1: {  	s23 =	simm.s32 $0x1B8B  }
0xa2: {  	_ =	swait.ge [sflag:s23], $0x1  }
0xa3: {  	[sflag:s23] =	ssyncset.done $0x0  }
0xa4: {  	s25 =	simm.s32 $0x1B8E;
	s24 =	sld [smem:$0x3FFE];
	[sflag:s23] =	ssyncadd.s32 $0xFFFFFFFF  }
0xa5: {  	s26 =	simm.s32 $execute0_lowered;
	[smem:$0x3FD2] =	sst s25  }
0xa6: {  	s5 =	sshll.u32 s26, $0x1;
	_ =	strace $0x80000049;
	[dreg:$0x1] =	wrdreg $0xFFFFFFFF  }
0xa7: {  	s28 =	simm.s32 $_size_execute0_lowered;
	s3 =	sadd.s32 s3, s5;
	[dreg:$0x0] =	wrdreg $0x0  }
0xa8: {  	s5 =	sshll.u32 s28, $0x1;
	[dreg:$0x2] =	wrdreg s3  }
0xa9: {  	[dreg:$0x3] =	wrdreg s5  }
0xaa: {  	[dreg:$0x4] =	wrdreg $0xC0  }
0xab: {  	_ =	task [dreg:s7], $0x5FFFF  }
0xac: {  	[dreg:$0x1] =	wrdreg $0xFFFFFFFF  }
0xad: {  	[dreg:$0x0] =	wrdreg $0x60  }
0xae: {  	[dreg:$0x2] =	wrdreg s2  }
0xaf: {  	[dreg:$0x3] =	wrdreg s24  }
0xb0: {  	[dreg:$0x4] =	wrdreg $0xC1800  }
0xb1: {  	[dreg:$0x5] =	wrdreg $0x9  }
0xb2: {  	_ =	task.clear_ibuf [dreg:s7], $0x6FFFF;
	_ =	strace $0x90000049  }
0xb3: {  	s29 =	simm.s32 $0x9;
	_ =	strace $0x8000004B  }
0xb4: {  	_ =	swait.ge [sflag:s29], $0x1  }
0xb5: {  	[sflag:s29] =	ssyncadd.s32 $0xFFFFFFFF  }
0xb6: {  	_ =	strace $0x9000004B  }
0xb7: {  	_ =	sfence  }
0xb8: {  	s30 =	sld [smem:$0x0];
	_ =	sdelay $0x2  }
0xb9: {  	s31 =	sshll.u32 s1, $0xD;
	s1 =	sshrl.u32 s1, $0x2  }
0xba: {  	s3 =	sand.u32 $0x4000, s31;
	s1 =	sadd.s32 s1, s30  }
0xbb: {  	s0 =	sor.u32 s3, s0;
	s1 =	sshll.u32 s1, $0x11  }
0xbc: {  	s0 =	sor.u32 s1, s0  }
0xbd: {  	s0 =	sadd.s32 $0x8F2B, s0  }
0xbe: {  	[sflag:s0] =	ssyncadd.remote.s32 $0x1  }
0xbf: {  	_ =	sfence.sel $0xFFFF  }
0xc0: {  	[dreg:$0x0] =	wrdreg $0xFFFFFFFF;
	(pc) =	sbr.abs _section_cstart, $3  }
0xc1: {  	[dreg:$0x1] =	wrdreg $0xFFFFFFFF  }
0xc2: {  	_ =	task.clear_ibuf [dreg:s7], $0x2FFFF;
	_ =	strace $0x9FFFFFFF  }
0xc3: {  	(tm) =	ssettm $0x7FFFFFFF  }
tec
execute0_lowered:
.L_overlay_start_1:
0x0: {  	(tag) =	ssettag $0x1  }
0x1: {  	s2 =	rddreg [dreg:$0x0]  }
0x2: {  	s0 =	rddreg [dreg:$0x1]  }
0x3: {  	s3 =	rddreg [dreg:$0x2];
	s9 =	stileid.u32;
	s4 =	simm.s32 $0x0  }
0x4: {  	s5 =	srdreg.scid;
	s30 =	simm.s32 $0x2;
	s31 =	simm.s32 $0x4F00  }
0x5: {  	s29 =	simm.s32 $0x7680;
	s11 =	simm.s32 $0x10;
	s1 =	smul.u32 $0x4E2, s9  }
0x6: {  	[smem:$0x7FF] =	sst s4;
	s5 =	sand.u32 $0x1, s5;
	s6 =	smul.u32 $0x50000, s9  }
0x7: {  	s8 =	sadd.s32 $0xE400, s0;
	s20 =	smul.u32 $0x14000, s9;
	s24 =	sadd.s32 $0x12E000, s3  }
0x8: {  	s25 =	sadd.s32 $0x130000, s3;
	_ =	strace $0x8000004A;
	[dreg:$0x4] =	wrdreg s8  }
0x9: {  	s26 =	sadd.s32 $0x132000, s3;
	p0 =	seq.s32 s9, $0xF;
	[dreg:$0x10] =	wrdreg s24  }
0xa: {  	s28 =	sadd.s32 $0x138000, s3;
	s9 =	simm.s32 $0x7780;
	[dreg:$0x11] =	wrdreg s25  }
0xb: {  	s7 =	ssub.s32 $0x2, s5;
	s17 =	smul.u32 $0x138800, s5;
	[dreg:$0x13] =	wrdreg s26  }
0xc: {  	s25 =	sadd.s32 $0x134000, s3;
	s26 =	sadd.s32 $0x136000, s3;
	s1 =	sadd.s32 s1, s0  }
0xd: {  	s12 =	sshrl.u32 s7, $0x1;
	s6 =	sshrl.u32 s6, $0x2;
	s13 =	sadd.s32 $0x4400, s1  }
0xe: {  	s6 =	sadd.s32 s6, s3;
	s1 =	sadd.s32 $0x9400, s1;
	[dreg:$0x5] =	wrdreg s13  }
0xf: {  	s0 =	sadd.s32 $0xEA00, s0;
	[dreg:$0x6] =	wrdreg s1;
	s14 =	sadd.s32 $0x2000, s6  }
0x10: {  	s7 =	ssub.s32 s7, s12;
	s15 =	sadd.s32 $0x4000, s6;
	[dreg:$0x7] =	wrdreg s14  }
0x11: {  	s8 =	sadd.s32 s20, s17;
	s16 =	sadd.s32 $0x6000, s6;
	[dreg:$0x8] =	wrdreg s15  }
0x12: {  	s12 =	smul.u32 $0x2710, s5;
	s18 =	sadd.s32 $0x8000, s6;
	[dreg:$0x9] =	wrdreg s16  }
0x13: {  	s5 =	simm.s32 $0x1;
	s19 =	sadd.s32 $0xA000, s6;
	[dreg:$0xa] =	wrdreg s18  }
0x14: {  	s10 =	sadd.s32 $0xC000, s6;
	s21 =	sadd.s32 $0xE000, s6;
	[dreg:$0xb] =	wrdreg s19  }
0x15: {  	s22 =	sadd.s32 $0x10000, s6;
	s23 =	sadd.s32 $0x12000, s6;
	[dreg:$0xc] =	wrdreg s10  }
0x16: {  	s8 =	sshrl.u32 s8, $0x3;
	s1 =	sshrl.u32 s17, $0x3;
	[dreg:$0xd] =	wrdreg s21  }
0x17: {  	s24 =	smax.u32 s7, $0x1;
	s7 =	simm.s32 $0x7700;
	[dreg:$0xe] =	wrdreg s22  }
0x18: {  	s13 =	simm.s32 $0x0;
	[dreg:$0xf] =	wrdreg s23;
	s18 =	sadd.s32 $0x12C000, s3  }
0x19: {  	s8 =	sadd.s32 s0, s8;
	s0 =	sadd.s32 s0, s1;
	s1 =	simm.s32 $0x7980  }
0x1a: {  	s10 =	simm.s32 $0x7800;
	v0 =	vmov s12;
	s12 =	simm.s32 $0xB980;
	[dreg:$0x12] =	wrdreg s8  }
0x1b: {  	v1 =	vimm.f32 $0.0e+00;
	s23 =	sadd.s32 $0x25800, s0;
	s0 =	simm.s32 $0x40;
	s8 =	simm.s32 $0x9980  }
.LBB2_1:
0x1c: {  	s14 =	rddreg [dreg:$0x5];
	s15 =	simm.s32 $0x2780  }
0x1d: {  	[tilespmem:s15], [sflag:$0x2] =	stream.linear.gather [hbm4b:s14+s4], $0x2710, $0x38;
	[tilespmem:$0x1FA00] =	vst v63  }
0x1e: {  	_ =	swait.ge [sflag:s30], $0x2710  }
0x1f: {  	[sflag:s30] =	ssyncset.done $0x0  }
0x20: {  	s21 =	rddreg [dreg:$0x6];
	[sflag:s30] =	ssyncadd.s32 $0xFFFFD8F0  }
0x21: {  	[tilespmem:s31], [sflag:$0x2] =	stream.linear.gather [hbm4b:s21+s4], $0x2710, $0x38;
	[tilespmem:$0x1FA00] =	vst v63  }
0x22: {  	_ =	swait.ge [sflag:s30], $0x2710  }
0x23: {  	[sflag:s30] =	ssyncset.done $0x0  }
0x24: {  	s22 =	rddreg [dreg:$0x4];
	[sflag:s30] =	ssyncadd.s32 $0xFFFFD8F0  }
0x25: {  	[tilespmem:s4], [sflag:$0x2] =	stream.linear.gather [hbm4b:s22+s4], $0x2780, $0x38;
	[tilespmem:$0x1FA00] =	vst v63  }
0x26: {  	_ =	swait.ge [sflag:s30], $0x2780  }
0x27: {  	[sflag:s30] =	ssyncset.done $0x0  }
0x28: {  	s14 =	simm.s32 $0x0;
	s15 =	simm.s32 $0x200;
	[sflag:s30] =	ssyncadd.s32 $0xFFFFD880  }
.LBB2_2:
0x29: {  	p1 =	sne.s32 s15, $0x7E00;
	[tilespmem:s14+$0x79F0] =	vst v1  }
0x2a: {  	[tilespmem:s14+$0x7980] =	vst v1  }
0x2b: {  	[tilespmem:s14+$0x7990] =	vst v1  }
.Ltmp0:
0x2c: {  	[tilespmem:s14+$0x79A0] =	vst v1;
	(pc) =	sbr.rel @p1 .LBB2_2-.Ltmp0, $4  }
0x2d: {  	[tilespmem:s14+$0x79B0] =	vst v1  }
0x2e: {  	[tilespmem:s14+$0x79C0] =	vst v1  }
0x2f: {  	[tilespmem:s14+$0x79D0] =	vst v1  }
0x30: {  	[tilespmem:s14+$0x79E0] =	vst v1;
	s14 =	sshra.s32 s15, $0x2;
	s15 =	sadd.s32 $0x200, s15  }
0x31: {  	[tilespmem:s14+$0x79F0] =	vst v1  }
0x32: {  	[tilespmem:s14+$0x7980] =	vst v1  }
0x33: {  	[tilespmem:s14+$0x7990] =	vst v1  }
0x34: {  	[tilespmem:s14+$0x79A0] =	vst v1  }
0x35: {  	[tilespmem:s14+$0x79B0] =	vst v1  }
0x36: {  	[tilespmem:s14+$0x79C0] =	vst v1  }
0x37: {  	[tilespmem:s14+$0x79D0] =	vst v1  }
0x38: {  	[tilespmem:s14+$0x79E0] =	vst v1;
	s14 =	simm.s32 @p0 $0x7980;
	s15 =	simm.s32 @p0 $0x2  }
0x39: {  	[spmem:s18] =	stream.linear.scatter @p0 [tilespmem:s14], [sflag:$0x2], $0x2000, $0x38;
	[tilespmem:$0x1FA00] =	vst v63  }
0x3a: {  	_ =	swait.ge @p0 [sflag:s15], $0x2000  }
0x3b: {  	[sflag:s15] =	ssyncset.done @p0 $0x0  }
0x3c: {  	s16 =	rddreg [dreg:$0x10];
	[sflag:s15] =	ssyncadd.s32 @p0 $0xFFFFE000  }
0x3d: {  	[spmem:s16] =	stream.linear.scatter @p0 [tilespmem:s14], [sflag:$0x2], $0x2000, $0x38;
	[tilespmem:$0x1FA00] =	vst v63  }
0x3e: {  	_ =	swait.ge @p0 [sflag:s15], $0x2000  }
0x3f: {  	[sflag:s15] =	ssyncset.done @p0 $0x0  }
0x40: {  	s16 =	rddreg [dreg:$0x11];
	[sflag:s15] =	ssyncadd.s32 @p0 $0xFFFFE000  }
0x41: {  	[spmem:s16] =	stream.linear.scatter @p0 [tilespmem:s14], [sflag:$0x2], $0x2000, $0x38;
	[tilespmem:$0x1FA00] =	vst v63  }
0x42: {  	_ =	swait.ge @p0 [sflag:s15], $0x2000  }
0x43: {  	[sflag:s15] =	ssyncset.done @p0 $0x0  }
0x44: {  	s16 =	rddreg [dreg:$0x13];
	[sflag:s15] =	ssyncadd.s32 @p0 $0xFFFFE000  }
0x45: {  	[spmem:s16] =	stream.linear.scatter @p0 [tilespmem:s14], [sflag:$0x2], $0x2000, $0x38;
	[tilespmem:$0x1FA00] =	vst v63  }
0x46: {  	_ =	swait.ge @p0 [sflag:s15], $0x2000  }
0x47: {  	[sflag:s15] =	ssyncset.done @p0 $0x0  }
0x48: {  	[sflag:s15] =	ssyncadd.s32 @p0 $0xFFFFE000  }
0x49: {  	[spmem:s25] =	stream.linear.scatter @p0 [tilespmem:s14], [sflag:$0x2], $0x2000, $0x38;
	[tilespmem:$0x1FA00] =	vst v63  }
0x4a: {  	_ =	swait.ge @p0 [sflag:s15], $0x2000  }
0x4b: {  	[sflag:s15] =	ssyncset.done @p0 $0x0  }
0x4c: {  	[sflag:s15] =	ssyncadd.s32 @p0 $0xFFFFE000  }
0x4d: {  	[spmem:s26] =	stream.linear.scatter @p0 [tilespmem:s14], [sflag:$0x2], $0x2000, $0x38;
	[tilespmem:$0x1FA00] =	vst v63  }
0x4e: {  	_ =	swait.ge @p0 [sflag:s15], $0x2000  }
0x4f: {  	[sflag:s15] =	ssyncset.done @p0 $0x0  }
0x50: {  	[sflag:s15] =	ssyncadd.s32 @p0 $0xFFFFE000  }
0x51: {  	[spmem:s28] =	stream.linear.scatter @p0 [tilespmem:s14], [sflag:$0x2], $0x800, $0x38;
	[tilespmem:$0x1FA00] =	vst v63  }
0x52: {  	_ =	swait.ge @p0 [sflag:s15], $0x800  }
0x53: {  	[sflag:s15] =	ssyncset.done @p0 $0x0  }
0x54: {  	s14 =	simm.s32 @!p0 $0x7980;
	[sflag:s15] =	ssyncadd.s32 @p0 $0xFFFFF800;
	s15 =	simm.s32 @!p0 $0x2  }
0x55: {  	[spmem:s6] =	stream.linear.scatter @!p0 [tilespmem:s14], [sflag:$0x2], $0x2000, $0x38;
	[tilespmem:$0x1FA00] =	vst v63  }
0x56: {  	_ =	swait.ge @!p0 [sflag:s15], $0x2000  }
0x57: {  	[sflag:s15] =	ssyncset.done @!p0 $0x0  }
0x58: {  	s16 =	rddreg [dreg:$0x7];
	[sflag:s15] =	ssyncadd.s32 @!p0 $0xFFFFE000  }
0x59: {  	[spmem:s16] =	stream.linear.scatter @!p0 [tilespmem:s14], [sflag:$0x2], $0x2000, $0x38;
	[tilespmem:$0x1FA00] =	vst v63  }
0x5a: {  	_ =	swait.ge @!p0 [sflag:s15], $0x2000  }
0x5b: {  	[sflag:s15] =	ssyncset.done @!p0 $0x0  }
0x5c: {  	s16 =	rddreg [dreg:$0x8];
	[sflag:s15] =	ssyncadd.s32 @!p0 $0xFFFFE000  }
0x5d: {  	[spmem:s16] =	stream.linear.scatter @!p0 [tilespmem:s14], [sflag:$0x2], $0x2000, $0x38;
	[tilespmem:$0x1FA00] =	vst v63  }
0x5e: {  	_ =	swait.ge @!p0 [sflag:s15], $0x2000  }
0x5f: {  	[sflag:s15] =	ssyncset.done @!p0 $0x0  }
0x60: {  	s16 =	rddreg [dreg:$0x9];
	[sflag:s15] =	ssyncadd.s32 @!p0 $0xFFFFE000  }
0x61: {  	[spmem:s16] =	stream.linear.scatter @!p0 [tilespmem:s14], [sflag:$0x2], $0x2000, $0x38;
	[tilespmem:$0x1FA00] =	vst v63  }
0x62: {  	_ =	swait.ge @!p0 [sflag:s15], $0x2000  }
0x63: {  	[sflag:s15] =	ssyncset.done @!p0 $0x0  }
0x64: {  	s16 =	rddreg [dreg:$0xa];
	[sflag:s15] =	ssyncadd.s32 @!p0 $0xFFFFE000  }
0x65: {  	[spmem:s16] =	stream.linear.scatter @!p0 [tilespmem:s14], [sflag:$0x2], $0x2000, $0x38;
	[tilespmem:$0x1FA00] =	vst v63  }
0x66: {  	_ =	swait.ge @!p0 [sflag:s15], $0x2000  }
0x67: {  	[sflag:s15] =	ssyncset.done @!p0 $0x0  }
0x68: {  	s16 =	rddreg [dreg:$0xb];
	[sflag:s15] =	ssyncadd.s32 @!p0 $0xFFFFE000  }
0x69: {  	[spmem:s16] =	stream.linear.scatter @!p0 [tilespmem:s14], [sflag:$0x2], $0x2000, $0x38;
	[tilespmem:$0x1FA00] =	vst v63  }
0x6a: {  	_ =	swait.ge @!p0 [sflag:s15], $0x2000  }
0x6b: {  	[sflag:s15] =	ssyncset.done @!p0 $0x0  }
0x6c: {  	s16 =	rddreg [dreg:$0xc];
	[sflag:s15] =	ssyncadd.s32 @!p0 $0xFFFFE000  }
0x6d: {  	[spmem:s16] =	stream.linear.scatter @!p0 [tilespmem:s14], [sflag:$0x2], $0x2000, $0x38;
	[tilespmem:$0x1FA00] =	vst v63  }
0x6e: {  	_ =	swait.ge @!p0 [sflag:s15], $0x2000  }
0x6f: {  	[sflag:s15] =	ssyncset.done @!p0 $0x0  }
0x70: {  	s16 =	rddreg [dreg:$0xd];
	[sflag:s15] =	ssyncadd.s32 @!p0 $0xFFFFE000  }
0x71: {  	[spmem:s16] =	stream.linear.scatter @!p0 [tilespmem:s14], [sflag:$0x2], $0x2000, $0x38;
	[tilespmem:$0x1FA00] =	vst v63  }
0x72: {  	_ =	swait.ge @!p0 [sflag:s15], $0x2000  }
0x73: {  	[sflag:s15] =	ssyncset.done @!p0 $0x0  }
0x74: {  	s16 =	rddreg [dreg:$0xe];
	[sflag:s15] =	ssyncadd.s32 @!p0 $0xFFFFE000  }
0x75: {  	[spmem:s16] =	stream.linear.scatter @!p0 [tilespmem:s14], [sflag:$0x2], $0x2000, $0x38;
	[tilespmem:$0x1FA00] =	vst v63  }
0x76: {  	_ =	swait.ge @!p0 [sflag:s15], $0x2000  }
0x77: {  	[sflag:s15] =	ssyncset.done @!p0 $0x0  }
0x78: {  	s16 =	rddreg [dreg:$0xf];
	[sflag:s15] =	ssyncadd.s32 @!p0 $0xFFFFE000  }
0x79: {  	[spmem:s16] =	stream.linear.scatter @!p0 [tilespmem:s14], [sflag:$0x2], $0x2000, $0x38;
	[tilespmem:$0x1FA00] =	vst v63  }
0x7a: {  	_ =	swait.ge @!p0 [sflag:s15], $0x2000  }
0x7b: {  	[sflag:s15] =	ssyncset.done @!p0 $0x0  }
0x7c: {  	[sflag:s15] =	ssyncadd.s32 @!p0 $0xFFFFE000  }
0x7d: {  	[bflag:$0x0] =	sbarrier.arrive $0xFFFF  }
0x7e: {  	v2 =	vld [tilespmem:$0x2780];
	_ =	sdelay $0x4  }
0x7f: {  	v3 =	vand.u32 $0xFFFF, v2;
	_ =	sdelay $0x1  }
0x80: {  	v2 =	vshra.s32 v2, $0x10  }
0x81: {  	v2 =	vadd.s32 v0, v2;
	[tilespmem:$0x7780] =	vst v3  }
0x82: {  	s14 =	simm.s32 $0x0;
	[tilespmem:$0x7680] =	vst v2  }
0x83: {  	v2 =	vld.idx.msk [tilespmem:v3+s14+$0x0], $0xffff;
	_ =	sdelay $0x4  }
0x84: {  	v2 =	vadd.f32 $1.000000020e-16, v2;
	_ =	sdelay $0x1  }
0x85: {  	(erf) = vrcp.f32 v2;
	_ =	sdelay $0x3  }
0x86: {  	v3 =	vld [tilespmem:$0x2790]  }
0x87: {  	v2 =	vld [tilespmem:$0x4F00];
	_ =	sdelay $0x3  }
0x88: {  	v59 =	vand.u32 $0xFFFF, v3;
	v4 =	vpop (erf)  }
0x89: {  	v2 =	vmul.f32 v4, v2  }
0x8a: {  	v3 =	vshra.s32 v3, $0x10;
	[tilespmem:$0x7790] =	vst v59  }
0x8b: {  	[tilespmem:$0x4F00] =	vst v2;
	v2 =	vadd.s32 v0, v3  }
0x8c: {  	[tilespmem:$0x7690] =	vst v2  }
0x8d: {  	v2 =	vld.idx.msk [tilespmem:v59+s14+$0x0], $0xffff;
	_ =	sdelay $0x4  }
0x8e: {  	v2 =	vadd.f32 $1.000000020e-16, v2;
	_ =	sdelay $0x1  }
0x8f: {  	(erf) = vrcp.f32 v2;
	_ =	sdelay $0x3  }
0x90: {  	v3 =	vld [tilespmem:$0x27A0]  }
0x91: {  	v2 =	vld [tilespmem:$0x4F10];
	_ =	sdelay $0x3  }
0x92: {  	v61 =	vand.u32 $0xFFFF, v3;
	v60 =	vpop (erf)  }
0x93: {  	v2 =	vmul.f32 v60, v2  }
0x94: {  	v3 =	vshra.s32 v3, $0x10;
	[tilespmem:$0x77A0] =	vst v61  }
0x95: {  	[tilespmem:$0x4F10] =	vst v2;
	v2 =	vadd.s32 v0, v3  }
0x96: {  	[tilespmem:$0x76A0] =	vst v2  }
0x97: {  	v2 =	vld.idx.msk [tilespmem:v61+s14+$0x0], $0xffff;
	_ =	sdelay $0x4  }
0x98: {  	v2 =	vadd.f32 $1.000000020e-16, v2;
	_ =	sdelay $0x1  }
0x99: {  	(erf) = vrcp.f32 v2;
	_ =	sdelay $0x3  }
0x9a: {  	v3 =	vld [tilespmem:$0x27B0]  }
0x9b: {  	v2 =	vld [tilespmem:$0x4F20];
	_ =	sdelay $0x3  }
0x9c: {  	v63 =	vand.u32 $0xFFFF, v3;
	v62 =	vpop (erf)  }
0x9d: {  	v2 =	vmul.f32 v62, v2  }
0x9e: {  	v3 =	vshra.s32 v3, $0x10;
	[tilespmem:$0x77B0] =	vst v63  }
0x9f: {  	[tilespmem:$0x4F20] =	vst v2;
	v2 =	vadd.s32 v0, v3  }
0xa0: {  	[tilespmem:$0x76B0] =	vst v2  }
0xa1: {  	v2 =	vld.idx.msk [tilespmem:v63+s14+$0x0], $0xffff;
	_ =	sdelay $0x4  }
0xa2: {  	v2 =	vadd.f32 $1.000000020e-16, v2;
	_ =	sdelay $0x1  }
0xa3: {  	(erf) = vrcp.f32 v2;
	_ =	sdelay $0x4  }
0xa4: {  	v2 =	vld [tilespmem:$0x4F30];
	_ =	sdelay $0x3  }
0xa5: {  	v3 =	vpop (erf)  }
0xa6: {  	v2 =	vmul.f32 v3, v2;
	_ =	sdelay $0x1  }
0xa7: {  	s15 =	simm.s32 $0x0;
	[tilespmem:$0x4F30] =	vst v2  }
.LBB2_4:
0xa8: {  	p1 =	seq.s32 s15, $0x0  }
.Ltmp1:
0xa9: {  	_ = 	snop;
	(pc) =	sbr.rel @p1 .LBB2_8-.Ltmp1, $3  }
0xaa: {  	_ =	sdelay $0x1  }
0xab: {  	[tilespmem:s1], [sflag:$0x1] =	stream.indirect.gather [hbm4b:s2+s0], $0x80, s29, s0, $0xb8;
	[tilespmem:$0x1FA00] =	vst v63  }
0xac: {  	s16 =	simm.s32 $0x0  }
0xad: {  	s16 =	sadd.s32 $0x0, s14  }
0xae: {  	s17 =	sadd.s32 $0xFFFFFFC0, s16  }
0xaf: {  	v2 =	vmov s17  }
0xb0: {  	v2 =	vand.u32 $0xFFFFFFFE, v2  }
0xb1: {  	v3 =	vbroadcast v2, $0x0;
	_ =	sdelay $0x3  }
0xb2: {  	s17 =	simm.s32 $0x9A00  }
0xb3: {  	v6 =	vld [tilespmem:s17+$0xFFFFFFF0]  }
0xb4: {  	v7 =	vld.idx.msk [tilespmem:v3+s31+$0x0], $0xffff  }
0xb5: {  	v8 =	vld [tilespmem:s17+$0xFFFFFF80]  }
0xb6: {  	v9 =	vld [tilespmem:s17+$0xFFFFFFA0]  }
0xb7: {  	v5 =	vld [tilespmem:s17+$0xFFFFFFB0]  }
0xb8: {  	v4 =	vld [tilespmem:s17+$0xFFFFFFD0]  }
0xb9: {  	v11 =	vld [tilespmem:s17+$0xFFFFFF90];
	v6 =	vmul.f32 v6, v7  }
0xba: {  	v10 =	vld [tilespmem:s17+$0xFFFFFFE0];
	v8 =	vmul.f32 v8, v7  }
0xbb: {  	v12 =	vld [tilespmem:s17+$0xFFFFFFC0];
	v9 =	vmul.f32 v9, v7;
	[tilespmem:s17+$0xFFFFFFF0] =	vst v6  }
0xbc: {  	v5 =	vmul.f32 v5, v7;
	[tilespmem:s17+$0xFFFFFF80] =	vst v8  }
0xbd: {  	s16 =	sadd.s32 $0xFFFFFFC1, s16;
	v4 =	vmul.f32 v4, v7;
	[tilespmem:s17+$0xFFFFFFA0] =	vst v9  }
0xbe: {  	v6 =	vmul.f32 v11, v7;
	[tilespmem:s17+$0xFFFFFFB0] =	vst v5;
	v8 =	vmov s16  }
0xbf: {  	v2 =	vld [tilespmem:s17+$0x0];
	v5 =	vmul.f32 v10, v7;
	[tilespmem:s17+$0xFFFFFFD0] =	vst v4  }
0xc0: {  	v3 =	vld [tilespmem:s17+$0x10];
	v4 =	vmul.f32 v12, v7;
	[tilespmem:s17+$0xFFFFFF90] =	vst v6  }
0xc1: {  	[tilespmem:s17+$0xFFFFFFE0] =	vst v5;
	v6 =	vld [tilespmem:s17+$0x30]  }
0xc2: {  	[tilespmem:s17+$0xFFFFFFC0] =	vst v4;
	v5 =	vld [tilespmem:s17+$0x70]  }
0xc3: {  	s19 =	simm.s32 $0x2;
	s20 =	simm.s32 $0x9A00;
	s16 =	sshll.u32 s15, $0x7;
	v4 =	vld.idx.msk [tilespmem:v8+s31+$0x0], $0xffff  }
.LBB2_6:
0xc4: {  	p1 =	sne.s32 s19, $0x3E  }
0xc5: {  	v7 =	vld [tilespmem:s17+$0x20];
	s20 =	sadd.s32 $0x100, s20;
	s21 =	smov.u32 s19;
	s19 =	sadd.s32 $0x2, s19  }
0xc6: {  	v8 =	vld [tilespmem:s17+$0x40]  }
0xc7: {  	v9 =	vld [tilespmem:s17+$0x50]  }
0xc8: {  	v10 =	vld [tilespmem:s17+$0x60];
	_ =	sdelay $0x1  }
0xc9: {  	s21 =	sadd.s32 s21, s14;
	v2 =	vmul.f32 v2, v4;
	v3 =	vmul.f32 v3, v4  }
0xca: {  	s22 =	sadd.s32 $0xFFFFFFC0, s21;
	s21 =	sadd.s32 $0xFFFFFFC1, s21;
	v6 =	vmul.f32 v6, v4;
	v7 =	vmul.f32 v7, v4  }
0xcb: {  	v11 =	vmov s22;
	v8 =	vmul.f32 v8, v4;
	[tilespmem:s17+$0x0] =	vst v2;
	v9 =	vmul.f32 v9, v4  }
0xcc: {  	v11 =	vand.u32 $0xFFFFFFFE, v11;
	v2 =	vld [tilespmem:s20+$0x0];
	[tilespmem:s17+$0x30] =	vst v6;
	v6 =	vmul.f32 v10, v4;
	v4 =	vmul.f32 v5, v4  }
0xcd: {  	v5 =	vbroadcast v11, $0x0;
	[tilespmem:s17+$0x10] =	vst v3  }
0xce: {  	[tilespmem:s17+$0x70] =	vst v4  }
0xcf: {  	v4 =	vld [tilespmem:s20+$0xFFFFFFD0];
	[tilespmem:s17+$0x20] =	vst v7  }
0xd0: {  	v7 =	vld [tilespmem:s20+$0xFFFFFFB0];
	[tilespmem:s17+$0x60] =	vst v6  }
0xd1: {  	v6 =	vld [tilespmem:s20+$0xFFFFFFE0];
	[tilespmem:s17+$0x40] =	vst v8  }
0xd2: {  	v8 =	vld [tilespmem:s20+$0xFFFFFFF0];
	[tilespmem:s17+$0x50] =	vst v9;
	s17 =	smov.u32 s20  }
0xd3: {  	v5 =	vld.idx.msk [tilespmem:v5+s31+$0x0], $0xffff  }
0xd4: {  	v9 =	vld [tilespmem:s20+$0xFFFFFF80]  }
0xd5: {  	v10 =	vld [tilespmem:s20+$0xFFFFFFA0]  }
0xd6: {  	v11 =	vld [tilespmem:s20+$0xFFFFFF90]  }
0xd7: {  	v12 =	vld [tilespmem:s20+$0xFFFFFFC0]  }
0xd8: {  	v3 =	vld [tilespmem:s20+$0x10]  }
0xd9: {  	v8 =	vmul.f32 v8, v5;
	v9 =	vmul.f32 v9, v5  }
0xda: {  	v6 =	vmul.f32 v6, v5;
	v10 =	vmul.f32 v10, v5  }
0xdb: {  	v7 =	vmul.f32 v7, v5;
	v11 =	vmul.f32 v11, v5;
	[tilespmem:s20+$0xFFFFFFF0] =	vst v8  }
0xdc: {  	v4 =	vmul.f32 v4, v5;
	[tilespmem:s20+$0xFFFFFF80] =	vst v9;
	v8 =	vmul.f32 v12, v5  }
0xdd: {  	[tilespmem:s20+$0xFFFFFFA0] =	vst v10  }
0xde: {  	[tilespmem:s20+$0xFFFFFFB0] =	vst v7;
	v7 =	vmov s21  }
.Ltmp2:
0xdf: {  	[tilespmem:s20+$0xFFFFFFD0] =	vst v4;
	(pc) =	sbr.rel @p1 .LBB2_6-.Ltmp2, $4  }
0xe0: {  	[tilespmem:s20+$0xFFFFFF90] =	vst v11  }
0xe1: {  	[tilespmem:s20+$0xFFFFFFE0] =	vst v6;
	v6 =	vld [tilespmem:s20+$0x30]  }
0xe2: {  	[tilespmem:s20+$0xFFFFFFC0] =	vst v8;
	v5 =	vld [tilespmem:s20+$0x70]  }
0xe3: {  	v4 =	vld.idx.msk [tilespmem:v7+s31+$0x0], $0xffff  }
0xe4: {  	_ =	sdelay $0x1  }
0xe5: {  	v7 =	vld [tilespmem:s17+$0x20]  }
0xe6: {  	v10 =	vld [tilespmem:s17+$0x50]  }
0xe7: {  	v2 =	vmul.f32 v2, v4  }
0xe8: {  	v8 =	vld [tilespmem:s17+$0x60];
	v6 =	vmul.f32 v6, v4  }
0xe9: {  	v9 =	vld [tilespmem:s17+$0x40];
	v3 =	vmul.f32 v3, v4;
	[tilespmem:s17+$0x0] =	vst v2  }
0xea: {  	v62 =	vmul.f32 v7, v4;
	[tilespmem:s17+$0x30] =	vst v6  }
0xeb: {  	v63 =	vmul.f32 v10, v4;
	[tilespmem:s17+$0x10] =	vst v3  }
0xec: {  	v2 =	vmul.f32 v5, v4;
	[tilespmem:s17+$0x20] =	vst v62  }
0xed: {  	v3 =	vmul.f32 v8, v4;
	[tilespmem:s17+$0x50] =	vst v63  }
0xee: {  	[tilespmem:s17+$0x70] =	vst v2;
	v2 =	vmul.f32 v9, v4  }
0xef: {  	[tilespmem:s17+$0x60] =	vst v3  }
0xf0: {  	[tilespmem:s17+$0x40] =	vst v2  }
0xf1: {  	[spmem:s3] =	stream.indirect.scatter.add.f32 [tilespmem:s8], [sflag:$0x2], $0x80, s10, s0, $0xb8;
	[tilespmem:$0x1FA00] =	vst v63  }
0xf2: {  	_ =	swait.ge [sflag:s30], $0x2000  }
0xf3: {  	[sflag:s30] =	ssyncset.done $0x0  }
0xf4: {  	[sflag:s30] =	ssyncadd.s32 $0xFFFFE000  }
.LBB2_8:
0xf5: {  	v2 =	vld [tilespmem:s16+$0x27C0];
	_ =	sdelay $0x4  }
0xf6: {  	v3 =	vand.u32 $0xFFFF, v2;
	_ =	sdelay $0x1  }
0xf7: {  	v2 =	vshra.s32 v2, $0x10  }
0xf8: {  	v2 =	vadd.s32 v0, v2;
	[tilespmem:$0x7800] =	vst v3  }
0xf9: {  	s17 =	simm.s32 $0x0;
	[tilespmem:$0x7700] =	vst v2  }
0xfa: {  	v2 =	vld.idx.msk [tilespmem:v3+s17+$0x0], $0xffff;
	_ =	sdelay $0x4  }
0xfb: {  	v2 =	vadd.f32 $1.000000020e-16, v2;
	_ =	sdelay $0x1  }
0xfc: {  	(erf) = vrcp.f32 v2;
	_ =	sdelay $0x4  }
0xfd: {  	v2 =	vld [tilespmem:s16+$0x4F40];
	_ =	sdelay $0x3  }
0xfe: {  	v3 =	vpop (erf)  }
0xff: {  	v2 =	vmul.f32 v3, v2;
	_ =	sdelay $0x1  }
0x100: {  	[tilespmem:s16+$0x4F40] =	vst v2;
	v2 =	vld [tilespmem:s16+$0x27D0];
	_ =	sdelay $0x4  }
0x101: {  	v3 =	vand.u32 $0xFFFF, v2;
	_ =	sdelay $0x1  }
0x102: {  	v2 =	vshra.s32 v2, $0x10  }
0x103: {  	v2 =	vadd.s32 v0, v2;
	[tilespmem:$0x7810] =	vst v3  }
0x104: {  	[tilespmem:$0x7710] =	vst v2  }
0x105: {  	v2 =	vld.idx.msk [tilespmem:v3+s17+$0x0], $0xffff;
	_ =	sdelay $0x4  }
0x106: {  	v2 =	vadd.f32 $1.000000020e-16, v2;
	_ =	sdelay $0x1  }
0x107: {  	(erf) = vrcp.f32 v2;
	_ =	sdelay $0x4  }
0x108: {  	v2 =	vld [tilespmem:s16+$0x4F50];
	_ =	sdelay $0x3  }
0x109: {  	v3 =	vpop (erf)  }
0x10a: {  	v2 =	vmul.f32 v3, v2;
	_ =	sdelay $0x1  }
0x10b: {  	[tilespmem:s16+$0x4F50] =	vst v2;
	v2 =	vld [tilespmem:s16+$0x27E0];
	_ =	sdelay $0x4  }
0x10c: {  	v3 =	vand.u32 $0xFFFF, v2;
	_ =	sdelay $0x1  }
0x10d: {  	v2 =	vshra.s32 v2, $0x10  }
0x10e: {  	v2 =	vadd.s32 v0, v2;
	[tilespmem:$0x7820] =	vst v3  }
0x10f: {  	[tilespmem:$0x7720] =	vst v2  }
0x110: {  	v2 =	vld.idx.msk [tilespmem:v3+s17+$0x0], $0xffff;
	_ =	sdelay $0x4  }
0x111: {  	v2 =	vadd.f32 $1.000000020e-16, v2;
	_ =	sdelay $0x1  }
0x112: {  	(erf) = vrcp.f32 v2;
	_ =	sdelay $0x4  }
0x113: {  	v2 =	vld [tilespmem:s16+$0x4F60];
	_ =	sdelay $0x3  }
0x114: {  	v3 =	vpop (erf)  }
0x115: {  	v2 =	vmul.f32 v3, v2;
	_ =	sdelay $0x1  }
0x116: {  	[tilespmem:s16+$0x4F60] =	vst v2;
	v2 =	vld [tilespmem:s16+$0x27F0];
	_ =	sdelay $0x4  }
0x117: {  	v3 =	vand.u32 $0xFFFF, v2;
	_ =	sdelay $0x1  }
0x118: {  	v2 =	vshra.s32 v2, $0x10  }
0x119: {  	v2 =	vadd.s32 v0, v2;
	[tilespmem:$0x7830] =	vst v3  }
0x11a: {  	[tilespmem:$0x7730] =	vst v2  }
0x11b: {  	v2 =	vld.idx.msk [tilespmem:v3+s17+$0x0], $0xffff;
	_ =	sdelay $0x4  }
0x11c: {  	v2 =	vadd.f32 $1.000000020e-16, v2;
	_ =	sdelay $0x1  }
0x11d: {  	(erf) = vrcp.f32 v2;
	_ =	sdelay $0x4  }
0x11e: {  	v2 =	vld [tilespmem:s16+$0x4F70];
	_ =	sdelay $0x3  }
0x11f: {  	v3 =	vpop (erf)  }
0x120: {  	v2 =	vmul.f32 v3, v2  }
0x121: {  	s19 =	sadd.s32 $0x0, s16  }
0x122: {  	[tilespmem:s16+$0x4F70] =	vst v2;
	v2 =	vmov s19  }
0x123: {  	v2 =	vand.u32 $0xFFFFFFFE, v2  }
0x124: {  	v3 =	vbroadcast v2, $0x0  }
0x125: {  	_ =	swait.ge [sflag:s5], $0x2000  }
0x126: {  	[sflag:s5] =	ssyncset.done $0x0  }
0x127: {  	s17 =	simm.s32 $0x7A00;
	[sflag:s5] =	ssyncadd.s32 $0xFFFFE000  }
0x128: {  	[tilespmem:s8], [sflag:$0x1] =	stream.indirect.gather [hbm4b:s2+s0], $0x80, s7, s0, $0xb8;
	[tilespmem:$0x1FA00] =	vst v63  }
0x129: {  	v6 =	vld [tilespmem:s17+$0xFFFFFFF0]  }
0x12a: {  	v7 =	vld.idx.msk [tilespmem:v3+s31+$0x0], $0xffff  }
0x12b: {  	v8 =	vld [tilespmem:s17+$0xFFFFFF80]  }
0x12c: {  	v9 =	vld [tilespmem:s17+$0xFFFFFFA0]  }
0x12d: {  	v5 =	vld [tilespmem:s17+$0xFFFFFFB0]  }
0x12e: {  	v4 =	vld [tilespmem:s17+$0xFFFFFFD0]  }
0x12f: {  	v11 =	vld [tilespmem:s17+$0xFFFFFF90];
	v6 =	vmul.f32 v6, v7  }
0x130: {  	v10 =	vld [tilespmem:s17+$0xFFFFFFE0];
	v8 =	vmul.f32 v8, v7  }
0x131: {  	v12 =	vld [tilespmem:s17+$0xFFFFFFC0];
	v9 =	vmul.f32 v9, v7;
	[tilespmem:s17+$0xFFFFFFF0] =	vst v6  }
0x132: {  	v5 =	vmul.f32 v5, v7;
	[tilespmem:s17+$0xFFFFFF80] =	vst v8  }
0x133: {  	s19 =	sadd.s32 $0x1, s19;
	v4 =	vmul.f32 v4, v7;
	[tilespmem:s17+$0xFFFFFFA0] =	vst v9  }
0x134: {  	v6 =	vmul.f32 v11, v7;
	[tilespmem:s17+$0xFFFFFFB0] =	vst v5;
	v8 =	vmov s19  }
0x135: {  	v2 =	vld [tilespmem:s17+$0x0];
	v5 =	vmul.f32 v10, v7;
	[tilespmem:s17+$0xFFFFFFD0] =	vst v4  }
0x136: {  	v3 =	vld [tilespmem:s17+$0x10];
	v4 =	vmul.f32 v12, v7;
	[tilespmem:s17+$0xFFFFFF90] =	vst v6  }
0x137: {  	[tilespmem:s17+$0xFFFFFFE0] =	vst v5;
	v6 =	vld [tilespmem:s17+$0x30]  }
0x138: {  	[tilespmem:s17+$0xFFFFFFC0] =	vst v4;
	v5 =	vld [tilespmem:s17+$0x70]  }
0x139: {  	s20 =	simm.s32 $0x7A00;
	s19 =	simm.s32 $0x2;
	v4 =	vld.idx.msk [tilespmem:v8+s31+$0x0], $0xffff  }
.LBB2_9:
0x13a: {  	p1 =	sne.s32 s19, $0x3E  }
0x13b: {  	v7 =	vld [tilespmem:s17+$0x20];
	s20 =	sadd.s32 $0x100, s20;
	s21 =	smov.u32 s19;
	s19 =	sadd.s32 $0x2, s19  }
0x13c: {  	v8 =	vld [tilespmem:s17+$0x40]  }
0x13d: {  	v9 =	vld [tilespmem:s17+$0x50]  }
0x13e: {  	v10 =	vld [tilespmem:s17+$0x60];
	_ =	sdelay $0x1  }
0x13f: {  	v2 =	vmul.f32 v2, v4;
	v3 =	vmul.f32 v3, v4  }
0x140: {  	s21 =	sadd.s32 s21, s16;
	v6 =	vmul.f32 v6, v4;
	v7 =	vmul.f32 v7, v4  }
0x141: {  	v11 =	vmov s21;
	s21 =	sadd.s32 $0x1, s21;
	v8 =	vmul.f32 v8, v4;
	[tilespmem:s17+$0x0] =	vst v2;
	v9 =	vmul.f32 v9, v4  }
0x142: {  	v11 =	vand.u32 $0xFFFFFFFE, v11;
	v2 =	vld [tilespmem:s20+$0x0];
	[tilespmem:s17+$0x30] =	vst v6;
	v6 =	vmul.f32 v10, v4;
	v4 =	vmul.f32 v5, v4  }
0x143: {  	v5 =	vbroadcast v11, $0x0;
	[tilespmem:s17+$0x10] =	vst v3  }
0x144: {  	[tilespmem:s17+$0x70] =	vst v4  }
0x145: {  	v4 =	vld [tilespmem:s20+$0xFFFFFFD0];
	[tilespmem:s17+$0x20] =	vst v7  }
0x146: {  	v7 =	vld [tilespmem:s20+$0xFFFFFFB0];
	[tilespmem:s17+$0x60] =	vst v6  }
0x147: {  	v6 =	vld [tilespmem:s20+$0xFFFFFFE0];
	[tilespmem:s17+$0x40] =	vst v8  }
0x148: {  	v8 =	vld [tilespmem:s20+$0xFFFFFFF0];
	[tilespmem:s17+$0x50] =	vst v9;
	s17 =	smov.u32 s20  }
0x149: {  	v5 =	vld.idx.msk [tilespmem:v5+s31+$0x0], $0xffff  }
0x14a: {  	v9 =	vld [tilespmem:s20+$0xFFFFFF80]  }
0x14b: {  	v10 =	vld [tilespmem:s20+$0xFFFFFFA0]  }
0x14c: {  	v11 =	vld [tilespmem:s20+$0xFFFFFF90]  }
0x14d: {  	v12 =	vld [tilespmem:s20+$0xFFFFFFC0]  }
0x14e: {  	v3 =	vld [tilespmem:s20+$0x10]  }
0x14f: {  	v8 =	vmul.f32 v8, v5;
	v9 =	vmul.f32 v9, v5  }
0x150: {  	v6 =	vmul.f32 v6, v5;
	v10 =	vmul.f32 v10, v5  }
0x151: {  	v7 =	vmul.f32 v7, v5;
	v11 =	vmul.f32 v11, v5;
	[tilespmem:s20+$0xFFFFFFF0] =	vst v8  }
0x152: {  	v4 =	vmul.f32 v4, v5;
	[tilespmem:s20+$0xFFFFFF80] =	vst v9;
	v8 =	vmul.f32 v12, v5  }
0x153: {  	[tilespmem:s20+$0xFFFFFFA0] =	vst v10  }
0x154: {  	[tilespmem:s20+$0xFFFFFFB0] =	vst v7;
	v7 =	vmov s21  }
.Ltmp3:
0x155: {  	[tilespmem:s20+$0xFFFFFFD0] =	vst v4;
	(pc) =	sbr.rel @p1 .LBB2_9-.Ltmp3, $4  }
0x156: {  	[tilespmem:s20+$0xFFFFFF90] =	vst v11  }
0x157: {  	[tilespmem:s20+$0xFFFFFFE0] =	vst v6;
	v6 =	vld [tilespmem:s20+$0x30]  }
0x158: {  	[tilespmem:s20+$0xFFFFFFC0] =	vst v8;
	v5 =	vld [tilespmem:s20+$0x70]  }
0x159: {  	v4 =	vld.idx.msk [tilespmem:v7+s31+$0x0], $0xffff  }
0x15a: {  	_ =	sdelay $0x1  }
0x15b: {  	v7 =	vld [tilespmem:s17+$0x20]  }
0x15c: {  	v10 =	vld [tilespmem:s17+$0x50]  }
0x15d: {  	v2 =	vmul.f32 v2, v4  }
0x15e: {  	v8 =	vld [tilespmem:s17+$0x60];
	v6 =	vmul.f32 v6, v4  }
0x15f: {  	v9 =	vld [tilespmem:s17+$0x40];
	v3 =	vmul.f32 v3, v4;
	[tilespmem:s17+$0x0] =	vst v2  }
0x160: {  	v62 =	vmul.f32 v7, v4;
	[tilespmem:s17+$0x30] =	vst v6  }
0x161: {  	v63 =	vmul.f32 v10, v4;
	[tilespmem:s17+$0x10] =	vst v3  }
0x162: {  	v2 =	vmul.f32 v5, v4;
	[tilespmem:s17+$0x20] =	vst v62  }
0x163: {  	v3 =	vmul.f32 v8, v4;
	[tilespmem:s17+$0x50] =	vst v63  }
0x164: {  	[tilespmem:s17+$0x70] =	vst v2;
	v2 =	vmul.f32 v9, v4  }
0x165: {  	[tilespmem:s17+$0x60] =	vst v3  }
0x166: {  	[tilespmem:s17+$0x40] =	vst v2  }
0x167: {  	[spmem:s3] =	stream.indirect.scatter.add.f32 [tilespmem:s1], [sflag:$0x2], $0x80, s9, s0, $0xb8;
	[tilespmem:$0x1FA00] =	vst v63  }
0x168: {  	_ =	swait.ge [sflag:s30], $0x2000  }
0x169: {  	[sflag:s30] =	ssyncset.done $0x0  }
0x16a: {  	p1 =	seq.s32 s15, $0x4D;
	[sflag:s30] =	ssyncadd.s32 $0xFFFFE000  }
0x16b: {  	v2 =	vld @!p1 [tilespmem:s16+$0x2800];
	_ =	sdelay $0x4  }
0x16c: {  	v3 =	vand.u32 @!p1 $0xFFFF, v2;
	_ =	sdelay $0x1  }
0x16d: {  	v2 =	vshra.s32 @!p1 v2, $0x10  }
0x16e: {  	v2 =	vadd.s32 @!p1 v0, v2;
	[tilespmem:$0x7780] =	vst @!p1 v3  }
0x16f: {  	s17 =	simm.s32 @!p1 $0x0;
	[tilespmem:$0x7680] =	vst @!p1 v2  }
0x170: {  	v2 =	vld.idx.msk @!p1 [tilespmem:v3+s17+$0x0], $0xffff;
	_ =	sdelay $0x4  }
0x171: {  	v2 =	vadd.f32 @!p1 $1.000000020e-16, v2;
	_ =	sdelay $0x1  }
0x172: {  	(erf) = vrcp.f32 @!p1 v2;
	_ =	sdelay $0x4  }
0x173: {  	v2 =	vld @!p1 [tilespmem:s16+$0x4F80];
	_ =	sdelay $0x3  }
0x174: {  	v3 =	vpop @!p1 (erf)  }
0x175: {  	v2 =	vmul.f32 @!p1 v3, v2;
	_ =	sdelay $0x1  }
0x176: {  	[tilespmem:s16+$0x4F80] =	vst @!p1 v2;
	v2 =	vld @!p1 [tilespmem:s16+$0x2810];
	_ =	sdelay $0x4  }
0x177: {  	v3 =	vand.u32 @!p1 $0xFFFF, v2;
	_ =	sdelay $0x1  }
0x178: {  	v2 =	vshra.s32 @!p1 v2, $0x10  }
0x179: {  	v2 =	vadd.s32 @!p1 v0, v2;
	[tilespmem:$0x7790] =	vst @!p1 v3  }
0x17a: {  	[tilespmem:$0x7690] =	vst @!p1 v2  }
0x17b: {  	v2 =	vld.idx.msk @!p1 [tilespmem:v3+s17+$0x0], $0xffff;
	_ =	sdelay $0x4  }
0x17c: {  	v2 =	vadd.f32 @!p1 $1.000000020e-16, v2;
	_ =	sdelay $0x1  }
0x17d: {  	(erf) = vrcp.f32 @!p1 v2;
	_ =	sdelay $0x4  }
0x17e: {  	v2 =	vld @!p1 [tilespmem:s16+$0x4F90];
	_ =	sdelay $0x3  }
0x17f: {  	v3 =	vpop @!p1 (erf)  }
0x180: {  	v2 =	vmul.f32 @!p1 v3, v2;
	_ =	sdelay $0x1  }
0x181: {  	[tilespmem:s16+$0x4F90] =	vst @!p1 v2;
	v2 =	vld @!p1 [tilespmem:s16+$0x2820];
	_ =	sdelay $0x4  }
0x182: {  	v3 =	vand.u32 @!p1 $0xFFFF, v2;
	_ =	sdelay $0x1  }
0x183: {  	v2 =	vshra.s32 @!p1 v2, $0x10  }
0x184: {  	v2 =	vadd.s32 @!p1 v0, v2;
	[tilespmem:$0x77A0] =	vst @!p1 v3  }
0x185: {  	[tilespmem:$0x76A0] =	vst @!p1 v2  }
0x186: {  	v2 =	vld.idx.msk @!p1 [tilespmem:v3+s17+$0x0], $0xffff;
	_ =	sdelay $0x4  }
0x187: {  	v2 =	vadd.f32 @!p1 $1.000000020e-16, v2;
	_ =	sdelay $0x1  }
0x188: {  	(erf) = vrcp.f32 @!p1 v2;
	_ =	sdelay $0x4  }
0x189: {  	v2 =	vld @!p1 [tilespmem:s16+$0x4FA0];
	_ =	sdelay $0x3  }
0x18a: {  	v3 =	vpop @!p1 (erf)  }
0x18b: {  	v2 =	vmul.f32 @!p1 v3, v2;
	_ =	sdelay $0x1  }
0x18c: {  	[tilespmem:s16+$0x4FA0] =	vst @!p1 v2;
	v2 =	vld @!p1 [tilespmem:s16+$0x2830];
	_ =	sdelay $0x4  }
0x18d: {  	v3 =	vand.u32 @!p1 $0xFFFF, v2;
	_ =	sdelay $0x1  }
0x18e: {  	v2 =	vshra.s32 @!p1 v2, $0x10  }
0x18f: {  	v2 =	vadd.s32 @!p1 v0, v2;
	[tilespmem:$0x77B0] =	vst @!p1 v3  }
0x190: {  	[tilespmem:$0x76B0] =	vst @!p1 v2  }
0x191: {  	v2 =	vld.idx.msk @!p1 [tilespmem:v3+s17+$0x0], $0xffff;
	_ =	sdelay $0x4  }
0x192: {  	v2 =	vadd.f32 @!p1 $1.000000020e-16, v2;
	_ =	sdelay $0x1  }
0x193: {  	(erf) = vrcp.f32 @!p1 v2;
	_ =	sdelay $0x4  }
0x194: {  	v2 =	vld @!p1 [tilespmem:s16+$0x4FB0];
	_ =	sdelay $0x3  }
0x195: {  	v3 =	vpop @!p1 (erf)  }
0x196: {  	v2 =	vmul.f32 @!p1 v3, v2  }
0x197: {  	s15 =	sadd.s32 $0x1, s15  }
0x198: {  	[tilespmem:s16+$0x4FB0] =	vst @!p1 v2;
	p1 =	sne.s32 s15, $0x4E  }
.Ltmp4:
0x199: {  	_ = 	snop;
	(pc) =	sbr.rel @p1 .LBB2_4-.Ltmp4, $4  }
0x19a: {  	_ = 	snop  }
0x19b: {  	_ =	swait.ge [sflag:s5], $0x2000  }
0x19c: {  	[sflag:s5] =	ssyncset.done $0x0  }
0x19d: {  	s14 =	sadd.s32 $0x80, s14;
	[sflag:s5] =	ssyncadd.s32 $0xFFFFE000  }
0x19e: {  	s14 =	simm.s32 $0x26C0  }
0x19f: {  	v2 =	vmov s14  }
0x1a0: {  	v2 =	vand.u32 $0xFFFFFFFE, v2  }
0x1a1: {  	v3 =	vbroadcast v2, $0x0;
	_ =	sdelay $0x3  }
0x1a2: {  	s14 =	simm.s32 $0x9A00  }
0x1a3: {  	v6 =	vld [tilespmem:s14+$0xFFFFFFF0]  }
0x1a4: {  	v7 =	vld.idx.msk [tilespmem:v3+s31+$0x0], $0xffff  }
0x1a5: {  	v8 =	vld [tilespmem:s14+$0xFFFFFF80]  }
0x1a6: {  	v9 =	vld [tilespmem:s14+$0xFFFFFFA0]  }
0x1a7: {  	v5 =	vld [tilespmem:s14+$0xFFFFFFB0]  }
0x1a8: {  	v4 =	vld [tilespmem:s14+$0xFFFFFFD0]  }
0x1a9: {  	v11 =	vld [tilespmem:s14+$0xFFFFFF90];
	v6 =	vmul.f32 v6, v7  }
0x1aa: {  	v10 =	vld [tilespmem:s14+$0xFFFFFFE0];
	v8 =	vmul.f32 v8, v7  }
0x1ab: {  	v12 =	vld [tilespmem:s14+$0xFFFFFFC0];
	v9 =	vmul.f32 v9, v7;
	[tilespmem:s14+$0xFFFFFFF0] =	vst v6  }
0x1ac: {  	v5 =	vmul.f32 v5, v7;
	[tilespmem:s14+$0xFFFFFF80] =	vst v8  }
0x1ad: {  	s15 =	simm.s32 $0x26C1;
	v4 =	vmul.f32 v4, v7;
	[tilespmem:s14+$0xFFFFFFA0] =	vst v9  }
0x1ae: {  	v6 =	vmul.f32 v11, v7;
	[tilespmem:s14+$0xFFFFFFB0] =	vst v5;
	v8 =	vmov s15  }
0x1af: {  	v2 =	vld [tilespmem:s14+$0x0];
	v5 =	vmul.f32 v10, v7;
	[tilespmem:s14+$0xFFFFFFD0] =	vst v4  }
0x1b0: {  	v3 =	vld [tilespmem:s14+$0x10];
	v4 =	vmul.f32 v12, v7;
	[tilespmem:s14+$0xFFFFFF90] =	vst v6  }
0x1b1: {  	[tilespmem:s14+$0xFFFFFFE0] =	vst v5;
	v6 =	vld [tilespmem:s14+$0x30]  }
0x1b2: {  	[tilespmem:s14+$0xFFFFFFC0] =	vst v4;
	v5 =	vld [tilespmem:s14+$0x70]  }
0x1b3: {  	s16 =	simm.s32 $0x9A00;
	s15 =	simm.s32 $0x26C2;
	v4 =	vld.idx.msk [tilespmem:v8+s31+$0x0], $0xffff  }
.LBB2_12:
0x1b4: {  	p1 =	sne.s32 s15, $0x26FE  }
0x1b5: {  	v7 =	vld [tilespmem:s14+$0x20];
	s16 =	sadd.s32 $0x100, s16;
	s17 =	smov.u32 s15;
	s15 =	sadd.s32 $0x2, s15  }
0x1b6: {  	v8 =	vld [tilespmem:s14+$0x40]  }
0x1b7: {  	v9 =	vld [tilespmem:s14+$0x50]  }
0x1b8: {  	v10 =	vld [tilespmem:s14+$0x60];
	_ =	sdelay $0x1  }
0x1b9: {  	v2 =	vmul.f32 v2, v4;
	v3 =	vmul.f32 v3, v4  }
0x1ba: {  	v6 =	vmul.f32 v6, v4;
	v7 =	vmul.f32 v7, v4  }
0x1bb: {  	v11 =	vmov s17;
	v8 =	vmul.f32 v8, v4;
	[tilespmem:s14+$0x0] =	vst v2;
	v9 =	vmul.f32 v9, v4  }
0x1bc: {  	v11 =	vand.u32 $0xFFFFFFFE, v11;
	v2 =	vld [tilespmem:s16+$0x0];
	[tilespmem:s14+$0x30] =	vst v6;
	v6 =	vmul.f32 v10, v4;
	v4 =	vmul.f32 v5, v4  }
0x1bd: {  	v5 =	vbroadcast v11, $0x0;
	[tilespmem:s14+$0x10] =	vst v3  }
0x1be: {  	[tilespmem:s14+$0x70] =	vst v4  }
0x1bf: {  	v4 =	vld [tilespmem:s16+$0xFFFFFFD0];
	[tilespmem:s14+$0x20] =	vst v7  }
0x1c0: {  	v7 =	vld [tilespmem:s16+$0xFFFFFFB0];
	[tilespmem:s14+$0x60] =	vst v6  }
0x1c1: {  	v6 =	vld [tilespmem:s16+$0xFFFFFFE0];
	[tilespmem:s14+$0x40] =	vst v8  }
0x1c2: {  	v8 =	vld [tilespmem:s16+$0xFFFFFFF0];
	[tilespmem:s14+$0x50] =	vst v9;
	s14 =	smov.u32 s16  }
0x1c3: {  	v5 =	vld.idx.msk [tilespmem:v5+s31+$0x0], $0xffff  }
0x1c4: {  	v9 =	vld [tilespmem:s16+$0xFFFFFF80]  }
0x1c5: {  	v10 =	vld [tilespmem:s16+$0xFFFFFFA0]  }
0x1c6: {  	v11 =	vld [tilespmem:s16+$0xFFFFFF90]  }
0x1c7: {  	v12 =	vld [tilespmem:s16+$0xFFFFFFC0]  }
0x1c8: {  	v3 =	vld [tilespmem:s16+$0x10]  }
0x1c9: {  	v8 =	vmul.f32 v8, v5;
	v9 =	vmul.f32 v9, v5  }
0x1ca: {  	v6 =	vmul.f32 v6, v5;
	v10 =	vmul.f32 v10, v5  }
0x1cb: {  	v7 =	vmul.f32 v7, v5;
	v11 =	vmul.f32 v11, v5;
	[tilespmem:s16+$0xFFFFFFF0] =	vst v8  }
0x1cc: {  	v4 =	vmul.f32 v4, v5;
	[tilespmem:s16+$0xFFFFFF80] =	vst v9;
	v8 =	vmul.f32 v12, v5  }
0x1cd: {  	s17 =	sadd.s32 $0x1, s17;
	[tilespmem:s16+$0xFFFFFFA0] =	vst v10  }
0x1ce: {  	[tilespmem:s16+$0xFFFFFFB0] =	vst v7;
	v7 =	vmov s17  }
.Ltmp5:
0x1cf: {  	[tilespmem:s16+$0xFFFFFFD0] =	vst v4;
	(pc) =	sbr.rel @p1 .LBB2_12-.Ltmp5, $4  }
0x1d0: {  	[tilespmem:s16+$0xFFFFFF90] =	vst v11  }
0x1d1: {  	[tilespmem:s16+$0xFFFFFFE0] =	vst v6;
	v6 =	vld [tilespmem:s16+$0x30]  }
0x1d2: {  	[tilespmem:s16+$0xFFFFFFC0] =	vst v8;
	v5 =	vld [tilespmem:s16+$0x70]  }
0x1d3: {  	v4 =	vld.idx.msk [tilespmem:v7+s31+$0x0], $0xffff  }
0x1d4: {  	_ =	sdelay $0x2  }
0x1d5: {  	v7 =	vld [tilespmem:s14+$0x20]  }
0x1d6: {  	v8 =	vld [tilespmem:s14+$0x60];
	v2 =	vmul.f32 v2, v4  }
0x1d7: {  	v9 =	vld [tilespmem:s14+$0x40];
	v6 =	vmul.f32 v6, v4  }
0x1d8: {  	v10 =	vld [tilespmem:s14+$0x50];
	v3 =	vmul.f32 v3, v4;
	[tilespmem:s14+$0x0] =	vst v2  }
0x1d9: {  	[tilespmem:s14+$0x30] =	vst v6;
	v2 =	vmul.f32 v5, v4  }
0x1da: {  	v5 =	vmul.f32 v7, v4;
	[tilespmem:s14+$0x10] =	vst v3  }
0x1db: {  	v3 =	vmul.f32 v8, v4;
	[tilespmem:s14+$0x70] =	vst v2  }
0x1dc: {  	v2 =	vmul.f32 v9, v4;
	[tilespmem:s14+$0x20] =	vst v5  }
0x1dd: {  	v4 =	vmul.f32 v10, v4;
	[tilespmem:s14+$0x60] =	vst v3  }
0x1de: {  	[tilespmem:s14+$0x40] =	vst v2  }
0x1df: {  	[tilespmem:s14+$0x50] =	vst v4  }
0x1e0: {  	[spmem:s3] =	stream.indirect.scatter.add.f32 [tilespmem:s8], [sflag:$0x2], $0x80, s10, s0, $0xb8;
	[tilespmem:$0x1FA00] =	vst v63  }
0x1e1: {  	_ =	swait.ge [sflag:s30], $0x2000  }
0x1e2: {  	[sflag:s30] =	ssyncset.done $0x0  }
0x1e3: {  	[sflag:s30] =	ssyncadd.s32 $0xFFFFE000  }
0x1e4: {  	v2 =	vld [tilespmem:$0x4E80];
	_ =	sdelay $0x4  }
0x1e5: {  	v3 =	vand.u32 $0xFFFF, v2;
	_ =	sdelay $0x1  }
0x1e6: {  	v2 =	vshra.s32 v2, $0x10  }
0x1e7: {  	v2 =	vadd.s32 v0, v2;
	[tilespmem:$0x7900] =	vst v3  }
0x1e8: {  	[tilespmem:$0x7880] =	vst v2  }
0x1e9: {  	v2 =	vld.idx.msk [tilespmem:v3+s4+$0x0], $0xffff;
	_ =	sdelay $0x4  }
0x1ea: {  	v2 =	vadd.f32 $1.000000020e-16, v2;
	_ =	sdelay $0x1  }
0x1eb: {  	(erf) = vrcp.f32 v2;
	_ =	sdelay $0x4  }
0x1ec: {  	v2 =	vld [tilespmem:$0x7600];
	_ =	sdelay $0x3  }
0x1ed: {  	v3 =	vpop (erf)  }
0x1ee: {  	v2 =	vmul.f32 v3, v2;
	_ =	sdelay $0x1  }
0x1ef: {  	s21 =	simm.s32 $0x7880;
	[tilespmem:$0x7600] =	vst v2  }
0x1f0: {  	[tilespmem:s12], [sflag:$0x1] =	stream.indirect.gather [hbm4b:s2+s11], $0x80, s21, s11, $0xb8;
	[tilespmem:$0x1FA00] =	vst v63  }
0x1f1: {  	s22 =	simm.s32 $0x2700;
	_ =	swait.ge [sflag:s5], $0x800  }
0x1f2: {  	v2 =	vmov s22;
	[sflag:s5] =	ssyncset.done $0x0  }
0x1f3: {  	s14 =	simm.s32 $0xB9C0;
	[sflag:s5] =	ssyncadd.s32 $0xFFFFF800  }
0x1f4: {  	v6 =	vld [tilespmem:s14+$0x30]  }
0x1f5: {  	v9 =	vld [tilespmem:s14+$0x10]  }
0x1f6: {  	v7 =	vld [tilespmem:s14+$0xFFFFFFC0]  }
0x1f7: {  	v3 =	vld.idx.msk [tilespmem:v2+s31+$0x0], $0xffff  }
0x1f8: {  	v11 =	vld [tilespmem:s14+$0xFFFFFFE0]  }
0x1f9: {  	v2 =	vld [tilespmem:s14+$0xFFFFFFF0]  }
0x1fa: {  	v4 =	vld [tilespmem:s14+$0x20]  }
0x1fb: {  	v5 =	vld [tilespmem:s14+$0xFFFFFFD0]  }
0x1fc: {  	v10 =	vmul.f32 v6, v3;
	v6 =	vld [tilespmem:s14+$0x0]  }
0x1fd: {  	v8 =	vmul.f32 v7, v3  }
0x1fe: {  	s15 =	simm.s32 $0x2701;
	s16 =	simm.s32 $0xB9C0;
	v7 =	vmul.f32 v11, v3;
	v9 =	vmul.f32 v9, v3  }
.LBB2_14:
0x1ff: {  	p1 =	sne.s32 s15, $0x270F  }
0x200: {  	v5 =	vmul.f32 v5, v3;
	v4 =	vmul.f32 v4, v3;
	[tilespmem:s14+$0x30] =	vst v10;
	s16 =	sadd.s32 $0x80, s16;
	s17 =	smov.u32 s15;
	s15 =	sadd.s32 $0x1, s15  }
0x201: {  	[tilespmem:s14+$0xFFFFFFC0] =	vst v8;
	v8 =	vmul.f32 v2, v3;
	v3 =	vmul.f32 v6, v3  }
0x202: {  	[tilespmem:s14+$0x10] =	vst v9  }
0x203: {  	v6 =	vmov s17;
	[tilespmem:s14+$0xFFFFFFE0] =	vst v7  }
0x204: {  	v2 =	vld [tilespmem:s16+$0xFFFFFFF0];
	[tilespmem:s14+$0xFFFFFFF0] =	vst v8  }
0x205: {  	v7 =	vld [tilespmem:s16+$0x30];
	[tilespmem:s14+$0x0] =	vst v3  }
0x206: {  	v9 =	vld [tilespmem:s16+$0x10];
	[tilespmem:s14+$0x20] =	vst v4  }
0x207: {  	v8 =	vld [tilespmem:s16+$0xFFFFFFC0];
	[tilespmem:s14+$0xFFFFFFD0] =	vst v5;
	s14 =	smov.u32 s16  }
0x208: {  	v3 =	vld.idx.msk [tilespmem:v6+s31+$0x0], $0xffff  }
0x209: {  	v11 =	vld [tilespmem:s16+$0xFFFFFFE0]  }
0x20a: {  	v4 =	vld [tilespmem:s16+$0x20]  }
.Ltmp6:
0x20b: {  	v5 =	vld [tilespmem:s16+$0xFFFFFFD0];
	(pc) =	sbr.rel @p1 .LBB2_14-.Ltmp6, $3  }
0x20c: {  	v6 =	vld [tilespmem:s16+$0x0];
	_ =	sdelay $0x1  }
0x20d: {  	v8 =	vmul.f32 v8, v3;
	v10 =	vmul.f32 v7, v3  }
0x20e: {  	v9 =	vmul.f32 v9, v3;
	v7 =	vmul.f32 v11, v3  }
0x20f: {  	[tilespmem:s14+$0x30] =	vst v10  }
0x210: {  	[tilespmem:s14+$0xFFFFFFC0] =	vst v8  }
0x211: {  	v2 =	vmul.f32 v2, v3;
	[tilespmem:s14+$0x10] =	vst v9  }
0x212: {  	v4 =	vmul.f32 v4, v3;
	[tilespmem:s14+$0xFFFFFFE0] =	vst v7  }
0x213: {  	v6 =	vmul.f32 v6, v3;
	[tilespmem:s14+$0xFFFFFFF0] =	vst v2  }
0x214: {  	v2 =	vmul.f32 v5, v3;
	[tilespmem:s14+$0x20] =	vst v4  }
0x215: {  	[tilespmem:s14+$0x0] =	vst v6  }
0x216: {  	s22 =	simm.s32 $0x7900;
	[tilespmem:s14+$0xFFFFFFD0] =	vst v2  }
0x217: {  	[spmem:s3] =	stream.indirect.scatter.add.f32 [tilespmem:s12], [sflag:$0x2], $0x80, s22, s11, $0xb8;
	[tilespmem:$0x1FA00] =	vst v63  }
0x218: {  	_ =	swait.ge [sflag:s30], $0x800  }
0x219: {  	[sflag:s30] =	ssyncset.done $0x0  }
0x21a: {  	[sflag:s30] =	ssyncadd.s32 $0xFFFFF800  }
0x21b: {  	s15 =	simm.s32 @p0 $0x1FC2;
	s14 =	sshrl.u32 @p0 s18, $0x3;
	[bflag:$0x0] =	sbarrier.arrive $0xFFFF  }
0x21c: {  	[hbm:s23], [sflag:s15] =	dma.local @p0 [spmem:s14], $0x1900  }
0x21d: {  	s13 =	sadd.s32 $0x1, s13;
	s14 =	simm.s32 @p0 $0x2  }
0x21e: {  	p1 =	sne.s32 s13, s24;
	s15 =	stileid.u32;
	_ =	swait.ge @p0 [sflag:s14], $0x1900  }
0x21f: {  	s15 =	sshll.u32 @!p0 s15, $0x6;
	[sflag:s14] =	ssyncset.done @p0 $0x0;
	s16 =	rddreg [dreg:$0x12]  }
0x220: {  	[sflag:s14] =	ssyncadd.s32 @p0 $0xFFFFE700;
	s14 =	sor.u32 @!p0 $0x1C02, s15;
	s15 =	sshrl.u32 @!p0 s6, $0x3  }
0x221: {  	[hbm:s16], [sflag:s14] =	dma.local @!p0 [spmem:s15], $0x2800  }
.Ltmp7:
0x222: {  	_ = 	snop;
	(pc) =	sbr.rel @p1 .LBB2_1-.Ltmp7, $4  }
0x223: {  	s14 =	simm.s32 @!p0 $0x2  }
0x224: {  	_ =	swait.ge @!p0 [sflag:s14], $0x2800  }
0x225: {  	[sflag:s14] =	ssyncset.done @!p0 $0x0  }
0x226: {  	[sflag:s14] =	ssyncadd.s32 @!p0 $0xFFFFD800  }
0x227: {  	_ =	sfence.sel $0x180000  }
0x228: {  	[bflag:$0x0] =	sbarrier.arrive $0xFFFF  }
0x229: {  	_ =	strace $0x9000004A  }
0x22a: {  	s0 =	stileid.u32;
	[bflag:$0x2] =	sbarrier.arrive $0xFFFF  }
0x22b: {  	p0 =	sne.s32 s0, $0x0;
	s0 =	rddreg [dreg:$0x3]  }
0x22c: {  	s0 =	sadd.s32 @!p0 $0x100000, s0  }
0x22d: {  	[sflag:s0] =	ssyncadd.tile.s32 @!p0 $0x1;
	_ =	shalt  }
.Lfunc_end2:
_tile_overlayer_lowered:
.L_overlay_start_2:
0x22e: {  	(tag) =	ssettag $0x2  }
0x22f: {  	s0 =	rddreg [dreg:$0x0];
	s2 =	stileid.u32  }
0x230: {  	s1 =	rddreg [dreg:$0x1];
	p0 =	sne.s32 s2, $0x0  }
0x231: {  	s3 =	rddreg [dreg:$0x2];
	[bflag:$0x3] =	sbarrier.arrive $0xFFFF;
	s2 =	simm.s32 @!p0 $0x1C02  }
0x232: {  	[timem:s3], [sflag:s2] =	dma.local @!p0 [hbm:s0], s1  }
0x233: {  	s0 =	simm.s32 @!p0 $0x2  }
0x234: {  	_ =	swait.ge @!p0 [sflag:s0], s1  }
0x235: {  	s1 =	ssub.s32 @!p0 $0x0, s1;
	[sflag:s0] =	ssyncset.done @!p0 $0x0  }
0x236: {  	[sflag:s0] =	ssyncadd.s32 @!p0 s1  }
0x237: {  	[bflag:$0x3] =	sbarrier.arrive $0xFFFF  }
0x238: {  	_ =	shalt  }

// kernel: kernel.18.cloned.1.call-start
scs
__scs_entry_jumppad:
0x0: {  	(pc) =	sbr.rel $0x88, $3  }
0x1: {  	(tag) =	ssettag $0x0;
	lr =	simm.s32 $0x1  }
0x2: {  	[smem:$0x3F8B] =	sst lr;
	_ =	strace $0xD0000000  }
0x3: {  	_ = 	snop  }
0x4: {  	_ = 	snop  }
0x5: {  	_ = 	snop  }
0x6: {  	_ = 	snop  }
0x7: {  	_ = 	snop  }
__scs_overlays_trampoline_lowered:
0x8: {  	[smem:$0x3F9A] =	sst s0  }
0x9: {  	[smem:$0x3F9B] =	sst s1  }
0xa: {  	[smem:$0x3F9C] =	sst s2  }
0xb: {  	[smem:$0x3F9D] =	sst s3  }
0xc: {  	[smem:$0x3F9E] =	sst s4  }
0xd: {  	[smem:$0x3F9F] =	sst s5  }
0xe: {  	[smem:$0x3FA0] =	sst s6  }
0xf: {  	[smem:$0x3FA1] =	sst s7  }
0x10: {  	[smem:$0x3FA2] =	sst s8  }
0x11: {  	[smem:$0x3FA3] =	sst s9;
	s0 =	simm.s32 @!p0 $0x0  }
0x12: {  	s1 =	sld [smem:$0x3F89];
	s0 =	simm.s32 @p0 $0x1  }
0x13: {  	[smem:$0x3FA4] =	sst s0;
	s0 =	simm.s32 @!p1 $0x0  }
0x14: {  	s2 =	sld [smem:$0x3F88];
	s0 =	simm.s32 @p1 $0x1  }
0x15: {  	[smem:$0x3FA5] =	sst s0;
	s0 =	simm.s32 @!p2 $0x0  }
0x16: {  	s3 =	sld [smem:$0x3FDB];
	s0 =	simm.s32 @p2 $0x1  }
0x17: {  	s4 =	simm.s32 $0x1BF5;
	[smem:$0x3FA7] =	sst s0  }
0x18: {  	s0 =	sld [smem:$0x3F8A];
	_ =	swait.ge [sflag:s4], $0x0  }
0x19: {  	s7 =	sld [smem:$0x3F8B]  }
0x1a: {  	s8 =	sadd.s32 $0xFFFFE003, lr  }
0x1b: {  	s9 =	sadd.s32 $0xFFFFFEF7, lr;
	s5 =	simm.s32 $0xFFFFFFFF;
	p2 =	slt.u32 s8, $0xFFFFF086  }
0x1c: {  	p1 =	slt.u32 s9, $0xF7A;
	s5 =	simm.s32 @!p2 $0x0  }
0x1d: {  	s5 =	simm.s32 @p1 $0x1;
	p0 =	seq.s32 s7, s2  }
0x1e: {  	s7 =	smul.u32 @!p0 $0xF7A, s2;
	p2 =	seq.s32 @!p0 s5, $0x0  }
0x1f: {  	s9 =	smul.u32 $0xF7A, s1;
	s8 =	simm.s32 @!p0 $0x1BF5;
	p2 =	por !p2, p0  }
0x20: {  	[sflag:s8] =	ssyncset.s32 @!p0 $0xFFFFF086;
	s6 =	sadd.s32 @!p0 s3, s7;
	s7 =	simm.s32 @!p0 $0x108  }
0x21: {  	s3 =	sadd.s32 s3, s9;
	s6 =	sadd.s32 @!p0 $0x88, s6;
	s7 =	simm.s32 @p2 $0x1082  }
0x22: {  	[simem:s7], [sflag:s8] =	dma.local @!p0 [hbm:s6], $0xF7A  }
0x23: {  	s9 =	sor.u32 $0xD0000000, s2;
	s6 =	simm.s32 $0x108;
	_ =	swait.ge @!p0 [sflag:s8], $0x0  }
0x24: {  	s3 =	sadd.s32 $0x88, s3;
	s6 =	simm.s32 @!p1 $0x1082;
	[sflag:s4] =	ssyncset.s32 $0xFFFFF086  }
0x25: {  	[simem:s6], [sflag:s4] =	dma.local [hbm:s3], $0xF7A  }
0x26: {  	[smem:$0x3F8B] =	sst s1;
	(tag) =	ssettag s2;
	_ =	strace s9  }
0x27: {  	s1 =	sld [smem:$0x3F9B]  }
0x28: {  	s2 =	sld [smem:$0x3F9C]  }
0x29: {  	s4 =	sld [smem:$0x3F9E]  }
0x2a: {  	p0 =	seq.s32 s5, $0x0;
	s5 =	sld [smem:$0x3F9F]  }
0x2b: {  	s6 =	sld [smem:$0x3FA0]  }
0x2c: {  	s7 =	sld [smem:$0x3FA1]  }
0x2d: {  	s3 =	simm.s32 $0x108;
	s8 =	sld [smem:$0x3FA2]  }
0x2e: {  	s3 =	simm.s32 @!p0 $0x1082;
	s9 =	sld [smem:$0x3FA3]  }
0x2f: {  	lr =	sadd.s32 s0, s3;
	s0 =	sld [smem:$0x3F9A]  }
0x30: {  	s3 =	sld [smem:$0x3F9D]  }
0x31: {  	[smem:$0x3FA6] =	sst s10  }
0x32: {  	s10 =	sld [smem:$0x3FA4];
	_ =	sdelay $0x3  }
0x33: {  	p0 =	seq.s32 s10, $0x1;
	s10 =	sld [smem:$0x3FA6];
	_ =	sdelay $0x3  }
0x34: {  	[smem:$0x3FA6] =	sst s10  }
0x35: {  	s10 =	sld [smem:$0x3FA5];
	_ =	sdelay $0x3  }
0x36: {  	p1 =	seq.s32 s10, $0x1;
	s10 =	sld [smem:$0x3FA6];
	_ =	sdelay $0x3  }
0x37: {  	[smem:$0x3FA6] =	sst s10  }
0x38: {  	s10 =	sld [smem:$0x3FA7]  }
0x39: {  	_ = 	snop;
	(pc) =	sbr.ind lr, $3  }
0x3a: {  	_ = 	snop  }
0x3b: {  	_ = 	snop  }
0x3c: {  	p2 =	seq.s32 s10, $0x1;
	s10 =	sld [smem:$0x3FA6]  }
0x3d: {  	_ =	shalt  }
0x3e: {  	_ =	shalt  }
0x3f: {  	_ =	shalt  }
0x40: {  	_ =	shalt  }
0x41: {  	_ =	shalt  }
0x42: {  	_ =	shalt  }
0x43: {  	_ =	shalt  }
0x44: {  	_ =	shalt  }
0x45: {  	_ =	shalt  }
0x46: {  	_ =	shalt  }
0x47: {  	_ =	shalt  }
0x48: {  	_ =	shalt  }
0x49: {  	_ =	shalt  }
0x4a: {  	_ =	shalt  }
0x4b: {  	_ =	shalt  }
0x4c: {  	_ =	shalt  }
0x4d: {  	_ =	shalt  }
0x4e: {  	_ =	shalt  }
0x4f: {  	_ =	shalt  }
0x50: {  	_ =	shalt  }
0x51: {  	_ =	shalt  }
0x52: {  	_ =	shalt  }
0x53: {  	_ =	shalt  }
0x54: {  	_ =	shalt  }
0x55: {  	_ =	shalt  }
0x56: {  	_ =	shalt  }
0x57: {  	_ =	shalt  }
0x58: {  	_ =	shalt  }
0x59: {  	_ =	shalt  }
0x5a: {  	_ =	shalt  }
0x5b: {  	_ =	shalt  }
0x5c: {  	_ =	shalt  }
0x5d: {  	_ =	shalt  }
0x5e: {  	_ =	shalt  }
0x5f: {  	_ =	shalt  }
0x60: {  	_ =	shalt  }
0x61: {  	_ =	shalt  }
0x62: {  	_ =	shalt  }
0x63: {  	_ =	shalt  }
0x64: {  	_ =	shalt  }
0x65: {  	_ =	shalt  }
0x66: {  	_ =	shalt  }
0x67: {  	_ =	shalt  }
0x68: {  	_ =	shalt  }
0x69: {  	_ =	shalt  }
0x6a: {  	_ =	shalt  }
0x6b: {  	_ =	shalt  }
0x6c: {  	_ =	shalt  }
0x6d: {  	_ =	shalt  }
0x6e: {  	_ =	shalt  }
0x6f: {  	_ =	shalt  }
0x70: {  	_ =	shalt  }
0x71: {  	_ =	shalt  }
0x72: {  	_ =	shalt  }
0x73: {  	_ =	shalt  }
0x74: {  	_ =	shalt  }
0x75: {  	_ =	shalt  }
0x76: {  	_ =	shalt  }
0x77: {  	_ =	shalt  }
0x78: {  	_ =	shalt  }
0x79: {  	_ =	shalt  }
0x7a: {  	_ =	shalt  }
0x7b: {  	_ =	shalt  }
0x7c: {  	_ =	shalt  }
0x7d: {  	_ =	shalt  }
0x7e: {  	_ =	shalt  }
0x7f: {  	_ =	shalt  }
0x80: {  	_ =	shalt  }
0x81: {  	_ =	shalt  }
0x82: {  	_ =	shalt  }
0x83: {  	_ =	shalt  }
0x84: {  	_ =	shalt  }
0x85: {  	_ =	shalt  }
0x86: {  	_ =	shalt  }
0x87: {  	_ =	shalt  }
.Lfunc_end0:
.L_simem_size_0:
called_computation.2_lowered:
.L_overlay_start_0:
0x88: {  	s2 =	sld [smem:$0x3FD9]  }
0x89: {  	s3 =	sld [smem:$0x3FFE];
	_ =	sdelay $0x1  }
0x8a: {  	s1 =	srdreg.scid  }
0x8b: {  	s0 =	sand.u32 $0x1, s1  }
0x8c: {  	s16 =	sshll.u32 s0, $0xA;
	s2 =	sadd.s32 s3, s2  }
0x8d: {  	s2 =	sadd.s32 s2, s16  }
0x8e: {  	[smem:$0x3FB2] =	sst s2  }
0x8f: {  	_ = 	snop  }
0x90: {  	(tm) =	ssettm $0x1  }
0x91: {  	s17 =	sld [smem:$0x3FFB];
	_ =	sdelay $0x3  }
0x92: {  	_ =	strace s17  }
0x93: {  	s2 =	sld [smem:$0x3FFC];
	_ =	sdelay $0x3  }
0x94: {  	_ =	strace s2  }
0x95: {  	s2 =	sld [smem:$0x3FFD];
	_ =	sdelay $0x3  }
0x96: {  	_ =	strace s2  }
0x97: {  	_ =	strace $0x8FFFFFFF  }
0x98: {  	s18 =	sld [smem:$0x3FDB];
	_ =	sdelay $0x1  }
0x99: {  	s19 =	simm.s32 $_scs_section_size  }
0x9a: {  	s4 =	simm.s32 $_size__tile_overlayer_lowered;
	s5 =	simm.s32 $_tile_overlayer_lowered  }
0x9b: {  	s22 =	simm.s32 $0x1BFF;
	s21 =	sshll.u32 s5, $0x1;
	s2 =	sadd.s32 s19, s18  }
0x9c: {  	s6 =	simm.s32 $0x0;
	s20 =	sshll.u32 s4, $0x1;
	s4 =	sadd.s32 s21, s2  }
0x9d: {  	[timem:s6], [sflag:s22] =	dma.local [hbm:s4], s20  }
0x9e: {  	_ =	swait.ge [sflag:s22], s20  }
0x9f: {  	s3 =	ssub.s32 $0x0, s20;
	[sflag:s22] =	ssyncset.done $0x0  }
0xa0: {  	[sflag:s22] =	ssyncadd.s32 s3;
	_ =	sdelay $0x1  }
0xa1: {  	s23 =	simm.s32 $0x1B8B  }
0xa2: {  	_ =	swait.ge [sflag:s23], $0x1  }
0xa3: {  	[sflag:s23] =	ssyncset.done $0x0  }
0xa4: {  	s25 =	simm.s32 $0x1B8E;
	s24 =	sld [smem:$0x3FFE];
	[sflag:s23] =	ssyncadd.s32 $0xFFFFFFFF  }
0xa5: {  	s26 =	simm.s32 $execute0_lowered;
	[smem:$0x3FD2] =	sst s25  }
0xa6: {  	s4 =	sshll.u32 s26, $0x1;
	_ =	strace $0x8000004C;
	[dreg:$0x1] =	wrdreg $0xFFFFFFFF  }
0xa7: {  	s28 =	simm.s32 $_size_execute0_lowered;
	s2 =	sadd.s32 s2, s4;
	[dreg:$0x0] =	wrdreg $0x0  }
0xa8: {  	s4 =	sshll.u32 s28, $0x1;
	[dreg:$0x2] =	wrdreg s2  }
0xa9: {  	[dreg:$0x3] =	wrdreg s4  }
0xaa: {  	[dreg:$0x4] =	wrdreg $0xC0  }
0xab: {  	_ =	task [dreg:s6], $0x5FFFF  }
0xac: {  	[dreg:$0x1] =	wrdreg $0xFFFFFFFF  }
0xad: {  	[dreg:$0x0] =	wrdreg $0x60  }
0xae: {  	[dreg:$0x2] =	wrdreg s24  }
0xaf: {  	[dreg:$0x3] =	wrdreg $0xA1800  }
0xb0: {  	[dreg:$0x4] =	wrdreg $0x9  }
0xb1: {  	_ =	task.clear_ibuf [dreg:s6], $0x5FFFF;
	_ =	strace $0x9000004C  }
0xb2: {  	s29 =	simm.s32 $0x9;
	_ =	strace $0x8000004E  }
0xb3: {  	_ =	swait.ge [sflag:s29], $0x1  }
0xb4: {  	[sflag:s29] =	ssyncadd.s32 $0xFFFFFFFF  }
0xb5: {  	_ =	strace $0x9000004E  }
0xb6: {  	_ =	sfence  }
0xb7: {  	s30 =	sld [smem:$0x0];
	_ =	sdelay $0x2  }
0xb8: {  	s31 =	sshll.u32 s1, $0xD;
	s1 =	sshrl.u32 s1, $0x2  }
0xb9: {  	s3 =	sand.u32 $0x4000, s31;
	s1 =	sadd.s32 s1, s30  }
0xba: {  	s0 =	sor.u32 s3, s0;
	s1 =	sshll.u32 s1, $0x11  }
0xbb: {  	s0 =	sor.u32 s1, s0  }
0xbc: {  	s0 =	sadd.s32 $0x8F2B, s0  }
0xbd: {  	[sflag:s0] =	ssyncadd.remote.s32 $0x1  }
0xbe: {  	_ =	sfence.sel $0xFFFF  }
0xbf: {  	[dreg:$0x0] =	wrdreg $0xFFFFFFFF;
	(pc) =	sbr.abs _section_cstart, $3  }
0xc0: {  	[dreg:$0x1] =	wrdreg $0xFFFFFFFF  }
0xc1: {  	_ =	task.clear_ibuf [dreg:s6], $0x2FFFF;
	_ =	strace $0x9FFFFFFF  }
0xc2: {  	(tm) =	ssettm $0x7FFFFFFF  }
0xc3: {  	_ =	shalt  }
tec
execute0_lowered:
.L_overlay_start_1:
0x0: {  	(tag) =	ssettag $0x1  }
0x1: {  	s10 =	rddreg [dreg:$0x0]  }
0x2: {  	s2 =	rddreg [dreg:$0x1]  }
0x3: {  	s0 =	rddreg [dreg:$0x2]  }
0x4: {  	s3 =	simm.s32 $0x0;
	s1 =	stileid.u32;
	s5 =	srdreg.scid  }
0x5: {  	s14 =	simm.s32 $0x4F00;
	s15 =	simm.s32 $0x80;
	s16 =	simm.s32 $0x9E00  }
0x6: {  	s18 =	simm.s32 $0x9E80;
	s19 =	simm.s32 $0x9D80;
	s20 =	simm.s32 $0x0  }
0x7: {  	[smem:$0x7FF] =	sst s3;
	s7 =	smul.u32 $0x280, s1;
	s4 =	sadd.s32 $0x3800, s10  }
0x8: {  	s6 =	smul.u32 $0x4E2, s1;
	s17 =	sand.u32 $0x1, s5;
	s5 =	sadd.s32 $0x3E00, s10  }
0x9: {  	p0 =	seq.s32 s1, $0xF;
	_ =	strace $0x8000004D;
	s9 =	ssub.s32 $0x2, s17  }
0xa: {  	p1 =	seq.s32 s17, $0x0;
	s17 =	simm.s32 $0x10;
	s8 =	sshrl.u32 s7, $0x3  }
0xb: {  	s11 =	sadd.s32 s6, s10;
	s31 =	sshrl.u32 s9, $0x1;
	s7 =	sadd.s32 s7, s2  }
0xc: {  	p3 =	seq.s32 @p1 s1, $0xF;
	s12 =	sadd.s32 s8, s10;
	s13 =	ssub.s32 s9, s31  }
0xd: {  	s6 =	sadd.s32 $0x4400, s11;
	s8 =	sadd.s32 $0x9400, s11;
	s10 =	sadd.s32 $0xE8B0, s10  }
0xe: {  	p2 =	por !p3, !p1;
	p3 =	por p3, !p1;
	s9 =	sadd.s32 $0xE400, s12  }
0xf: {  	v0 =	vimm.f32 $0.0e+00;
	s11 =	smax.u32 s13, $0x1;
	s12 =	simm.s32 $0x1;
	s13 =	simm.s32 $0x2780  }
.LBB2_1:
0x10: {  	[tilespmem:s3], [sflag:$0x1] =	stream.linear.gather [hbm4b:s4+s3], $0x2780, $0x38;
	[tilespmem:$0xA3F8] =	vst v63  }
0x11: {  	_ =	swait.ge [sflag:s12], $0x2780  }
0x12: {  	[sflag:s12] =	ssyncset.done $0x0  }
0x13: {  	[sflag:s12] =	ssyncadd.s32 $0xFFFFD880  }
0x14: {  	[tilespmem:s13], [sflag:$0x1] =	stream.linear.gather [hbm4b:s5+s3], $0x2780, $0x38;
	[tilespmem:$0xA3F8] =	vst v63  }
0x15: {  	_ =	swait.ge [sflag:s12], $0x2780  }
0x16: {  	[sflag:s12] =	ssyncset.done $0x0  }
0x17: {  	[sflag:s12] =	ssyncadd.s32 $0xFFFFD880  }
0x18: {  	[tilespmem:s14], [sflag:$0x1] =	stream.linear.gather [hbm4b:s6+s3], $0x2710, $0x38;
	[tilespmem:$0xA3F8] =	vst v63  }
0x19: {  	_ =	swait.ge [sflag:s12], $0x2710  }
0x1a: {  	[sflag:s12] =	ssyncset.done $0x0  }
0x1b: {  	[sflag:s12] =	ssyncadd.s32 $0xFFFFD8F0  }
0x1c: {  	[tilespmem:$0x9F00] =	vst v0  }
0x1d: {  	[tilespmem:$0x9F10] =	vst v0  }
0x1e: {  	[tilespmem:$0x9F20] =	vst v0  }
0x1f: {  	[tilespmem:$0x9F30] =	vst v0  }
0x20: {  	[tilespmem:$0x9F40] =	vst v0  }
0x21: {  	[tilespmem:$0x9F50] =	vst v0  }
0x22: {  	[tilespmem:$0x9F60] =	vst v0  }
0x23: {  	[tilespmem:$0x9F70] =	vst v0  }
0x24: {  	[tilespmem:$0x9F80] =	vst v0  }
0x25: {  	[tilespmem:$0x9F90] =	vst v0  }
0x26: {  	[tilespmem:$0x9FA0] =	vst v0  }
0x27: {  	[tilespmem:$0x9FB0] =	vst v0  }
0x28: {  	[tilespmem:$0x9FC0] =	vst v0  }
0x29: {  	[tilespmem:$0x9FD0] =	vst v0  }
0x2a: {  	[tilespmem:$0x9FE0] =	vst v0  }
0x2b: {  	[tilespmem:$0x9FF0] =	vst v0  }
0x2c: {  	[tilespmem:$0xA000] =	vst v0  }
0x2d: {  	[tilespmem:$0xA010] =	vst v0  }
0x2e: {  	[tilespmem:$0xA020] =	vst v0  }
0x2f: {  	[tilespmem:$0xA030] =	vst v0  }
0x30: {  	[tilespmem:$0xA040] =	vst v0  }
0x31: {  	[tilespmem:$0xA050] =	vst v0  }
0x32: {  	[tilespmem:$0xA060] =	vst v0  }
0x33: {  	[tilespmem:$0xA070] =	vst v0  }
0x34: {  	[tilespmem:$0xA080] =	vst v0  }
0x35: {  	[tilespmem:$0xA090] =	vst v0  }
0x36: {  	[tilespmem:$0xA0A0] =	vst v0  }
0x37: {  	[tilespmem:$0xA0B0] =	vst v0  }
0x38: {  	[tilespmem:$0xA0C0] =	vst v0  }
0x39: {  	[tilespmem:$0xA0D0] =	vst v0  }
0x3a: {  	[tilespmem:$0xA0E0] =	vst v0  }
0x3b: {  	[tilespmem:$0xA0F0] =	vst v0  }
0x3c: {  	[tilespmem:$0xA100] =	vst v0  }
0x3d: {  	[tilespmem:$0xA110] =	vst v0  }
0x3e: {  	[tilespmem:$0xA120] =	vst v0  }
0x3f: {  	[tilespmem:$0xA130] =	vst v0  }
0x40: {  	[tilespmem:$0xA140] =	vst v0  }
0x41: {  	[tilespmem:$0xA150] =	vst v0  }
0x42: {  	[tilespmem:$0xA160] =	vst v0  }
0x43: {  	s21 =	simm.s32 @p0 $0x9F00;
	[tilespmem:$0xA170] =	vst v0  }
0x44: {  	[spmem:s7] =	stream.linear.scatter @p0 [tilespmem:s21], [sflag:$0x1], $0x190, $0x38;
	[tilespmem:$0xA3F8] =	vst v63  }
0x45: {  	s21 =	simm.s32 @p0 $0x1  }
0x46: {  	_ =	swait.ge @p0 [sflag:s21], $0x190  }
0x47: {  	[sflag:s21] =	ssyncset.done @p0 $0x0  }
0x48: {  	[sflag:s21] =	ssyncadd.s32 @p0 $0xFFFFFE70;
	s21 =	simm.s32 @!p0 $0x9F00  }
0x49: {  	[spmem:s7] =	stream.linear.scatter @!p0 [tilespmem:s21], [sflag:$0x1], $0x280, $0x38;
	[tilespmem:$0xA3F8] =	vst v63  }
0x4a: {  	s21 =	simm.s32 @!p0 $0x1  }
0x4b: {  	_ =	swait.ge @!p0 [sflag:s21], $0x280  }
0x4c: {  	[sflag:s21] =	ssyncset.done @!p0 $0x0  }
0x4d: {  	[sflag:s21] =	ssyncadd.s32 @!p0 $0xFFFFFD80  }
0x4e: {  	s21 =	simm.s32 $0x0;
	[bflag:$0x0] =	sbarrier.arrive $0xFFFF  }
.LBB2_2:
0x4f: {  	s22 =	sshra.s32 s21, $0x2  }
0x50: {  	v1 =	vld [tilespmem:s22+$0x4F00];
	_ =	sdelay $0x4  }
0x51: {  	v2 =	vshra.s32 v1, $0x10  }
0x52: {  	v1 =	vand.u32 $0xFFFF, v1;
	_ =	sdelay $0x3  }
0x53: {  	v2 =	vld.idx.msk [tilespmem:v2+s3+$0x0], $0xffff  }
0x54: {  	v3 =	vld.idx.msk [tilespmem:v1+s13+$0x0], $0xffff;
	_ =	sdelay $0x4  }
0x55: {  	v2 =	vadd.f32 v3, v2;
	_ =	sdelay $0x1  }
0x56: {  	v3 =	vmul.f32 $2.000000030e-01, v2  }
0x57: {  	vm0 =	vge.f32 v2, $0.0e+00  }
0x58: {  	v2 =	vsel vm0, v2, v3  }
0x59: {  	v2 =	vmul.f32 $1.442695020e+00, v2;
	_ =	sdelay $0x1  }
0x5a: {  	(erf) = vpow2.f32 v2;
	_ =	sdelay $0x8  }
0x5b: {  	v2 =	vpop (erf)  }
0x5c: {  	[tilespmem:s22+$0x7680] =	vst v2  }
0x5d: {  	[tilespmem:$0x9E00] =	vst v1  }
0x5e: {  	v1 =	vld [tilespmem:s22+$0x4F10];
	_ =	sdelay $0x4  }
0x5f: {  	v2 =	vshra.s32 v1, $0x10  }
0x60: {  	v1 =	vand.u32 $0xFFFF, v1;
	_ =	sdelay $0x3  }
0x61: {  	v2 =	vld.idx.msk [tilespmem:v2+s3+$0x0], $0xffff  }
0x62: {  	v3 =	vld.idx.msk [tilespmem:v1+s13+$0x0], $0xffff;
	_ =	sdelay $0x4  }
0x63: {  	v2 =	vadd.f32 v3, v2;
	_ =	sdelay $0x1  }
0x64: {  	v3 =	vmul.f32 $2.000000030e-01, v2  }
0x65: {  	vm9 =	vge.f32 v2, $0.0e+00  }
0x66: {  	v2 =	vsel vm9, v2, v3  }
0x67: {  	v2 =	vmul.f32 $1.442695020e+00, v2;
	_ =	sdelay $0x1  }
0x68: {  	(erf) = vpow2.f32 v2;
	_ =	sdelay $0x8  }
0x69: {  	v2 =	vpop (erf)  }
0x6a: {  	[tilespmem:s22+$0x7690] =	vst v2  }
0x6b: {  	[tilespmem:$0x9E10] =	vst v1  }
0x6c: {  	v1 =	vld [tilespmem:s22+$0x4F20];
	_ =	sdelay $0x4  }
0x6d: {  	v2 =	vshra.s32 v1, $0x10  }
0x6e: {  	v1 =	vand.u32 $0xFFFF, v1;
	_ =	sdelay $0x3  }
0x6f: {  	v2 =	vld.idx.msk [tilespmem:v2+s3+$0x0], $0xffff  }
0x70: {  	v3 =	vld.idx.msk [tilespmem:v1+s13+$0x0], $0xffff;
	_ =	sdelay $0x4  }
0x71: {  	v2 =	vadd.f32 v3, v2;
	_ =	sdelay $0x1  }
0x72: {  	v3 =	vmul.f32 $2.000000030e-01, v2  }
0x73: {  	vm10 =	vge.f32 v2, $0.0e+00  }
0x74: {  	v2 =	vsel vm10, v2, v3  }
0x75: {  	v2 =	vmul.f32 $1.442695020e+00, v2;
	_ =	sdelay $0x1  }
0x76: {  	(erf) = vpow2.f32 v2;
	_ =	sdelay $0x8  }
0x77: {  	v2 =	vpop (erf)  }
0x78: {  	[tilespmem:s22+$0x76A0] =	vst v2  }
0x79: {  	[tilespmem:$0x9E20] =	vst v1  }
0x7a: {  	v1 =	vld [tilespmem:s22+$0x4F30];
	_ =	sdelay $0x4  }
0x7b: {  	v2 =	vshra.s32 v1, $0x10  }
0x7c: {  	v1 =	vand.u32 $0xFFFF, v1;
	_ =	sdelay $0x3  }
0x7d: {  	v2 =	vld.idx.msk [tilespmem:v2+s3+$0x0], $0xffff  }
0x7e: {  	v3 =	vld.idx.msk [tilespmem:v1+s13+$0x0], $0xffff;
	_ =	sdelay $0x4  }
0x7f: {  	v2 =	vadd.f32 v3, v2;
	_ =	sdelay $0x1  }
0x80: {  	v3 =	vmul.f32 $2.000000030e-01, v2  }
0x81: {  	vm11 =	vge.f32 v2, $0.0e+00  }
0x82: {  	v2 =	vsel vm11, v2, v3  }
0x83: {  	v2 =	vmul.f32 $1.442695020e+00, v2;
	_ =	sdelay $0x1  }
0x84: {  	(erf) = vpow2.f32 v2;
	_ =	sdelay $0x8  }
0x85: {  	v2 =	vpop (erf)  }
0x86: {  	[tilespmem:s22+$0x76B0] =	vst v2  }
0x87: {  	[tilespmem:$0x9E30] =	vst v1  }
0x88: {  	v1 =	vld [tilespmem:s22+$0x4F40];
	_ =	sdelay $0x4  }
0x89: {  	v2 =	vshra.s32 v1, $0x10  }
0x8a: {  	v1 =	vand.u32 $0xFFFF, v1;
	_ =	sdelay $0x3  }
0x8b: {  	v2 =	vld.idx.msk [tilespmem:v2+s3+$0x0], $0xffff  }
0x8c: {  	v3 =	vld.idx.msk [tilespmem:v1+s13+$0x0], $0xffff;
	_ =	sdelay $0x4  }
0x8d: {  	v2 =	vadd.f32 v3, v2;
	_ =	sdelay $0x1  }
0x8e: {  	v3 =	vmul.f32 $2.000000030e-01, v2  }
0x8f: {  	vm12 =	vge.f32 v2, $0.0e+00  }
0x90: {  	v2 =	vsel vm12, v2, v3  }
0x91: {  	v2 =	vmul.f32 $1.442695020e+00, v2;
	_ =	sdelay $0x1  }
0x92: {  	(erf) = vpow2.f32 v2;
	_ =	sdelay $0x8  }
0x93: {  	v2 =	vpop (erf)  }
0x94: {  	[tilespmem:s22+$0x76C0] =	vst v2  }
0x95: {  	[tilespmem:$0x9E40] =	vst v1  }
0x96: {  	v1 =	vld [tilespmem:s22+$0x4F50];
	_ =	sdelay $0x4  }
0x97: {  	v2 =	vshra.s32 v1, $0x10  }
0x98: {  	v1 =	vand.u32 $0xFFFF, v1;
	_ =	sdelay $0x3  }
0x99: {  	v2 =	vld.idx.msk [tilespmem:v2+s3+$0x0], $0xffff  }
0x9a: {  	v3 =	vld.idx.msk [tilespmem:v1+s13+$0x0], $0xffff;
	_ =	sdelay $0x4  }
0x9b: {  	v2 =	vadd.f32 v3, v2;
	_ =	sdelay $0x1  }
0x9c: {  	v3 =	vmul.f32 $2.000000030e-01, v2  }
0x9d: {  	vm13 =	vge.f32 v2, $0.0e+00  }
0x9e: {  	v2 =	vsel vm13, v2, v3  }
0x9f: {  	v2 =	vmul.f32 $1.442695020e+00, v2;
	_ =	sdelay $0x1  }
0xa0: {  	(erf) = vpow2.f32 v2;
	_ =	sdelay $0x8  }
0xa1: {  	v2 =	vpop (erf)  }
0xa2: {  	[tilespmem:s22+$0x76D0] =	vst v2  }
0xa3: {  	[tilespmem:$0x9E50] =	vst v1  }
0xa4: {  	v1 =	vld [tilespmem:s22+$0x4F60];
	_ =	sdelay $0x4  }
0xa5: {  	v2 =	vshra.s32 v1, $0x10  }
0xa6: {  	v1 =	vand.u32 $0xFFFF, v1;
	_ =	sdelay $0x3  }
0xa7: {  	v2 =	vld.idx.msk [tilespmem:v2+s3+$0x0], $0xffff  }
0xa8: {  	v3 =	vld.idx.msk [tilespmem:v1+s13+$0x0], $0xffff;
	_ =	sdelay $0x4  }
0xa9: {  	v2 =	vadd.f32 v3, v2;
	_ =	sdelay $0x1  }
0xaa: {  	v3 =	vmul.f32 $2.000000030e-01, v2  }
0xab: {  	vm14 =	vge.f32 v2, $0.0e+00  }
0xac: {  	v2 =	vsel vm14, v2, v3  }
0xad: {  	v2 =	vmul.f32 $1.442695020e+00, v2;
	_ =	sdelay $0x1  }
0xae: {  	(erf) = vpow2.f32 v2;
	_ =	sdelay $0x8  }
0xaf: {  	v2 =	vpop (erf)  }
0xb0: {  	[tilespmem:s22+$0x76E0] =	vst v2  }
0xb1: {  	[tilespmem:$0x9E60] =	vst v1  }
0xb2: {  	v1 =	vld [tilespmem:s22+$0x4F70];
	_ =	sdelay $0x4  }
0xb3: {  	v2 =	vshra.s32 v1, $0x10  }
0xb4: {  	v1 =	vand.u32 $0xFFFF, v1;
	_ =	sdelay $0x3  }
0xb5: {  	v2 =	vld.idx.msk [tilespmem:v2+s3+$0x0], $0xffff  }
0xb6: {  	v3 =	vld.idx.msk [tilespmem:v1+s13+$0x0], $0xffff;
	_ =	sdelay $0x4  }
0xb7: {  	v2 =	vadd.f32 v3, v2;
	_ =	sdelay $0x1  }
0xb8: {  	v3 =	vmul.f32 $2.000000030e-01, v2  }
0xb9: {  	vm15 =	vge.f32 v2, $0.0e+00  }
0xba: {  	v2 =	vsel vm15, v2, v3  }
0xbb: {  	v2 =	vmul.f32 $1.442695020e+00, v2;
	_ =	sdelay $0x1  }
0xbc: {  	(erf) = vpow2.f32 v2;
	_ =	sdelay $0x8  }
0xbd: {  	v2 =	vpop (erf)  }
0xbe: {  	p4 =	sne.s32 s21, $0x9A00;
	[tilespmem:s22+$0x76F0] =	vst v2  }
.Ltmp0:
0xbf: {  	s22 =	sadd.s32 $0x7680, s22;
	[tilespmem:$0x9E70] =	vst v1;
	(pc) =	sbr.rel @p4 .LBB2_2-.Ltmp0, $4  }
0xc0: {  	[spmem:s2] =	stream.indirect.scatter.add.f32 [tilespmem:s22], [sflag:$0x1], $0x1, s16, s15, $0xb8;
	[tilespmem:$0xA3F8] =	vst v63  }
0xc1: {  	_ =	swait.ge [sflag:s12], $0x80  }
0xc2: {  	[sflag:s12] =	ssyncset.done $0x0  }
0xc3: {  	s21 =	sadd.s32 $0x200, s21;
	[sflag:s12] =	ssyncadd.s32 $0xFFFFFF80  }
0xc4: {  	v1 =	vld [tilespmem:$0x7600];
	_ =	sdelay $0x4  }
0xc5: {  	v2 =	vshra.s32 v1, $0x10  }
0xc6: {  	v1 =	vand.u32 $0xFFFF, v1;
	_ =	sdelay $0x3  }
0xc7: {  	v2 =	vld.idx.msk [tilespmem:v2+s3+$0x0], $0xffff  }
0xc8: {  	v3 =	vld.idx.msk [tilespmem:v1+s13+$0x0], $0xffff;
	_ =	sdelay $0x4  }
0xc9: {  	v2 =	vadd.f32 v3, v2;
	_ =	sdelay $0x1  }
0xca: {  	v3 =	vmul.f32 $2.000000030e-01, v2  }
0xcb: {  	vm0 =	vge.f32 v2, $0.0e+00  }
0xcc: {  	v2 =	vsel vm0, v2, v3  }
0xcd: {  	v2 =	vmul.f32 $1.442695020e+00, v2;
	_ =	sdelay $0x1  }
0xce: {  	(erf) = vpow2.f32 v2;
	_ =	sdelay $0x8  }
0xcf: {  	[tilespmem:$0x9E80] =	vst v1;
	v2 =	vpop (erf)  }
0xd0: {  	[tilespmem:$0x9D80] =	vst v2  }
0xd1: {  	[spmem:s2] =	stream.indirect.scatter.add.f32 [tilespmem:s19], [sflag:$0x1], $0x1, s18, s17, $0xb8;
	[tilespmem:$0xA3F8] =	vst v63  }
0xd2: {  	_ =	swait.ge [sflag:s12], $0x10  }
0xd3: {  	[sflag:s12] =	ssyncset.done $0x0  }
0xd4: {  	s21 =	simm.s32 @p1 $0x0;
	s22 =	simm.s32 @p1 $0x7680;
	[sflag:s12] =	ssyncadd.s32 $0xFFFFFFF0  }
0xd5: {  	[hbm4b:s8+s21] =	stream.linear.scatter @p1 [tilespmem:s22], [sflag:$0x1], $0x2710, $0x38;
	[tilespmem:$0xA3F8] =	vst v63  }
0xd6: {  	s21 =	simm.s32 @p1 $0x1  }
0xd7: {  	_ =	swait.ge @p1 [sflag:s21], $0x2710  }
0xd8: {  	[sflag:s21] =	ssyncset.done @p1 $0x0  }
0xd9: {  	[sflag:s21] =	ssyncadd.s32 @p1 $0xFFFFD8F0  }
0xda: {  	s22 =	simm.s32 @!p2 $0x1;
	s21 =	simm.s32 @!p2 $0x9F00;
	[bflag:$0x0] =	sbarrier.arrive @p1 $0xFFFF  }
0xdb: {  	[tilespmem:s21], [sflag:$0x1] =	stream.linear.gather @!p2 [spmem:s7], $0x190, $0x38;
	[tilespmem:$0xA3F8] =	vst v63  }
0xdc: {  	_ =	swait.ge @!p2 [sflag:s22], $0x190  }
0xdd: {  	[sflag:s22] =	ssyncset.done @!p2 $0x0  }
0xde: {  	s23 =	simm.s32 @!p2 $0x0;
	[sflag:s22] =	ssyncadd.s32 @!p2 $0xFFFFFE70  }
0xdf: {  	[hbm4b:s10+s23] =	stream.linear.scatter @!p2 [tilespmem:s21], [sflag:$0x1], $0x190, $0x38;
	[tilespmem:$0xA3F8] =	vst v63  }
0xe0: {  	_ =	swait.ge @!p2 [sflag:s22], $0x190  }
0xe1: {  	[sflag:s22] =	ssyncset.done @!p2 $0x0  }
0xe2: {  	s21 =	simm.s32 @!p3 $0x9F00;
	[sflag:s22] =	ssyncadd.s32 @!p2 $0xFFFFFE70;
	s22 =	simm.s32 @!p3 $0x1  }
0xe3: {  	[tilespmem:s21], [sflag:$0x1] =	stream.linear.gather @!p3 [spmem:s7], $0x280, $0x38;
	[tilespmem:$0xA3F8] =	vst v63  }
0xe4: {  	_ =	swait.ge @!p3 [sflag:s22], $0x280  }
0xe5: {  	s20 =	sadd.s32 $0x1, s20;
	[sflag:s22] =	ssyncset.done @!p3 $0x0  }
0xe6: {  	p4 =	sne.s32 s20, s11;
	s23 =	simm.s32 @!p3 $0x0;
	[sflag:s22] =	ssyncadd.s32 @!p3 $0xFFFFFD80  }
0xe7: {  	[hbm4b:s9+s23] =	stream.linear.scatter @!p3 [tilespmem:s21], [sflag:$0x1], $0x280, $0x38;
	[tilespmem:$0xA3F8] =	vst v63  }
.Ltmp1:
0xe8: {  	_ =	swait.ge @!p3 [sflag:s22], $0x280;
	(pc) =	sbr.rel @p4 .LBB2_1-.Ltmp1, $3  }
0xe9: {  	[sflag:s22] =	ssyncset.done @!p3 $0x0  }
0xea: {  	[sflag:s22] =	ssyncadd.s32 @!p3 $0xFFFFFD80  }
0xeb: {  	[bflag:$0x0] =	sbarrier.arrive @!p1 $0xFFFF;
	_ =	sdelay $0x1  }
0xec: {  	_ =	sfence.sel $0x180000  }
0xed: {  	[bflag:$0x0] =	sbarrier.arrive $0xFFFF  }
0xee: {  	p0 =	sne.s32 s1, $0x0;
	_ =	strace $0x9000004D  }
0xef: {  	s0 =	sadd.s32 @!p0 $0x100000, s0;
	[bflag:$0x2] =	sbarrier.arrive $0xFFFF  }
0xf0: {  	[sflag:s0] =	ssyncadd.tile.s32 @!p0 $0x1;
	_ =	shalt  }
.Lfunc_end2:
_tile_overlayer_lowered:
.L_overlay_start_2:
0xf1: {  	(tag) =	ssettag $0x2  }
0xf2: {  	s0 =	rddreg [dreg:$0x0];
	s2 =	stileid.u32  }
0xf3: {  	s1 =	rddreg [dreg:$0x1];
	p0 =	sne.s32 s2, $0x0  }
0xf4: {  	s3 =	rddreg [dreg:$0x2];
	[bflag:$0x3] =	sbarrier.arrive $0xFFFF;
	s2 =	simm.s32 @!p0 $0x1C01  }
0xf5: {  	[timem:s3], [sflag:s2] =	dma.local @!p0 [hbm:s0], s1  }
0xf6: {  	s0 =	simm.s32 @!p0 $0x1  }
0xf7: {  	_ =	swait.ge @!p0 [sflag:s0], s1  }
0xf8: {  	s1 =	ssub.s32 @!p0 $0x0, s1;
	[sflag:s0] =	ssyncset.done @!p0 $0x0  }
0xf9: {  	[sflag:s0] =	ssyncadd.s32 @!p0 s1  }
0xfa: {  	[bflag:$0x3] =	sbarrier.arrive $0xFFFF  }
0xfb: {  	_ =	shalt  }

// kernel: kernel.21.cloned.1.call-start
scs
__scs_entry_jumppad:
0x0: {  	(pc) =	sbr.rel $0x88, $3  }
0x1: {  	(tag) =	ssettag $0x0;
	lr =	simm.s32 $0x1  }
0x2: {  	[smem:$0x3F8B] =	sst lr;
	_ =	strace $0xD0000000  }
0x3: {  	_ = 	snop  }
0x4: {  	_ = 	snop  }
0x5: {  	_ = 	snop  }
0x6: {  	_ = 	snop  }
0x7: {  	_ = 	snop  }
__scs_overlays_trampoline_lowered:
0x8: {  	[smem:$0x3F9A] =	sst s0  }
0x9: {  	[smem:$0x3F9B] =	sst s1  }
0xa: {  	[smem:$0x3F9C] =	sst s2  }
0xb: {  	[smem:$0x3F9D] =	sst s3  }
0xc: {  	[smem:$0x3F9E] =	sst s4  }
0xd: {  	[smem:$0x3F9F] =	sst s5  }
0xe: {  	[smem:$0x3FA0] =	sst s6  }
0xf: {  	[smem:$0x3FA1] =	sst s7  }
0x10: {  	[smem:$0x3FA2] =	sst s8  }
0x11: {  	[smem:$0x3FA3] =	sst s9;
	s0 =	simm.s32 @!p0 $0x0  }
0x12: {  	s1 =	sld [smem:$0x3F89];
	s0 =	simm.s32 @p0 $0x1  }
0x13: {  	[smem:$0x3FA4] =	sst s0;
	s0 =	simm.s32 @!p1 $0x0  }
0x14: {  	s2 =	sld [smem:$0x3F88];
	s0 =	simm.s32 @p1 $0x1  }
0x15: {  	[smem:$0x3FA5] =	sst s0;
	s0 =	simm.s32 @!p2 $0x0  }
0x16: {  	s3 =	sld [smem:$0x3FDB];
	s0 =	simm.s32 @p2 $0x1  }
0x17: {  	s4 =	simm.s32 $0x1BF5;
	[smem:$0x3FA7] =	sst s0  }
0x18: {  	s0 =	sld [smem:$0x3F8A];
	_ =	swait.ge [sflag:s4], $0x0  }
0x19: {  	s7 =	sld [smem:$0x3F8B]  }
0x1a: {  	s8 =	sadd.s32 $0xFFFFE003, lr  }
0x1b: {  	s9 =	sadd.s32 $0xFFFFFEF7, lr;
	s5 =	simm.s32 $0xFFFFFFFF;
	p2 =	slt.u32 s8, $0xFFFFF086  }
0x1c: {  	p1 =	slt.u32 s9, $0xF7A;
	s5 =	simm.s32 @!p2 $0x0  }
0x1d: {  	s5 =	simm.s32 @p1 $0x1;
	p0 =	seq.s32 s7, s2  }
0x1e: {  	s7 =	smul.u32 @!p0 $0xF7A, s2;
	p2 =	seq.s32 @!p0 s5, $0x0  }
0x1f: {  	s9 =	smul.u32 $0xF7A, s1;
	s8 =	simm.s32 @!p0 $0x1BF5;
	p2 =	por !p2, p0  }
0x20: {  	[sflag:s8] =	ssyncset.s32 @!p0 $0xFFFFF086;
	s6 =	sadd.s32 @!p0 s3, s7;
	s7 =	simm.s32 @!p0 $0x108  }
0x21: {  	s3 =	sadd.s32 s3, s9;
	s6 =	sadd.s32 @!p0 $0x88, s6;
	s7 =	simm.s32 @p2 $0x1082  }
0x22: {  	[simem:s7], [sflag:s8] =	dma.local @!p0 [hbm:s6], $0xF7A  }
0x23: {  	s9 =	sor.u32 $0xD0000000, s2;
	s6 =	simm.s32 $0x108;
	_ =	swait.ge @!p0 [sflag:s8], $0x0  }
0x24: {  	s3 =	sadd.s32 $0x88, s3;
	s6 =	simm.s32 @!p1 $0x1082;
	[sflag:s4] =	ssyncset.s32 $0xFFFFF086  }
0x25: {  	[simem:s6], [sflag:s4] =	dma.local [hbm:s3], $0xF7A  }
0x26: {  	[smem:$0x3F8B] =	sst s1;
	(tag) =	ssettag s2;
	_ =	strace s9  }
0x27: {  	s1 =	sld [smem:$0x3F9B]  }
0x28: {  	s2 =	sld [smem:$0x3F9C]  }
0x29: {  	s4 =	sld [smem:$0x3F9E]  }
0x2a: {  	p0 =	seq.s32 s5, $0x0;
	s5 =	sld [smem:$0x3F9F]  }
0x2b: {  	s6 =	sld [smem:$0x3FA0]  }
0x2c: {  	s7 =	sld [smem:$0x3FA1]  }
0x2d: {  	s3 =	simm.s32 $0x108;
	s8 =	sld [smem:$0x3FA2]  }
0x2e: {  	s3 =	simm.s32 @!p0 $0x1082;
	s9 =	sld [smem:$0x3FA3]  }
0x2f: {  	lr =	sadd.s32 s0, s3;
	s0 =	sld [smem:$0x3F9A]  }
0x30: {  	s3 =	sld [smem:$0x3F9D]  }
0x31: {  	[smem:$0x3FA6] =	sst s10  }
0x32: {  	s10 =	sld [smem:$0x3FA4];
	_ =	sdelay $0x3  }
0x33: {  	p0 =	seq.s32 s10, $0x1;
	s10 =	sld [smem:$0x3FA6];
	_ =	sdelay $0x3  }
0x34: {  	[smem:$0x3FA6] =	sst s10  }
0x35: {  	s10 =	sld [smem:$0x3FA5];
	_ =	sdelay $0x3  }
0x36: {  	p1 =	seq.s32 s10, $0x1;
	s10 =	sld [smem:$0x3FA6];
	_ =	sdelay $0x3  }
0x37: {  	[smem:$0x3FA6] =	sst s10  }
0x38: {  	s10 =	sld [smem:$0x3FA7]  }
0x39: {  	_ = 	snop;
	(pc) =	sbr.ind lr, $3  }
0x3a: {  	_ = 	snop  }
0x3b: {  	_ = 	snop  }
0x3c: {  	p2 =	seq.s32 s10, $0x1;
	s10 =	sld [smem:$0x3FA6]  }
0x3d: {  	_ =	shalt  }
0x3e: {  	_ =	shalt  }
0x3f: {  	_ =	shalt  }
0x40: {  	_ =	shalt  }
0x41: {  	_ =	shalt  }
0x42: {  	_ =	shalt  }
0x43: {  	_ =	shalt  }
0x44: {  	_ =	shalt  }
0x45: {  	_ =	shalt  }
0x46: {  	_ =	shalt  }
0x47: {  	_ =	shalt  }
0x48: {  	_ =	shalt  }
0x49: {  	_ =	shalt  }
0x4a: {  	_ =	shalt  }
0x4b: {  	_ =	shalt  }
0x4c: {  	_ =	shalt  }
0x4d: {  	_ =	shalt  }
0x4e: {  	_ =	shalt  }
0x4f: {  	_ =	shalt  }
0x50: {  	_ =	shalt  }
0x51: {  	_ =	shalt  }
0x52: {  	_ =	shalt  }
0x53: {  	_ =	shalt  }
0x54: {  	_ =	shalt  }
0x55: {  	_ =	shalt  }
0x56: {  	_ =	shalt  }
0x57: {  	_ =	shalt  }
0x58: {  	_ =	shalt  }
0x59: {  	_ =	shalt  }
0x5a: {  	_ =	shalt  }
0x5b: {  	_ =	shalt  }
0x5c: {  	_ =	shalt  }
0x5d: {  	_ =	shalt  }
0x5e: {  	_ =	shalt  }
0x5f: {  	_ =	shalt  }
0x60: {  	_ =	shalt  }
0x61: {  	_ =	shalt  }
0x62: {  	_ =	shalt  }
0x63: {  	_ =	shalt  }
0x64: {  	_ =	shalt  }
0x65: {  	_ =	shalt  }
0x66: {  	_ =	shalt  }
0x67: {  	_ =	shalt  }
0x68: {  	_ =	shalt  }
0x69: {  	_ =	shalt  }
0x6a: {  	_ =	shalt  }
0x6b: {  	_ =	shalt  }
0x6c: {  	_ =	shalt  }
0x6d: {  	_ =	shalt  }
0x6e: {  	_ =	shalt  }
0x6f: {  	_ =	shalt  }
0x70: {  	_ =	shalt  }
0x71: {  	_ =	shalt  }
0x72: {  	_ =	shalt  }
0x73: {  	_ =	shalt  }
0x74: {  	_ =	shalt  }
0x75: {  	_ =	shalt  }
0x76: {  	_ =	shalt  }
0x77: {  	_ =	shalt  }
0x78: {  	_ =	shalt  }
0x79: {  	_ =	shalt  }
0x7a: {  	_ =	shalt  }
0x7b: {  	_ =	shalt  }
0x7c: {  	_ =	shalt  }
0x7d: {  	_ =	shalt  }
0x7e: {  	_ =	shalt  }
0x7f: {  	_ =	shalt  }
0x80: {  	_ =	shalt  }
0x81: {  	_ =	shalt  }
0x82: {  	_ =	shalt  }
0x83: {  	_ =	shalt  }
0x84: {  	_ =	shalt  }
0x85: {  	_ =	shalt  }
0x86: {  	_ =	shalt  }
0x87: {  	_ =	shalt  }
.Lfunc_end0:
.L_simem_size_0:
called_computation.3_lowered:
.L_overlay_start_0:
0x88: {  	s2 =	sld [smem:$0x3FD9]  }
0x89: {  	s3 =	sld [smem:$0x3FFE];
	_ =	sdelay $0x1  }
0x8a: {  	s1 =	srdreg.scid  }
0x8b: {  	s0 =	sand.u32 $0x1, s1  }
0x8c: {  	s17 =	sshll.u32 s0, $0xA;
	s2 =	sadd.s32 s3, s2  }
0x8d: {  	s2 =	sadd.s32 s2, s17  }
0x8e: {  	[smem:$0x3FB2] =	sst s2  }
0x8f: {  	_ = 	snop  }
0x90: {  	s2 =	sld [smem:$0x3FD0];
	(tm) =	ssettm $0x1  }
0x91: {  	s18 =	sld [smem:$0x3FFB];
	_ =	sdelay $0x3  }
0x92: {  	_ =	strace s18  }
0x93: {  	s3 =	sld [smem:$0x3FFC];
	_ =	sdelay $0x3  }
0x94: {  	_ =	strace s3  }
0x95: {  	s3 =	sld [smem:$0x3FFD];
	_ =	sdelay $0x3  }
0x96: {  	_ =	strace s3  }
0x97: {  	_ =	strace $0x8FFFFFFF  }
0x98: {  	s19 =	sld [smem:$0x3FDB];
	_ =	sdelay $0x1  }
0x99: {  	s4 =	simm.s32 $_scs_section_size  }
0x9a: {  	s5 =	simm.s32 $_size__tile_overlayer_lowered;
	s6 =	simm.s32 $_tile_overlayer_lowered  }
0x9b: {  	s22 =	simm.s32 $0x1BFF;
	s21 =	sshll.u32 s6, $0x1;
	s3 =	sadd.s32 s4, s19  }
0x9c: {  	s7 =	simm.s32 $0x0;
	s20 =	sshll.u32 s5, $0x1;
	s5 =	sadd.s32 s21, s3  }
0x9d: {  	[timem:s7], [sflag:s22] =	dma.local [hbm:s5], s20  }
0x9e: {  	_ =	swait.ge [sflag:s22], s20  }
0x9f: {  	s4 =	ssub.s32 $0x0, s20;
	[sflag:s22] =	ssyncset.done $0x0  }
0xa0: {  	[sflag:s22] =	ssyncadd.s32 s4;
	_ =	sdelay $0x1  }
0xa1: {  	s23 =	simm.s32 $0x1B8B  }
0xa2: {  	_ =	swait.ge [sflag:s23], $0x1  }
0xa3: {  	[sflag:s23] =	ssyncset.done $0x0  }
0xa4: {  	s25 =	simm.s32 $0x1B8E;
	s24 =	sld [smem:$0x3FFE];
	[sflag:s23] =	ssyncadd.s32 $0xFFFFFFFF  }
0xa5: {  	s26 =	simm.s32 $execute0_lowered;
	[smem:$0x3FD2] =	sst s25  }
0xa6: {  	s5 =	sshll.u32 s26, $0x1;
	_ =	strace $0x8000004F;
	[dreg:$0x1] =	wrdreg $0xFFFFFFFF  }
0xa7: {  	s28 =	simm.s32 $_size_execute0_lowered;
	s3 =	sadd.s32 s3, s5;
	[dreg:$0x0] =	wrdreg $0x0  }
0xa8: {  	s5 =	sshll.u32 s28, $0x1;
	[dreg:$0x2] =	wrdreg s3  }
0xa9: {  	[dreg:$0x3] =	wrdreg s5  }
0xaa: {  	[dreg:$0x4] =	wrdreg $0xC0  }
0xab: {  	_ =	task [dreg:s7], $0x5FFFF  }
0xac: {  	[dreg:$0x1] =	wrdreg $0xFFFFFFFF  }
0xad: {  	[dreg:$0x0] =	wrdreg $0x60  }
0xae: {  	[dreg:$0x2] =	wrdreg s2  }
0xaf: {  	[dreg:$0x3] =	wrdreg s24  }
0xb0: {  	[dreg:$0x4] =	wrdreg $0xC1800  }
0xb1: {  	[dreg:$0x5] =	wrdreg $0x9  }
0xb2: {  	_ =	task.clear_ibuf [dreg:s7], $0x6FFFF;
	_ =	strace $0x9000004F  }
0xb3: {  	s29 =	simm.s32 $0x9;
	_ =	strace $0x80000051  }
0xb4: {  	_ =	swait.ge [sflag:s29], $0x1  }
0xb5: {  	[sflag:s29] =	ssyncadd.s32 $0xFFFFFFFF  }
0xb6: {  	_ =	strace $0x90000051  }
0xb7: {  	_ =	sfence  }
0xb8: {  	s30 =	sld [smem:$0x0];
	_ =	sdelay $0x2  }
0xb9: {  	s31 =	sshll.u32 s1, $0xD;
	s1 =	sshrl.u32 s1, $0x2  }
0xba: {  	s3 =	sand.u32 $0x4000, s31;
	s1 =	sadd.s32 s1, s30  }
0xbb: {  	s0 =	sor.u32 s3, s0;
	s1 =	sshll.u32 s1, $0x11  }
0xbc: {  	s0 =	sor.u32 s1, s0  }
0xbd: {  	s0 =	sadd.s32 $0x8F2B, s0  }
0xbe: {  	[sflag:s0] =	ssyncadd.remote.s32 $0x1  }
0xbf: {  	_ =	sfence.sel $0xFFFF  }
0xc0: {  	[dreg:$0x0] =	wrdreg $0xFFFFFFFF;
	(pc) =	sbr.abs _section_cstart, $3  }
0xc1: {  	[dreg:$0x1] =	wrdreg $0xFFFFFFFF  }
0xc2: {  	_ =	task.clear_ibuf [dreg:s7], $0x2FFFF;
	_ =	strace $0x9FFFFFFF  }
0xc3: {  	(tm) =	ssettm $0x7FFFFFFF  }
tec
execute0_lowered:
.L_overlay_start_1:
0x0: {  	(tag) =	ssettag $0x1  }
0x1: {  	s2 =	rddreg [dreg:$0x0]  }
0x2: {  	s0 =	rddreg [dreg:$0x1]  }
0x3: {  	s3 =	rddreg [dreg:$0x2];
	s9 =	stileid.u32;
	s4 =	simm.s32 $0x0  }
0x4: {  	s5 =	srdreg.scid;
	s30 =	simm.s32 $0x2;
	s31 =	simm.s32 $0x4F00  }
0x5: {  	s29 =	simm.s32 $0x7680;
	s11 =	simm.s32 $0x10;
	s1 =	smul.u32 $0x4E2, s9  }
0x6: {  	[smem:$0x7FF] =	sst s4;
	s5 =	sand.u32 $0x1, s5;
	s6 =	smul.u32 $0x50000, s9  }
0x7: {  	s8 =	sadd.s32 $0xE400, s0;
	s20 =	smul.u32 $0x14000, s9;
	s24 =	sadd.s32 $0x12E000, s3  }
0x8: {  	s25 =	sadd.s32 $0x130000, s3;
	_ =	strace $0x80000050;
	[dreg:$0x4] =	wrdreg s8  }
0x9: {  	s26 =	sadd.s32 $0x132000, s3;
	p0 =	seq.s32 s9, $0xF;
	[dreg:$0x10] =	wrdreg s24  }
0xa: {  	s28 =	sadd.s32 $0x138000, s3;
	s9 =	simm.s32 $0x7780;
	[dreg:$0x11] =	wrdreg s25  }
0xb: {  	s7 =	ssub.s32 $0x2, s5;
	s17 =	smul.u32 $0x138800, s5;
	[dreg:$0x13] =	wrdreg s26  }
0xc: {  	s25 =	sadd.s32 $0x134000, s3;
	s26 =	sadd.s32 $0x136000, s3;
	s1 =	sadd.s32 s1, s0  }
0xd: {  	s12 =	sshrl.u32 s7, $0x1;
	s6 =	sshrl.u32 s6, $0x2;
	s13 =	sadd.s32 $0x4400, s1  }
0xe: {  	s6 =	sadd.s32 s6, s3;
	s1 =	sadd.s32 $0x9400, s1;
	[dreg:$0x5] =	wrdreg s13  }
0xf: {  	s0 =	sadd.s32 $0xEA00, s0;
	[dreg:$0x6] =	wrdreg s1;
	s14 =	sadd.s32 $0x2000, s6  }
0x10: {  	s7 =	ssub.s32 s7, s12;
	s15 =	sadd.s32 $0x4000, s6;
	[dreg:$0x7] =	wrdreg s14  }
0x11: {  	s8 =	sadd.s32 s20, s17;
	s16 =	sadd.s32 $0x6000, s6;
	[dreg:$0x8] =	wrdreg s15  }
0x12: {  	s12 =	smul.u32 $0x2710, s5;
	s18 =	sadd.s32 $0x8000, s6;
	[dreg:$0x9] =	wrdreg s16  }
0x13: {  	s5 =	simm.s32 $0x1;
	s19 =	sadd.s32 $0xA000, s6;
	[dreg:$0xa] =	wrdreg s18  }
0x14: {  	s10 =	sadd.s32 $0xC000, s6;
	s21 =	sadd.s32 $0xE000, s6;
	[dreg:$0xb] =	wrdreg s19  }
0x15: {  	s22 =	sadd.s32 $0x10000, s6;
	s23 =	sadd.s32 $0x12000, s6;
	[dreg:$0xc] =	wrdreg s10  }
0x16: {  	s8 =	sshrl.u32 s8, $0x3;
	s1 =	sshrl.u32 s17, $0x3;
	[dreg:$0xd] =	wrdreg s21  }
0x17: {  	s24 =	smax.u32 s7, $0x1;
	s7 =	simm.s32 $0x7700;
	[dreg:$0xe] =	wrdreg s22  }
0x18: {  	s13 =	simm.s32 $0x0;
	[dreg:$0xf] =	wrdreg s23;
	s18 =	sadd.s32 $0x12C000, s3  }
0x19: {  	s8 =	sadd.s32 s0, s8;
	s0 =	sadd.s32 s0, s1;
	s1 =	simm.s32 $0x7980  }
0x1a: {  	s10 =	simm.s32 $0x7800;
	v0 =	vmov s12;
	s12 =	simm.s32 $0xB980;
	[dreg:$0x12] =	wrdreg s8  }
0x1b: {  	v1 =	vimm.f32 $0.0e+00;
	s23 =	sadd.s32 $0x25800, s0;
	s0 =	simm.s32 $0x40;
	s8 =	simm.s32 $0x9980  }
.LBB2_1:
0x1c: {  	s14 =	rddreg [dreg:$0x5];
	s15 =	simm.s32 $0x2780  }
0x1d: {  	[tilespmem:s15], [sflag:$0x2] =	stream.linear.gather [hbm4b:s14+s4], $0x2710, $0x38;
	[tilespmem:$0x1FA00] =	vst v63  }
0x1e: {  	_ =	swait.ge [sflag:s30], $0x2710  }
0x1f: {  	[sflag:s30] =	ssyncset.done $0x0  }
0x20: {  	s21 =	rddreg [dreg:$0x6];
	[sflag:s30] =	ssyncadd.s32 $0xFFFFD8F0  }
0x21: {  	[tilespmem:s31], [sflag:$0x2] =	stream.linear.gather [hbm4b:s21+s4], $0x2710, $0x38;
	[tilespmem:$0x1FA00] =	vst v63  }
0x22: {  	_ =	swait.ge [sflag:s30], $0x2710  }
0x23: {  	[sflag:s30] =	ssyncset.done $0x0  }
0x24: {  	s22 =	rddreg [dreg:$0x4];
	[sflag:s30] =	ssyncadd.s32 $0xFFFFD8F0  }
0x25: {  	[tilespmem:s4], [sflag:$0x2] =	stream.linear.gather [hbm4b:s22+s4], $0x2780, $0x38;
	[tilespmem:$0x1FA00] =	vst v63  }
0x26: {  	_ =	swait.ge [sflag:s30], $0x2780  }
0x27: {  	[sflag:s30] =	ssyncset.done $0x0  }
0x28: {  	s14 =	simm.s32 $0x0;
	s15 =	simm.s32 $0x200;
	[sflag:s30] =	ssyncadd.s32 $0xFFFFD880  }
.LBB2_2:
0x29: {  	p1 =	sne.s32 s15, $0x7E00;
	[tilespmem:s14+$0x79F0] =	vst v1  }
0x2a: {  	[tilespmem:s14+$0x7980] =	vst v1  }
0x2b: {  	[tilespmem:s14+$0x7990] =	vst v1  }
.Ltmp0:
0x2c: {  	[tilespmem:s14+$0x79A0] =	vst v1;
	(pc) =	sbr.rel @p1 .LBB2_2-.Ltmp0, $4  }
0x2d: {  	[tilespmem:s14+$0x79B0] =	vst v1  }
0x2e: {  	[tilespmem:s14+$0x79C0] =	vst v1  }
0x2f: {  	[tilespmem:s14+$0x79D0] =	vst v1  }
0x30: {  	[tilespmem:s14+$0x79E0] =	vst v1;
	s14 =	sshra.s32 s15, $0x2;
	s15 =	sadd.s32 $0x200, s15  }
0x31: {  	[tilespmem:s14+$0x79F0] =	vst v1  }
0x32: {  	[tilespmem:s14+$0x7980] =	vst v1  }
0x33: {  	[tilespmem:s14+$0x7990] =	vst v1  }
0x34: {  	[tilespmem:s14+$0x79A0] =	vst v1  }
0x35: {  	[tilespmem:s14+$0x79B0] =	vst v1  }
0x36: {  	[tilespmem:s14+$0x79C0] =	vst v1  }
0x37: {  	[tilespmem:s14+$0x79D0] =	vst v1  }
0x38: {  	[tilespmem:s14+$0x79E0] =	vst v1;
	s14 =	simm.s32 @p0 $0x7980;
	s15 =	simm.s32 @p0 $0x2  }
0x39: {  	[spmem:s18] =	stream.linear.scatter @p0 [tilespmem:s14], [sflag:$0x2], $0x2000, $0x38;
	[tilespmem:$0x1FA00] =	vst v63  }
0x3a: {  	_ =	swait.ge @p0 [sflag:s15], $0x2000  }
0x3b: {  	[sflag:s15] =	ssyncset.done @p0 $0x0  }
0x3c: {  	s16 =	rddreg [dreg:$0x10];
	[sflag:s15] =	ssyncadd.s32 @p0 $0xFFFFE000  }
0x3d: {  	[spmem:s16] =	stream.linear.scatter @p0 [tilespmem:s14], [sflag:$0x2], $0x2000, $0x38;
	[tilespmem:$0x1FA00] =	vst v63  }
0x3e: {  	_ =	swait.ge @p0 [sflag:s15], $0x2000  }
0x3f: {  	[sflag:s15] =	ssyncset.done @p0 $0x0  }
0x40: {  	s16 =	rddreg [dreg:$0x11];
	[sflag:s15] =	ssyncadd.s32 @p0 $0xFFFFE000  }
0x41: {  	[spmem:s16] =	stream.linear.scatter @p0 [tilespmem:s14], [sflag:$0x2], $0x2000, $0x38;
	[tilespmem:$0x1FA00] =	vst v63  }
0x42: {  	_ =	swait.ge @p0 [sflag:s15], $0x2000  }
0x43: {  	[sflag:s15] =	ssyncset.done @p0 $0x0  }
0x44: {  	s16 =	rddreg [dreg:$0x13];
	[sflag:s15] =	ssyncadd.s32 @p0 $0xFFFFE000  }
0x45: {  	[spmem:s16] =	stream.linear.scatter @p0 [tilespmem:s14], [sflag:$0x2], $0x2000, $0x38;
	[tilespmem:$0x1FA00] =	vst v63  }
0x46: {  	_ =	swait.ge @p0 [sflag:s15], $0x2000  }
0x47: {  	[sflag:s15] =	ssyncset.done @p0 $0x0  }
0x48: {  	[sflag:s15] =	ssyncadd.s32 @p0 $0xFFFFE000  }
0x49: {  	[spmem:s25] =	stream.linear.scatter @p0 [tilespmem:s14], [sflag:$0x2], $0x2000, $0x38;
	[tilespmem:$0x1FA00] =	vst v63  }
0x4a: {  	_ =	swait.ge @p0 [sflag:s15], $0x2000  }
0x4b: {  	[sflag:s15] =	ssyncset.done @p0 $0x0  }
0x4c: {  	[sflag:s15] =	ssyncadd.s32 @p0 $0xFFFFE000  }
0x4d: {  	[spmem:s26] =	stream.linear.scatter @p0 [tilespmem:s14], [sflag:$0x2], $0x2000, $0x38;
	[tilespmem:$0x1FA00] =	vst v63  }
0x4e: {  	_ =	swait.ge @p0 [sflag:s15], $0x2000  }
0x4f: {  	[sflag:s15] =	ssyncset.done @p0 $0x0  }
0x50: {  	[sflag:s15] =	ssyncadd.s32 @p0 $0xFFFFE000  }
0x51: {  	[spmem:s28] =	stream.linear.scatter @p0 [tilespmem:s14], [sflag:$0x2], $0x800, $0x38;
	[tilespmem:$0x1FA00] =	vst v63  }
0x52: {  	_ =	swait.ge @p0 [sflag:s15], $0x800  }
0x53: {  	[sflag:s15] =	ssyncset.done @p0 $0x0  }
0x54: {  	s14 =	simm.s32 @!p0 $0x7980;
	[sflag:s15] =	ssyncadd.s32 @p0 $0xFFFFF800;
	s15 =	simm.s32 @!p0 $0x2  }
0x55: {  	[spmem:s6] =	stream.linear.scatter @!p0 [tilespmem:s14], [sflag:$0x2], $0x2000, $0x38;
	[tilespmem:$0x1FA00] =	vst v63  }
0x56: {  	_ =	swait.ge @!p0 [sflag:s15], $0x2000  }
0x57: {  	[sflag:s15] =	ssyncset.done @!p0 $0x0  }
0x58: {  	s16 =	rddreg [dreg:$0x7];
	[sflag:s15] =	ssyncadd.s32 @!p0 $0xFFFFE000  }
0x59: {  	[spmem:s16] =	stream.linear.scatter @!p0 [tilespmem:s14], [sflag:$0x2], $0x2000, $0x38;
	[tilespmem:$0x1FA00] =	vst v63  }
0x5a: {  	_ =	swait.ge @!p0 [sflag:s15], $0x2000  }
0x5b: {  	[sflag:s15] =	ssyncset.done @!p0 $0x0  }
0x5c: {  	s16 =	rddreg [dreg:$0x8];
	[sflag:s15] =	ssyncadd.s32 @!p0 $0xFFFFE000  }
0x5d: {  	[spmem:s16] =	stream.linear.scatter @!p0 [tilespmem:s14], [sflag:$0x2], $0x2000, $0x38;
	[tilespmem:$0x1FA00] =	vst v63  }
0x5e: {  	_ =	swait.ge @!p0 [sflag:s15], $0x2000  }
0x5f: {  	[sflag:s15] =	ssyncset.done @!p0 $0x0  }
0x60: {  	s16 =	rddreg [dreg:$0x9];
	[sflag:s15] =	ssyncadd.s32 @!p0 $0xFFFFE000  }
0x61: {  	[spmem:s16] =	stream.linear.scatter @!p0 [tilespmem:s14], [sflag:$0x2], $0x2000, $0x38;
	[tilespmem:$0x1FA00] =	vst v63  }
0x62: {  	_ =	swait.ge @!p0 [sflag:s15], $0x2000  }
0x63: {  	[sflag:s15] =	ssyncset.done @!p0 $0x0  }
0x64: {  	s16 =	rddreg [dreg:$0xa];
	[sflag:s15] =	ssyncadd.s32 @!p0 $0xFFFFE000  }
0x65: {  	[spmem:s16] =	stream.linear.scatter @!p0 [tilespmem:s14], [sflag:$0x2], $0x2000, $0x38;
	[tilespmem:$0x1FA00] =	vst v63  }
0x66: {  	_ =	swait.ge @!p0 [sflag:s15], $0x2000  }
0x67: {  	[sflag:s15] =	ssyncset.done @!p0 $0x0  }
0x68: {  	s16 =	rddreg [dreg:$0xb];
	[sflag:s15] =	ssyncadd.s32 @!p0 $0xFFFFE000  }
0x69: {  	[spmem:s16] =	stream.linear.scatter @!p0 [tilespmem:s14], [sflag:$0x2], $0x2000, $0x38;
	[tilespmem:$0x1FA00] =	vst v63  }
0x6a: {  	_ =	swait.ge @!p0 [sflag:s15], $0x2000  }
0x6b: {  	[sflag:s15] =	ssyncset.done @!p0 $0x0  }
0x6c: {  	s16 =	rddreg [dreg:$0xc];
	[sflag:s15] =	ssyncadd.s32 @!p0 $0xFFFFE000  }
0x6d: {  	[spmem:s16] =	stream.linear.scatter @!p0 [tilespmem:s14], [sflag:$0x2], $0x2000, $0x38;
	[tilespmem:$0x1FA00] =	vst v63  }
0x6e: {  	_ =	swait.ge @!p0 [sflag:s15], $0x2000  }
0x6f: {  	[sflag:s15] =	ssyncset.done @!p0 $0x0  }
0x70: {  	s16 =	rddreg [dreg:$0xd];
	[sflag:s15] =	ssyncadd.s32 @!p0 $0xFFFFE000  }
0x71: {  	[spmem:s16] =	stream.linear.scatter @!p0 [tilespmem:s14], [sflag:$0x2], $0x2000, $0x38;
	[tilespmem:$0x1FA00] =	vst v63  }
0x72: {  	_ =	swait.ge @!p0 [sflag:s15], $0x2000  }
0x73: {  	[sflag:s15] =	ssyncset.done @!p0 $0x0  }
0x74: {  	s16 =	rddreg [dreg:$0xe];
	[sflag:s15] =	ssyncadd.s32 @!p0 $0xFFFFE000  }
0x75: {  	[spmem:s16] =	stream.linear.scatter @!p0 [tilespmem:s14], [sflag:$0x2], $0x2000, $0x38;
	[tilespmem:$0x1FA00] =	vst v63  }
0x76: {  	_ =	swait.ge @!p0 [sflag:s15], $0x2000  }
0x77: {  	[sflag:s15] =	ssyncset.done @!p0 $0x0  }
0x78: {  	s16 =	rddreg [dreg:$0xf];
	[sflag:s15] =	ssyncadd.s32 @!p0 $0xFFFFE000  }
0x79: {  	[spmem:s16] =	stream.linear.scatter @!p0 [tilespmem:s14], [sflag:$0x2], $0x2000, $0x38;
	[tilespmem:$0x1FA00] =	vst v63  }
0x7a: {  	_ =	swait.ge @!p0 [sflag:s15], $0x2000  }
0x7b: {  	[sflag:s15] =	ssyncset.done @!p0 $0x0  }
0x7c: {  	[sflag:s15] =	ssyncadd.s32 @!p0 $0xFFFFE000  }
0x7d: {  	[bflag:$0x0] =	sbarrier.arrive $0xFFFF  }
0x7e: {  	v2 =	vld [tilespmem:$0x2780];
	_ =	sdelay $0x4  }
0x7f: {  	v3 =	vand.u32 $0xFFFF, v2;
	_ =	sdelay $0x1  }
0x80: {  	v2 =	vshra.s32 v2, $0x10  }
0x81: {  	v2 =	vadd.s32 v0, v2;
	[tilespmem:$0x7780] =	vst v3  }
0x82: {  	s14 =	simm.s32 $0x0;
	[tilespmem:$0x7680] =	vst v2  }
0x83: {  	v2 =	vld.idx.msk [tilespmem:v3+s14+$0x0], $0xffff;
	_ =	sdelay $0x4  }
0x84: {  	v2 =	vadd.f32 $1.000000020e-16, v2;
	_ =	sdelay $0x1  }
0x85: {  	(erf) = vrcp.f32 v2;
	_ =	sdelay $0x3  }
0x86: {  	v3 =	vld [tilespmem:$0x2790]  }
0x87: {  	v2 =	vld [tilespmem:$0x4F00];
	_ =	sdelay $0x3  }
0x88: {  	v59 =	vand.u32 $0xFFFF, v3;
	v4 =	vpop (erf)  }
0x89: {  	v2 =	vmul.f32 v4, v2  }
0x8a: {  	v3 =	vshra.s32 v3, $0x10;
	[tilespmem:$0x7790] =	vst v59  }
0x8b: {  	[tilespmem:$0x4F00] =	vst v2;
	v2 =	vadd.s32 v0, v3  }
0x8c: {  	[tilespmem:$0x7690] =	vst v2  }
0x8d: {  	v2 =	vld.idx.msk [tilespmem:v59+s14+$0x0], $0xffff;
	_ =	sdelay $0x4  }
0x8e: {  	v2 =	vadd.f32 $1.000000020e-16, v2;
	_ =	sdelay $0x1  }
0x8f: {  	(erf) = vrcp.f32 v2;
	_ =	sdelay $0x3  }
0x90: {  	v3 =	vld [tilespmem:$0x27A0]  }
0x91: {  	v2 =	vld [tilespmem:$0x4F10];
	_ =	sdelay $0x3  }
0x92: {  	v61 =	vand.u32 $0xFFFF, v3;
	v60 =	vpop (erf)  }
0x93: {  	v2 =	vmul.f32 v60, v2  }
0x94: {  	v3 =	vshra.s32 v3, $0x10;
	[tilespmem:$0x77A0] =	vst v61  }
0x95: {  	[tilespmem:$0x4F10] =	vst v2;
	v2 =	vadd.s32 v0, v3  }
0x96: {  	[tilespmem:$0x76A0] =	vst v2  }
0x97: {  	v2 =	vld.idx.msk [tilespmem:v61+s14+$0x0], $0xffff;
	_ =	sdelay $0x4  }
0x98: {  	v2 =	vadd.f32 $1.000000020e-16, v2;
	_ =	sdelay $0x1  }
0x99: {  	(erf) = vrcp.f32 v2;
	_ =	sdelay $0x3  }
0x9a: {  	v3 =	vld [tilespmem:$0x27B0]  }
0x9b: {  	v2 =	vld [tilespmem:$0x4F20];
	_ =	sdelay $0x3  }
0x9c: {  	v63 =	vand.u32 $0xFFFF, v3;
	v62 =	vpop (erf)  }
0x9d: {  	v2 =	vmul.f32 v62, v2  }
0x9e: {  	v3 =	vshra.s32 v3, $0x10;
	[tilespmem:$0x77B0] =	vst v63  }
0x9f: {  	[tilespmem:$0x4F20] =	vst v2;
	v2 =	vadd.s32 v0, v3  }
0xa0: {  	[tilespmem:$0x76B0] =	vst v2  }
0xa1: {  	v2 =	vld.idx.msk [tilespmem:v63+s14+$0x0], $0xffff;
	_ =	sdelay $0x4  }
0xa2: {  	v2 =	vadd.f32 $1.000000020e-16, v2;
	_ =	sdelay $0x1  }
0xa3: {  	(erf) = vrcp.f32 v2;
	_ =	sdelay $0x4  }
0xa4: {  	v2 =	vld [tilespmem:$0x4F30];
	_ =	sdelay $0x3  }
0xa5: {  	v3 =	vpop (erf)  }
0xa6: {  	v2 =	vmul.f32 v3, v2;
	_ =	sdelay $0x1  }
0xa7: {  	s15 =	simm.s32 $0x0;
	[tilespmem:$0x4F30] =	vst v2  }
.LBB2_4:
0xa8: {  	p1 =	seq.s32 s15, $0x0  }
.Ltmp1:
0xa9: {  	_ = 	snop;
	(pc) =	sbr.rel @p1 .LBB2_8-.Ltmp1, $3  }
0xaa: {  	_ =	sdelay $0x1  }
0xab: {  	[tilespmem:s1], [sflag:$0x1] =	stream.indirect.gather [hbm4b:s2+s0], $0x80, s29, s0, $0xb8;
	[tilespmem:$0x1FA00] =	vst v63  }
0xac: {  	s16 =	simm.s32 $0x0  }
0xad: {  	s16 =	sadd.s32 $0x0, s14  }
0xae: {  	s17 =	sadd.s32 $0xFFFFFFC0, s16  }
0xaf: {  	v2 =	vmov s17  }
0xb0: {  	v2 =	vand.u32 $0xFFFFFFFE, v2  }
0xb1: {  	v3 =	vbroadcast v2, $0x0;
	_ =	sdelay $0x3  }
0xb2: {  	s17 =	simm.s32 $0x9A00  }
0xb3: {  	v6 =	vld [tilespmem:s17+$0xFFFFFFF0]  }
0xb4: {  	v7 =	vld.idx.msk [tilespmem:v3+s31+$0x0], $0xffff  }
0xb5: {  	v8 =	vld [tilespmem:s17+$0xFFFFFF80]  }
0xb6: {  	v9 =	vld [tilespmem:s17+$0xFFFFFFA0]  }
0xb7: {  	v5 =	vld [tilespmem:s17+$0xFFFFFFB0]  }
0xb8: {  	v4 =	vld [tilespmem:s17+$0xFFFFFFD0]  }
0xb9: {  	v11 =	vld [tilespmem:s17+$0xFFFFFF90];
	v6 =	vmul.f32 v6, v7  }
0xba: {  	v10 =	vld [tilespmem:s17+$0xFFFFFFE0];
	v8 =	vmul.f32 v8, v7  }
0xbb: {  	v12 =	vld [tilespmem:s17+$0xFFFFFFC0];
	v9 =	vmul.f32 v9, v7;
	[tilespmem:s17+$0xFFFFFFF0] =	vst v6  }
0xbc: {  	v5 =	vmul.f32 v5, v7;
	[tilespmem:s17+$0xFFFFFF80] =	vst v8  }
0xbd: {  	s16 =	sadd.s32 $0xFFFFFFC1, s16;
	v4 =	vmul.f32 v4, v7;
	[tilespmem:s17+$0xFFFFFFA0] =	vst v9  }
0xbe: {  	v6 =	vmul.f32 v11, v7;
	[tilespmem:s17+$0xFFFFFFB0] =	vst v5;
	v8 =	vmov s16  }
0xbf: {  	v2 =	vld [tilespmem:s17+$0x0];
	v5 =	vmul.f32 v10, v7;
	[tilespmem:s17+$0xFFFFFFD0] =	vst v4  }
0xc0: {  	v3 =	vld [tilespmem:s17+$0x10];
	v4 =	vmul.f32 v12, v7;
	[tilespmem:s17+$0xFFFFFF90] =	vst v6  }
0xc1: {  	[tilespmem:s17+$0xFFFFFFE0] =	vst v5;
	v6 =	vld [tilespmem:s17+$0x30]  }
0xc2: {  	[tilespmem:s17+$0xFFFFFFC0] =	vst v4;
	v5 =	vld [tilespmem:s17+$0x70]  }
0xc3: {  	s19 =	simm.s32 $0x2;
	s20 =	simm.s32 $0x9A00;
	s16 =	sshll.u32 s15, $0x7;
	v4 =	vld.idx.msk [tilespmem:v8+s31+$0x0], $0xffff  }
.LBB2_6:
0xc4: {  	p1 =	sne.s32 s19, $0x3E  }
0xc5: {  	v7 =	vld [tilespmem:s17+$0x20];
	s20 =	sadd.s32 $0x100, s20;
	s21 =	smov.u32 s19;
	s19 =	sadd.s32 $0x2, s19  }
0xc6: {  	v8 =	vld [tilespmem:s17+$0x40]  }
0xc7: {  	v9 =	vld [tilespmem:s17+$0x50]  }
0xc8: {  	v10 =	vld [tilespmem:s17+$0x60];
	_ =	sdelay $0x1  }
0xc9: {  	s21 =	sadd.s32 s21, s14;
	v2 =	vmul.f32 v2, v4;
	v3 =	vmul.f32 v3, v4  }
0xca: {  	s22 =	sadd.s32 $0xFFFFFFC0, s21;
	s21 =	sadd.s32 $0xFFFFFFC1, s21;
	v6 =	vmul.f32 v6, v4;
	v7 =	vmul.f32 v7, v4  }
0xcb: {  	v11 =	vmov s22;
	v8 =	vmul.f32 v8, v4;
	[tilespmem:s17+$0x0] =	vst v2;
	v9 =	vmul.f32 v9, v4  }
0xcc: {  	v11 =	vand.u32 $0xFFFFFFFE, v11;
	v2 =	vld [tilespmem:s20+$0x0];
	[tilespmem:s17+$0x30] =	vst v6;
	v6 =	vmul.f32 v10, v4;
	v4 =	vmul.f32 v5, v4  }
0xcd: {  	v5 =	vbroadcast v11, $0x0;
	[tilespmem:s17+$0x10] =	vst v3  }
0xce: {  	[tilespmem:s17+$0x70] =	vst v4  }
0xcf: {  	v4 =	vld [tilespmem:s20+$0xFFFFFFD0];
	[tilespmem:s17+$0x20] =	vst v7  }
0xd0: {  	v7 =	vld [tilespmem:s20+$0xFFFFFFB0];
	[tilespmem:s17+$0x60] =	vst v6  }
0xd1: {  	v6 =	vld [tilespmem:s20+$0xFFFFFFE0];
	[tilespmem:s17+$0x40] =	vst v8  }
0xd2: {  	v8 =	vld [tilespmem:s20+$0xFFFFFFF0];
	[tilespmem:s17+$0x50] =	vst v9;
	s17 =	smov.u32 s20  }
0xd3: {  	v5 =	vld.idx.msk [tilespmem:v5+s31+$0x0], $0xffff  }
0xd4: {  	v9 =	vld [tilespmem:s20+$0xFFFFFF80]  }
0xd5: {  	v10 =	vld [tilespmem:s20+$0xFFFFFFA0]  }
0xd6: {  	v11 =	vld [tilespmem:s20+$0xFFFFFF90]  }
0xd7: {  	v12 =	vld [tilespmem:s20+$0xFFFFFFC0]  }
0xd8: {  	v3 =	vld [tilespmem:s20+$0x10]  }
0xd9: {  	v8 =	vmul.f32 v8, v5;
	v9 =	vmul.f32 v9, v5  }
0xda: {  	v6 =	vmul.f32 v6, v5;
	v10 =	vmul.f32 v10, v5  }
0xdb: {  	v7 =	vmul.f32 v7, v5;
	v11 =	vmul.f32 v11, v5;
	[tilespmem:s20+$0xFFFFFFF0] =	vst v8  }
0xdc: {  	v4 =	vmul.f32 v4, v5;
	[tilespmem:s20+$0xFFFFFF80] =	vst v9;
	v8 =	vmul.f32 v12, v5  }
0xdd: {  	[tilespmem:s20+$0xFFFFFFA0] =	vst v10  }
0xde: {  	[tilespmem:s20+$0xFFFFFFB0] =	vst v7;
	v7 =	vmov s21  }
.Ltmp2:
0xdf: {  	[tilespmem:s20+$0xFFFFFFD0] =	vst v4;
	(pc) =	sbr.rel @p1 .LBB2_6-.Ltmp2, $4  }
0xe0: {  	[tilespmem:s20+$0xFFFFFF90] =	vst v11  }
0xe1: {  	[tilespmem:s20+$0xFFFFFFE0] =	vst v6;
	v6 =	vld [tilespmem:s20+$0x30]  }
0xe2: {  	[tilespmem:s20+$0xFFFFFFC0] =	vst v8;
	v5 =	vld [tilespmem:s20+$0x70]  }
0xe3: {  	v4 =	vld.idx.msk [tilespmem:v7+s31+$0x0], $0xffff  }
0xe4: {  	_ =	sdelay $0x1  }
0xe5: {  	v7 =	vld [tilespmem:s17+$0x20]  }
0xe6: {  	v10 =	vld [tilespmem:s17+$0x50]  }
0xe7: {  	v2 =	vmul.f32 v2, v4  }
0xe8: {  	v8 =	vld [tilespmem:s17+$0x60];
	v6 =	vmul.f32 v6, v4  }
0xe9: {  	v9 =	vld [tilespmem:s17+$0x40];
	v3 =	vmul.f32 v3, v4;
	[tilespmem:s17+$0x0] =	vst v2  }
0xea: {  	v62 =	vmul.f32 v7, v4;
	[tilespmem:s17+$0x30] =	vst v6  }
0xeb: {  	v63 =	vmul.f32 v10, v4;
	[tilespmem:s17+$0x10] =	vst v3  }
0xec: {  	v2 =	vmul.f32 v5, v4;
	[tilespmem:s17+$0x20] =	vst v62  }
0xed: {  	v3 =	vmul.f32 v8, v4;
	[tilespmem:s17+$0x50] =	vst v63  }
0xee: {  	[tilespmem:s17+$0x70] =	vst v2;
	v2 =	vmul.f32 v9, v4  }
0xef: {  	[tilespmem:s17+$0x60] =	vst v3  }
0xf0: {  	[tilespmem:s17+$0x40] =	vst v2  }
0xf1: {  	[spmem:s3] =	stream.indirect.scatter.add.f32 [tilespmem:s8], [sflag:$0x2], $0x80, s10, s0, $0xb8;
	[tilespmem:$0x1FA00] =	vst v63  }
0xf2: {  	_ =	swait.ge [sflag:s30], $0x2000  }
0xf3: {  	[sflag:s30] =	ssyncset.done $0x0  }
0xf4: {  	[sflag:s30] =	ssyncadd.s32 $0xFFFFE000  }
.LBB2_8:
0xf5: {  	v2 =	vld [tilespmem:s16+$0x27C0];
	_ =	sdelay $0x4  }
0xf6: {  	v3 =	vand.u32 $0xFFFF, v2;
	_ =	sdelay $0x1  }
0xf7: {  	v2 =	vshra.s32 v2, $0x10  }
0xf8: {  	v2 =	vadd.s32 v0, v2;
	[tilespmem:$0x7800] =	vst v3  }
0xf9: {  	s17 =	simm.s32 $0x0;
	[tilespmem:$0x7700] =	vst v2  }
0xfa: {  	v2 =	vld.idx.msk [tilespmem:v3+s17+$0x0], $0xffff;
	_ =	sdelay $0x4  }
0xfb: {  	v2 =	vadd.f32 $1.000000020e-16, v2;
	_ =	sdelay $0x1  }
0xfc: {  	(erf) = vrcp.f32 v2;
	_ =	sdelay $0x4  }
0xfd: {  	v2 =	vld [tilespmem:s16+$0x4F40];
	_ =	sdelay $0x3  }
0xfe: {  	v3 =	vpop (erf)  }
0xff: {  	v2 =	vmul.f32 v3, v2;
	_ =	sdelay $0x1  }
0x100: {  	[tilespmem:s16+$0x4F40] =	vst v2;
	v2 =	vld [tilespmem:s16+$0x27D0];
	_ =	sdelay $0x4  }
0x101: {  	v3 =	vand.u32 $0xFFFF, v2;
	_ =	sdelay $0x1  }
0x102: {  	v2 =	vshra.s32 v2, $0x10  }
0x103: {  	v2 =	vadd.s32 v0, v2;
	[tilespmem:$0x7810] =	vst v3  }
0x104: {  	[tilespmem:$0x7710] =	vst v2  }
0x105: {  	v2 =	vld.idx.msk [tilespmem:v3+s17+$0x0], $0xffff;
	_ =	sdelay $0x4  }
0x106: {  	v2 =	vadd.f32 $1.000000020e-16, v2;
	_ =	sdelay $0x1  }
0x107: {  	(erf) = vrcp.f32 v2;
	_ =	sdelay $0x4  }
0x108: {  	v2 =	vld [tilespmem:s16+$0x4F50];
	_ =	sdelay $0x3  }
0x109: {  	v3 =	vpop (erf)  }
0x10a: {  	v2 =	vmul.f32 v3, v2;
	_ =	sdelay $0x1  }
0x10b: {  	[tilespmem:s16+$0x4F50] =	vst v2;
	v2 =	vld [tilespmem:s16+$0x27E0];
	_ =	sdelay $0x4  }
0x10c: {  	v3 =	vand.u32 $0xFFFF, v2;
	_ =	sdelay $0x1  }
0x10d: {  	v2 =	vshra.s32 v2, $0x10  }
0x10e: {  	v2 =	vadd.s32 v0, v2;
	[tilespmem:$0x7820] =	vst v3  }
0x10f: {  	[tilespmem:$0x7720] =	vst v2  }
0x110: {  	v2 =	vld.idx.msk [tilespmem:v3+s17+$0x0], $0xffff;
	_ =	sdelay $0x4  }
0x111: {  	v2 =	vadd.f32 $1.000000020e-16, v2;
	_ =	sdelay $0x1  }
0x112: {  	(erf) = vrcp.f32 v2;
	_ =	sdelay $0x4  }
0x113: {  	v2 =	vld [tilespmem:s16+$0x4F60];
	_ =	sdelay $0x3  }
0x114: {  	v3 =	vpop (erf)  }
0x115: {  	v2 =	vmul.f32 v3, v2;
	_ =	sdelay $0x1  }
0x116: {  	[tilespmem:s16+$0x4F60] =	vst v2;
	v2 =	vld [tilespmem:s16+$0x27F0];
	_ =	sdelay $0x4  }
0x117: {  	v3 =	vand.u32 $0xFFFF, v2;
	_ =	sdelay $0x1  }
0x118: {  	v2 =	vshra.s32 v2, $0x10  }
0x119: {  	v2 =	vadd.s32 v0, v2;
	[tilespmem:$0x7830] =	vst v3  }
0x11a: {  	[tilespmem:$0x7730] =	vst v2  }
0x11b: {  	v2 =	vld.idx.msk [tilespmem:v3+s17+$0x0], $0xffff;
	_ =	sdelay $0x4  }
0x11c: {  	v2 =	vadd.f32 $1.000000020e-16, v2;
	_ =	sdelay $0x1  }
0x11d: {  	(erf) = vrcp.f32 v2;
	_ =	sdelay $0x4  }
0x11e: {  	v2 =	vld [tilespmem:s16+$0x4F70];
	_ =	sdelay $0x3  }
0x11f: {  	v3 =	vpop (erf)  }
0x120: {  	v2 =	vmul.f32 v3, v2  }
0x121: {  	s19 =	sadd.s32 $0x0, s16  }
0x122: {  	[tilespmem:s16+$0x4F70] =	vst v2;
	v2 =	vmov s19  }
0x123: {  	v2 =	vand.u32 $0xFFFFFFFE, v2  }
0x124: {  	v3 =	vbroadcast v2, $0x0  }
0x125: {  	_ =	swait.ge [sflag:s5], $0x2000  }
0x126: {  	[sflag:s5] =	ssyncset.done $0x0  }
0x127: {  	s17 =	simm.s32 $0x7A00;
	[sflag:s5] =	ssyncadd.s32 $0xFFFFE000  }
0x128: {  	[tilespmem:s8], [sflag:$0x1] =	stream.indirect.gather [hbm4b:s2+s0], $0x80, s7, s0, $0xb8;
	[tilespmem:$0x1FA00] =	vst v63  }
0x129: {  	v6 =	vld [tilespmem:s17+$0xFFFFFFF0]  }
0x12a: {  	v7 =	vld.idx.msk [tilespmem:v3+s31+$0x0], $0xffff  }
0x12b: {  	v8 =	vld [tilespmem:s17+$0xFFFFFF80]  }
0x12c: {  	v9 =	vld [tilespmem:s17+$0xFFFFFFA0]  }
0x12d: {  	v5 =	vld [tilespmem:s17+$0xFFFFFFB0]  }
0x12e: {  	v4 =	vld [tilespmem:s17+$0xFFFFFFD0]  }
0x12f: {  	v11 =	vld [tilespmem:s17+$0xFFFFFF90];
	v6 =	vmul.f32 v6, v7  }
0x130: {  	v10 =	vld [tilespmem:s17+$0xFFFFFFE0];
	v8 =	vmul.f32 v8, v7  }
0x131: {  	v12 =	vld [tilespmem:s17+$0xFFFFFFC0];
	v9 =	vmul.f32 v9, v7;
	[tilespmem:s17+$0xFFFFFFF0] =	vst v6  }
0x132: {  	v5 =	vmul.f32 v5, v7;
	[tilespmem:s17+$0xFFFFFF80] =	vst v8  }
0x133: {  	s19 =	sadd.s32 $0x1, s19;
	v4 =	vmul.f32 v4, v7;
	[tilespmem:s17+$0xFFFFFFA0] =	vst v9  }
0x134: {  	v6 =	vmul.f32 v11, v7;
	[tilespmem:s17+$0xFFFFFFB0] =	vst v5;
	v8 =	vmov s19  }
0x135: {  	v2 =	vld [tilespmem:s17+$0x0];
	v5 =	vmul.f32 v10, v7;
	[tilespmem:s17+$0xFFFFFFD0] =	vst v4  }
0x136: {  	v3 =	vld [tilespmem:s17+$0x10];
	v4 =	vmul.f32 v12, v7;
	[tilespmem:s17+$0xFFFFFF90] =	vst v6  }
0x137: {  	[tilespmem:s17+$0xFFFFFFE0] =	vst v5;
	v6 =	vld [tilespmem:s17+$0x30]  }
0x138: {  	[tilespmem:s17+$0xFFFFFFC0] =	vst v4;
	v5 =	vld [tilespmem:s17+$0x70]  }
0x139: {  	s20 =	simm.s32 $0x7A00;
	s19 =	simm.s32 $0x2;
	v4 =	vld.idx.msk [tilespmem:v8+s31+$0x0], $0xffff  }
.LBB2_9:
0x13a: {  	p1 =	sne.s32 s19, $0x3E  }
0x13b: {  	v7 =	vld [tilespmem:s17+$0x20];
	s20 =	sadd.s32 $0x100, s20;
	s21 =	smov.u32 s19;
	s19 =	sadd.s32 $0x2, s19  }
0x13c: {  	v8 =	vld [tilespmem:s17+$0x40]  }
0x13d: {  	v9 =	vld [tilespmem:s17+$0x50]  }
0x13e: {  	v10 =	vld [tilespmem:s17+$0x60];
	_ =	sdelay $0x1  }
0x13f: {  	v2 =	vmul.f32 v2, v4;
	v3 =	vmul.f32 v3, v4  }
0x140: {  	s21 =	sadd.s32 s21, s16;
	v6 =	vmul.f32 v6, v4;
	v7 =	vmul.f32 v7, v4  }
0x141: {  	v11 =	vmov s21;
	s21 =	sadd.s32 $0x1, s21;
	v8 =	vmul.f32 v8, v4;
	[tilespmem:s17+$0x0] =	vst v2;
	v9 =	vmul.f32 v9, v4  }
0x142: {  	v11 =	vand.u32 $0xFFFFFFFE, v11;
	v2 =	vld [tilespmem:s20+$0x0];
	[tilespmem:s17+$0x30] =	vst v6;
	v6 =	vmul.f32 v10, v4;
	v4 =	vmul.f32 v5, v4  }
0x143: {  	v5 =	vbroadcast v11, $0x0;
	[tilespmem:s17+$0x10] =	vst v3  }
0x144: {  	[tilespmem:s17+$0x70] =	vst v4  }
0x145: {  	v4 =	vld [tilespmem:s20+$0xFFFFFFD0];
	[tilespmem:s17+$0x20] =	vst v7  }
0x146: {  	v7 =	vld [tilespmem:s20+$0xFFFFFFB0];
	[tilespmem:s17+$0x60] =	vst v6  }
0x147: {  	v6 =	vld [tilespmem:s20+$0xFFFFFFE0];
	[tilespmem:s17+$0x40] =	vst v8  }
0x148: {  	v8 =	vld [tilespmem:s20+$0xFFFFFFF0];
	[tilespmem:s17+$0x50] =	vst v9;
	s17 =	smov.u32 s20  }
0x149: {  	v5 =	vld.idx.msk [tilespmem:v5+s31+$0x0], $0xffff  }
0x14a: {  	v9 =	vld [tilespmem:s20+$0xFFFFFF80]  }
0x14b: {  	v10 =	vld [tilespmem:s20+$0xFFFFFFA0]  }
0x14c: {  	v11 =	vld [tilespmem:s20+$0xFFFFFF90]  }
0x14d: {  	v12 =	vld [tilespmem:s20+$0xFFFFFFC0]  }
0x14e: {  	v3 =	vld [tilespmem:s20+$0x10]  }
0x14f: {  	v8 =	vmul.f32 v8, v5;
	v9 =	vmul.f32 v9, v5  }
0x150: {  	v6 =	vmul.f32 v6, v5;
	v10 =	vmul.f32 v10, v5  }
0x151: {  	v7 =	vmul.f32 v7, v5;
	v11 =	vmul.f32 v11, v5;
	[tilespmem:s20+$0xFFFFFFF0] =	vst v8  }
0x152: {  	v4 =	vmul.f32 v4, v5;
	[tilespmem:s20+$0xFFFFFF80] =	vst v9;
	v8 =	vmul.f32 v12, v5  }
0x153: {  	[tilespmem:s20+$0xFFFFFFA0] =	vst v10  }
0x154: {  	[tilespmem:s20+$0xFFFFFFB0] =	vst v7;
	v7 =	vmov s21  }
.Ltmp3:
0x155: {  	[tilespmem:s20+$0xFFFFFFD0] =	vst v4;
	(pc) =	sbr.rel @p1 .LBB2_9-.Ltmp3, $4  }
0x156: {  	[tilespmem:s20+$0xFFFFFF90] =	vst v11  }
0x157: {  	[tilespmem:s20+$0xFFFFFFE0] =	vst v6;
	v6 =	vld [tilespmem:s20+$0x30]  }
0x158: {  	[tilespmem:s20+$0xFFFFFFC0] =	vst v8;
	v5 =	vld [tilespmem:s20+$0x70]  }
0x159: {  	v4 =	vld.idx.msk [tilespmem:v7+s31+$0x0], $0xffff  }
0x15a: {  	_ =	sdelay $0x1  }
0x15b: {  	v7 =	vld [tilespmem:s17+$0x20]  }
0x15c: {  	v10 =	vld [tilespmem:s17+$0x50]  }
0x15d: {  	v2 =	vmul.f32 v2, v4  }
0x15e: {  	v8 =	vld [tilespmem:s17+$0x60];
	v6 =	vmul.f32 v6, v4  }
0x15f: {  	v9 =	vld [tilespmem:s17+$0x40];
	v3 =	vmul.f32 v3, v4;
	[tilespmem:s17+$0x0] =	vst v2  }
0x160: {  	v62 =	vmul.f32 v7, v4;
	[tilespmem:s17+$0x30] =	vst v6  }
0x161: {  	v63 =	vmul.f32 v10, v4;
	[tilespmem:s17+$0x10] =	vst v3  }
0x162: {  	v2 =	vmul.f32 v5, v4;
	[tilespmem:s17+$0x20] =	vst v62  }
0x163: {  	v3 =	vmul.f32 v8, v4;
	[tilespmem:s17+$0x50] =	vst v63  }
0x164: {  	[tilespmem:s17+$0x70] =	vst v2;
	v2 =	vmul.f32 v9, v4  }
0x165: {  	[tilespmem:s17+$0x60] =	vst v3  }
0x166: {  	[tilespmem:s17+$0x40] =	vst v2  }
0x167: {  	[spmem:s3] =	stream.indirect.scatter.add.f32 [tilespmem:s1], [sflag:$0x2], $0x80, s9, s0, $0xb8;
	[tilespmem:$0x1FA00] =	vst v63  }
0x168: {  	_ =	swait.ge [sflag:s30], $0x2000  }
0x169: {  	[sflag:s30] =	ssyncset.done $0x0  }
0x16a: {  	p1 =	seq.s32 s15, $0x4D;
	[sflag:s30] =	ssyncadd.s32 $0xFFFFE000  }
0x16b: {  	v2 =	vld @!p1 [tilespmem:s16+$0x2800];
	_ =	sdelay $0x4  }
0x16c: {  	v3 =	vand.u32 @!p1 $0xFFFF, v2;
	_ =	sdelay $0x1  }
0x16d: {  	v2 =	vshra.s32 @!p1 v2, $0x10  }
0x16e: {  	v2 =	vadd.s32 @!p1 v0, v2;
	[tilespmem:$0x7780] =	vst @!p1 v3  }
0x16f: {  	s17 =	simm.s32 @!p1 $0x0;
	[tilespmem:$0x7680] =	vst @!p1 v2  }
0x170: {  	v2 =	vld.idx.msk @!p1 [tilespmem:v3+s17+$0x0], $0xffff;
	_ =	sdelay $0x4  }
0x171: {  	v2 =	vadd.f32 @!p1 $1.000000020e-16, v2;
	_ =	sdelay $0x1  }
0x172: {  	(erf) = vrcp.f32 @!p1 v2;
	_ =	sdelay $0x4  }
0x173: {  	v2 =	vld @!p1 [tilespmem:s16+$0x4F80];
	_ =	sdelay $0x3  }
0x174: {  	v3 =	vpop @!p1 (erf)  }
0x175: {  	v2 =	vmul.f32 @!p1 v3, v2;
	_ =	sdelay $0x1  }
0x176: {  	[tilespmem:s16+$0x4F80] =	vst @!p1 v2;
	v2 =	vld @!p1 [tilespmem:s16+$0x2810];
	_ =	sdelay $0x4  }
0x177: {  	v3 =	vand.u32 @!p1 $0xFFFF, v2;
	_ =	sdelay $0x1  }
0x178: {  	v2 =	vshra.s32 @!p1 v2, $0x10  }
0x179: {  	v2 =	vadd.s32 @!p1 v0, v2;
	[tilespmem:$0x7790] =	vst @!p1 v3  }
0x17a: {  	[tilespmem:$0x7690] =	vst @!p1 v2  }
0x17b: {  	v2 =	vld.idx.msk @!p1 [tilespmem:v3+s17+$0x0], $0xffff;
	_ =	sdelay $0x4  }
0x17c: {  	v2 =	vadd.f32 @!p1 $1.000000020e-16, v2;
	_ =	sdelay $0x1  }
0x17d: {  	(erf) = vrcp.f32 @!p1 v2;
	_ =	sdelay $0x4  }
0x17e: {  	v2 =	vld @!p1 [tilespmem:s16+$0x4F90];
	_ =	sdelay $0x3  }
0x17f: {  	v3 =	vpop @!p1 (erf)  }
0x180: {  	v2 =	vmul.f32 @!p1 v3, v2;
	_ =	sdelay $0x1  }
0x181: {  	[tilespmem:s16+$0x4F90] =	vst @!p1 v2;
	v2 =	vld @!p1 [tilespmem:s16+$0x2820];
	_ =	sdelay $0x4  }
0x182: {  	v3 =	vand.u32 @!p1 $0xFFFF, v2;
	_ =	sdelay $0x1  }
0x183: {  	v2 =	vshra.s32 @!p1 v2, $0x10  }
0x184: {  	v2 =	vadd.s32 @!p1 v0, v2;
	[tilespmem:$0x77A0] =	vst @!p1 v3  }
0x185: {  	[tilespmem:$0x76A0] =	vst @!p1 v2  }
0x186: {  	v2 =	vld.idx.msk @!p1 [tilespmem:v3+s17+$0x0], $0xffff;
	_ =	sdelay $0x4  }
0x187: {  	v2 =	vadd.f32 @!p1 $1.000000020e-16, v2;
	_ =	sdelay $0x1  }
0x188: {  	(erf) = vrcp.f32 @!p1 v2;
	_ =	sdelay $0x4  }
0x189: {  	v2 =	vld @!p1 [tilespmem:s16+$0x4FA0];
	_ =	sdelay $0x3  }
0x18a: {  	v3 =	vpop @!p1 (erf)  }
0x18b: {  	v2 =	vmul.f32 @!p1 v3, v2;
	_ =	sdelay $0x1  }
0x18c: {  	[tilespmem:s16+$0x4FA0] =	vst @!p1 v2;
	v2 =	vld @!p1 [tilespmem:s16+$0x2830];
	_ =	sdelay $0x4  }
0x18d: {  	v3 =	vand.u32 @!p1 $0xFFFF, v2;
	_ =	sdelay $0x1  }
0x18e: {  	v2 =	vshra.s32 @!p1 v2, $0x10  }
0x18f: {  	v2 =	vadd.s32 @!p1 v0, v2;
	[tilespmem:$0x77B0] =	vst @!p1 v3  }
0x190: {  	[tilespmem:$0x76B0] =	vst @!p1 v2  }
0x191: {  	v2 =	vld.idx.msk @!p1 [tilespmem:v3+s17+$0x0], $0xffff;
	_ =	sdelay $0x4  }
0x192: {  	v2 =	vadd.f32 @!p1 $1.000000020e-16, v2;
	_ =	sdelay $0x1  }
0x193: {  	(erf) = vrcp.f32 @!p1 v2;
	_ =	sdelay $0x4  }
0x194: {  	v2 =	vld @!p1 [tilespmem:s16+$0x4FB0];
	_ =	sdelay $0x3  }
0x195: {  	v3 =	vpop @!p1 (erf)  }
0x196: {  	v2 =	vmul.f32 @!p1 v3, v2  }
0x197: {  	s15 =	sadd.s32 $0x1, s15  }
0x198: {  	[tilespmem:s16+$0x4FB0] =	vst @!p1 v2;
	p1 =	sne.s32 s15, $0x4E  }
.Ltmp4:
0x199: {  	_ = 	snop;
	(pc) =	sbr.rel @p1 .LBB2_4-.Ltmp4, $4  }
0x19a: {  	_ = 	snop  }
0x19b: {  	_ =	swait.ge [sflag:s5], $0x2000  }
0x19c: {  	[sflag:s5] =	ssyncset.done $0x0  }
0x19d: {  	s14 =	sadd.s32 $0x80, s14;
	[sflag:s5] =	ssyncadd.s32 $0xFFFFE000  }
0x19e: {  	s14 =	simm.s32 $0x26C0  }
0x19f: {  	v2 =	vmov s14  }
0x1a0: {  	v2 =	vand.u32 $0xFFFFFFFE, v2  }
0x1a1: {  	v3 =	vbroadcast v2, $0x0;
	_ =	sdelay $0x3  }
0x1a2: {  	s14 =	simm.s32 $0x9A00  }
0x1a3: {  	v6 =	vld [tilespmem:s14+$0xFFFFFFF0]  }
0x1a4: {  	v7 =	vld.idx.msk [tilespmem:v3+s31+$0x0], $0xffff  }
0x1a5: {  	v8 =	vld [tilespmem:s14+$0xFFFFFF80]  }
0x1a6: {  	v9 =	vld [tilespmem:s14+$0xFFFFFFA0]  }
0x1a7: {  	v5 =	vld [tilespmem:s14+$0xFFFFFFB0]  }
0x1a8: {  	v4 =	vld [tilespmem:s14+$0xFFFFFFD0]  }
0x1a9: {  	v11 =	vld [tilespmem:s14+$0xFFFFFF90];
	v6 =	vmul.f32 v6, v7  }
0x1aa: {  	v10 =	vld [tilespmem:s14+$0xFFFFFFE0];
	v8 =	vmul.f32 v8, v7  }
0x1ab: {  	v12 =	vld [tilespmem:s14+$0xFFFFFFC0];
	v9 =	vmul.f32 v9, v7;
	[tilespmem:s14+$0xFFFFFFF0] =	vst v6  }
0x1ac: {  	v5 =	vmul.f32 v5, v7;
	[tilespmem:s14+$0xFFFFFF80] =	vst v8  }
0x1ad: {  	s15 =	simm.s32 $0x26C1;
	v4 =	vmul.f32 v4, v7;
	[tilespmem:s14+$0xFFFFFFA0] =	vst v9  }
0x1ae: {  	v6 =	vmul.f32 v11, v7;
	[tilespmem:s14+$0xFFFFFFB0] =	vst v5;
	v8 =	vmov s15  }
0x1af: {  	v2 =	vld [tilespmem:s14+$0x0];
	v5 =	vmul.f32 v10, v7;
	[tilespmem:s14+$0xFFFFFFD0] =	vst v4  }
0x1b0: {  	v3 =	vld [tilespmem:s14+$0x10];
	v4 =	vmul.f32 v12, v7;
	[tilespmem:s14+$0xFFFFFF90] =	vst v6  }
0x1b1: {  	[tilespmem:s14+$0xFFFFFFE0] =	vst v5;
	v6 =	vld [tilespmem:s14+$0x30]  }
0x1b2: {  	[tilespmem:s14+$0xFFFFFFC0] =	vst v4;
	v5 =	vld [tilespmem:s14+$0x70]  }
0x1b3: {  	s16 =	simm.s32 $0x9A00;
	s15 =	simm.s32 $0x26C2;
	v4 =	vld.idx.msk [tilespmem:v8+s31+$0x0], $0xffff  }
.LBB2_12:
0x1b4: {  	p1 =	sne.s32 s15, $0x26FE  }
0x1b5: {  	v7 =	vld [tilespmem:s14+$0x20];
	s16 =	sadd.s32 $0x100, s16;
	s17 =	smov.u32 s15;
	s15 =	sadd.s32 $0x2, s15  }
0x1b6: {  	v8 =	vld [tilespmem:s14+$0x40]  }
0x1b7: {  	v9 =	vld [tilespmem:s14+$0x50]  }
0x1b8: {  	v10 =	vld [tilespmem:s14+$0x60];
	_ =	sdelay $0x1  }
0x1b9: {  	v2 =	vmul.f32 v2, v4;
	v3 =	vmul.f32 v3, v4  }
0x1ba: {  	v6 =	vmul.f32 v6, v4;
	v7 =	vmul.f32 v7, v4  }
0x1bb: {  	v11 =	vmov s17;
	v8 =	vmul.f32 v8, v4;
	[tilespmem:s14+$0x0] =	vst v2;
	v9 =	vmul.f32 v9, v4  }
0x1bc: {  	v11 =	vand.u32 $0xFFFFFFFE, v11;
	v2 =	vld [tilespmem:s16+$0x0];
	[tilespmem:s14+$0x30] =	vst v6;
	v6 =	vmul.f32 v10, v4;
	v4 =	vmul.f32 v5, v4  }
0x1bd: {  	v5 =	vbroadcast v11, $0x0;
	[tilespmem:s14+$0x10] =	vst v3  }
0x1be: {  	[tilespmem:s14+$0x70] =	vst v4  }
0x1bf: {  	v4 =	vld [tilespmem:s16+$0xFFFFFFD0];
	[tilespmem:s14+$0x20] =	vst v7  }
0x1c0: {  	v7 =	vld [tilespmem:s16+$0xFFFFFFB0];
	[tilespmem:s14+$0x60] =	vst v6  }
0x1c1: {  	v6 =	vld [tilespmem:s16+$0xFFFFFFE0];
	[tilespmem:s14+$0x40] =	vst v8  }
0x1c2: {  	v8 =	vld [tilespmem:s16+$0xFFFFFFF0];
	[tilespmem:s14+$0x50] =	vst v9;
	s14 =	smov.u32 s16  }
0x1c3: {  	v5 =	vld.idx.msk [tilespmem:v5+s31+$0x0], $0xffff  }
0x1c4: {  	v9 =	vld [tilespmem:s16+$0xFFFFFF80]  }
0x1c5: {  	v10 =	vld [tilespmem:s16+$0xFFFFFFA0]  }
0x1c6: {  	v11 =	vld [tilespmem:s16+$0xFFFFFF90]  }
0x1c7: {  	v12 =	vld [tilespmem:s16+$0xFFFFFFC0]  }
0x1c8: {  	v3 =	vld [tilespmem:s16+$0x10]  }
0x1c9: {  	v8 =	vmul.f32 v8, v5;
	v9 =	vmul.f32 v9, v5  }
0x1ca: {  	v6 =	vmul.f32 v6, v5;
	v10 =	vmul.f32 v10, v5  }
0x1cb: {  	v7 =	vmul.f32 v7, v5;
	v11 =	vmul.f32 v11, v5;
	[tilespmem:s16+$0xFFFFFFF0] =	vst v8  }
0x1cc: {  	v4 =	vmul.f32 v4, v5;
	[tilespmem:s16+$0xFFFFFF80] =	vst v9;
	v8 =	vmul.f32 v12, v5  }
0x1cd: {  	s17 =	sadd.s32 $0x1, s17;
	[tilespmem:s16+$0xFFFFFFA0] =	vst v10  }
0x1ce: {  	[tilespmem:s16+$0xFFFFFFB0] =	vst v7;
	v7 =	vmov s17  }
.Ltmp5:
0x1cf: {  	[tilespmem:s16+$0xFFFFFFD0] =	vst v4;
	(pc) =	sbr.rel @p1 .LBB2_12-.Ltmp5, $4  }
0x1d0: {  	[tilespmem:s16+$0xFFFFFF90] =	vst v11  }
0x1d1: {  	[tilespmem:s16+$0xFFFFFFE0] =	vst v6;
	v6 =	vld [tilespmem:s16+$0x30]  }
0x1d2: {  	[tilespmem:s16+$0xFFFFFFC0] =	vst v8;
	v5 =	vld [tilespmem:s16+$0x70]  }
0x1d3: {  	v4 =	vld.idx.msk [tilespmem:v7+s31+$0x0], $0xffff  }
0x1d4: {  	_ =	sdelay $0x2  }
0x1d5: {  	v7 =	vld [tilespmem:s14+$0x20]  }
0x1d6: {  	v8 =	vld [tilespmem:s14+$0x60];
	v2 =	vmul.f32 v2, v4  }
0x1d7: {  	v9 =	vld [tilespmem:s14+$0x40];
	v6 =	vmul.f32 v6, v4  }
0x1d8: {  	v10 =	vld [tilespmem:s14+$0x50];
	v3 =	vmul.f32 v3, v4;
	[tilespmem:s14+$0x0] =	vst v2  }
0x1d9: {  	[tilespmem:s14+$0x30] =	vst v6;
	v2 =	vmul.f32 v5, v4  }
0x1da: {  	v5 =	vmul.f32 v7, v4;
	[tilespmem:s14+$0x10] =	vst v3  }
0x1db: {  	v3 =	vmul.f32 v8, v4;
	[tilespmem:s14+$0x70] =	vst v2  }
0x1dc: {  	v2 =	vmul.f32 v9, v4;
	[tilespmem:s14+$0x20] =	vst v5  }
0x1dd: {  	v4 =	vmul.f32 v10, v4;
	[tilespmem:s14+$0x60] =	vst v3  }
0x1de: {  	[tilespmem:s14+$0x40] =	vst v2  }
0x1df: {  	[tilespmem:s14+$0x50] =	vst v4  }
0x1e0: {  	[spmem:s3] =	stream.indirect.scatter.add.f32 [tilespmem:s8], [sflag:$0x2], $0x80, s10, s0, $0xb8;
	[tilespmem:$0x1FA00] =	vst v63  }
0x1e1: {  	_ =	swait.ge [sflag:s30], $0x2000  }
0x1e2: {  	[sflag:s30] =	ssyncset.done $0x0  }
0x1e3: {  	[sflag:s30] =	ssyncadd.s32 $0xFFFFE000  }
0x1e4: {  	v2 =	vld [tilespmem:$0x4E80];
	_ =	sdelay $0x4  }
0x1e5: {  	v3 =	vand.u32 $0xFFFF, v2;
	_ =	sdelay $0x1  }
0x1e6: {  	v2 =	vshra.s32 v2, $0x10  }
0x1e7: {  	v2 =	vadd.s32 v0, v2;
	[tilespmem:$0x7900] =	vst v3  }
0x1e8: {  	[tilespmem:$0x7880] =	vst v2  }
0x1e9: {  	v2 =	vld.idx.msk [tilespmem:v3+s4+$0x0], $0xffff;
	_ =	sdelay $0x4  }
0x1ea: {  	v2 =	vadd.f32 $1.000000020e-16, v2;
	_ =	sdelay $0x1  }
0x1eb: {  	(erf) = vrcp.f32 v2;
	_ =	sdelay $0x4  }
0x1ec: {  	v2 =	vld [tilespmem:$0x7600];
	_ =	sdelay $0x3  }
0x1ed: {  	v3 =	vpop (erf)  }
0x1ee: {  	v2 =	vmul.f32 v3, v2;
	_ =	sdelay $0x1  }
0x1ef: {  	s21 =	simm.s32 $0x7880;
	[tilespmem:$0x7600] =	vst v2  }
0x1f0: {  	[tilespmem:s12], [sflag:$0x1] =	stream.indirect.gather [hbm4b:s2+s11], $0x80, s21, s11, $0xb8;
	[tilespmem:$0x1FA00] =	vst v63  }
0x1f1: {  	s22 =	simm.s32 $0x2700;
	_ =	swait.ge [sflag:s5], $0x800  }
0x1f2: {  	v2 =	vmov s22;
	[sflag:s5] =	ssyncset.done $0x0  }
0x1f3: {  	s14 =	simm.s32 $0xB9C0;
	[sflag:s5] =	ssyncadd.s32 $0xFFFFF800  }
0x1f4: {  	v6 =	vld [tilespmem:s14+$0x30]  }
0x1f5: {  	v9 =	vld [tilespmem:s14+$0x10]  }
0x1f6: {  	v7 =	vld [tilespmem:s14+$0xFFFFFFC0]  }
0x1f7: {  	v3 =	vld.idx.msk [tilespmem:v2+s31+$0x0], $0xffff  }
0x1f8: {  	v11 =	vld [tilespmem:s14+$0xFFFFFFE0]  }
0x1f9: {  	v2 =	vld [tilespmem:s14+$0xFFFFFFF0]  }
0x1fa: {  	v4 =	vld [tilespmem:s14+$0x20]  }
0x1fb: {  	v5 =	vld [tilespmem:s14+$0xFFFFFFD0]  }
0x1fc: {  	v10 =	vmul.f32 v6, v3;
	v6 =	vld [tilespmem:s14+$0x0]  }
0x1fd: {  	v8 =	vmul.f32 v7, v3  }
0x1fe: {  	s15 =	simm.s32 $0x2701;
	s16 =	simm.s32 $0xB9C0;
	v7 =	vmul.f32 v11, v3;
	v9 =	vmul.f32 v9, v3  }
.LBB2_14:
0x1ff: {  	p1 =	sne.s32 s15, $0x270F  }
0x200: {  	v5 =	vmul.f32 v5, v3;
	v4 =	vmul.f32 v4, v3;
	[tilespmem:s14+$0x30] =	vst v10;
	s16 =	sadd.s32 $0x80, s16;
	s17 =	smov.u32 s15;
	s15 =	sadd.s32 $0x1, s15  }
0x201: {  	[tilespmem:s14+$0xFFFFFFC0] =	vst v8;
	v8 =	vmul.f32 v2, v3;
	v3 =	vmul.f32 v6, v3  }
0x202: {  	[tilespmem:s14+$0x10] =	vst v9  }
0x203: {  	v6 =	vmov s17;
	[tilespmem:s14+$0xFFFFFFE0] =	vst v7  }
0x204: {  	v2 =	vld [tilespmem:s16+$0xFFFFFFF0];
	[tilespmem:s14+$0xFFFFFFF0] =	vst v8  }
0x205: {  	v7 =	vld [tilespmem:s16+$0x30];
	[tilespmem:s14+$0x0] =	vst v3  }
0x206: {  	v9 =	vld [tilespmem:s16+$0x10];
	[tilespmem:s14+$0x20] =	vst v4  }
0x207: {  	v8 =	vld [tilespmem:s16+$0xFFFFFFC0];
	[tilespmem:s14+$0xFFFFFFD0] =	vst v5;
	s14 =	smov.u32 s16  }
0x208: {  	v3 =	vld.idx.msk [tilespmem:v6+s31+$0x0], $0xffff  }
0x209: {  	v11 =	vld [tilespmem:s16+$0xFFFFFFE0]  }
0x20a: {  	v4 =	vld [tilespmem:s16+$0x20]  }
.Ltmp6:
0x20b: {  	v5 =	vld [tilespmem:s16+$0xFFFFFFD0];
	(pc) =	sbr.rel @p1 .LBB2_14-.Ltmp6, $3  }
0x20c: {  	v6 =	vld [tilespmem:s16+$0x0];
	_ =	sdelay $0x1  }
0x20d: {  	v8 =	vmul.f32 v8, v3;
	v10 =	vmul.f32 v7, v3  }
0x20e: {  	v9 =	vmul.f32 v9, v3;
	v7 =	vmul.f32 v11, v3  }
0x20f: {  	[tilespmem:s14+$0x30] =	vst v10  }
0x210: {  	[tilespmem:s14+$0xFFFFFFC0] =	vst v8  }
0x211: {  	v2 =	vmul.f32 v2, v3;
	[tilespmem:s14+$0x10] =	vst v9  }
0x212: {  	v4 =	vmul.f32 v4, v3;
	[tilespmem:s14+$0xFFFFFFE0] =	vst v7  }
0x213: {  	v6 =	vmul.f32 v6, v3;
	[tilespmem:s14+$0xFFFFFFF0] =	vst v2  }
0x214: {  	v2 =	vmul.f32 v5, v3;
	[tilespmem:s14+$0x20] =	vst v4  }
0x215: {  	[tilespmem:s14+$0x0] =	vst v6  }
0x216: {  	s22 =	simm.s32 $0x7900;
	[tilespmem:s14+$0xFFFFFFD0] =	vst v2  }
0x217: {  	[spmem:s3] =	stream.indirect.scatter.add.f32 [tilespmem:s12], [sflag:$0x2], $0x80, s22, s11, $0xb8;
	[tilespmem:$0x1FA00] =	vst v63  }
0x218: {  	_ =	swait.ge [sflag:s30], $0x800  }
0x219: {  	[sflag:s30] =	ssyncset.done $0x0  }
0x21a: {  	[sflag:s30] =	ssyncadd.s32 $0xFFFFF800  }
0x21b: {  	s15 =	simm.s32 @p0 $0x1FC2;
	s14 =	sshrl.u32 @p0 s18, $0x3;
	[bflag:$0x0] =	sbarrier.arrive $0xFFFF  }
0x21c: {  	[hbm:s23], [sflag:s15] =	dma.local @p0 [spmem:s14], $0x1900  }
0x21d: {  	s13 =	sadd.s32 $0x1, s13;
	s14 =	simm.s32 @p0 $0x2  }
0x21e: {  	p1 =	sne.s32 s13, s24;
	s15 =	stileid.u32;
	_ =	swait.ge @p0 [sflag:s14], $0x1900  }
0x21f: {  	s15 =	sshll.u32 @!p0 s15, $0x6;
	[sflag:s14] =	ssyncset.done @p0 $0x0;
	s16 =	rddreg [dreg:$0x12]  }
0x220: {  	[sflag:s14] =	ssyncadd.s32 @p0 $0xFFFFE700;
	s14 =	sor.u32 @!p0 $0x1C02, s15;
	s15 =	sshrl.u32 @!p0 s6, $0x3  }
0x221: {  	[hbm:s16], [sflag:s14] =	dma.local @!p0 [spmem:s15], $0x2800  }
.Ltmp7:
0x222: {  	_ = 	snop;
	(pc) =	sbr.rel @p1 .LBB2_1-.Ltmp7, $4  }
0x223: {  	s14 =	simm.s32 @!p0 $0x2  }
0x224: {  	_ =	swait.ge @!p0 [sflag:s14], $0x2800  }
0x225: {  	[sflag:s14] =	ssyncset.done @!p0 $0x0  }
0x226: {  	[sflag:s14] =	ssyncadd.s32 @!p0 $0xFFFFD800  }
0x227: {  	_ =	sfence.sel $0x180000  }
0x228: {  	[bflag:$0x0] =	sbarrier.arrive $0xFFFF  }
0x229: {  	_ =	strace $0x90000050  }
0x22a: {  	s0 =	stileid.u32;
	[bflag:$0x2] =	sbarrier.arrive $0xFFFF  }
0x22b: {  	p0 =	sne.s32 s0, $0x0;
	s0 =	rddreg [dreg:$0x3]  }
0x22c: {  	s0 =	sadd.s32 @!p0 $0x100000, s0  }
0x22d: {  	[sflag:s0] =	ssyncadd.tile.s32 @!p0 $0x1;
	_ =	shalt  }
.Lfunc_end2:
_tile_overlayer_lowered:
.L_overlay_start_2:
0x22e: {  	(tag) =	ssettag $0x2  }
0x22f: {  	s0 =	rddreg [dreg:$0x0];
	s2 =	stileid.u32  }
0x230: {  	s1 =	rddreg [dreg:$0x1];
	p0 =	sne.s32 s2, $0x0  }
0x231: {  	s3 =	rddreg [dreg:$0x2];
	[bflag:$0x3] =	sbarrier.arrive $0xFFFF;
	s2 =	simm.s32 @!p0 $0x1C02  }
0x232: {  	[timem:s3], [sflag:s2] =	dma.local @!p0 [hbm:s0], s1  }
0x233: {  	s0 =	simm.s32 @!p0 $0x2  }
0x234: {  	_ =	swait.ge @!p0 [sflag:s0], s1  }
0x235: {  	s1 =	ssub.s32 @!p0 $0x0, s1;
	[sflag:s0] =	ssyncset.done @!p0 $0x0  }
0x236: {  	[sflag:s0] =	ssyncadd.s32 @!p0 s1  }
0x237: {  	[bflag:$0x3] =	sbarrier.arrive $0xFFFF  }
0x238: {  	_ =	shalt  }

</sc_bundles>
